<compile_context>
chip_gen: v7x
topology: tpu7x:2x2x1
jax: 0.10.2.dev20260603
libtpu: 0.0.44.dev20260713+nightly
codegen_flags: <defaults>
</compile_context>

<pallas_src>
import functools

import jax
import jax.numpy as jnp
from jax import lax
from jax.experimental import pallas as pl
from jax.experimental.pallas import tpu as pltpu
from jax.experimental.pallas import tpu_sc as plsc

N = 10000
NPAD = 10240
E = 320000
L = 32
D = 128
H = 256

NC = 2
NS = 16
NW = NC * NS
EW = E // NW
CH = 128
NFULL = EW // CH
REM = EW - NFULL * CH
ROWS_PER_TILE = NPAD // NS


def _get_mesh():
    return plsc.VectorSubcoreMesh(core_axis_name="c", subcore_axis_name="s")


def _sc_gather(src_table, src_flat):
    @functools.partial(
        pl.kernel,
        mesh=_get_mesh(),
        out_type=jax.ShapeDtypeStruct((NPAD * L, D), jnp.float32),
        scratch_types=[
            pltpu.VMEM((CH,), jnp.int32),
            pltpu.VMEM((CH,), jnp.int32),
            pltpu.VMEM((CH, D), jnp.float32),
            pltpu.VMEM((CH, D), jnp.float32),
            pltpu.VMEM((REM,), jnp.int32),
            pltpu.VMEM((REM, D), jnp.float32),
            pltpu.SemaphoreType.DMA,
            pltpu.SemaphoreType.DMA,
        ],
    )
    def k(table_h, idx_h, emb_h, idx0, idx1, rows0, rows1,
          idxr_v, rowsr_v, gsem0, gsem1):
        c = lax.axis_index("c")
        s = lax.axis_index("s")
        wid = s * NC + c
        base0 = wid * EW
        bufs = ((idx0, rows0, gsem0), (idx1, rows1, gsem1))

        def load_and_gather(g, b):
            ix, rw, sem = bufs[b]
            pltpu.sync_copy(idx_h.at[pl.ds(base0 + g * CH, CH)], ix)
            pltpu.async_copy(table_h.at[ix], rw, sem)

        def drain_and_store(g, b):
            ix, rw, sem = bufs[b]
            pltpu.make_async_copy(table_h.at[ix], rw, sem).wait()
            pltpu.sync_copy(rw, emb_h.at[pl.ds(base0 + g * CH, CH)])

        load_and_gather(0, 0)
        load_and_gather(1, 1)

        @pl.loop(0, NFULL // 2)
        def _(i):
            g = 2 * i
            drain_and_store(g, 0)

            @pl.when(g + 2 < NFULL)
            def _():
                load_and_gather(g + 2, 0)

            drain_and_store(g + 1, 1)

            @pl.when(g + 3 < NFULL)
            def _():
                load_and_gather(g + 3, 1)

        base = base0 + NFULL * CH
        pltpu.sync_copy(idx_h.at[pl.ds(base, REM)], idxr_v)
        pltpu.sync_copy(table_h.at[idxr_v], rowsr_v)
        pltpu.sync_copy(rowsr_v, emb_h.at[pl.ds(base, REM)])

    return k(src_table, src_flat)


def _sc_deg(d_idx, zeros_rows, ones_rows):
    @functools.partial(
        pl.kernel,
        mesh=_get_mesh(),
        out_type=jax.ShapeDtypeStruct((NC * NPAD, D), jnp.float32),
        scratch_types=[
            pltpu.VMEM((CH,), jnp.int32),
            pltpu.VMEM((CH, D), jnp.float32),
            pltpu.VMEM((REM,), jnp.int32),
            pltpu.VMEM((CH, D), jnp.float32),
            pltpu.VMEM((REM, D), jnp.float32),
            pltpu.VMEM_SHARED((NPAD, D), jnp.float32),
        ],
    )
    def k(didx_h, zrows_h, ones_h, deg_h,
          idx_v, rows_v, idxr_v, ones_v, onesr_v, degacc):
        c = lax.axis_index("c")
        s = lax.axis_index("s")
        wid = s * NC + c
        pltpu.sync_copy(zrows_h, rows_v)
        pltpu.sync_copy(ones_h, ones_v)
        pltpu.sync_copy(ones_h.at[pl.ds(0, REM)], onesr_v)

        def fill_iota(base_r):
            for q in range(CH // 16):
                idx_v[pl.ds(q * 16, 16)] = (
                    lax.iota(jnp.int32, 16) + (base_r + q * 16))

        for j in range(ROWS_PER_TILE // CH):
            fill_iota(s * ROWS_PER_TILE + j * CH)
            pltpu.sync_copy(rows_v, degacc.at[idx_v])
        plsc.subcore_barrier()

        base0 = wid * EW

        @pl.loop(0, NFULL)
        def _(g):
            base = base0 + g * CH
            pltpu.sync_copy(didx_h.at[pl.ds(base, CH)], idx_v)
            pltpu.sync_copy(ones_v, degacc.at[idx_v], add=True)

        base = base0 + NFULL * CH
        pltpu.sync_copy(didx_h.at[pl.ds(base, REM)], idxr_v)
        pltpu.sync_copy(onesr_v, degacc.at[idxr_v], add=True)

        plsc.subcore_barrier()
        for j in range(ROWS_PER_TILE // CH):
            base_r = s * ROWS_PER_TILE + j * CH
            fill_iota(base_r)
            pltpu.sync_copy(degacc.at[idx_v], rows_v)
            pltpu.sync_copy(rows_v, deg_h.at[pl.ds(c * NPAD + base_r, CH)])

    return k(d_idx, zeros_rows, ones_rows)


def _sc_conv(ys, s_idx, d_idx, zeros_rows):
    @functools.partial(
        pl.kernel,
        mesh=_get_mesh(),
        out_type=jax.ShapeDtypeStruct((NC * NPAD, D), jnp.float32),
        scratch_types=[
            pltpu.VMEM((CH,), jnp.int32),
            pltpu.VMEM((CH,), jnp.int32),
            pltpu.VMEM((CH,), jnp.int32),
            pltpu.VMEM((CH,), jnp.int32),
            pltpu.VMEM((CH, D), jnp.float32),
            pltpu.VMEM((CH, D), jnp.float32),
            pltpu.VMEM((REM,), jnp.int32),
            pltpu.VMEM((REM,), jnp.int32),
            pltpu.VMEM((REM, D), jnp.float32),
            pltpu.SemaphoreType.DMA,
            pltpu.SemaphoreType.DMA,
            pltpu.VMEM_SHARED((NPAD, D), jnp.float32),
        ],
    )
    def k(ys_h, sidx_h, didx_h, zrows_h, acc_h,
          sidx0, didx0, sidx1, didx1, rows0, rows1,
          sidxr_v, didxr_v, rowsr_v, gsem0, gsem1, accs):
        c = lax.axis_index("c")
        s = lax.axis_index("s")
        wid = s * NC + c
        pltpu.sync_copy(zrows_h, rows0)

        def fill_iota(base_r):
            for q in range(CH // 16):
                sidx0[pl.ds(q * 16, 16)] = (
                    lax.iota(jnp.int32, 16) + (base_r + q * 16))

        for j in range(ROWS_PER_TILE // CH):
            fill_iota(s * ROWS_PER_TILE + j * CH)
            pltpu.sync_copy(rows0, accs.at[sidx0])
        plsc.subcore_barrier()

        base0 = wid * EW
        bufs = ((sidx0, didx0, rows0, gsem0), (sidx1, didx1, rows1, gsem1))

        def load_and_gather(g, b):
            si, di, rw, sem = bufs[b]
            base = base0 + g * CH
            pltpu.sync_copy(sidx_h.at[pl.ds(base, CH)], si)
            pltpu.sync_copy(didx_h.at[pl.ds(base, CH)], di)
            pltpu.async_copy(ys_h.at[si], rw, sem)

        def drain_and_scatter(b):
            si, di, rw, sem = bufs[b]
            pltpu.make_async_copy(ys_h.at[si], rw, sem).wait()
            pltpu.sync_copy(rw, accs.at[di], add=True)

        load_and_gather(0, 0)
        load_and_gather(1, 1)

        @pl.loop(0, NFULL // 2)
        def _(i):
            g = 2 * i
            drain_and_scatter(0)

            @pl.when(g + 2 < NFULL)
            def _():
                load_and_gather(g + 2, 0)

            drain_and_scatter(1)

            @pl.when(g + 3 < NFULL)
            def _():
                load_and_gather(g + 3, 1)

        base = base0 + NFULL * CH
        pltpu.sync_copy(sidx_h.at[pl.ds(base, REM)], sidxr_v)
        pltpu.sync_copy(didx_h.at[pl.ds(base, REM)], didxr_v)
        pltpu.sync_copy(ys_h.at[sidxr_v], rowsr_v)
        pltpu.sync_copy(rowsr_v, accs.at[didxr_v], add=True)

        plsc.subcore_barrier()
        for z in range(ROWS_PER_TILE // CH):
            off = s * ROWS_PER_TILE + z * CH
            fill_iota(off)
            pltpu.sync_copy(accs.at[sidx0], rows0)
            pltpu.sync_copy(rows0, acc_h.at[pl.ds(c * NPAD + off, CH)])

    return k(ys, s_idx, d_idx, zeros_rows)


BN = 256
GRID = NPAD // BN

_DOT = functools.partial(jnp.dot, preferred_element_type=jnp.float32,
                         precision=lax.Precision.HIGHEST)
_DOTD = functools.partial(jnp.dot, preferred_element_type=jnp.float32,
                          precision=lax.Precision.DEFAULT)


def _tc1a_body(emb_r, seg_r, st_r, w_r, tm_r, rm_r,
               q1w_r, q1b_r, q2w_r, q2b_r, c1w_r, y1_r):
    E = emb_r[...]
    A2 = E * E
    Tm = tm_r[...]
    Rm = rm_r[...]

    sq = _DOTD(A2, Tm)
    wv = w_r[0, :]
    den = jnp.maximum(jnp.abs(wv)[None, :] * jnp.sqrt(sq), 1e-12)
    cs = wv[None, :] / den
    csf = jnp.concatenate([cs] * (L * D // 32), axis=1)
    f_src = _DOTD(E * csf, Rm)

    seg = seg_r[...]
    T4 = st_r[...].reshape(3, 4, 32)
    Sv = jnp.sum(T4 * T4, axis=1)
    is_v = [(seg == v).astype(jnp.float32) for v in range(3)]
    cnt = [jnp.sum(m, axis=1) for m in is_v]
    nsg = sum(cnt[v][:, None] * Sv[v][None, :] for v in range(3))
    cg = 1.0 / jnp.maximum(jnp.sqrt(nsg), 1e-12)
    P = [jnp.sum(cg[:, None, :] * T4[v][None, :, :], axis=2) for v in range(3)]
    f_ge = sum(is_v[v][:, :, None] * P[v][:, None, :] for v in range(3))
    f = f_src + f_ge.reshape(BN, D)

    h = jnp.maximum(_DOT(f, q1w_r[...]) + q1b_r[0, :][None, :], 0.0)
    x = _DOT(h, q2w_r[...]) + q2b_r[0, :][None, :]
    y1_r[...] = _DOT(x, c1w_r[...])


def _tc1a(emb, seg_p, seg_table, w2, Tm, Rm, q1_W, q1_b, q2_W, q2_b, conv1_W):
    full = lambda shp: pl.BlockSpec(shp, lambda i: tuple(0 for _ in shp))
    return pl.pallas_call(
        _tc1a_body,
        grid=(GRID,),
        in_specs=[
            pl.BlockSpec((BN, L * D), lambda i: (i, 0)),
            pl.BlockSpec((BN, L), lambda i: (i, 0)),
            full((3, D)),
            full((1, L)),
            full((L * D, 32)),
            full((L * D, D)),
            full((D, H)),
            full((1, H)),
            full((H, D)),
            full((1, D)),
            full((D, D)),
        ],
        out_specs=pl.BlockSpec((BN, D), lambda i: (i, 0)),
        out_shape=jax.ShapeDtypeStruct((NPAD, D), jnp.float32),
    )(emb, seg_p, seg_table, w2, Tm, Rm, q1_W, q1_b, q2_W, q2_b, conv1_W)


def _tc1b_body(y1_r, deg_r, y1s_r, dinv_r):
    deg = jnp.sum(deg_r[...], axis=(0, 2)) + 1.0
    dinv = lax.rsqrt(deg)
    y1s_r[...] = y1_r[...] * dinv[:, None]
    dinv_r[...] = jnp.broadcast_to(dinv[:, None], (BN, D))


def _tc1b(y1, deg3):
    return pl.pallas_call(
        _tc1b_body,
        grid=(GRID,),
        in_specs=[
            pl.BlockSpec((BN, D), lambda i: (i, 0)),
            pl.BlockSpec((NC, BN, D), lambda i: (0, i, 0)),
        ],
        out_specs=[
            pl.BlockSpec((BN, D), lambda i: (i, 0)),
            pl.BlockSpec((BN, D), lambda i: (i, 0)),
        ],
        out_shape=[
            jax.ShapeDtypeStruct((NPAD, D), jnp.float32),
            jax.ShapeDtypeStruct((NPAD, D), jnp.float32),
        ],
    )(y1, deg3)


def _tc2_body(acc_r, ys_r, dinv_r, b_r, w_r, out_r):
    agg = acc_r[0, :, :] + acc_r[1, :, :]
    pre = dinv_r[...] * (agg + ys_r[...]) + b_r[0, :][None, :]
    h = jnp.maximum(pre, 0.0)
    out_r[...] = _DOT(h, w_r[...]) * dinv_r[...]


def _tc2(acc3, y1s, dinv, conv1_b, conv2_W):
    full = lambda shp: pl.BlockSpec(shp, lambda i: tuple(0 for _ in shp))
    return pl.pallas_call(
        _tc2_body,
        grid=(GRID,),
        in_specs=[
            pl.BlockSpec((NC, BN, D), lambda i: (0, i, 0)),
            pl.BlockSpec((BN, D), lambda i: (i, 0)),
            pl.BlockSpec((BN, D), lambda i: (i, 0)),
            full((1, D)),
            full((D, D)),
        ],
        out_specs=pl.BlockSpec((BN, D), lambda i: (i, 0)),
        out_shape=jax.ShapeDtypeStruct((NPAD, D), jnp.float32),
    )(acc3, y1s, dinv, conv1_b, conv2_W)


def _tc3_body(acc_r, ys_r, dinv_r, b_r, w_r, lb_r, out_r):
    agg = acc_r[0, :, :] + acc_r[1, :, :]
    pre = dinv_r[...] * (agg + ys_r[...]) + b_r[0, :][None, :]
    h = jnp.maximum(pre, 0.0)
    out_r[...] = _DOT(h, w_r[...]) + lb_r[0, :][None, :]


def _tc3(acc3, y2s, dinv, conv2_b, lin_W, lin_b):
    full = lambda shp: pl.BlockSpec(shp, lambda i: tuple(0 for _ in shp))
    return pl.pallas_call(
        _tc3_body,
        grid=(GRID,),
        in_specs=[
            pl.BlockSpec((NC, BN, D), lambda i: (0, i, 0)),
            pl.BlockSpec((BN, D), lambda i: (i, 0)),
            pl.BlockSpec((BN, D), lambda i: (i, 0)),
            full((1, D)),
            full((D, D)),
            full((1, D)),
        ],
        out_specs=pl.BlockSpec((BN, D), lambda i: (i, 0)),
        out_shape=jax.ShapeDtypeStruct((NPAD, D), jnp.float32),
    )(acc3, y2s, dinv, conv2_b, lin_W, lin_b)


def kernel(src, seg, edge_index, src_table, seg_table, w,
           q1_W, q1_b, q2_W, q2_b, conv1_W, conv1_b,
           conv2_W, conv2_b, lin_W, lin_b):
    src_flat = src.reshape(-1).astype(jnp.int32)
    s_idx = edge_index[0].astype(jnp.int32)
    d_idx = edge_index[1].astype(jnp.int32)

    zeros_rows = jnp.zeros((CH, D), jnp.float32)
    ones_rows = jnp.full((CH, D), 1.0 / D, jnp.float32)

    emb = _sc_gather(src_table, src_flat)
    degw = _sc_deg(d_idx, zeros_rows, ones_rows)
    seg_p = jnp.pad(seg.astype(jnp.int32), ((0, NPAD - N), (0, 0)))
    deg3 = degw.reshape(NC, NPAD, D)

    col = jnp.arange(L * D, dtype=jnp.int32)
    Tm = (col[:, None] % 32 == jnp.arange(32)[None, :]).astype(jnp.float32)
    Rm = ((4 * (col[:, None] // D) + (col[:, None] % D) // 32)
          == jnp.arange(D)[None, :]).astype(jnp.float32)
    y1 = _tc1a(emb.reshape(NPAD, L * D), seg_p, seg_table, w.reshape(1, L), Tm, Rm,
               q1_W, q1_b.reshape(1, H), q2_W, q2_b.reshape(1, D), conv1_W)
    y1s, dinv = _tc1b(y1, deg3)

    acc1 = _sc_conv(y1s, s_idx, d_idx, zeros_rows).reshape(NC, NPAD, D)
    y2s = _tc2(acc1, y1s, dinv, conv1_b.reshape(1, D), conv2_W)

    acc2 = _sc_conv(y2s, s_idx, d_idx, zeros_rows).reshape(NC, NPAD, D)
    out = _tc3(acc2, y2s, dinv, conv2_b.reshape(1, D), lin_W, lin_b.reshape(1, D))
    return out[:N]

# --- scband reference (transcript-rebuilt; emitter-appended) ---
"""Pipeline reference for scband-gnngl-74577812128304 (READ-ONLY COPY).

The authoritative reference and input builder live on the scoring server;
editing this copy changes nothing except your own understanding.
"""

import jax, jax.numpy as jnp
import numpy as np

N = 10000
E = 320000
L = 32
D = 128
H = 256
GNN_H = 128
VOCAB = 100000


def setup_inputs(seed: int = 0) -> dict:
    key = jax.random.key(seed)
    ks = jax.random.split(key, 16)
    src = jax.random.randint(ks[0], (N, L), 0, VOCAB)
    seg = jax.random.randint(ks[1], (N, L), 0, 3)
    edge_index = jax.random.randint(ks[2], (2, E), 0, N)
    src_table = jax.random.normal(ks[3], (VOCAB, D), dtype=jnp.float32) * 0.02
    seg_table = jax.random.normal(ks[4], (3, D), dtype=jnp.float32) * 0.02
    w = jnp.ones((L,), dtype=jnp.float32)
    q1_W = jax.random.normal(ks[5], (D, H), dtype=jnp.float32) * 0.02
    q1_b = jnp.zeros((H,), dtype=jnp.float32)
    q2_W = jax.random.normal(ks[6], (H, D), dtype=jnp.float32) * 0.02
    q2_b = jnp.zeros((D,), dtype=jnp.float32)
    conv1_W = jax.random.normal(ks[7], (D, GNN_H), dtype=jnp.float32) * 0.02
    conv1_b = jnp.zeros((GNN_H,), dtype=jnp.float32)
    conv2_W = jax.random.normal(ks[8], (GNN_H, D), dtype=jnp.float32) * 0.02
    conv2_b = jnp.zeros((D,), dtype=jnp.float32)
    lin_W = jax.random.normal(ks[9], (D, D), dtype=jnp.float32) * 0.02
    lin_b = jnp.zeros((D,), dtype=jnp.float32)
    return {"src": src, "seg": seg, "edge_index": edge_index,
            "src_table": src_table, "seg_table": seg_table, "w": w,
            "q1_W": q1_W, "q1_b": q1_b, "q2_W": q2_W, "q2_b": q2_b,
            "conv1_W": conv1_W, "conv1_b": conv1_b,
            "conv2_W": conv2_W, "conv2_b": conv2_b,
            "lin_W": lin_W, "lin_b": lin_b}


def _normalize_dim1(t):
    # F.normalize(t, p=2, dim=1, eps=1e-12)
    n = jnp.sqrt(jnp.sum(t * t, axis=1, keepdims=True))
    return t / jnp.maximum(n, 1e-12)


def _gcn_conv(x, src_idx, dst_idx, W, b, n):
    # PyG GCNConv: lin (no bias) -> add self loops -> sym-normalize -> scatter-add -> + bias
    x = x @ W
    loop = jnp.arange(n, dtype=src_idx.dtype)
    s = jnp.concatenate([src_idx, loop])
    d = jnp.concatenate([dst_idx, loop])
    deg = jnp.zeros((n,), x.dtype).at[d].add(1.0)
    dinv = jnp.where(deg > 0, deg ** -0.5, 0.0)
    norm = dinv[s] * dinv[d]
    msg = x[s] * norm[:, None]
    out = jnp.zeros((n, x.shape[1]), x.dtype).at[d].add(msg)
    return out + b


def reference(src, seg, edge_index, src_table, seg_table, w,
              q1_W, q1_b, q2_W, q2_b, conv1_W, conv1_b,
              conv2_W, conv2_b, lin_W, lin_b):
    # LiteratureEmbedding
    se = src_table[src]              # [N, L, D]
    ge = seg_table[seg]              # [N, L, D]
    se = se.reshape(-1, D, L)        # torch .view(-1, emb_size, seq_length)
    ge = ge.reshape(-1, D, L)
    f = (_normalize_dim1(w * se) + _normalize_dim1(ge)).sum(-1)  # [N, D]
    # query_mlp
    x = jax.nn.relu(f @ q1_W + q1_b) @ q2_W + q2_b
    s_idx = edge_index[0]
    d_idx = edge_index[1]
    x = jax.nn.relu(_gcn_conv(x, s_idx, d_idx, conv1_W, conv1_b, N))
    x = jax.nn.relu(_gcn_conv(x, s_idx, d_idx, conv2_W, conv2_b, N))
    # final linear; dropout is identity in eval mode
    return x @ lin_W + lin_b

if __name__ == "__main__":
    import jax
    _d = setup_inputs()
    print(jax.jit(kernel)(*tuple(_d.values())))

</pallas_src>

<mosaic_0001>
#map = affine_map<(d0, d1) -> (0, 0)>
#map1 = affine_map<(d0, d1) -> (0)>
module attributes {stable_mosaic.version = 14 : i64} {
  func.func @k(%arg0: i32, %arg1: i32, %arg2: memref<10240x128xf32, #tpu.memory_space<hbm>>, %arg3: memref<320000xi32, #tpu.memory_space<hbm>>, %arg4: memref<320000xi32, #tpu.memory_space<hbm>>, %arg5: memref<128x128xf32, #tpu.memory_space<hbm>>, %arg6: memref<20480x128xf32, #tpu.memory_space<hbm>>, %arg7: memref<128xi32, #tpu.memory_space<vmem>>, %arg8: memref<128xi32, #tpu.memory_space<vmem>>, %arg9: memref<128xi32, #tpu.memory_space<vmem>>, %arg10: memref<128xi32, #tpu.memory_space<vmem>>, %arg11: memref<128x128xf32, #tpu.memory_space<vmem>>, %arg12: memref<128x128xf32, #tpu.memory_space<vmem>>, %arg13: memref<16xi32, #tpu.memory_space<vmem>>, %arg14: memref<16xi32, #tpu.memory_space<vmem>>, %arg15: memref<16x128xf32, #tpu.memory_space<vmem>>, %arg16: memref<!tpu.dma_semaphore, #tpu.memory_space<semaphore_mem>>, %arg17: memref<!tpu.dma_semaphore, #tpu.memory_space<semaphore_mem>>, %arg18: memref<10240x128xf32, #tpu.memory_space<vmem_shared>>) attributes {dimension_semantics = [#tpu.dimension_semantics<core_parallel>, #tpu.dimension_semantics<subcore_parallel>], iteration_bounds = array<i64: 2, 16>, scalar_prefetch = 0 : i64, scratch_operands = 12 : i64, tpu.core_type = #tpu.core_type<sc_vector_subcore>, window_params = [{transform_indices = #map}, {transform_indices = #map1}, {transform_indices = #map1}, {transform_indices = #map}, {transform_indices = #map}]} {
    %mul3A = arith.constant 2 : i32
    %mul3A_0 = arith.muli %arg1, %mul3A : i32
    %add3A = arith.addi %mul3A_0, %arg0 : i32
    "tpu.region"() ({
      %run_scoped3A = tpu.sem_alloc : memref<!tpu.dma_semaphore, #tpu.memory_space<semaphore_mem>>
      tpu.enqueue_dma source(%arg5 : memref<128x128xf32, #tpu.memory_space<hbm>>) target(%arg11 : memref<128x128xf32, #tpu.memory_space<vmem>>) target_semaphore(%run_scoped3A : memref<!tpu.dma_semaphore, #tpu.memory_space<semaphore_mem>>)
      tpu.wait_dma2 semaphore(%run_scoped3A : memref<!tpu.dma_semaphore, #tpu.memory_space<semaphore_mem>>) src(%arg5 : memref<128x128xf32, #tpu.memory_space<hbm>>) dst(%arg11 : memref<128x128xf32, #tpu.memory_space<vmem>>)
      tpu.yield
    }) : () -> ()
    %mul3A_1 = arith.constant 640 : i32
    %mul3A_2 = arith.muli %arg1, %mul3A_1 : i32
    %add3A_3 = arith.constant 0 : i32
    %add3A_4 = arith.addi %mul3A_2, %add3A_3 : i32
    %iota3A = tpu.iota {dimensions = array<i32: 0>} : vector<16xi32>
    %add3A_5 = arith.constant 0 : i32
    %add3A_6 = arith.addi %add3A_4, %add3A_5 : i32
    %add3A_7 = vector.broadcast %add3A_6 : i32 to vector<16xi32>
    %add3A_8 = arith.addi %iota3A, %add3A_7 : vector<16xi32>
    %swap3A = arith.constant 0 : index
    %swap3A_9 = tpu.vector_load %arg7[%swap3A] {strides = array<i32>} : memref<128xi32, #tpu.memory_space<vmem>>, vector<16xi32>,
    %swap3A_10 = vector.shape_cast %swap3A_9 : vector<16xi32> to vector<16xi32>
    %swap3A_11 = vector.shape_cast %add3A_8 : vector<16xi32> to vector<16xi32>
    tpu.vector_store %arg7[%swap3A], %swap3A_11 {strides = array<i32>} : memref<128xi32, #tpu.memory_space<vmem>>, vector<16xi32>,
    %iota3A_12 = tpu.iota {dimensions = array<i32: 0>} : vector<16xi32>
    %add3A_13 = arith.constant 16 : i32
    %add3A_14 = arith.addi %add3A_4, %add3A_13 : i32
    %add3A_15 = vector.broadcast %add3A_14 : i32 to vector<16xi32>
    %add3A_16 = arith.addi %iota3A_12, %add3A_15 : vector<16xi32>
    %swap3A_17 = arith.constant 16 : index
    %swap3A_18 = tpu.vector_load %arg7[%swap3A_17] {strides = array<i32>} : memref<128xi32, #tpu.memory_space<vmem>>, vector<16xi32>,
    %swap3A_19 = vector.shape_cast %swap3A_18 : vector<16xi32> to vector<16xi32>
    %swap3A_20 = vector.shape_cast %add3A_16 : vector<16xi32> to vector<16xi32>
    tpu.vector_store %arg7[%swap3A_17], %swap3A_20 {strides = array<i32>} : memref<128xi32, #tpu.memory_space<vmem>>, vector<16xi32>,
    %iota3A_21 = tpu.iota {dimensions = array<i32: 0>} : vector<16xi32>
    %add3A_22 = arith.constant 32 : i32
    %add3A_23 = arith.addi %add3A_4, %add3A_22 : i32
    %add3A_24 = vector.broadcast %add3A_23 : i32 to vector<16xi32>
    %add3A_25 = arith.addi %iota3A_21, %add3A_24 : vector<16xi32>
    %swap3A_26 = arith.constant 32 : index
    %swap3A_27 = tpu.vector_load %arg7[%swap3A_26] {strides = array<i32>} : memref<128xi32, #tpu.memory_space<vmem>>, vector<16xi32>,
    %swap3A_28 = vector.shape_cast %swap3A_27 : vector<16xi32> to vector<16xi32>
    %swap3A_29 = vector.shape_cast %add3A_25 : vector<16xi32> to vector<16xi32>
    tpu.vector_store %arg7[%swap3A_26], %swap3A_29 {strides = array<i32>} : memref<128xi32, #tpu.memory_space<vmem>>, vector<16xi32>,
    %iota3A_30 = tpu.iota {dimensions = array<i32: 0>} : vector<16xi32>
    %add3A_31 = arith.constant 48 : i32
    %add3A_32 = arith.addi %add3A_4, %add3A_31 : i32
    %add3A_33 = vector.broadcast %add3A_32 : i32 to vector<16xi32>
    %add3A_34 = arith.addi %iota3A_30, %add3A_33 : vector<16xi32>
    %swap3A_35 = arith.constant 48 : index
    %swap3A_36 = tpu.vector_load %arg7[%swap3A_35] {strides = array<i32>} : memref<128xi32, #tpu.memory_space<vmem>>, vector<16xi32>,
    %swap3A_37 = vector.shape_cast %swap3A_36 : vector<16xi32> to vector<16xi32>
    %swap3A_38 = vector.shape_cast %add3A_34 : vector<16xi32> to vector<16xi32>
    tpu.vector_store %arg7[%swap3A_35], %swap3A_38 {strides = array<i32>} : memref<128xi32, #tpu.memory_space<vmem>>, vector<16xi32>,
    %iota3A_39 = tpu.iota {dimensions = array<i32: 0>} : vector<16xi32>
    %add3A_40 = arith.constant 64 : i32
    %add3A_41 = arith.addi %add3A_4, %add3A_40 : i32
    %add3A_42 = vector.broadcast %add3A_41 : i32 to vector<16xi32>
    %add3A_43 = arith.addi %iota3A_39, %add3A_42 : vector<16xi32>
    %swap3A_44 = arith.constant 64 : index
    %swap3A_45 = tpu.vector_load %arg7[%swap3A_44] {strides = array<i32>} : memref<128xi32, #tpu.memory_space<vmem>>, vector<16xi32>,
    %swap3A_46 = vector.shape_cast %swap3A_45 : vector<16xi32> to vector<16xi32>
    %swap3A_47 = vector.shape_cast %add3A_43 : vector<16xi32> to vector<16xi32>
    tpu.vector_store %arg7[%swap3A_44], %swap3A_47 {strides = array<i32>} : memref<128xi32, #tpu.memory_space<vmem>>, vector<16xi32>,
    %iota3A_48 = tpu.iota {dimensions = array<i32: 0>} : vector<16xi32>
    %add3A_49 = arith.constant 80 : i32
    %add3A_50 = arith.addi %add3A_4, %add3A_49 : i32
    %add3A_51 = vector.broadcast %add3A_50 : i32 to vector<16xi32>
    %add3A_52 = arith.addi %iota3A_48, %add3A_51 : vector<16xi32>
    %swap3A_53 = arith.constant 80 : index
    %swap3A_54 = tpu.vector_load %arg7[%swap3A_53] {strides = array<i32>} : memref<128xi32, #tpu.memory_space<vmem>>, vector<16xi32>,
    %swap3A_55 = vector.shape_cast %swap3A_54 : vector<16xi32> to vector<16xi32>
    %swap3A_56 = vector.shape_cast %add3A_52 : vector<16xi32> to vector<16xi32>
    tpu.vector_store %arg7[%swap3A_53], %swap3A_56 {strides = array<i32>} : memref<128xi32, #tpu.memory_space<vmem>>, vector<16xi32>,
    %iota3A_57 = tpu.iota {dimensions = array<i32: 0>} : vector<16xi32>
    %add3A_58 = arith.constant 96 : i32
    %add3A_59 = arith.addi %add3A_4, %add3A_58 : i32
    %add3A_60 = vector.broadcast %add3A_59 : i32 to vector<16xi32>
    %add3A_61 = arith.addi %iota3A_57, %add3A_60 : vector<16xi32>
    %swap3A_62 = arith.constant 96 : index
    %swap3A_63 = tpu.vector_load %arg7[%swap3A_62] {strides = array<i32>} : memref<128xi32, #tpu.memory_space<vmem>>, vector<16xi32>,
    %swap3A_64 = vector.shape_cast %swap3A_63 : vector<16xi32> to vector<16xi32>
    %swap3A_65 = vector.shape_cast %add3A_61 : vector<16xi32> to vector<16xi32>
    tpu.vector_store %arg7[%swap3A_62], %swap3A_65 {strides = array<i32>} : memref<128xi32, #tpu.memory_space<vmem>>, vector<16xi32>,
    %iota3A_66 = tpu.iota {dimensions = array<i32: 0>} : vector<16xi32>
    %add3A_67 = arith.constant 112 : i32
    %add3A_68 = arith.addi %add3A_4, %add3A_67 : i32
    %add3A_69 = vector.broadcast %add3A_68 : i32 to vector<16xi32>
    %add3A_70 = arith.addi %iota3A_66, %add3A_69 : vector<16xi32>
    %swap3A_71 = arith.constant 112 : index
    %swap3A_72 = tpu.vector_load %arg7[%swap3A_71] {strides = array<i32>} : memref<128xi32, #tpu.memory_space<vmem>>, vector<16xi32>,
    %swap3A_73 = vector.shape_cast %swap3A_72 : vector<16xi32> to vector<16xi32>
    %swap3A_74 = vector.shape_cast %add3A_70 : vector<16xi32> to vector<16xi32>
    tpu.vector_store %arg7[%swap3A_71], %swap3A_74 {strides = array<i32>} : memref<128xi32, #tpu.memory_space<vmem>>, vector<16xi32>,
    "tpu.region"() ({
      %run_scoped3A = tpu.sem_alloc : memref<!tpu.dma_semaphore, #tpu.memory_space<semaphore_mem>>
      %dma_start3A_792 = arith.constant 0 : i32
      %dma_start3A_793 = arith.constant 0 : i32
      %dma_start3A_794 = tpu.memref_slice %arg18[%dma_start3A_792, %dma_start3A_793] : memref<10240x128xf32, #tpu.memory_space<vmem_shared>> -> memref<10240x128xf32, #tpu.memory_space<vmem_shared>>
      tpu.enqueue_indirect_dma source(%arg11 : memref<128x128xf32, #tpu.memory_space<vmem>>) target(%dma_start3A_794 : memref<10240x128xf32, #tpu.memory_space<vmem_shared>>) offsets(%arg7 : memref<128xi32, #tpu.memory_space<vmem>>) semaphore(%run_scoped3A : memref<!tpu.dma_semaphore, #tpu.memory_space<semaphore_mem>>)
      %dma_wait3A = arith.constant 0 : i32
      %dma_wait3A_795 = arith.constant 0 : i32
      %dma_wait3A_796 = tpu.memref_slice %arg18[%dma_wait3A, %dma_wait3A_795] : memref<10240x128xf32, #tpu.memory_space<vmem_shared>> -> memref<10240x128xf32, #tpu.memory_space<vmem_shared>>
      tpu.wait_indirect_dma semaphore(%run_scoped3A : memref<!tpu.dma_semaphore, #tpu.memory_space<semaphore_mem>>) src(%arg11 : memref<128x128xf32, #tpu.memory_space<vmem>>) dst(%dma_wait3A_796 : memref<10240x128xf32, #tpu.memory_space<vmem_shared>>)
      tpu.yield
    }) : () -> ()
    %mul3A_75 = arith.constant 640 : i32
    %mul3A_76 = arith.muli %arg1, %mul3A_75 : i32
    %add3A_77 = arith.constant 128 : i32
    %add3A_78 = arith.addi %mul3A_76, %add3A_77 : i32
    %iota3A_79 = tpu.iota {dimensions = array<i32: 0>} : vector<16xi32>
    %add3A_80 = arith.constant 0 : i32
    %add3A_81 = arith.addi %add3A_78, %add3A_80 : i32
    %add3A_82 = vector.broadcast %add3A_81 : i32 to vector<16xi32>
    %add3A_83 = arith.addi %iota3A_79, %add3A_82 : vector<16xi32>
    %swap3A_84 = arith.constant 0 : index
    %swap3A_85 = tpu.vector_load %arg7[%swap3A_84] {strides = array<i32>} : memref<128xi32, #tpu.memory_space<vmem>>, vector<16xi32>,
    %swap3A_86 = vector.shape_cast %swap3A_85 : vector<16xi32> to vector<16xi32>
    %swap3A_87 = vector.shape_cast %add3A_83 : vector<16xi32> to vector<16xi32>
    tpu.vector_store %arg7[%swap3A_84], %swap3A_87 {strides = array<i32>} : memref<128xi32, #tpu.memory_space<vmem>>, vector<16xi32>,
    %iota3A_88 = tpu.iota {dimensions = array<i32: 0>} : vector<16xi32>
    %add3A_89 = arith.constant 16 : i32
    %add3A_90 = arith.addi %add3A_78, %add3A_89 : i32
    %add3A_91 = vector.broadcast %add3A_90 : i32 to vector<16xi32>
    %add3A_92 = arith.addi %iota3A_88, %add3A_91 : vector<16xi32>
    %swap3A_93 = arith.constant 16 : index
    %swap3A_94 = tpu.vector_load %arg7[%swap3A_93] {strides = array<i32>} : memref<128xi32, #tpu.memory_space<vmem>>, vector<16xi32>,
    %swap3A_95 = vector.shape_cast %swap3A_94 : vector<16xi32> to vector<16xi32>
    %swap3A_96 = vector.shape_cast %add3A_92 : vector<16xi32> to vector<16xi32>
    tpu.vector_store %arg7[%swap3A_93], %swap3A_96 {strides = array<i32>} : memref<128xi32, #tpu.memory_space<vmem>>, vector<16xi32>,
    %iota3A_97 = tpu.iota {dimensions = array<i32: 0>} : vector<16xi32>
    %add3A_98 = arith.constant 32 : i32
    %add3A_99 = arith.addi %add3A_78, %add3A_98 : i32
    %add3A_100 = vector.broadcast %add3A_99 : i32 to vector<16xi32>
    %add3A_101 = arith.addi %iota3A_97, %add3A_100 : vector<16xi32>
    %swap3A_102 = arith.constant 32 : index
    %swap3A_103 = tpu.vector_load %arg7[%swap3A_102] {strides = array<i32>} : memref<128xi32, #tpu.memory_space<vmem>>, vector<16xi32>,
    %swap3A_104 = vector.shape_cast %swap3A_103 : vector<16xi32> to vector<16xi32>
    %swap3A_105 = vector.shape_cast %add3A_101 : vector<16xi32> to vector<16xi32>
    tpu.vector_store %arg7[%swap3A_102], %swap3A_105 {strides = array<i32>} : memref<128xi32, #tpu.memory_space<vmem>>, vector<16xi32>,
    %iota3A_106 = tpu.iota {dimensions = array<i32: 0>} : vector<16xi32>
    %add3A_107 = arith.constant 48 : i32
    %add3A_108 = arith.addi %add3A_78, %add3A_107 : i32
    %add3A_109 = vector.broadcast %add3A_108 : i32 to vector<16xi32>
    %add3A_110 = arith.addi %iota3A_106, %add3A_109 : vector<16xi32>
    %swap3A_111 = arith.constant 48 : index
    %swap3A_112 = tpu.vector_load %arg7[%swap3A_111] {strides = array<i32>} : memref<128xi32, #tpu.memory_space<vmem>>, vector<16xi32>,
    %swap3A_113 = vector.shape_cast %swap3A_112 : vector<16xi32> to vector<16xi32>
    %swap3A_114 = vector.shape_cast %add3A_110 : vector<16xi32> to vector<16xi32>
    tpu.vector_store %arg7[%swap3A_111], %swap3A_114 {strides = array<i32>} : memref<128xi32, #tpu.memory_space<vmem>>, vector<16xi32>,
    %iota3A_115 = tpu.iota {dimensions = array<i32: 0>} : vector<16xi32>
    %add3A_116 = arith.constant 64 : i32
    %add3A_117 = arith.addi %add3A_78, %add3A_116 : i32
    %add3A_118 = vector.broadcast %add3A_117 : i32 to vector<16xi32>
    %add3A_119 = arith.addi %iota3A_115, %add3A_118 : vector<16xi32>
    %swap3A_120 = arith.constant 64 : index
    %swap3A_121 = tpu.vector_load %arg7[%swap3A_120] {strides = array<i32>} : memref<128xi32, #tpu.memory_space<vmem>>, vector<16xi32>,
    %swap3A_122 = vector.shape_cast %swap3A_121 : vector<16xi32> to vector<16xi32>
    %swap3A_123 = vector.shape_cast %add3A_119 : vector<16xi32> to vector<16xi32>
    tpu.vector_store %arg7[%swap3A_120], %swap3A_123 {strides = array<i32>} : memref<128xi32, #tpu.memory_space<vmem>>, vector<16xi32>,
    %iota3A_124 = tpu.iota {dimensions = array<i32: 0>} : vector<16xi32>
    %add3A_125 = arith.constant 80 : i32
    %add3A_126 = arith.addi %add3A_78, %add3A_125 : i32
    %add3A_127 = vector.broadcast %add3A_126 : i32 to vector<16xi32>
    %add3A_128 = arith.addi %iota3A_124, %add3A_127 : vector<16xi32>
    %swap3A_129 = arith.constant 80 : index
    %swap3A_130 = tpu.vector_load %arg7[%swap3A_129] {strides = array<i32>} : memref<128xi32, #tpu.memory_space<vmem>>, vector<16xi32>,
    %swap3A_131 = vector.shape_cast %swap3A_130 : vector<16xi32> to vector<16xi32>
    %swap3A_132 = vector.shape_cast %add3A_128 : vector<16xi32> to vector<16xi32>
    tpu.vector_store %arg7[%swap3A_129], %swap3A_132 {strides = array<i32>} : memref<128xi32, #tpu.memory_space<vmem>>, vector<16xi32>,
    %iota3A_133 = tpu.iota {dimensions = array<i32: 0>} : vector<16xi32>
    %add3A_134 = arith.constant 96 : i32
    %add3A_135 = arith.addi %add3A_78, %add3A_134 : i32
    %add3A_136 = vector.broadcast %add3A_135 : i32 to vector<16xi32>
    %add3A_137 = arith.addi %iota3A_133, %add3A_136 : vector<16xi32>
    %swap3A_138 = arith.constant 96 : index
    %swap3A_139 = tpu.vector_load %arg7[%swap3A_138] {strides = array<i32>} : memref<128xi32, #tpu.memory_space<vmem>>, vector<16xi32>,
    %swap3A_140 = vector.shape_cast %swap3A_139 : vector<16xi32> to vector<16xi32>
    %swap3A_141 = vector.shape_cast %add3A_137 : vector<16xi32> to vector<16xi32>
    tpu.vector_store %arg7[%swap3A_138], %swap3A_141 {strides = array<i32>} : memref<128xi32, #tpu.memory_space<vmem>>, vector<16xi32>,
    %iota3A_142 = tpu.iota {dimensions = array<i32: 0>} : vector<16xi32>
    %add3A_143 = arith.constant 112 : i32
    %add3A_144 = arith.addi %add3A_78, %add3A_143 : i32
    %add3A_145 = vector.broadcast %add3A_144 : i32 to vector<16xi32>
    %add3A_146 = arith.addi %iota3A_142, %add3A_145 : vector<16xi32>
    %swap3A_147 = arith.constant 112 : index
    %swap3A_148 = tpu.vector_load %arg7[%swap3A_147] {strides = array<i32>} : memref<128xi32, #tpu.memory_space<vmem>>, vector<16xi32>,
    %swap3A_149 = vector.shape_cast %swap3A_148 : vector<16xi32> to vector<16xi32>
    %swap3A_150 = vector.shape_cast %add3A_146 : vector<16xi32> to vector<16xi32>
    tpu.vector_store %arg7[%swap3A_147], %swap3A_150 {strides = array<i32>} : memref<128xi32, #tpu.memory_space<vmem>>, vector<16xi32>,
    "tpu.region"() ({
      %run_scoped3A = tpu.sem_alloc : memref<!tpu.dma_semaphore, #tpu.memory_space<semaphore_mem>>
      %dma_start3A_792 = arith.constant 0 : i32
      %dma_start3A_793 = arith.constant 0 : i32
      %dma_start3A_794 = tpu.memref_slice %arg18[%dma_start3A_792, %dma_start3A_793] : memref<10240x128xf32, #tpu.memory_space<vmem_shared>> -> memref<10240x128xf32, #tpu.memory_space<vmem_shared>>
      tpu.enqueue_indirect_dma source(%arg11 : memref<128x128xf32, #tpu.memory_space<vmem>>) target(%dma_start3A_794 : memref<10240x128xf32, #tpu.memory_space<vmem_shared>>) offsets(%arg7 : memref<128xi32, #tpu.memory_space<vmem>>) semaphore(%run_scoped3A : memref<!tpu.dma_semaphore, #tpu.memory_space<semaphore_mem>>)
      %dma_wait3A = arith.constant 0 : i32
      %dma_wait3A_795 = arith.constant 0 : i32
      %dma_wait3A_796 = tpu.memref_slice %arg18[%dma_wait3A, %dma_wait3A_795] : memref<10240x128xf32, #tpu.memory_space<vmem_shared>> -> memref<10240x128xf32, #tpu.memory_space<vmem_shared>>
      tpu.wait_indirect_dma semaphore(%run_scoped3A : memref<!tpu.dma_semaphore, #tpu.memory_space<semaphore_mem>>) src(%arg11 : memref<128x128xf32, #tpu.memory_space<vmem>>) dst(%dma_wait3A_796 : memref<10240x128xf32, #tpu.memory_space<vmem_shared>>)
      tpu.yield
    }) : () -> ()
    %mul3A_151 = arith.constant 640 : i32
    %mul3A_152 = arith.muli %arg1, %mul3A_151 : i32
    %add3A_153 = arith.constant 256 : i32
    %add3A_154 = arith.addi %mul3A_152, %add3A_153 : i32
    %iota3A_155 = tpu.iota {dimensions = array<i32: 0>} : vector<16xi32>
    %add3A_156 = arith.constant 0 : i32
    %add3A_157 = arith.addi %add3A_154, %add3A_156 : i32
    %add3A_158 = vector.broadcast %add3A_157 : i32 to vector<16xi32>
    %add3A_159 = arith.addi %iota3A_155, %add3A_158 : vector<16xi32>
    %swap3A_160 = arith.constant 0 : index
    %swap3A_161 = tpu.vector_load %arg7[%swap3A_160] {strides = array<i32>} : memref<128xi32, #tpu.memory_space<vmem>>, vector<16xi32>,
    %swap3A_162 = vector.shape_cast %swap3A_161 : vector<16xi32> to vector<16xi32>
    %swap3A_163 = vector.shape_cast %add3A_159 : vector<16xi32> to vector<16xi32>
    tpu.vector_store %arg7[%swap3A_160], %swap3A_163 {strides = array<i32>} : memref<128xi32, #tpu.memory_space<vmem>>, vector<16xi32>,
    %iota3A_164 = tpu.iota {dimensions = array<i32: 0>} : vector<16xi32>
    %add3A_165 = arith.constant 16 : i32
    %add3A_166 = arith.addi %add3A_154, %add3A_165 : i32
    %add3A_167 = vector.broadcast %add3A_166 : i32 to vector<16xi32>
    %add3A_168 = arith.addi %iota3A_164, %add3A_167 : vector<16xi32>
    %swap3A_169 = arith.constant 16 : index
    %swap3A_170 = tpu.vector_load %arg7[%swap3A_169] {strides = array<i32>} : memref<128xi32, #tpu.memory_space<vmem>>, vector<16xi32>,
    %swap3A_171 = vector.shape_cast %swap3A_170 : vector<16xi32> to vector<16xi32>
    %swap3A_172 = vector.shape_cast %add3A_168 : vector<16xi32> to vector<16xi32>
    tpu.vector_store %arg7[%swap3A_169], %swap3A_172 {strides = array<i32>} : memref<128xi32, #tpu.memory_space<vmem>>, vector<16xi32>,
    %iota3A_173 = tpu.iota {dimensions = array<i32: 0>} : vector<16xi32>
    %add3A_174 = arith.constant 32 : i32
    %add3A_175 = arith.addi %add3A_154, %add3A_174 : i32
    %add3A_176 = vector.broadcast %add3A_175 : i32 to vector<16xi32>
    %add3A_177 = arith.addi %iota3A_173, %add3A_176 : vector<16xi32>
    %swap3A_178 = arith.constant 32 : index
    %swap3A_179 = tpu.vector_load %arg7[%swap3A_178] {strides = array<i32>} : memref<128xi32, #tpu.memory_space<vmem>>, vector<16xi32>,
    %swap3A_180 = vector.shape_cast %swap3A_179 : vector<16xi32> to vector<16xi32>
    %swap3A_181 = vector.shape_cast %add3A_177 : vector<16xi32> to vector<16xi32>
    tpu.vector_store %arg7[%swap3A_178], %swap3A_181 {strides = array<i32>} : memref<128xi32, #tpu.memory_space<vmem>>, vector<16xi32>,
    %iota3A_182 = tpu.iota {dimensions = array<i32: 0>} : vector<16xi32>
    %add3A_183 = arith.constant 48 : i32
    %add3A_184 = arith.addi %add3A_154, %add3A_183 : i32
    %add3A_185 = vector.broadcast %add3A_184 : i32 to vector<16xi32>
    %add3A_186 = arith.addi %iota3A_182, %add3A_185 : vector<16xi32>
    %swap3A_187 = arith.constant 48 : index
    %swap3A_188 = tpu.vector_load %arg7[%swap3A_187] {strides = array<i32>} : memref<128xi32, #tpu.memory_space<vmem>>, vector<16xi32>,
    %swap3A_189 = vector.shape_cast %swap3A_188 : vector<16xi32> to vector<16xi32>
    %swap3A_190 = vector.shape_cast %add3A_186 : vector<16xi32> to vector<16xi32>
    tpu.vector_store %arg7[%swap3A_187], %swap3A_190 {strides = array<i32>} : memref<128xi32, #tpu.memory_space<vmem>>, vector<16xi32>,
    %iota3A_191 = tpu.iota {dimensions = array<i32: 0>} : vector<16xi32>
    %add3A_192 = arith.constant 64 : i32
    %add3A_193 = arith.addi %add3A_154, %add3A_192 : i32
    %add3A_194 = vector.broadcast %add3A_193 : i32 to vector<16xi32>
    %add3A_195 = arith.addi %iota3A_191, %add3A_194 : vector<16xi32>
    %swap3A_196 = arith.constant 64 : index
    %swap3A_197 = tpu.vector_load %arg7[%swap3A_196] {strides = array<i32>} : memref<128xi32, #tpu.memory_space<vmem>>, vector<16xi32>,
    %swap3A_198 = vector.shape_cast %swap3A_197 : vector<16xi32> to vector<16xi32>
    %swap3A_199 = vector.shape_cast %add3A_195 : vector<16xi32> to vector<16xi32>
    tpu.vector_store %arg7[%swap3A_196], %swap3A_199 {strides = array<i32>} : memref<128xi32, #tpu.memory_space<vmem>>, vector<16xi32>,
    %iota3A_200 = tpu.iota {dimensions = array<i32: 0>} : vector<16xi32>
    %add3A_201 = arith.constant 80 : i32
    %add3A_202 = arith.addi %add3A_154, %add3A_201 : i32
    %add3A_203 = vector.broadcast %add3A_202 : i32 to vector<16xi32>
    %add3A_204 = arith.addi %iota3A_200, %add3A_203 : vector<16xi32>
    %swap3A_205 = arith.constant 80 : index
    %swap3A_206 = tpu.vector_load %arg7[%swap3A_205] {strides = array<i32>} : memref<128xi32, #tpu.memory_space<vmem>>, vector<16xi32>,
    %swap3A_207 = vector.shape_cast %swap3A_206 : vector<16xi32> to vector<16xi32>
    %swap3A_208 = vector.shape_cast %add3A_204 : vector<16xi32> to vector<16xi32>
    tpu.vector_store %arg7[%swap3A_205], %swap3A_208 {strides = array<i32>} : memref<128xi32, #tpu.memory_space<vmem>>, vector<16xi32>,
    %iota3A_209 = tpu.iota {dimensions = array<i32: 0>} : vector<16xi32>
    %add3A_210 = arith.constant 96 : i32
    %add3A_211 = arith.addi %add3A_154, %add3A_210 : i32
    %add3A_212 = vector.broadcast %add3A_211 : i32 to vector<16xi32>
    %add3A_213 = arith.addi %iota3A_209, %add3A_212 : vector<16xi32>
    %swap3A_214 = arith.constant 96 : index
    %swap3A_215 = tpu.vector_load %arg7[%swap3A_214] {strides = array<i32>} : memref<128xi32, #tpu.memory_space<vmem>>, vector<16xi32>,
    %swap3A_216 = vector.shape_cast %swap3A_215 : vector<16xi32> to vector<16xi32>
    %swap3A_217 = vector.shape_cast %add3A_213 : vector<16xi32> to vector<16xi32>
    tpu.vector_store %arg7[%swap3A_214], %swap3A_217 {strides = array<i32>} : memref<128xi32, #tpu.memory_space<vmem>>, vector<16xi32>,
    %iota3A_218 = tpu.iota {dimensions = array<i32: 0>} : vector<16xi32>
    %add3A_219 = arith.constant 112 : i32
    %add3A_220 = arith.addi %add3A_154, %add3A_219 : i32
    %add3A_221 = vector.broadcast %add3A_220 : i32 to vector<16xi32>
    %add3A_222 = arith.addi %iota3A_218, %add3A_221 : vector<16xi32>
    %swap3A_223 = arith.constant 112 : index
    %swap3A_224 = tpu.vector_load %arg7[%swap3A_223] {strides = array<i32>} : memref<128xi32, #tpu.memory_space<vmem>>, vector<16xi32>,
    %swap3A_225 = vector.shape_cast %swap3A_224 : vector<16xi32> to vector<16xi32>
    %swap3A_226 = vector.shape_cast %add3A_222 : vector<16xi32> to vector<16xi32>
    tpu.vector_store %arg7[%swap3A_223], %swap3A_226 {strides = array<i32>} : memref<128xi32, #tpu.memory_space<vmem>>, vector<16xi32>,
    "tpu.region"() ({
      %run_scoped3A = tpu.sem_alloc : memref<!tpu.dma_semaphore, #tpu.memory_space<semaphore_mem>>
      %dma_start3A_792 = arith.constant 0 : i32
      %dma_start3A_793 = arith.constant 0 : i32
      %dma_start3A_794 = tpu.memref_slice %arg18[%dma_start3A_792, %dma_start3A_793] : memref<10240x128xf32, #tpu.memory_space<vmem_shared>> -> memref<10240x128xf32, #tpu.memory_space<vmem_shared>>
      tpu.enqueue_indirect_dma source(%arg11 : memref<128x128xf32, #tpu.memory_space<vmem>>) target(%dma_start3A_794 : memref<10240x128xf32, #tpu.memory_space<vmem_shared>>) offsets(%arg7 : memref<128xi32, #tpu.memory_space<vmem>>) semaphore(%run_scoped3A : memref<!tpu.dma_semaphore, #tpu.memory_space<semaphore_mem>>)
      %dma_wait3A = arith.constant 0 : i32
      %dma_wait3A_795 = arith.constant 0 : i32
      %dma_wait3A_796 = tpu.memref_slice %arg18[%dma_wait3A, %dma_wait3A_795] : memref<10240x128xf32, #tpu.memory_space<vmem_shared>> -> memref<10240x128xf32, #tpu.memory_space<vmem_shared>>
      tpu.wait_indirect_dma semaphore(%run_scoped3A : memref<!tpu.dma_semaphore, #tpu.memory_space<semaphore_mem>>) src(%arg11 : memref<128x128xf32, #tpu.memory_space<vmem>>) dst(%dma_wait3A_796 : memref<10240x128xf32, #tpu.memory_space<vmem_shared>>)
      tpu.yield
    }) : () -> ()
    %mul3A_227 = arith.constant 640 : i32
    %mul3A_228 = arith.muli %arg1, %mul3A_227 : i32
    %add3A_229 = arith.constant 384 : i32
    %add3A_230 = arith.addi %mul3A_228, %add3A_229 : i32
    %iota3A_231 = tpu.iota {dimensions = array<i32: 0>} : vector<16xi32>
    %add3A_232 = arith.constant 0 : i32
    %add3A_233 = arith.addi %add3A_230, %add3A_232 : i32
    %add3A_234 = vector.broadcast %add3A_233 : i32 to vector<16xi32>
    %add3A_235 = arith.addi %iota3A_231, %add3A_234 : vector<16xi32>
    %swap3A_236 = arith.constant 0 : index
    %swap3A_237 = tpu.vector_load %arg7[%swap3A_236] {strides = array<i32>} : memref<128xi32, #tpu.memory_space<vmem>>, vector<16xi32>,
    %swap3A_238 = vector.shape_cast %swap3A_237 : vector<16xi32> to vector<16xi32>
    %swap3A_239 = vector.shape_cast %add3A_235 : vector<16xi32> to vector<16xi32>
    tpu.vector_store %arg7[%swap3A_236], %swap3A_239 {strides = array<i32>} : memref<128xi32, #tpu.memory_space<vmem>>, vector<16xi32>,
    %iota3A_240 = tpu.iota {dimensions = array<i32: 0>} : vector<16xi32>
    %add3A_241 = arith.constant 16 : i32
    %add3A_242 = arith.addi %add3A_230, %add3A_241 : i32
    %add3A_243 = vector.broadcast %add3A_242 : i32 to vector<16xi32>
    %add3A_244 = arith.addi %iota3A_240, %add3A_243 : vector<16xi32>
    %swap3A_245 = arith.constant 16 : index
    %swap3A_246 = tpu.vector_load %arg7[%swap3A_245] {strides = array<i32>} : memref<128xi32, #tpu.memory_space<vmem>>, vector<16xi32>,
    %swap3A_247 = vector.shape_cast %swap3A_246 : vector<16xi32> to vector<16xi32>
    %swap3A_248 = vector.shape_cast %add3A_244 : vector<16xi32> to vector<16xi32>
    tpu.vector_store %arg7[%swap3A_245], %swap3A_248 {strides = array<i32>} : memref<128xi32, #tpu.memory_space<vmem>>, vector<16xi32>,
    %iota3A_249 = tpu.iota {dimensions = array<i32: 0>} : vector<16xi32>
    %add3A_250 = arith.constant 32 : i32
    %add3A_251 = arith.addi %add3A_230, %add3A_250 : i32
    %add3A_252 = vector.broadcast %add3A_251 : i32 to vector<16xi32>
    %add3A_253 = arith.addi %iota3A_249, %add3A_252 : vector<16xi32>
    %swap3A_254 = arith.constant 32 : index
    %swap3A_255 = tpu.vector_load %arg7[%swap3A_254] {strides = array<i32>} : memref<128xi32, #tpu.memory_space<vmem>>, vector<16xi32>,
    %swap3A_256 = vector.shape_cast %swap3A_255 : vector<16xi32> to vector<16xi32>
    %swap3A_257 = vector.shape_cast %add3A_253 : vector<16xi32> to vector<16xi32>
    tpu.vector_store %arg7[%swap3A_254], %swap3A_257 {strides = array<i32>} : memref<128xi32, #tpu.memory_space<vmem>>, vector<16xi32>,
    %iota3A_258 = tpu.iota {dimensions = array<i32: 0>} : vector<16xi32>
    %add3A_259 = arith.constant 48 : i32
    %add3A_260 = arith.addi %add3A_230, %add3A_259 : i32
    %add3A_261 = vector.broadcast %add3A_260 : i32 to vector<16xi32>
    %add3A_262 = arith.addi %iota3A_258, %add3A_261 : vector<16xi32>
    %swap3A_263 = arith.constant 48 : index
    %swap3A_264 = tpu.vector_load %arg7[%swap3A_263] {strides = array<i32>} : memref<128xi32, #tpu.memory_space<vmem>>, vector<16xi32>,
    %swap3A_265 = vector.shape_cast %swap3A_264 : vector<16xi32> to vector<16xi32>
    %swap3A_266 = vector.shape_cast %add3A_262 : vector<16xi32> to vector<16xi32>
    tpu.vector_store %arg7[%swap3A_263], %swap3A_266 {strides = array<i32>} : memref<128xi32, #tpu.memory_space<vmem>>, vector<16xi32>,
    %iota3A_267 = tpu.iota {dimensions = array<i32: 0>} : vector<16xi32>
    %add3A_268 = arith.constant 64 : i32
    %add3A_269 = arith.addi %add3A_230, %add3A_268 : i32
    %add3A_270 = vector.broadcast %add3A_269 : i32 to vector<16xi32>
    %add3A_271 = arith.addi %iota3A_267, %add3A_270 : vector<16xi32>
    %swap3A_272 = arith.constant 64 : index
    %swap3A_273 = tpu.vector_load %arg7[%swap3A_272] {strides = array<i32>} : memref<128xi32, #tpu.memory_space<vmem>>, vector<16xi32>,
    %swap3A_274 = vector.shape_cast %swap3A_273 : vector<16xi32> to vector<16xi32>
    %swap3A_275 = vector.shape_cast %add3A_271 : vector<16xi32> to vector<16xi32>
    tpu.vector_store %arg7[%swap3A_272], %swap3A_275 {strides = array<i32>} : memref<128xi32, #tpu.memory_space<vmem>>, vector<16xi32>,
    %iota3A_276 = tpu.iota {dimensions = array<i32: 0>} : vector<16xi32>
    %add3A_277 = arith.constant 80 : i32
    %add3A_278 = arith.addi %add3A_230, %add3A_277 : i32
    %add3A_279 = vector.broadcast %add3A_278 : i32 to vector<16xi32>
    %add3A_280 = arith.addi %iota3A_276, %add3A_279 : vector<16xi32>
    %swap3A_281 = arith.constant 80 : index
    %swap3A_282 = tpu.vector_load %arg7[%swap3A_281] {strides = array<i32>} : memref<128xi32, #tpu.memory_space<vmem>>, vector<16xi32>,
    %swap3A_283 = vector.shape_cast %swap3A_282 : vector<16xi32> to vector<16xi32>
    %swap3A_284 = vector.shape_cast %add3A_280 : vector<16xi32> to vector<16xi32>
    tpu.vector_store %arg7[%swap3A_281], %swap3A_284 {strides = array<i32>} : memref<128xi32, #tpu.memory_space<vmem>>, vector<16xi32>,
    %iota3A_285 = tpu.iota {dimensions = array<i32: 0>} : vector<16xi32>
    %add3A_286 = arith.constant 96 : i32
    %add3A_287 = arith.addi %add3A_230, %add3A_286 : i32
    %add3A_288 = vector.broadcast %add3A_287 : i32 to vector<16xi32>
    %add3A_289 = arith.addi %iota3A_285, %add3A_288 : vector<16xi32>
    %swap3A_290 = arith.constant 96 : index
    %swap3A_291 = tpu.vector_load %arg7[%swap3A_290] {strides = array<i32>} : memref<128xi32, #tpu.memory_space<vmem>>, vector<16xi32>,
    %swap3A_292 = vector.shape_cast %swap3A_291 : vector<16xi32> to vector<16xi32>
    %swap3A_293 = vector.shape_cast %add3A_289 : vector<16xi32> to vector<16xi32>
    tpu.vector_store %arg7[%swap3A_290], %swap3A_293 {strides = array<i32>} : memref<128xi32, #tpu.memory_space<vmem>>, vector<16xi32>,
    %iota3A_294 = tpu.iota {dimensions = array<i32: 0>} : vector<16xi32>
    %add3A_295 = arith.constant 112 : i32
    %add3A_296 = arith.addi %add3A_230, %add3A_295 : i32
    %add3A_297 = vector.broadcast %add3A_296 : i32 to vector<16xi32>
    %add3A_298 = arith.addi %iota3A_294, %add3A_297 : vector<16xi32>
    %swap3A_299 = arith.constant 112 : index
    %swap3A_300 = tpu.vector_load %arg7[%swap3A_299] {strides = array<i32>} : memref<128xi32, #tpu.memory_space<vmem>>, vector<16xi32>,
    %swap3A_301 = vector.shape_cast %swap3A_300 : vector<16xi32> to vector<16xi32>
    %swap3A_302 = vector.shape_cast %add3A_298 : vector<16xi32> to vector<16xi32>
    tpu.vector_store %arg7[%swap3A_299], %swap3A_302 {strides = array<i32>} : memref<128xi32, #tpu.memory_space<vmem>>, vector<16xi32>,
    "tpu.region"() ({
      %run_scoped3A = tpu.sem_alloc : memref<!tpu.dma_semaphore, #tpu.memory_space<semaphore_mem>>
      %dma_start3A_792 = arith.constant 0 : i32
      %dma_start3A_793 = arith.constant 0 : i32
      %dma_start3A_794 = tpu.memref_slice %arg18[%dma_start3A_792, %dma_start3A_793] : memref<10240x128xf32, #tpu.memory_space<vmem_shared>> -> memref<10240x128xf32, #tpu.memory_space<vmem_shared>>
      tpu.enqueue_indirect_dma source(%arg11 : memref<128x128xf32, #tpu.memory_space<vmem>>) target(%dma_start3A_794 : memref<10240x128xf32, #tpu.memory_space<vmem_shared>>) offsets(%arg7 : memref<128xi32, #tpu.memory_space<vmem>>) semaphore(%run_scoped3A : memref<!tpu.dma_semaphore, #tpu.memory_space<semaphore_mem>>)
      %dma_wait3A = arith.constant 0 : i32
      %dma_wait3A_795 = arith.constant 0 : i32
      %dma_wait3A_796 = tpu.memref_slice %arg18[%dma_wait3A, %dma_wait3A_795] : memref<10240x128xf32, #tpu.memory_space<vmem_shared>> -> memref<10240x128xf32, #tpu.memory_space<vmem_shared>>
      tpu.wait_indirect_dma semaphore(%run_scoped3A : memref<!tpu.dma_semaphore, #tpu.memory_space<semaphore_mem>>) src(%arg11 : memref<128x128xf32, #tpu.memory_space<vmem>>) dst(%dma_wait3A_796 : memref<10240x128xf32, #tpu.memory_space<vmem_shared>>)
      tpu.yield
    }) : () -> ()
    %mul3A_303 = arith.constant 640 : i32
    %mul3A_304 = arith.muli %arg1, %mul3A_303 : i32
    %add3A_305 = arith.constant 512 : i32
    %add3A_306 = arith.addi %mul3A_304, %add3A_305 : i32
    %iota3A_307 = tpu.iota {dimensions = array<i32: 0>} : vector<16xi32>
    %add3A_308 = arith.constant 0 : i32
    %add3A_309 = arith.addi %add3A_306, %add3A_308 : i32
    %add3A_310 = vector.broadcast %add3A_309 : i32 to vector<16xi32>
    %add3A_311 = arith.addi %iota3A_307, %add3A_310 : vector<16xi32>
    %swap3A_312 = arith.constant 0 : index
    %swap3A_313 = tpu.vector_load %arg7[%swap3A_312] {strides = array<i32>} : memref<128xi32, #tpu.memory_space<vmem>>, vector<16xi32>,
    %swap3A_314 = vector.shape_cast %swap3A_313 : vector<16xi32> to vector<16xi32>
    %swap3A_315 = vector.shape_cast %add3A_311 : vector<16xi32> to vector<16xi32>
    tpu.vector_store %arg7[%swap3A_312], %swap3A_315 {strides = array<i32>} : memref<128xi32, #tpu.memory_space<vmem>>, vector<16xi32>,
    %iota3A_316 = tpu.iota {dimensions = array<i32: 0>} : vector<16xi32>
    %add3A_317 = arith.constant 16 : i32
    %add3A_318 = arith.addi %add3A_306, %add3A_317 : i32
    %add3A_319 = vector.broadcast %add3A_318 : i32 to vector<16xi32>
    %add3A_320 = arith.addi %iota3A_316, %add3A_319 : vector<16xi32>
    %swap3A_321 = arith.constant 16 : index
    %swap3A_322 = tpu.vector_load %arg7[%swap3A_321] {strides = array<i32>} : memref<128xi32, #tpu.memory_space<vmem>>, vector<16xi32>,
    %swap3A_323 = vector.shape_cast %swap3A_322 : vector<16xi32> to vector<16xi32>
    %swap3A_324 = vector.shape_cast %add3A_320 : vector<16xi32> to vector<16xi32>
    tpu.vector_store %arg7[%swap3A_321], %swap3A_324 {strides = array<i32>} : memref<128xi32, #tpu.memory_space<vmem>>, vector<16xi32>,
    %iota3A_325 = tpu.iota {dimensions = array<i32: 0>} : vector<16xi32>
    %add3A_326 = arith.constant 32 : i32
    %add3A_327 = arith.addi %add3A_306, %add3A_326 : i32
    %add3A_328 = vector.broadcast %add3A_327 : i32 to vector<16xi32>
    %add3A_329 = arith.addi %iota3A_325, %add3A_328 : vector<16xi32>
    %swap3A_330 = arith.constant 32 : index
    %swap3A_331 = tpu.vector_load %arg7[%swap3A_330] {strides = array<i32>} : memref<128xi32, #tpu.memory_space<vmem>>, vector<16xi32>,
    %swap3A_332 = vector.shape_cast %swap3A_331 : vector<16xi32> to vector<16xi32>
    %swap3A_333 = vector.shape_cast %add3A_329 : vector<16xi32> to vector<16xi32>
    tpu.vector_store %arg7[%swap3A_330], %swap3A_333 {strides = array<i32>} : memref<128xi32, #tpu.memory_space<vmem>>, vector<16xi32>,
    %iota3A_334 = tpu.iota {dimensions = array<i32: 0>} : vector<16xi32>
    %add3A_335 = arith.constant 48 : i32
    %add3A_336 = arith.addi %add3A_306, %add3A_335 : i32
    %add3A_337 = vector.broadcast %add3A_336 : i32 to vector<16xi32>
    %add3A_338 = arith.addi %iota3A_334, %add3A_337 : vector<16xi32>
    %swap3A_339 = arith.constant 48 : index
    %swap3A_340 = tpu.vector_load %arg7[%swap3A_339] {strides = array<i32>} : memref<128xi32, #tpu.memory_space<vmem>>, vector<16xi32>,
    %swap3A_341 = vector.shape_cast %swap3A_340 : vector<16xi32> to vector<16xi32>
    %swap3A_342 = vector.shape_cast %add3A_338 : vector<16xi32> to vector<16xi32>
    tpu.vector_store %arg7[%swap3A_339], %swap3A_342 {strides = array<i32>} : memref<128xi32, #tpu.memory_space<vmem>>, vector<16xi32>,
    %iota3A_343 = tpu.iota {dimensions = array<i32: 0>} : vector<16xi32>
    %add3A_344 = arith.constant 64 : i32
    %add3A_345 = arith.addi %add3A_306, %add3A_344 : i32
    %add3A_346 = vector.broadcast %add3A_345 : i32 to vector<16xi32>
    %add3A_347 = arith.addi %iota3A_343, %add3A_346 : vector<16xi32>
    %swap3A_348 = arith.constant 64 : index
    %swap3A_349 = tpu.vector_load %arg7[%swap3A_348] {strides = array<i32>} : memref<128xi32, #tpu.memory_space<vmem>>, vector<16xi32>,
    %swap3A_350 = vector.shape_cast %swap3A_349 : vector<16xi32> to vector<16xi32>
    %swap3A_351 = vector.shape_cast %add3A_347 : vector<16xi32> to vector<16xi32>
    tpu.vector_store %arg7[%swap3A_348], %swap3A_351 {strides = array<i32>} : memref<128xi32, #tpu.memory_space<vmem>>, vector<16xi32>,
    %iota3A_352 = tpu.iota {dimensions = array<i32: 0>} : vector<16xi32>
    %add3A_353 = arith.constant 80 : i32
    %add3A_354 = arith.addi %add3A_306, %add3A_353 : i32
    %add3A_355 = vector.broadcast %add3A_354 : i32 to vector<16xi32>
    %add3A_356 = arith.addi %iota3A_352, %add3A_355 : vector<16xi32>
    %swap3A_357 = arith.constant 80 : index
    %swap3A_358 = tpu.vector_load %arg7[%swap3A_357] {strides = array<i32>} : memref<128xi32, #tpu.memory_space<vmem>>, vector<16xi32>,
    %swap3A_359 = vector.shape_cast %swap3A_358 : vector<16xi32> to vector<16xi32>
    %swap3A_360 = vector.shape_cast %add3A_356 : vector<16xi32> to vector<16xi32>
    tpu.vector_store %arg7[%swap3A_357], %swap3A_360 {strides = array<i32>} : memref<128xi32, #tpu.memory_space<vmem>>, vector<16xi32>,
    %iota3A_361 = tpu.iota {dimensions = array<i32: 0>} : vector<16xi32>
    %add3A_362 = arith.constant 96 : i32
    %add3A_363 = arith.addi %add3A_306, %add3A_362 : i32
    %add3A_364 = vector.broadcast %add3A_363 : i32 to vector<16xi32>
    %add3A_365 = arith.addi %iota3A_361, %add3A_364 : vector<16xi32>
    %swap3A_366 = arith.constant 96 : index
    %swap3A_367 = tpu.vector_load %arg7[%swap3A_366] {strides = array<i32>} : memref<128xi32, #tpu.memory_space<vmem>>, vector<16xi32>,
    %swap3A_368 = vector.shape_cast %swap3A_367 : vector<16xi32> to vector<16xi32>
    %swap3A_369 = vector.shape_cast %add3A_365 : vector<16xi32> to vector<16xi32>
    tpu.vector_store %arg7[%swap3A_366], %swap3A_369 {strides = array<i32>} : memref<128xi32, #tpu.memory_space<vmem>>, vector<16xi32>,
    %iota3A_370 = tpu.iota {dimensions = array<i32: 0>} : vector<16xi32>
    %add3A_371 = arith.constant 112 : i32
    %add3A_372 = arith.addi %add3A_306, %add3A_371 : i32
    %add3A_373 = vector.broadcast %add3A_372 : i32 to vector<16xi32>
    %add3A_374 = arith.addi %iota3A_370, %add3A_373 : vector<16xi32>
    %swap3A_375 = arith.constant 112 : index
    %swap3A_376 = tpu.vector_load %arg7[%swap3A_375] {strides = array<i32>} : memref<128xi32, #tpu.memory_space<vmem>>, vector<16xi32>,
    %swap3A_377 = vector.shape_cast %swap3A_376 : vector<16xi32> to vector<16xi32>
    %swap3A_378 = vector.shape_cast %add3A_374 : vector<16xi32> to vector<16xi32>
    tpu.vector_store %arg7[%swap3A_375], %swap3A_378 {strides = array<i32>} : memref<128xi32, #tpu.memory_space<vmem>>, vector<16xi32>,
    "tpu.region"() ({
      %run_scoped3A = tpu.sem_alloc : memref<!tpu.dma_semaphore, #tpu.memory_space<semaphore_mem>>
      %dma_start3A_792 = arith.constant 0 : i32
      %dma_start3A_793 = arith.constant 0 : i32
      %dma_start3A_794 = tpu.memref_slice %arg18[%dma_start3A_792, %dma_start3A_793] : memref<10240x128xf32, #tpu.memory_space<vmem_shared>> -> memref<10240x128xf32, #tpu.memory_space<vmem_shared>>
      tpu.enqueue_indirect_dma source(%arg11 : memref<128x128xf32, #tpu.memory_space<vmem>>) target(%dma_start3A_794 : memref<10240x128xf32, #tpu.memory_space<vmem_shared>>) offsets(%arg7 : memref<128xi32, #tpu.memory_space<vmem>>) semaphore(%run_scoped3A : memref<!tpu.dma_semaphore, #tpu.memory_space<semaphore_mem>>)
      %dma_wait3A = arith.constant 0 : i32
      %dma_wait3A_795 = arith.constant 0 : i32
      %dma_wait3A_796 = tpu.memref_slice %arg18[%dma_wait3A, %dma_wait3A_795] : memref<10240x128xf32, #tpu.memory_space<vmem_shared>> -> memref<10240x128xf32, #tpu.memory_space<vmem_shared>>
      tpu.wait_indirect_dma semaphore(%run_scoped3A : memref<!tpu.dma_semaphore, #tpu.memory_space<semaphore_mem>>) src(%arg11 : memref<128x128xf32, #tpu.memory_space<vmem>>) dst(%dma_wait3A_796 : memref<10240x128xf32, #tpu.memory_space<vmem_shared>>)
      tpu.yield
    }) : () -> ()
    %barrier3A = arith.constant 0 : index
    tpu.barrier barrier_id(%barrier3A)
    %mul3A_379 = arith.constant 10000 : i32
    %mul3A_380 = arith.muli %add3A, %mul3A_379 : i32
    %add3A_381 = arith.constant 0 : i32
    %add3A_382 = arith.addi %mul3A_380, %add3A_381 : i32
    "tpu.region"() ({
      %run_scoped3A = tpu.sem_alloc : memref<!tpu.dma_semaphore, #tpu.memory_space<semaphore_mem>>
      %dma_start3A_792 = tpu.memref_slice %arg3[%add3A_382] : memref<320000xi32, #tpu.memory_space<hbm>> -> memref<128xi32, #tpu.memory_space<hbm>>
      %dma_start3A_793 = tpu.memref_slice %arg3[%add3A_382] : memref<320000xi32, #tpu.memory_space<hbm>> -> memref<128xi32, #tpu.memory_space<hbm>>
      tpu.enqueue_dma source(%dma_start3A_793 : memref<128xi32, #tpu.memory_space<hbm>>) target(%arg7 : memref<128xi32, #tpu.memory_space<vmem>>) target_semaphore(%run_scoped3A : memref<!tpu.dma_semaphore, #tpu.memory_space<semaphore_mem>>)
      %dma_wait3A = tpu.memref_slice %arg3[%add3A_382] : memref<320000xi32, #tpu.memory_space<hbm>> -> memref<128xi32, #tpu.memory_space<hbm>>
      %dma_wait3A_794 = tpu.memref_slice %arg3[%add3A_382] : memref<320000xi32, #tpu.memory_space<hbm>> -> memref<128xi32, #tpu.memory_space<hbm>>
      tpu.wait_dma2 semaphore(%run_scoped3A : memref<!tpu.dma_semaphore, #tpu.memory_space<semaphore_mem>>) src(%dma_wait3A_794 : memref<128xi32, #tpu.memory_space<hbm>>) dst(%arg7 : memref<128xi32, #tpu.memory_space<vmem>>)
      tpu.yield
    }) : () -> ()
    "tpu.region"() ({
      %run_scoped3A = tpu.sem_alloc : memref<!tpu.dma_semaphore, #tpu.memory_space<semaphore_mem>>
      %dma_start3A_792 = tpu.memref_slice %arg4[%add3A_382] : memref<320000xi32, #tpu.memory_space<hbm>> -> memref<128xi32, #tpu.memory_space<hbm>>
      %dma_start3A_793 = tpu.memref_slice %arg4[%add3A_382] : memref<320000xi32, #tpu.memory_space<hbm>> -> memref<128xi32, #tpu.memory_space<hbm>>
      tpu.enqueue_dma source(%dma_start3A_793 : memref<128xi32, #tpu.memory_space<hbm>>) target(%arg8 : memref<128xi32, #tpu.memory_space<vmem>>) target_semaphore(%run_scoped3A : memref<!tpu.dma_semaphore, #tpu.memory_space<semaphore_mem>>)
      %dma_wait3A = tpu.memref_slice %arg4[%add3A_382] : memref<320000xi32, #tpu.memory_space<hbm>> -> memref<128xi32, #tpu.memory_space<hbm>>
      %dma_wait3A_794 = tpu.memref_slice %arg4[%add3A_382] : memref<320000xi32, #tpu.memory_space<hbm>> -> memref<128xi32, #tpu.memory_space<hbm>>
      tpu.wait_dma2 semaphore(%run_scoped3A : memref<!tpu.dma_semaphore, #tpu.memory_space<semaphore_mem>>) src(%dma_wait3A_794 : memref<128xi32, #tpu.memory_space<hbm>>) dst(%arg8 : memref<128xi32, #tpu.memory_space<vmem>>)
      tpu.yield
    }) : () -> ()
    %dma_start3A = arith.constant 0 : i32
    %dma_start3A_383 = arith.constant 0 : i32
    %dma_start3A_384 = tpu.memref_slice %arg2[%dma_start3A, %dma_start3A_383] : memref<10240x128xf32, #tpu.memory_space<hbm>> -> memref<10240x128xf32, #tpu.memory_space<hbm>>
    tpu.enqueue_indirect_dma source(%dma_start3A_384 : memref<10240x128xf32, #tpu.memory_space<hbm>>) target(%arg11 : memref<128x128xf32, #tpu.memory_space<vmem>>) offsets(%arg7 : memref<128xi32, #tpu.memory_space<vmem>>) semaphore(%arg16 : memref<!tpu.dma_semaphore, #tpu.memory_space<semaphore_mem>>)
    %add3A_385 = arith.constant 128 : i32
    %add3A_386 = arith.addi %mul3A_380, %add3A_385 : i32
    "tpu.region"() ({
      %run_scoped3A = tpu.sem_alloc : memref<!tpu.dma_semaphore, #tpu.memory_space<semaphore_mem>>
      %dma_start3A_792 = tpu.memref_slice %arg3[%add3A_386] : memref<320000xi32, #tpu.memory_space<hbm>> -> memref<128xi32, #tpu.memory_space<hbm>>
      %dma_start3A_793 = tpu.memref_slice %arg3[%add3A_386] : memref<320000xi32, #tpu.memory_space<hbm>> -> memref<128xi32, #tpu.memory_space<hbm>>
      tpu.enqueue_dma source(%dma_start3A_793 : memref<128xi32, #tpu.memory_space<hbm>>) target(%arg9 : memref<128xi32, #tpu.memory_space<vmem>>) target_semaphore(%run_scoped3A : memref<!tpu.dma_semaphore, #tpu.memory_space<semaphore_mem>>)
      %dma_wait3A = tpu.memref_slice %arg3[%add3A_386] : memref<320000xi32, #tpu.memory_space<hbm>> -> memref<128xi32, #tpu.memory_space<hbm>>
      %dma_wait3A_794 = tpu.memref_slice %arg3[%add3A_386] : memref<320000xi32, #tpu.memory_space<hbm>> -> memref<128xi32, #tpu.memory_space<hbm>>
      tpu.wait_dma2 semaphore(%run_scoped3A : memref<!tpu.dma_semaphore, #tpu.memory_space<semaphore_mem>>) src(%dma_wait3A_794 : memref<128xi32, #tpu.memory_space<hbm>>) dst(%arg9 : memref<128xi32, #tpu.memory_space<vmem>>)
      tpu.yield
    }) : () -> ()
    "tpu.region"() ({
      %run_scoped3A = tpu.sem_alloc : memref<!tpu.dma_semaphore, #tpu.memory_space<semaphore_mem>>
      %dma_start3A_792 = tpu.memref_slice %arg4[%add3A_386] : memref<320000xi32, #tpu.memory_space<hbm>> -> memref<128xi32, #tpu.memory_space<hbm>>
      %dma_start3A_793 = tpu.memref_slice %arg4[%add3A_386] : memref<320000xi32, #tpu.memory_space<hbm>> -> memref<128xi32, #tpu.memory_space<hbm>>
      tpu.enqueue_dma source(%dma_start3A_793 : memref<128xi32, #tpu.memory_space<hbm>>) target(%arg10 : memref<128xi32, #tpu.memory_space<vmem>>) target_semaphore(%run_scoped3A : memref<!tpu.dma_semaphore, #tpu.memory_space<semaphore_mem>>)
      %dma_wait3A = tpu.memref_slice %arg4[%add3A_386] : memref<320000xi32, #tpu.memory_space<hbm>> -> memref<128xi32, #tpu.memory_space<hbm>>
      %dma_wait3A_794 = tpu.memref_slice %arg4[%add3A_386] : memref<320000xi32, #tpu.memory_space<hbm>> -> memref<128xi32, #tpu.memory_space<hbm>>
      tpu.wait_dma2 semaphore(%run_scoped3A : memref<!tpu.dma_semaphore, #tpu.memory_space<semaphore_mem>>) src(%dma_wait3A_794 : memref<128xi32, #tpu.memory_space<hbm>>) dst(%arg10 : memref<128xi32, #tpu.memory_space<vmem>>)
      tpu.yield
    }) : () -> ()
    %dma_start3A_387 = arith.constant 0 : i32
    %dma_start3A_388 = arith.constant 0 : i32
    %dma_start3A_389 = tpu.memref_slice %arg2[%dma_start3A_387, %dma_start3A_388] : memref<10240x128xf32, #tpu.memory_space<hbm>> -> memref<10240x128xf32, #tpu.memory_space<hbm>>
    tpu.enqueue_indirect_dma source(%dma_start3A_389 : memref<10240x128xf32, #tpu.memory_space<hbm>>) target(%arg12 : memref<128x128xf32, #tpu.memory_space<vmem>>) offsets(%arg9 : memref<128xi32, #tpu.memory_space<vmem>>) semaphore(%arg17 : memref<!tpu.dma_semaphore, #tpu.memory_space<semaphore_mem>>)
    %scan3A = arith.constant 0 : i32
    %scan3A_390 = arith.constant 39 : i32
    %scan3A_391 = arith.addi %scan3A, %scan3A_390 : i32
    %scan3A_392 = arith.constant 1 : i32
    scf.for %scan3A_792 = %scan3A to %scan3A_391 step %scan3A_392  : i32 {
      %mul3A_793 = arith.constant 1 : i32
      %mul3A_794 = arith.muli %scan3A_792, %mul3A_793 : i32
      %add3A_795 = arith.constant 0 : i32
      %add3A_796 = arith.addi %add3A_795, %mul3A_794 : i32
      %mul3A_797 = arith.constant 2 : i32
      %mul3A_798 = arith.muli %mul3A_797, %add3A_796 : i32
      %dma_wait3A = arith.constant 0 : i32
      %dma_wait3A_799 = arith.constant 0 : i32
      %dma_wait3A_800 = tpu.memref_slice %arg2[%dma_wait3A, %dma_wait3A_799] : memref<10240x128xf32, #tpu.memory_space<hbm>> -> memref<10240x128xf32, #tpu.memory_space<hbm>>
      tpu.wait_indirect_dma semaphore(%arg16 : memref<!tpu.dma_semaphore, #tpu.memory_space<semaphore_mem>>) src(%dma_wait3A_800 : memref<10240x128xf32, #tpu.memory_space<hbm>>) dst(%arg11 : memref<128x128xf32, #tpu.memory_space<vmem>>)
      "tpu.region"() ({
        %run_scoped3A = tpu.sem_alloc : memref<!tpu.dma_semaphore, #tpu.memory_space<semaphore_mem>>
        %dma_start3A_815 = arith.constant 0 : i32
        %dma_start3A_816 = arith.constant 0 : i32
        %dma_start3A_817 = tpu.memref_slice %arg18[%dma_start3A_815, %dma_start3A_816] : memref<10240x128xf32, #tpu.memory_space<vmem_shared>> -> memref<10240x128xf32, #tpu.memory_space<vmem_shared>>
        tpu.enqueue_indirect_dma source(%arg11 : memref<128x128xf32, #tpu.memory_space<vmem>>) target(%dma_start3A_817 : memref<10240x128xf32, #tpu.memory_space<vmem_shared>>) offsets(%arg8 : memref<128xi32, #tpu.memory_space<vmem>>) semaphore(%run_scoped3A : memref<!tpu.dma_semaphore, #tpu.memory_space<semaphore_mem>>) {add = true}
        %dma_wait3A_818 = arith.constant 0 : i32
        %dma_wait3A_819 = arith.constant 0 : i32
        %dma_wait3A_820 = tpu.memref_slice %arg18[%dma_wait3A_818, %dma_wait3A_819] : memref<10240x128xf32, #tpu.memory_space<vmem_shared>> -> memref<10240x128xf32, #tpu.memory_space<vmem_shared>>
        tpu.wait_indirect_dma semaphore(%run_scoped3A : memref<!tpu.dma_semaphore, #tpu.memory_space<semaphore_mem>>) src(%arg11 : memref<128x128xf32, #tpu.memory_space<vmem>>) dst(%dma_wait3A_820 : memref<10240x128xf32, #tpu.memory_space<vmem_shared>>)
        tpu.yield
      }) : () -> ()
      %add3A_801 = arith.constant 2 : i32
      %add3A_802 = arith.addi %mul3A_798, %add3A_801 : i32
      %lt3A = arith.constant 78 : i32
      %lt3A_803 = arith.cmpi slt, %add3A_802, %lt3A : i32
      %convert_element_type3A = arith.extui %lt3A_803 : i1 to i32
      %cond3A = arith.constant 0 : i32
      %cond3A_804 = arith.cmpi ne, %convert_element_type3A, %cond3A : i32
      scf.if %cond3A_804 {
        %add3A_815 = arith.constant 2 : i32
        %add3A_816 = arith.addi %mul3A_798, %add3A_815 : i32
        %mul3A_817 = arith.constant 128 : i32
        %mul3A_818 = arith.muli %add3A_816, %mul3A_817 : i32
        %add3A_819 = arith.addi %mul3A_380, %mul3A_818 : i32
        "tpu.region"() ({
          %run_scoped3A = tpu.sem_alloc : memref<!tpu.dma_semaphore, #tpu.memory_space<semaphore_mem>>
          %dma_start3A_823 = tpu.memref_slice %arg3[%add3A_819] : memref<320000xi32, #tpu.memory_space<hbm>> -> memref<128xi32, #tpu.memory_space<hbm>>
          %dma_start3A_824 = tpu.memref_slice %arg3[%add3A_819] : memref<320000xi32, #tpu.memory_space<hbm>> -> memref<128xi32, #tpu.memory_space<hbm>>
          tpu.enqueue_dma source(%dma_start3A_824 : memref<128xi32, #tpu.memory_space<hbm>>) target(%arg7 : memref<128xi32, #tpu.memory_space<vmem>>) target_semaphore(%run_scoped3A : memref<!tpu.dma_semaphore, #tpu.memory_space<semaphore_mem>>)
          %dma_wait3A_825 = tpu.memref_slice %arg3[%add3A_819] : memref<320000xi32, #tpu.memory_space<hbm>> -> memref<128xi32, #tpu.memory_space<hbm>>
          %dma_wait3A_826 = tpu.memref_slice %arg3[%add3A_819] : memref<320000xi32, #tpu.memory_space<hbm>> -> memref<128xi32, #tpu.memory_space<hbm>>
          tpu.wait_dma2 semaphore(%run_scoped3A : memref<!tpu.dma_semaphore, #tpu.memory_space<semaphore_mem>>) src(%dma_wait3A_826 : memref<128xi32, #tpu.memory_space<hbm>>) dst(%arg7 : memref<128xi32, #tpu.memory_space<vmem>>)
          tpu.yield
        }) : () -> ()
        "tpu.region"() ({
          %run_scoped3A = tpu.sem_alloc : memref<!tpu.dma_semaphore, #tpu.memory_space<semaphore_mem>>
          %dma_start3A_823 = tpu.memref_slice %arg4[%add3A_819] : memref<320000xi32, #tpu.memory_space<hbm>> -> memref<128xi32, #tpu.memory_space<hbm>>
          %dma_start3A_824 = tpu.memref_slice %arg4[%add3A_819] : memref<320000xi32, #tpu.memory_space<hbm>> -> memref<128xi32, #tpu.memory_space<hbm>>
          tpu.enqueue_dma source(%dma_start3A_824 : memref<128xi32, #tpu.memory_space<hbm>>) target(%arg8 : memref<128xi32, #tpu.memory_space<vmem>>) target_semaphore(%run_scoped3A : memref<!tpu.dma_semaphore, #tpu.memory_space<semaphore_mem>>)
          %dma_wait3A_825 = tpu.memref_slice %arg4[%add3A_819] : memref<320000xi32, #tpu.memory_space<hbm>> -> memref<128xi32, #tpu.memory_space<hbm>>
          %dma_wait3A_826 = tpu.memref_slice %arg4[%add3A_819] : memref<320000xi32, #tpu.memory_space<hbm>> -> memref<128xi32, #tpu.memory_space<hbm>>
          tpu.wait_dma2 semaphore(%run_scoped3A : memref<!tpu.dma_semaphore, #tpu.memory_space<semaphore_mem>>) src(%dma_wait3A_826 : memref<128xi32, #tpu.memory_space<hbm>>) dst(%arg8 : memref<128xi32, #tpu.memory_space<vmem>>)
          tpu.yield
        }) : () -> ()
        %dma_start3A_820 = arith.constant 0 : i32
        %dma_start3A_821 = arith.constant 0 : i32
        %dma_start3A_822 = tpu.memref_slice %arg2[%dma_start3A_820, %dma_start3A_821] : memref<10240x128xf32, #tpu.memory_space<hbm>> -> memref<10240x128xf32, #tpu.memory_space<hbm>>
        tpu.enqueue_indirect_dma source(%dma_start3A_822 : memref<10240x128xf32, #tpu.memory_space<hbm>>) target(%arg11 : memref<128x128xf32, #tpu.memory_space<vmem>>) offsets(%arg7 : memref<128xi32, #tpu.memory_space<vmem>>) semaphore(%arg16 : memref<!tpu.dma_semaphore, #tpu.memory_space<semaphore_mem>>)
      } else {
      }
      %dma_wait3A_805 = arith.constant 0 : i32
      %dma_wait3A_806 = arith.constant 0 : i32
      %dma_wait3A_807 = tpu.memref_slice %arg2[%dma_wait3A_805, %dma_wait3A_806] : memref<10240x128xf32, #tpu.memory_space<hbm>> -> memref<10240x128xf32, #tpu.memory_space<hbm>>
      tpu.wait_indirect_dma semaphore(%arg17 : memref<!tpu.dma_semaphore, #tpu.memory_space<semaphore_mem>>) src(%dma_wait3A_807 : memref<10240x128xf32, #tpu.memory_space<hbm>>) dst(%arg12 : memref<128x128xf32, #tpu.memory_space<vmem>>)
      "tpu.region"() ({
        %run_scoped3A = tpu.sem_alloc : memref<!tpu.dma_semaphore, #tpu.memory_space<semaphore_mem>>
        %dma_start3A_815 = arith.constant 0 : i32
        %dma_start3A_816 = arith.constant 0 : i32
        %dma_start3A_817 = tpu.memref_slice %arg18[%dma_start3A_815, %dma_start3A_816] : memref<10240x128xf32, #tpu.memory_space<vmem_shared>> -> memref<10240x128xf32, #tpu.memory_space<vmem_shared>>
        tpu.enqueue_indirect_dma source(%arg12 : memref<128x128xf32, #tpu.memory_space<vmem>>) target(%dma_start3A_817 : memref<10240x128xf32, #tpu.memory_space<vmem_shared>>) offsets(%arg10 : memref<128xi32, #tpu.memory_space<vmem>>) semaphore(%run_scoped3A : memref<!tpu.dma_semaphore, #tpu.memory_space<semaphore_mem>>) {add = true}
        %dma_wait3A_818 = arith.constant 0 : i32
        %dma_wait3A_819 = arith.constant 0 : i32
        %dma_wait3A_820 = tpu.memref_slice %arg18[%dma_wait3A_818, %dma_wait3A_819] : memref<10240x128xf32, #tpu.memory_space<vmem_shared>> -> memref<10240x128xf32, #tpu.memory_space<vmem_shared>>
        tpu.wait_indirect_dma semaphore(%run_scoped3A : memref<!tpu.dma_semaphore, #tpu.memory_space<semaphore_mem>>) src(%arg12 : memref<128x128xf32, #tpu.memory_space<vmem>>) dst(%dma_wait3A_820 : memref<10240x128xf32, #tpu.memory_space<vmem_shared>>)
        tpu.yield
      }) : () -> ()
      %add3A_808 = arith.constant 3 : i32
      %add3A_809 = arith.addi %mul3A_798, %add3A_808 : i32
      %lt3A_810 = arith.constant 78 : i32
      %lt3A_811 = arith.cmpi slt, %add3A_809, %lt3A_810 : i32
      %convert_element_type3A_812 = arith.extui %lt3A_811 : i1 to i32
      %cond3A_813 = arith.constant 0 : i32
      %cond3A_814 = arith.cmpi ne, %convert_element_type3A_812, %cond3A_813 : i32
      scf.if %cond3A_814 {
        %add3A_815 = arith.constant 3 : i32
        %add3A_816 = arith.addi %mul3A_798, %add3A_815 : i32
        %mul3A_817 = arith.constant 128 : i32
        %mul3A_818 = arith.muli %add3A_816, %mul3A_817 : i32
        %add3A_819 = arith.addi %mul3A_380, %mul3A_818 : i32
        "tpu.region"() ({
          %run_scoped3A = tpu.sem_alloc : memref<!tpu.dma_semaphore, #tpu.memory_space<semaphore_mem>>
          %dma_start3A_823 = tpu.memref_slice %arg3[%add3A_819] : memref<320000xi32, #tpu.memory_space<hbm>> -> memref<128xi32, #tpu.memory_space<hbm>>
          %dma_start3A_824 = tpu.memref_slice %arg3[%add3A_819] : memref<320000xi32, #tpu.memory_space<hbm>> -> memref<128xi32, #tpu.memory_space<hbm>>
          tpu.enqueue_dma source(%dma_start3A_824 : memref<128xi32, #tpu.memory_space<hbm>>) target(%arg9 : memref<128xi32, #tpu.memory_space<vmem>>) target_semaphore(%run_scoped3A : memref<!tpu.dma_semaphore, #tpu.memory_space<semaphore_mem>>)
          %dma_wait3A_825 = tpu.memref_slice %arg3[%add3A_819] : memref<320000xi32, #tpu.memory_space<hbm>> -> memref<128xi32, #tpu.memory_space<hbm>>
          %dma_wait3A_826 = tpu.memref_slice %arg3[%add3A_819] : memref<320000xi32, #tpu.memory_space<hbm>> -> memref<128xi32, #tpu.memory_space<hbm>>
          tpu.wait_dma2 semaphore(%run_scoped3A : memref<!tpu.dma_semaphore, #tpu.memory_space<semaphore_mem>>) src(%dma_wait3A_826 : memref<128xi32, #tpu.memory_space<hbm>>) dst(%arg9 : memref<128xi32, #tpu.memory_space<vmem>>)
          tpu.yield
        }) : () -> ()
        "tpu.region"() ({
          %run_scoped3A = tpu.sem_alloc : memref<!tpu.dma_semaphore, #tpu.memory_space<semaphore_mem>>
          %dma_start3A_823 = tpu.memref_slice %arg4[%add3A_819] : memref<320000xi32, #tpu.memory_space<hbm>> -> memref<128xi32, #tpu.memory_space<hbm>>
          %dma_start3A_824 = tpu.memref_slice %arg4[%add3A_819] : memref<320000xi32, #tpu.memory_space<hbm>> -> memref<128xi32, #tpu.memory_space<hbm>>
          tpu.enqueue_dma source(%dma_start3A_824 : memref<128xi32, #tpu.memory_space<hbm>>) target(%arg10 : memref<128xi32, #tpu.memory_space<vmem>>) target_semaphore(%run_scoped3A : memref<!tpu.dma_semaphore, #tpu.memory_space<semaphore_mem>>)
          %dma_wait3A_825 = tpu.memref_slice %arg4[%add3A_819] : memref<320000xi32, #tpu.memory_space<hbm>> -> memref<128xi32, #tpu.memory_space<hbm>>
          %dma_wait3A_826 = tpu.memref_slice %arg4[%add3A_819] : memref<320000xi32, #tpu.memory_space<hbm>> -> memref<128xi32, #tpu.memory_space<hbm>>
          tpu.wait_dma2 semaphore(%run_scoped3A : memref<!tpu.dma_semaphore, #tpu.memory_space<semaphore_mem>>) src(%dma_wait3A_826 : memref<128xi32, #tpu.memory_space<hbm>>) dst(%arg10 : memref<128xi32, #tpu.memory_space<vmem>>)
          tpu.yield
        }) : () -> ()
        %dma_start3A_820 = arith.constant 0 : i32
        %dma_start3A_821 = arith.constant 0 : i32
        %dma_start3A_822 = tpu.memref_slice %arg2[%dma_start3A_820, %dma_start3A_821] : memref<10240x128xf32, #tpu.memory_space<hbm>> -> memref<10240x128xf32, #tpu.memory_space<hbm>>
        tpu.enqueue_indirect_dma source(%dma_start3A_822 : memref<10240x128xf32, #tpu.memory_space<hbm>>) target(%arg12 : memref<128x128xf32, #tpu.memory_space<vmem>>) offsets(%arg9 : memref<128xi32, #tpu.memory_space<vmem>>) semaphore(%arg17 : memref<!tpu.dma_semaphore, #tpu.memory_space<semaphore_mem>>)
      } else {
      }
    }
    %scan3A_393 = arith.constant 39 : i32
    %add3A_394 = arith.constant 9984 : i32
    %add3A_395 = arith.addi %mul3A_380, %add3A_394 : i32
    "tpu.region"() ({
      %run_scoped3A = tpu.sem_alloc : memref<!tpu.dma_semaphore, #tpu.memory_space<semaphore_mem>>
      %dma_start3A_792 = tpu.memref_slice %arg3[%add3A_395] : memref<320000xi32, #tpu.memory_space<hbm>> -> memref<16xi32, #tpu.memory_space<hbm>>
      %dma_start3A_793 = tpu.memref_slice %arg3[%add3A_395] : memref<320000xi32, #tpu.memory_space<hbm>> -> memref<16xi32, #tpu.memory_space<hbm>>
      tpu.enqueue_dma source(%dma_start3A_793 : memref<16xi32, #tpu.memory_space<hbm>>) target(%arg13 : memref<16xi32, #tpu.memory_space<vmem>>) target_semaphore(%run_scoped3A : memref<!tpu.dma_semaphore, #tpu.memory_space<semaphore_mem>>)
      %dma_wait3A = tpu.memref_slice %arg3[%add3A_395] : memref<320000xi32, #tpu.memory_space<hbm>> -> memref<16xi32, #tpu.memory_space<hbm>>
      %dma_wait3A_794 = tpu.memref_slice %arg3[%add3A_395] : memref<320000xi32, #tpu.memory_space<hbm>> -> memref<16xi32, #tpu.memory_space<hbm>>
      tpu.wait_dma2 semaphore(%run_scoped3A : memref<!tpu.dma_semaphore, #tpu.memory_space<semaphore_mem>>) src(%dma_wait3A_794 : memref<16xi32, #tpu.memory_space<hbm>>) dst(%arg13 : memref<16xi32, #tpu.memory_space<vmem>>)
      tpu.yield
    }) : () -> ()
    "tpu.region"() ({
      %run_scoped3A = tpu.sem_alloc : memref<!tpu.dma_semaphore, #tpu.memory_space<semaphore_mem>>
      %dma_start3A_792 = tpu.memref_slice %arg4[%add3A_395] : memref<320000xi32, #tpu.memory_space<hbm>> -> memref<16xi32, #tpu.memory_space<hbm>>
      %dma_start3A_793 = tpu.memref_slice %arg4[%add3A_395] : memref<320000xi32, #tpu.memory_space<hbm>> -> memref<16xi32, #tpu.memory_space<hbm>>
      tpu.enqueue_dma source(%dma_start3A_793 : memref<16xi32, #tpu.memory_space<hbm>>) target(%arg14 : memref<16xi32, #tpu.memory_space<vmem>>) target_semaphore(%run_scoped3A : memref<!tpu.dma_semaphore, #tpu.memory_space<semaphore_mem>>)
      %dma_wait3A = tpu.memref_slice %arg4[%add3A_395] : memref<320000xi32, #tpu.memory_space<hbm>> -> memref<16xi32, #tpu.memory_space<hbm>>
      %dma_wait3A_794 = tpu.memref_slice %arg4[%add3A_395] : memref<320000xi32, #tpu.memory_space<hbm>> -> memref<16xi32, #tpu.memory_space<hbm>>
      tpu.wait_dma2 semaphore(%run_scoped3A : memref<!tpu.dma_semaphore, #tpu.memory_space<semaphore_mem>>) src(%dma_wait3A_794 : memref<16xi32, #tpu.memory_space<hbm>>) dst(%arg14 : memref<16xi32, #tpu.memory_space<vmem>>)
      tpu.yield
    }) : () -> ()
    "tpu.region"() ({
      %run_scoped3A = tpu.sem_alloc : memref<!tpu.dma_semaphore, #tpu.memory_space<semaphore_mem>>
      %dma_start3A_792 = arith.constant 0 : i32
      %dma_start3A_793 = arith.constant 0 : i32
      %dma_start3A_794 = tpu.memref_slice %arg2[%dma_start3A_792, %dma_start3A_793] : memref<10240x128xf32, #tpu.memory_space<hbm>> -> memref<10240x128xf32, #tpu.memory_space<hbm>>
      tpu.enqueue_indirect_dma source(%dma_start3A_794 : memref<10240x128xf32, #tpu.memory_space<hbm>>) target(%arg15 : memref<16x128xf32, #tpu.memory_space<vmem>>) offsets(%arg13 : memref<16xi32, #tpu.memory_space<vmem>>) semaphore(%run_scoped3A : memref<!tpu.dma_semaphore, #tpu.memory_space<semaphore_mem>>)
      %dma_wait3A = arith.constant 0 : i32
      %dma_wait3A_795 = arith.constant 0 : i32
      %dma_wait3A_796 = tpu.memref_slice %arg2[%dma_wait3A, %dma_wait3A_795] : memref<10240x128xf32, #tpu.memory_space<hbm>> -> memref<10240x128xf32, #tpu.memory_space<hbm>>
      tpu.wait_indirect_dma semaphore(%run_scoped3A : memref<!tpu.dma_semaphore, #tpu.memory_space<semaphore_mem>>) src(%dma_wait3A_796 : memref<10240x128xf32, #tpu.memory_space<hbm>>) dst(%arg15 : memref<16x128xf32, #tpu.memory_space<vmem>>)
      tpu.yield
    }) : () -> ()
    "tpu.region"() ({
      %run_scoped3A = tpu.sem_alloc : memref<!tpu.dma_semaphore, #tpu.memory_space<semaphore_mem>>
      %dma_start3A_792 = arith.constant 0 : i32
      %dma_start3A_793 = arith.constant 0 : i32
      %dma_start3A_794 = tpu.memref_slice %arg18[%dma_start3A_792, %dma_start3A_793] : memref<10240x128xf32, #tpu.memory_space<vmem_shared>> -> memref<10240x128xf32, #tpu.memory_space<vmem_shared>>
      tpu.enqueue_indirect_dma source(%arg15 : memref<16x128xf32, #tpu.memory_space<vmem>>) target(%dma_start3A_794 : memref<10240x128xf32, #tpu.memory_space<vmem_shared>>) offsets(%arg14 : memref<16xi32, #tpu.memory_space<vmem>>) semaphore(%run_scoped3A : memref<!tpu.dma_semaphore, #tpu.memory_space<semaphore_mem>>) {add = true}
      %dma_wait3A = arith.constant 0 : i32
      %dma_wait3A_795 = arith.constant 0 : i32
      %dma_wait3A_796 = tpu.memref_slice %arg18[%dma_wait3A, %dma_wait3A_795] : memref<10240x128xf32, #tpu.memory_space<vmem_shared>> -> memref<10240x128xf32, #tpu.memory_space<vmem_shared>>
      tpu.wait_indirect_dma semaphore(%run_scoped3A : memref<!tpu.dma_semaphore, #tpu.memory_space<semaphore_mem>>) src(%arg15 : memref<16x128xf32, #tpu.memory_space<vmem>>) dst(%dma_wait3A_796 : memref<10240x128xf32, #tpu.memory_space<vmem_shared>>)
      tpu.yield
    }) : () -> ()
    %barrier3A_396 = arith.constant 0 : index
    tpu.barrier barrier_id(%barrier3A_396)
    %mul3A_397 = arith.constant 640 : i32
    %mul3A_398 = arith.muli %arg1, %mul3A_397 : i32
    %add3A_399 = arith.constant 0 : i32
    %add3A_400 = arith.addi %mul3A_398, %add3A_399 : i32
    %iota3A_401 = tpu.iota {dimensions = array<i32: 0>} : vector<16xi32>
    %add3A_402 = arith.constant 0 : i32
    %add3A_403 = arith.addi %add3A_400, %add3A_402 : i32
    %add3A_404 = vector.broadcast %add3A_403 : i32 to vector<16xi32>
    %add3A_405 = arith.addi %iota3A_401, %add3A_404 : vector<16xi32>
    %swap3A_406 = arith.constant 0 : index
    %swap3A_407 = tpu.vector_load %arg7[%swap3A_406] {strides = array<i32>} : memref<128xi32, #tpu.memory_space<vmem>>, vector<16xi32>,
    %swap3A_408 = vector.shape_cast %swap3A_407 : vector<16xi32> to vector<16xi32>
    %swap3A_409 = vector.shape_cast %add3A_405 : vector<16xi32> to vector<16xi32>
    tpu.vector_store %arg7[%swap3A_406], %swap3A_409 {strides = array<i32>} : memref<128xi32, #tpu.memory_space<vmem>>, vector<16xi32>,
    %iota3A_410 = tpu.iota {dimensions = array<i32: 0>} : vector<16xi32>
    %add3A_411 = arith.constant 16 : i32
    %add3A_412 = arith.addi %add3A_400, %add3A_411 : i32
    %add3A_413 = vector.broadcast %add3A_412 : i32 to vector<16xi32>
    %add3A_414 = arith.addi %iota3A_410, %add3A_413 : vector<16xi32>
    %swap3A_415 = arith.constant 16 : index
    %swap3A_416 = tpu.vector_load %arg7[%swap3A_415] {strides = array<i32>} : memref<128xi32, #tpu.memory_space<vmem>>, vector<16xi32>,
    %swap3A_417 = vector.shape_cast %swap3A_416 : vector<16xi32> to vector<16xi32>
    %swap3A_418 = vector.shape_cast %add3A_414 : vector<16xi32> to vector<16xi32>
    tpu.vector_store %arg7[%swap3A_415], %swap3A_418 {strides = array<i32>} : memref<128xi32, #tpu.memory_space<vmem>>, vector<16xi32>,
    %iota3A_419 = tpu.iota {dimensions = array<i32: 0>} : vector<16xi32>
    %add3A_420 = arith.constant 32 : i32
    %add3A_421 = arith.addi %add3A_400, %add3A_420 : i32
    %add3A_422 = vector.broadcast %add3A_421 : i32 to vector<16xi32>
    %add3A_423 = arith.addi %iota3A_419, %add3A_422 : vector<16xi32>
    %swap3A_424 = arith.constant 32 : index
    %swap3A_425 = tpu.vector_load %arg7[%swap3A_424] {strides = array<i32>} : memref<128xi32, #tpu.memory_space<vmem>>, vector<16xi32>,
    %swap3A_426 = vector.shape_cast %swap3A_425 : vector<16xi32> to vector<16xi32>
    %swap3A_427 = vector.shape_cast %add3A_423 : vector<16xi32> to vector<16xi32>
    tpu.vector_store %arg7[%swap3A_424], %swap3A_427 {strides = array<i32>} : memref<128xi32, #tpu.memory_space<vmem>>, vector<16xi32>,
    %iota3A_428 = tpu.iota {dimensions = array<i32: 0>} : vector<16xi32>
    %add3A_429 = arith.constant 48 : i32
    %add3A_430 = arith.addi %add3A_400, %add3A_429 : i32
    %add3A_431 = vector.broadcast %add3A_430 : i32 to vector<16xi32>
    %add3A_432 = arith.addi %iota3A_428, %add3A_431 : vector<16xi32>
    %swap3A_433 = arith.constant 48 : index
    %swap3A_434 = tpu.vector_load %arg7[%swap3A_433] {strides = array<i32>} : memref<128xi32, #tpu.memory_space<vmem>>, vector<16xi32>,
    %swap3A_435 = vector.shape_cast %swap3A_434 : vector<16xi32> to vector<16xi32>
    %swap3A_436 = vector.shape_cast %add3A_432 : vector<16xi32> to vector<16xi32>
    tpu.vector_store %arg7[%swap3A_433], %swap3A_436 {strides = array<i32>} : memref<128xi32, #tpu.memory_space<vmem>>, vector<16xi32>,
    %iota3A_437 = tpu.iota {dimensions = array<i32: 0>} : vector<16xi32>
    %add3A_438 = arith.constant 64 : i32
    %add3A_439 = arith.addi %add3A_400, %add3A_438 : i32
    %add3A_440 = vector.broadcast %add3A_439 : i32 to vector<16xi32>
    %add3A_441 = arith.addi %iota3A_437, %add3A_440 : vector<16xi32>
    %swap3A_442 = arith.constant 64 : index
    %swap3A_443 = tpu.vector_load %arg7[%swap3A_442] {strides = array<i32>} : memref<128xi32, #tpu.memory_space<vmem>>, vector<16xi32>,
    %swap3A_444 = vector.shape_cast %swap3A_443 : vector<16xi32> to vector<16xi32>
    %swap3A_445 = vector.shape_cast %add3A_441 : vector<16xi32> to vector<16xi32>
    tpu.vector_store %arg7[%swap3A_442], %swap3A_445 {strides = array<i32>} : memref<128xi32, #tpu.memory_space<vmem>>, vector<16xi32>,
    %iota3A_446 = tpu.iota {dimensions = array<i32: 0>} : vector<16xi32>
    %add3A_447 = arith.constant 80 : i32
    %add3A_448 = arith.addi %add3A_400, %add3A_447 : i32
    %add3A_449 = vector.broadcast %add3A_448 : i32 to vector<16xi32>
    %add3A_450 = arith.addi %iota3A_446, %add3A_449 : vector<16xi32>
    %swap3A_451 = arith.constant 80 : index
    %swap3A_452 = tpu.vector_load %arg7[%swap3A_451] {strides = array<i32>} : memref<128xi32, #tpu.memory_space<vmem>>, vector<16xi32>,
    %swap3A_453 = vector.shape_cast %swap3A_452 : vector<16xi32> to vector<16xi32>
    %swap3A_454 = vector.shape_cast %add3A_450 : vector<16xi32> to vector<16xi32>
    tpu.vector_store %arg7[%swap3A_451], %swap3A_454 {strides = array<i32>} : memref<128xi32, #tpu.memory_space<vmem>>, vector<16xi32>,
    %iota3A_455 = tpu.iota {dimensions = array<i32: 0>} : vector<16xi32>
    %add3A_456 = arith.constant 96 : i32
    %add3A_457 = arith.addi %add3A_400, %add3A_456 : i32
    %add3A_458 = vector.broadcast %add3A_457 : i32 to vector<16xi32>
    %add3A_459 = arith.addi %iota3A_455, %add3A_458 : vector<16xi32>
    %swap3A_460 = arith.constant 96 : index
    %swap3A_461 = tpu.vector_load %arg7[%swap3A_460] {strides = array<i32>} : memref<128xi32, #tpu.memory_space<vmem>>, vector<16xi32>,
    %swap3A_462 = vector.shape_cast %swap3A_461 : vector<16xi32> to vector<16xi32>
    %swap3A_463 = vector.shape_cast %add3A_459 : vector<16xi32> to vector<16xi32>
    tpu.vector_store %arg7[%swap3A_460], %swap3A_463 {strides = array<i32>} : memref<128xi32, #tpu.memory_space<vmem>>, vector<16xi32>,
    %iota3A_464 = tpu.iota {dimensions = array<i32: 0>} : vector<16xi32>
    %add3A_465 = arith.constant 112 : i32
    %add3A_466 = arith.addi %add3A_400, %add3A_465 : i32
    %add3A_467 = vector.broadcast %add3A_466 : i32 to vector<16xi32>
    %add3A_468 = arith.addi %iota3A_464, %add3A_467 : vector<16xi32>
    %swap3A_469 = arith.constant 112 : index
    %swap3A_470 = tpu.vector_load %arg7[%swap3A_469] {strides = array<i32>} : memref<128xi32, #tpu.memory_space<vmem>>, vector<16xi32>,
    %swap3A_471 = vector.shape_cast %swap3A_470 : vector<16xi32> to vector<16xi32>
    %swap3A_472 = vector.shape_cast %add3A_468 : vector<16xi32> to vector<16xi32>
    tpu.vector_store %arg7[%swap3A_469], %swap3A_472 {strides = array<i32>} : memref<128xi32, #tpu.memory_space<vmem>>, vector<16xi32>,
    "tpu.region"() ({
      %run_scoped3A = tpu.sem_alloc : memref<!tpu.dma_semaphore, #tpu.memory_space<semaphore_mem>>
      %dma_start3A_792 = arith.constant 0 : i32
      %dma_start3A_793 = arith.constant 0 : i32
      %dma_start3A_794 = tpu.memref_slice %arg18[%dma_start3A_792, %dma_start3A_793] : memref<10240x128xf32, #tpu.memory_space<vmem_shared>> -> memref<10240x128xf32, #tpu.memory_space<vmem_shared>>
      tpu.enqueue_indirect_dma source(%dma_start3A_794 : memref<10240x128xf32, #tpu.memory_space<vmem_shared>>) target(%arg11 : memref<128x128xf32, #tpu.memory_space<vmem>>) offsets(%arg7 : memref<128xi32, #tpu.memory_space<vmem>>) semaphore(%run_scoped3A : memref<!tpu.dma_semaphore, #tpu.memory_space<semaphore_mem>>)
      %dma_wait3A = arith.constant 0 : i32
      %dma_wait3A_795 = arith.constant 0 : i32
      %dma_wait3A_796 = tpu.memref_slice %arg18[%dma_wait3A, %dma_wait3A_795] : memref<10240x128xf32, #tpu.memory_space<vmem_shared>> -> memref<10240x128xf32, #tpu.memory_space<vmem_shared>>
      tpu.wait_indirect_dma semaphore(%run_scoped3A : memref<!tpu.dma_semaphore, #tpu.memory_space<semaphore_mem>>) src(%dma_wait3A_796 : memref<10240x128xf32, #tpu.memory_space<vmem_shared>>) dst(%arg11 : memref<128x128xf32, #tpu.memory_space<vmem>>)
      tpu.yield
    }) : () -> ()
    %mul3A_473 = arith.constant 10240 : i32
    %mul3A_474 = arith.muli %arg0, %mul3A_473 : i32
    %add3A_475 = arith.addi %mul3A_474, %add3A_400 : i32
    "tpu.region"() ({
      %run_scoped3A = tpu.sem_alloc : memref<!tpu.dma_semaphore, #tpu.memory_space<semaphore_mem>>
      %dma_start3A_792 = arith.constant 0 : i32
      %dma_start3A_793 = tpu.memref_slice %arg6[%add3A_475, %dma_start3A_792] : memref<20480x128xf32, #tpu.memory_space<hbm>> -> memref<128x128xf32, #tpu.memory_space<hbm>>
      %dma_start3A_794 = arith.constant 0 : i32
      %dma_start3A_795 = tpu.memref_slice %arg6[%add3A_475, %dma_start3A_794] : memref<20480x128xf32, #tpu.memory_space<hbm>> -> memref<128x128xf32, #tpu.memory_space<hbm>>
      tpu.enqueue_dma source(%arg11 : memref<128x128xf32, #tpu.memory_space<vmem>>) target(%dma_start3A_795 : memref<128x128xf32, #tpu.memory_space<hbm>>) target_semaphore(%run_scoped3A : memref<!tpu.dma_semaphore, #tpu.memory_space<semaphore_mem>>)
      %dma_wait3A = arith.constant 0 : i32
      %dma_wait3A_796 = tpu.memref_slice %arg6[%add3A_475, %dma_wait3A] : memref<20480x128xf32, #tpu.memory_space<hbm>> -> memref<128x128xf32, #tpu.memory_space<hbm>>
      %dma_wait3A_797 = arith.constant 0 : i32
      %dma_wait3A_798 = tpu.memref_slice %arg6[%add3A_475, %dma_wait3A_797] : memref<20480x128xf32, #tpu.memory_space<hbm>> -> memref<128x128xf32, #tpu.memory_space<hbm>>
      tpu.wait_dma2 semaphore(%run_scoped3A : memref<!tpu.dma_semaphore, #tpu.memory_space<semaphore_mem>>) src(%arg11 : memref<128x128xf32, #tpu.memory_space<vmem>>) dst(%dma_wait3A_798 : memref<128x128xf32, #tpu.memory_space<hbm>>)
      tpu.yield
    }) : () -> ()
    %mul3A_476 = arith.constant 640 : i32
    %mul3A_477 = arith.muli %arg1, %mul3A_476 : i32
    %add3A_478 = arith.constant 128 : i32
    %add3A_479 = arith.addi %mul3A_477, %add3A_478 : i32
    %iota3A_480 = tpu.iota {dimensions = array<i32: 0>} : vector<16xi32>
    %add3A_481 = arith.constant 0 : i32
    %add3A_482 = arith.addi %add3A_479, %add3A_481 : i32
    %add3A_483 = vector.broadcast %add3A_482 : i32 to vector<16xi32>
    %add3A_484 = arith.addi %iota3A_480, %add3A_483 : vector<16xi32>
    %swap3A_485 = arith.constant 0 : index
    %swap3A_486 = tpu.vector_load %arg7[%swap3A_485] {strides = array<i32>} : memref<128xi32, #tpu.memory_space<vmem>>, vector<16xi32>,
    %swap3A_487 = vector.shape_cast %swap3A_486 : vector<16xi32> to vector<16xi32>
    %swap3A_488 = vector.shape_cast %add3A_484 : vector<16xi32> to vector<16xi32>
    tpu.vector_store %arg7[%swap3A_485], %swap3A_488 {strides = array<i32>} : memref<128xi32, #tpu.memory_space<vmem>>, vector<16xi32>,
    %iota3A_489 = tpu.iota {dimensions = array<i32: 0>} : vector<16xi32>
    %add3A_490 = arith.constant 16 : i32
    %add3A_491 = arith.addi %add3A_479, %add3A_490 : i32
    %add3A_492 = vector.broadcast %add3A_491 : i32 to vector<16xi32>
    %add3A_493 = arith.addi %iota3A_489, %add3A_492 : vector<16xi32>
    %swap3A_494 = arith.constant 16 : index
    %swap3A_495 = tpu.vector_load %arg7[%swap3A_494] {strides = array<i32>} : memref<128xi32, #tpu.memory_space<vmem>>, vector<16xi32>,
    %swap3A_496 = vector.shape_cast %swap3A_495 : vector<16xi32> to vector<16xi32>
    %swap3A_497 = vector.shape_cast %add3A_493 : vector<16xi32> to vector<16xi32>
    tpu.vector_store %arg7[%swap3A_494], %swap3A_497 {strides = array<i32>} : memref<128xi32, #tpu.memory_space<vmem>>, vector<16xi32>,
    %iota3A_498 = tpu.iota {dimensions = array<i32: 0>} : vector<16xi32>
    %add3A_499 = arith.constant 32 : i32
    %add3A_500 = arith.addi %add3A_479, %add3A_499 : i32
    %add3A_501 = vector.broadcast %add3A_500 : i32 to vector<16xi32>
    %add3A_502 = arith.addi %iota3A_498, %add3A_501 : vector<16xi32>
    %swap3A_503 = arith.constant 32 : index
    %swap3A_504 = tpu.vector_load %arg7[%swap3A_503] {strides = array<i32>} : memref<128xi32, #tpu.memory_space<vmem>>, vector<16xi32>,
    %swap3A_505 = vector.shape_cast %swap3A_504 : vector<16xi32> to vector<16xi32>
    %swap3A_506 = vector.shape_cast %add3A_502 : vector<16xi32> to vector<16xi32>
    tpu.vector_store %arg7[%swap3A_503], %swap3A_506 {strides = array<i32>} : memref<128xi32, #tpu.memory_space<vmem>>, vector<16xi32>,
    %iota3A_507 = tpu.iota {dimensions = array<i32: 0>} : vector<16xi32>
    %add3A_508 = arith.constant 48 : i32
    %add3A_509 = arith.addi %add3A_479, %add3A_508 : i32
    %add3A_510 = vector.broadcast %add3A_509 : i32 to vector<16xi32>
    %add3A_511 = arith.addi %iota3A_507, %add3A_510 : vector<16xi32>
    %swap3A_512 = arith.constant 48 : index
    %swap3A_513 = tpu.vector_load %arg7[%swap3A_512] {strides = array<i32>} : memref<128xi32, #tpu.memory_space<vmem>>, vector<16xi32>,
    %swap3A_514 = vector.shape_cast %swap3A_513 : vector<16xi32> to vector<16xi32>
    %swap3A_515 = vector.shape_cast %add3A_511 : vector<16xi32> to vector<16xi32>
    tpu.vector_store %arg7[%swap3A_512], %swap3A_515 {strides = array<i32>} : memref<128xi32, #tpu.memory_space<vmem>>, vector<16xi32>,
    %iota3A_516 = tpu.iota {dimensions = array<i32: 0>} : vector<16xi32>
    %add3A_517 = arith.constant 64 : i32
    %add3A_518 = arith.addi %add3A_479, %add3A_517 : i32
    %add3A_519 = vector.broadcast %add3A_518 : i32 to vector<16xi32>
    %add3A_520 = arith.addi %iota3A_516, %add3A_519 : vector<16xi32>
    %swap3A_521 = arith.constant 64 : index
    %swap3A_522 = tpu.vector_load %arg7[%swap3A_521] {strides = array<i32>} : memref<128xi32, #tpu.memory_space<vmem>>, vector<16xi32>,
    %swap3A_523 = vector.shape_cast %swap3A_522 : vector<16xi32> to vector<16xi32>
    %swap3A_524 = vector.shape_cast %add3A_520 : vector<16xi32> to vector<16xi32>
    tpu.vector_store %arg7[%swap3A_521], %swap3A_524 {strides = array<i32>} : memref<128xi32, #tpu.memory_space<vmem>>, vector<16xi32>,
    %iota3A_525 = tpu.iota {dimensions = array<i32: 0>} : vector<16xi32>
    %add3A_526 = arith.constant 80 : i32
    %add3A_527 = arith.addi %add3A_479, %add3A_526 : i32
    %add3A_528 = vector.broadcast %add3A_527 : i32 to vector<16xi32>
    %add3A_529 = arith.addi %iota3A_525, %add3A_528 : vector<16xi32>
    %swap3A_530 = arith.constant 80 : index
    %swap3A_531 = tpu.vector_load %arg7[%swap3A_530] {strides = array<i32>} : memref<128xi32, #tpu.memory_space<vmem>>, vector<16xi32>,
    %swap3A_532 = vector.shape_cast %swap3A_531 : vector<16xi32> to vector<16xi32>
    %swap3A_533 = vector.shape_cast %add3A_529 : vector<16xi32> to vector<16xi32>
    tpu.vector_store %arg7[%swap3A_530], %swap3A_533 {strides = array<i32>} : memref<128xi32, #tpu.memory_space<vmem>>, vector<16xi32>,
    %iota3A_534 = tpu.iota {dimensions = array<i32: 0>} : vector<16xi32>
    %add3A_535 = arith.constant 96 : i32
    %add3A_536 = arith.addi %add3A_479, %add3A_535 : i32
    %add3A_537 = vector.broadcast %add3A_536 : i32 to vector<16xi32>
    %add3A_538 = arith.addi %iota3A_534, %add3A_537 : vector<16xi32>
    %swap3A_539 = arith.constant 96 : index
    %swap3A_540 = tpu.vector_load %arg7[%swap3A_539] {strides = array<i32>} : memref<128xi32, #tpu.memory_space<vmem>>, vector<16xi32>,
    %swap3A_541 = vector.shape_cast %swap3A_540 : vector<16xi32> to vector<16xi32>
    %swap3A_542 = vector.shape_cast %add3A_538 : vector<16xi32> to vector<16xi32>
    tpu.vector_store %arg7[%swap3A_539], %swap3A_542 {strides = array<i32>} : memref<128xi32, #tpu.memory_space<vmem>>, vector<16xi32>,
    %iota3A_543 = tpu.iota {dimensions = array<i32: 0>} : vector<16xi32>
    %add3A_544 = arith.constant 112 : i32
    %add3A_545 = arith.addi %add3A_479, %add3A_544 : i32
    %add3A_546 = vector.broadcast %add3A_545 : i32 to vector<16xi32>
    %add3A_547 = arith.addi %iota3A_543, %add3A_546 : vector<16xi32>
    %swap3A_548 = arith.constant 112 : index
    %swap3A_549 = tpu.vector_load %arg7[%swap3A_548] {strides = array<i32>} : memref<128xi32, #tpu.memory_space<vmem>>, vector<16xi32>,
    %swap3A_550 = vector.shape_cast %swap3A_549 : vector<16xi32> to vector<16xi32>
    %swap3A_551 = vector.shape_cast %add3A_547 : vector<16xi32> to vector<16xi32>
    tpu.vector_store %arg7[%swap3A_548], %swap3A_551 {strides = array<i32>} : memref<128xi32, #tpu.memory_space<vmem>>, vector<16xi32>,
    "tpu.region"() ({
      %run_scoped3A = tpu.sem_alloc : memref<!tpu.dma_semaphore, #tpu.memory_space<semaphore_mem>>
      %dma_start3A_792 = arith.constant 0 : i32
      %dma_start3A_793 = arith.constant 0 : i32
      %dma_start3A_794 = tpu.memref_slice %arg18[%dma_start3A_792, %dma_start3A_793] : memref<10240x128xf32, #tpu.memory_space<vmem_shared>> -> memref<10240x128xf32, #tpu.memory_space<vmem_shared>>
      tpu.enqueue_indirect_dma source(%dma_start3A_794 : memref<10240x128xf32, #tpu.memory_space<vmem_shared>>) target(%arg11 : memref<128x128xf32, #tpu.memory_space<vmem>>) offsets(%arg7 : memref<128xi32, #tpu.memory_space<vmem>>) semaphore(%run_scoped3A : memref<!tpu.dma_semaphore, #tpu.memory_space<semaphore_mem>>)
      %dma_wait3A = arith.constant 0 : i32
      %dma_wait3A_795 = arith.constant 0 : i32
      %dma_wait3A_796 = tpu.memref_slice %arg18[%dma_wait3A, %dma_wait3A_795] : memref<10240x128xf32, #tpu.memory_space<vmem_shared>> -> memref<10240x128xf32, #tpu.memory_space<vmem_shared>>
      tpu.wait_indirect_dma semaphore(%run_scoped3A : memref<!tpu.dma_semaphore, #tpu.memory_space<semaphore_mem>>) src(%dma_wait3A_796 : memref<10240x128xf32, #tpu.memory_space<vmem_shared>>) dst(%arg11 : memref<128x128xf32, #tpu.memory_space<vmem>>)
      tpu.yield
    }) : () -> ()
    %mul3A_552 = arith.constant 10240 : i32
    %mul3A_553 = arith.muli %arg0, %mul3A_552 : i32
    %add3A_554 = arith.addi %mul3A_553, %add3A_479 : i32
    "tpu.region"() ({
      %run_scoped3A = tpu.sem_alloc : memref<!tpu.dma_semaphore, #tpu.memory_space<semaphore_mem>>
      %dma_start3A_792 = arith.constant 0 : i32
      %dma_start3A_793 = tpu.memref_slice %arg6[%add3A_554, %dma_start3A_792] : memref<20480x128xf32, #tpu.memory_space<hbm>> -> memref<128x128xf32, #tpu.memory_space<hbm>>
      %dma_start3A_794 = arith.constant 0 : i32
      %dma_start3A_795 = tpu.memref_slice %arg6[%add3A_554, %dma_start3A_794] : memref<20480x128xf32, #tpu.memory_space<hbm>> -> memref<128x128xf32, #tpu.memory_space<hbm>>
      tpu.enqueue_dma source(%arg11 : memref<128x128xf32, #tpu.memory_space<vmem>>) target(%dma_start3A_795 : memref<128x128xf32, #tpu.memory_space<hbm>>) target_semaphore(%run_scoped3A : memref<!tpu.dma_semaphore, #tpu.memory_space<semaphore_mem>>)
      %dma_wait3A = arith.constant 0 : i32
      %dma_wait3A_796 = tpu.memref_slice %arg6[%add3A_554, %dma_wait3A] : memref<20480x128xf32, #tpu.memory_space<hbm>> -> memref<128x128xf32, #tpu.memory_space<hbm>>
      %dma_wait3A_797 = arith.constant 0 : i32
      %dma_wait3A_798 = tpu.memref_slice %arg6[%add3A_554, %dma_wait3A_797] : memref<20480x128xf32, #tpu.memory_space<hbm>> -> memref<128x128xf32, #tpu.memory_space<hbm>>
      tpu.wait_dma2 semaphore(%run_scoped3A : memref<!tpu.dma_semaphore, #tpu.memory_space<semaphore_mem>>) src(%arg11 : memref<128x128xf32, #tpu.memory_space<vmem>>) dst(%dma_wait3A_798 : memref<128x128xf32, #tpu.memory_space<hbm>>)
      tpu.yield
    }) : () -> ()
    %mul3A_555 = arith.constant 640 : i32
    %mul3A_556 = arith.muli %arg1, %mul3A_555 : i32
    %add3A_557 = arith.constant 256 : i32
    %add3A_558 = arith.addi %mul3A_556, %add3A_557 : i32
    %iota3A_559 = tpu.iota {dimensions = array<i32: 0>} : vector<16xi32>
    %add3A_560 = arith.constant 0 : i32
    %add3A_561 = arith.addi %add3A_558, %add3A_560 : i32
    %add3A_562 = vector.broadcast %add3A_561 : i32 to vector<16xi32>
    %add3A_563 = arith.addi %iota3A_559, %add3A_562 : vector<16xi32>
    %swap3A_564 = arith.constant 0 : index
    %swap3A_565 = tpu.vector_load %arg7[%swap3A_564] {strides = array<i32>} : memref<128xi32, #tpu.memory_space<vmem>>, vector<16xi32>,
    %swap3A_566 = vector.shape_cast %swap3A_565 : vector<16xi32> to vector<16xi32>
    %swap3A_567 = vector.shape_cast %add3A_563 : vector<16xi32> to vector<16xi32>
    tpu.vector_store %arg7[%swap3A_564], %swap3A_567 {strides = array<i32>} : memref<128xi32, #tpu.memory_space<vmem>>, vector<16xi32>,
    %iota3A_568 = tpu.iota {dimensions = array<i32: 0>} : vector<16xi32>
    %add3A_569 = arith.constant 16 : i32
    %add3A_570 = arith.addi %add3A_558, %add3A_569 : i32
    %add3A_571 = vector.broadcast %add3A_570 : i32 to vector<16xi32>
    %add3A_572 = arith.addi %iota3A_568, %add3A_571 : vector<16xi32>
    %swap3A_573 = arith.constant 16 : index
    %swap3A_574 = tpu.vector_load %arg7[%swap3A_573] {strides = array<i32>} : memref<128xi32, #tpu.memory_space<vmem>>, vector<16xi32>,
    %swap3A_575 = vector.shape_cast %swap3A_574 : vector<16xi32> to vector<16xi32>
    %swap3A_576 = vector.shape_cast %add3A_572 : vector<16xi32> to vector<16xi32>
    tpu.vector_store %arg7[%swap3A_573], %swap3A_576 {strides = array<i32>} : memref<128xi32, #tpu.memory_space<vmem>>, vector<16xi32>,
    %iota3A_577 = tpu.iota {dimensions = array<i32: 0>} : vector<16xi32>
    %add3A_578 = arith.constant 32 : i32
    %add3A_579 = arith.addi %add3A_558, %add3A_578 : i32
    %add3A_580 = vector.broadcast %add3A_579 : i32 to vector<16xi32>
    %add3A_581 = arith.addi %iota3A_577, %add3A_580 : vector<16xi32>
    %swap3A_582 = arith.constant 32 : index
    %swap3A_583 = tpu.vector_load %arg7[%swap3A_582] {strides = array<i32>} : memref<128xi32, #tpu.memory_space<vmem>>, vector<16xi32>,
    %swap3A_584 = vector.shape_cast %swap3A_583 : vector<16xi32> to vector<16xi32>
    %swap3A_585 = vector.shape_cast %add3A_581 : vector<16xi32> to vector<16xi32>
    tpu.vector_store %arg7[%swap3A_582], %swap3A_585 {strides = array<i32>} : memref<128xi32, #tpu.memory_space<vmem>>, vector<16xi32>,
    %iota3A_586 = tpu.iota {dimensions = array<i32: 0>} : vector<16xi32>
    %add3A_587 = arith.constant 48 : i32
    %add3A_588 = arith.addi %add3A_558, %add3A_587 : i32
    %add3A_589 = vector.broadcast %add3A_588 : i32 to vector<16xi32>
    %add3A_590 = arith.addi %iota3A_586, %add3A_589 : vector<16xi32>
    %swap3A_591 = arith.constant 48 : index
    %swap3A_592 = tpu.vector_load %arg7[%swap3A_591] {strides = array<i32>} : memref<128xi32, #tpu.memory_space<vmem>>, vector<16xi32>,
    %swap3A_593 = vector.shape_cast %swap3A_592 : vector<16xi32> to vector<16xi32>
    %swap3A_594 = vector.shape_cast %add3A_590 : vector<16xi32> to vector<16xi32>
    tpu.vector_store %arg7[%swap3A_591], %swap3A_594 {strides = array<i32>} : memref<128xi32, #tpu.memory_space<vmem>>, vector<16xi32>,
    %iota3A_595 = tpu.iota {dimensions = array<i32: 0>} : vector<16xi32>
    %add3A_596 = arith.constant 64 : i32
    %add3A_597 = arith.addi %add3A_558, %add3A_596 : i32
    %add3A_598 = vector.broadcast %add3A_597 : i32 to vector<16xi32>
    %add3A_599 = arith.addi %iota3A_595, %add3A_598 : vector<16xi32>
    %swap3A_600 = arith.constant 64 : index
    %swap3A_601 = tpu.vector_load %arg7[%swap3A_600] {strides = array<i32>} : memref<128xi32, #tpu.memory_space<vmem>>, vector<16xi32>,
    %swap3A_602 = vector.shape_cast %swap3A_601 : vector<16xi32> to vector<16xi32>
    %swap3A_603 = vector.shape_cast %add3A_599 : vector<16xi32> to vector<16xi32>
    tpu.vector_store %arg7[%swap3A_600], %swap3A_603 {strides = array<i32>} : memref<128xi32, #tpu.memory_space<vmem>>, vector<16xi32>,
    %iota3A_604 = tpu.iota {dimensions = array<i32: 0>} : vector<16xi32>
    %add3A_605 = arith.constant 80 : i32
    %add3A_606 = arith.addi %add3A_558, %add3A_605 : i32
    %add3A_607 = vector.broadcast %add3A_606 : i32 to vector<16xi32>
    %add3A_608 = arith.addi %iota3A_604, %add3A_607 : vector<16xi32>
    %swap3A_609 = arith.constant 80 : index
    %swap3A_610 = tpu.vector_load %arg7[%swap3A_609] {strides = array<i32>} : memref<128xi32, #tpu.memory_space<vmem>>, vector<16xi32>,
    %swap3A_611 = vector.shape_cast %swap3A_610 : vector<16xi32> to vector<16xi32>
    %swap3A_612 = vector.shape_cast %add3A_608 : vector<16xi32> to vector<16xi32>
    tpu.vector_store %arg7[%swap3A_609], %swap3A_612 {strides = array<i32>} : memref<128xi32, #tpu.memory_space<vmem>>, vector<16xi32>,
    %iota3A_613 = tpu.iota {dimensions = array<i32: 0>} : vector<16xi32>
    %add3A_614 = arith.constant 96 : i32
    %add3A_615 = arith.addi %add3A_558, %add3A_614 : i32
    %add3A_616 = vector.broadcast %add3A_615 : i32 to vector<16xi32>
    %add3A_617 = arith.addi %iota3A_613, %add3A_616 : vector<16xi32>
    %swap3A_618 = arith.constant 96 : index
    %swap3A_619 = tpu.vector_load %arg7[%swap3A_618] {strides = array<i32>} : memref<128xi32, #tpu.memory_space<vmem>>, vector<16xi32>,
    %swap3A_620 = vector.shape_cast %swap3A_619 : vector<16xi32> to vector<16xi32>
    %swap3A_621 = vector.shape_cast %add3A_617 : vector<16xi32> to vector<16xi32>
    tpu.vector_store %arg7[%swap3A_618], %swap3A_621 {strides = array<i32>} : memref<128xi32, #tpu.memory_space<vmem>>, vector<16xi32>,
    %iota3A_622 = tpu.iota {dimensions = array<i32: 0>} : vector<16xi32>
    %add3A_623 = arith.constant 112 : i32
    %add3A_624 = arith.addi %add3A_558, %add3A_623 : i32
    %add3A_625 = vector.broadcast %add3A_624 : i32 to vector<16xi32>
    %add3A_626 = arith.addi %iota3A_622, %add3A_625 : vector<16xi32>
    %swap3A_627 = arith.constant 112 : index
    %swap3A_628 = tpu.vector_load %arg7[%swap3A_627] {strides = array<i32>} : memref<128xi32, #tpu.memory_space<vmem>>, vector<16xi32>,
    %swap3A_629 = vector.shape_cast %swap3A_628 : vector<16xi32> to vector<16xi32>
    %swap3A_630 = vector.shape_cast %add3A_626 : vector<16xi32> to vector<16xi32>
    tpu.vector_store %arg7[%swap3A_627], %swap3A_630 {strides = array<i32>} : memref<128xi32, #tpu.memory_space<vmem>>, vector<16xi32>,
    "tpu.region"() ({
      %run_scoped3A = tpu.sem_alloc : memref<!tpu.dma_semaphore, #tpu.memory_space<semaphore_mem>>
      %dma_start3A_792 = arith.constant 0 : i32
      %dma_start3A_793 = arith.constant 0 : i32
      %dma_start3A_794 = tpu.memref_slice %arg18[%dma_start3A_792, %dma_start3A_793] : memref<10240x128xf32, #tpu.memory_space<vmem_shared>> -> memref<10240x128xf32, #tpu.memory_space<vmem_shared>>
      tpu.enqueue_indirect_dma source(%dma_start3A_794 : memref<10240x128xf32, #tpu.memory_space<vmem_shared>>) target(%arg11 : memref<128x128xf32, #tpu.memory_space<vmem>>) offsets(%arg7 : memref<128xi32, #tpu.memory_space<vmem>>) semaphore(%run_scoped3A : memref<!tpu.dma_semaphore, #tpu.memory_space<semaphore_mem>>)
      %dma_wait3A = arith.constant 0 : i32
      %dma_wait3A_795 = arith.constant 0 : i32
      %dma_wait3A_796 = tpu.memref_slice %arg18[%dma_wait3A, %dma_wait3A_795] : memref<10240x128xf32, #tpu.memory_space<vmem_shared>> -> memref<10240x128xf32, #tpu.memory_space<vmem_shared>>
      tpu.wait_indirect_dma semaphore(%run_scoped3A : memref<!tpu.dma_semaphore, #tpu.memory_space<semaphore_mem>>) src(%dma_wait3A_796 : memref<10240x128xf32, #tpu.memory_space<vmem_shared>>) dst(%arg11 : memref<128x128xf32, #tpu.memory_space<vmem>>)
      tpu.yield
    }) : () -> ()
    %mul3A_631 = arith.constant 10240 : i32
    %mul3A_632 = arith.muli %arg0, %mul3A_631 : i32
    %add3A_633 = arith.addi %mul3A_632, %add3A_558 : i32
    "tpu.region"() ({
      %run_scoped3A = tpu.sem_alloc : memref<!tpu.dma_semaphore, #tpu.memory_space<semaphore_mem>>
      %dma_start3A_792 = arith.constant 0 : i32
      %dma_start3A_793 = tpu.memref_slice %arg6[%add3A_633, %dma_start3A_792] : memref<20480x128xf32, #tpu.memory_space<hbm>> -> memref<128x128xf32, #tpu.memory_space<hbm>>
      %dma_start3A_794 = arith.constant 0 : i32
      %dma_start3A_795 = tpu.memref_slice %arg6[%add3A_633, %dma_start3A_794] : memref<20480x128xf32, #tpu.memory_space<hbm>> -> memref<128x128xf32, #tpu.memory_space<hbm>>
      tpu.enqueue_dma source(%arg11 : memref<128x128xf32, #tpu.memory_space<vmem>>) target(%dma_start3A_795 : memref<128x128xf32, #tpu.memory_space<hbm>>) target_semaphore(%run_scoped3A : memref<!tpu.dma_semaphore, #tpu.memory_space<semaphore_mem>>)
      %dma_wait3A = arith.constant 0 : i32
      %dma_wait3A_796 = tpu.memref_slice %arg6[%add3A_633, %dma_wait3A] : memref<20480x128xf32, #tpu.memory_space<hbm>> -> memref<128x128xf32, #tpu.memory_space<hbm>>
      %dma_wait3A_797 = arith.constant 0 : i32
      %dma_wait3A_798 = tpu.memref_slice %arg6[%add3A_633, %dma_wait3A_797] : memref<20480x128xf32, #tpu.memory_space<hbm>> -> memref<128x128xf32, #tpu.memory_space<hbm>>
      tpu.wait_dma2 semaphore(%run_scoped3A : memref<!tpu.dma_semaphore, #tpu.memory_space<semaphore_mem>>) src(%arg11 : memref<128x128xf32, #tpu.memory_space<vmem>>) dst(%dma_wait3A_798 : memref<128x128xf32, #tpu.memory_space<hbm>>)
      tpu.yield
    }) : () -> ()
    %mul3A_634 = arith.constant 640 : i32
    %mul3A_635 = arith.muli %arg1, %mul3A_634 : i32
    %add3A_636 = arith.constant 384 : i32
    %add3A_637 = arith.addi %mul3A_635, %add3A_636 : i32
    %iota3A_638 = tpu.iota {dimensions = array<i32: 0>} : vector<16xi32>
    %add3A_639 = arith.constant 0 : i32
    %add3A_640 = arith.addi %add3A_637, %add3A_639 : i32
    %add3A_641 = vector.broadcast %add3A_640 : i32 to vector<16xi32>
    %add3A_642 = arith.addi %iota3A_638, %add3A_641 : vector<16xi32>
    %swap3A_643 = arith.constant 0 : index
    %swap3A_644 = tpu.vector_load %arg7[%swap3A_643] {strides = array<i32>} : memref<128xi32, #tpu.memory_space<vmem>>, vector<16xi32>,
    %swap3A_645 = vector.shape_cast %swap3A_644 : vector<16xi32> to vector<16xi32>
    %swap3A_646 = vector.shape_cast %add3A_642 : vector<16xi32> to vector<16xi32>
    tpu.vector_store %arg7[%swap3A_643], %swap3A_646 {strides = array<i32>} : memref<128xi32, #tpu.memory_space<vmem>>, vector<16xi32>,
    %iota3A_647 = tpu.iota {dimensions = array<i32: 0>} : vector<16xi32>
    %add3A_648 = arith.constant 16 : i32
    %add3A_649 = arith.addi %add3A_637, %add3A_648 : i32
    %add3A_650 = vector.broadcast %add3A_649 : i32 to vector<16xi32>
    %add3A_651 = arith.addi %iota3A_647, %add3A_650 : vector<16xi32>
    %swap3A_652 = arith.constant 16 : index
    %swap3A_653 = tpu.vector_load %arg7[%swap3A_652] {strides = array<i32>} : memref<128xi32, #tpu.memory_space<vmem>>, vector<16xi32>,
    %swap3A_654 = vector.shape_cast %swap3A_653 : vector<16xi32> to vector<16xi32>
    %swap3A_655 = vector.shape_cast %add3A_651 : vector<16xi32> to vector<16xi32>
    tpu.vector_store %arg7[%swap3A_652], %swap3A_655 {strides = array<i32>} : memref<128xi32, #tpu.memory_space<vmem>>, vector<16xi32>,
    %iota3A_656 = tpu.iota {dimensions = array<i32: 0>} : vector<16xi32>
    %add3A_657 = arith.constant 32 : i32
    %add3A_658 = arith.addi %add3A_637, %add3A_657 : i32
    %add3A_659 = vector.broadcast %add3A_658 : i32 to vector<16xi32>
    %add3A_660 = arith.addi %iota3A_656, %add3A_659 : vector<16xi32>
    %swap3A_661 = arith.constant 32 : index
    %swap3A_662 = tpu.vector_load %arg7[%swap3A_661] {strides = array<i32>} : memref<128xi32, #tpu.memory_space<vmem>>, vector<16xi32>,
    %swap3A_663 = vector.shape_cast %swap3A_662 : vector<16xi32> to vector<16xi32>
    %swap3A_664 = vector.shape_cast %add3A_660 : vector<16xi32> to vector<16xi32>
    tpu.vector_store %arg7[%swap3A_661], %swap3A_664 {strides = array<i32>} : memref<128xi32, #tpu.memory_space<vmem>>, vector<16xi32>,
    %iota3A_665 = tpu.iota {dimensions = array<i32: 0>} : vector<16xi32>
    %add3A_666 = arith.constant 48 : i32
    %add3A_667 = arith.addi %add3A_637, %add3A_666 : i32
    %add3A_668 = vector.broadcast %add3A_667 : i32 to vector<16xi32>
    %add3A_669 = arith.addi %iota3A_665, %add3A_668 : vector<16xi32>
    %swap3A_670 = arith.constant 48 : index
    %swap3A_671 = tpu.vector_load %arg7[%swap3A_670] {strides = array<i32>} : memref<128xi32, #tpu.memory_space<vmem>>, vector<16xi32>,
    %swap3A_672 = vector.shape_cast %swap3A_671 : vector<16xi32> to vector<16xi32>
    %swap3A_673 = vector.shape_cast %add3A_669 : vector<16xi32> to vector<16xi32>
    tpu.vector_store %arg7[%swap3A_670], %swap3A_673 {strides = array<i32>} : memref<128xi32, #tpu.memory_space<vmem>>, vector<16xi32>,
    %iota3A_674 = tpu.iota {dimensions = array<i32: 0>} : vector<16xi32>
    %add3A_675 = arith.constant 64 : i32
    %add3A_676 = arith.addi %add3A_637, %add3A_675 : i32
    %add3A_677 = vector.broadcast %add3A_676 : i32 to vector<16xi32>
    %add3A_678 = arith.addi %iota3A_674, %add3A_677 : vector<16xi32>
    %swap3A_679 = arith.constant 64 : index
    %swap3A_680 = tpu.vector_load %arg7[%swap3A_679] {strides = array<i32>} : memref<128xi32, #tpu.memory_space<vmem>>, vector<16xi32>,
    %swap3A_681 = vector.shape_cast %swap3A_680 : vector<16xi32> to vector<16xi32>
    %swap3A_682 = vector.shape_cast %add3A_678 : vector<16xi32> to vector<16xi32>
    tpu.vector_store %arg7[%swap3A_679], %swap3A_682 {strides = array<i32>} : memref<128xi32, #tpu.memory_space<vmem>>, vector<16xi32>,
    %iota3A_683 = tpu.iota {dimensions = array<i32: 0>} : vector<16xi32>
    %add3A_684 = arith.constant 80 : i32
    %add3A_685 = arith.addi %add3A_637, %add3A_684 : i32
    %add3A_686 = vector.broadcast %add3A_685 : i32 to vector<16xi32>
    %add3A_687 = arith.addi %iota3A_683, %add3A_686 : vector<16xi32>
    %swap3A_688 = arith.constant 80 : index
    %swap3A_689 = tpu.vector_load %arg7[%swap3A_688] {strides = array<i32>} : memref<128xi32, #tpu.memory_space<vmem>>, vector<16xi32>,
    %swap3A_690 = vector.shape_cast %swap3A_689 : vector<16xi32> to vector<16xi32>
    %swap3A_691 = vector.shape_cast %add3A_687 : vector<16xi32> to vector<16xi32>
    tpu.vector_store %arg7[%swap3A_688], %swap3A_691 {strides = array<i32>} : memref<128xi32, #tpu.memory_space<vmem>>, vector<16xi32>,
    %iota3A_692 = tpu.iota {dimensions = array<i32: 0>} : vector<16xi32>
    %add3A_693 = arith.constant 96 : i32
    %add3A_694 = arith.addi %add3A_637, %add3A_693 : i32
    %add3A_695 = vector.broadcast %add3A_694 : i32 to vector<16xi32>
    %add3A_696 = arith.addi %iota3A_692, %add3A_695 : vector<16xi32>
    %swap3A_697 = arith.constant 96 : index
    %swap3A_698 = tpu.vector_load %arg7[%swap3A_697] {strides = array<i32>} : memref<128xi32, #tpu.memory_space<vmem>>, vector<16xi32>,
    %swap3A_699 = vector.shape_cast %swap3A_698 : vector<16xi32> to vector<16xi32>
    %swap3A_700 = vector.shape_cast %add3A_696 : vector<16xi32> to vector<16xi32>
    tpu.vector_store %arg7[%swap3A_697], %swap3A_700 {strides = array<i32>} : memref<128xi32, #tpu.memory_space<vmem>>, vector<16xi32>,
    %iota3A_701 = tpu.iota {dimensions = array<i32: 0>} : vector<16xi32>
    %add3A_702 = arith.constant 112 : i32
    %add3A_703 = arith.addi %add3A_637, %add3A_702 : i32
    %add3A_704 = vector.broadcast %add3A_703 : i32 to vector<16xi32>
    %add3A_705 = arith.addi %iota3A_701, %add3A_704 : vector<16xi32>
    %swap3A_706 = arith.constant 112 : index
    %swap3A_707 = tpu.vector_load %arg7[%swap3A_706] {strides = array<i32>} : memref<128xi32, #tpu.memory_space<vmem>>, vector<16xi32>,
    %swap3A_708 = vector.shape_cast %swap3A_707 : vector<16xi32> to vector<16xi32>
    %swap3A_709 = vector.shape_cast %add3A_705 : vector<16xi32> to vector<16xi32>
    tpu.vector_store %arg7[%swap3A_706], %swap3A_709 {strides = array<i32>} : memref<128xi32, #tpu.memory_space<vmem>>, vector<16xi32>,
    "tpu.region"() ({
      %run_scoped3A = tpu.sem_alloc : memref<!tpu.dma_semaphore, #tpu.memory_space<semaphore_mem>>
      %dma_start3A_792 = arith.constant 0 : i32
      %dma_start3A_793 = arith.constant 0 : i32
      %dma_start3A_794 = tpu.memref_slice %arg18[%dma_start3A_792, %dma_start3A_793] : memref<10240x128xf32, #tpu.memory_space<vmem_shared>> -> memref<10240x128xf32, #tpu.memory_space<vmem_shared>>
      tpu.enqueue_indirect_dma source(%dma_start3A_794 : memref<10240x128xf32, #tpu.memory_space<vmem_shared>>) target(%arg11 : memref<128x128xf32, #tpu.memory_space<vmem>>) offsets(%arg7 : memref<128xi32, #tpu.memory_space<vmem>>) semaphore(%run_scoped3A : memref<!tpu.dma_semaphore, #tpu.memory_space<semaphore_mem>>)
      %dma_wait3A = arith.constant 0 : i32
      %dma_wait3A_795 = arith.constant 0 : i32
      %dma_wait3A_796 = tpu.memref_slice %arg18[%dma_wait3A, %dma_wait3A_795] : memref<10240x128xf32, #tpu.memory_space<vmem_shared>> -> memref<10240x128xf32, #tpu.memory_space<vmem_shared>>
      tpu.wait_indirect_dma semaphore(%run_scoped3A : memref<!tpu.dma_semaphore, #tpu.memory_space<semaphore_mem>>) src(%dma_wait3A_796 : memref<10240x128xf32, #tpu.memory_space<vmem_shared>>) dst(%arg11 : memref<128x128xf32, #tpu.memory_space<vmem>>)
      tpu.yield
    }) : () -> ()
    %mul3A_710 = arith.constant 10240 : i32
    %mul3A_711 = arith.muli %arg0, %mul3A_710 : i32
    %add3A_712 = arith.addi %mul3A_711, %add3A_637 : i32
    "tpu.region"() ({
      %run_scoped3A = tpu.sem_alloc : memref<!tpu.dma_semaphore, #tpu.memory_space<semaphore_mem>>
      %dma_start3A_792 = arith.constant 0 : i32
      %dma_start3A_793 = tpu.memref_slice %arg6[%add3A_712, %dma_start3A_792] : memref<20480x128xf32, #tpu.memory_space<hbm>> -> memref<128x128xf32, #tpu.memory_space<hbm>>
      %dma_start3A_794 = arith.constant 0 : i32
      %dma_start3A_795 = tpu.memref_slice %arg6[%add3A_712, %dma_start3A_794] : memref<20480x128xf32, #tpu.memory_space<hbm>> -> memref<128x128xf32, #tpu.memory_space<hbm>>
      tpu.enqueue_dma source(%arg11 : memref<128x128xf32, #tpu.memory_space<vmem>>) target(%dma_start3A_795 : memref<128x128xf32, #tpu.memory_space<hbm>>) target_semaphore(%run_scoped3A : memref<!tpu.dma_semaphore, #tpu.memory_space<semaphore_mem>>)
      %dma_wait3A = arith.constant 0 : i32
      %dma_wait3A_796 = tpu.memref_slice %arg6[%add3A_712, %dma_wait3A] : memref<20480x128xf32, #tpu.memory_space<hbm>> -> memref<128x128xf32, #tpu.memory_space<hbm>>
      %dma_wait3A_797 = arith.constant 0 : i32
      %dma_wait3A_798 = tpu.memref_slice %arg6[%add3A_712, %dma_wait3A_797] : memref<20480x128xf32, #tpu.memory_space<hbm>> -> memref<128x128xf32, #tpu.memory_space<hbm>>
      tpu.wait_dma2 semaphore(%run_scoped3A : memref<!tpu.dma_semaphore, #tpu.memory_space<semaphore_mem>>) src(%arg11 : memref<128x128xf32, #tpu.memory_space<vmem>>) dst(%dma_wait3A_798 : memref<128x128xf32, #tpu.memory_space<hbm>>)
      tpu.yield
    }) : () -> ()
    %mul3A_713 = arith.constant 640 : i32
    %mul3A_714 = arith.muli %arg1, %mul3A_713 : i32
    %add3A_715 = arith.constant 512 : i32
    %add3A_716 = arith.addi %mul3A_714, %add3A_715 : i32
    %iota3A_717 = tpu.iota {dimensions = array<i32: 0>} : vector<16xi32>
    %add3A_718 = arith.constant 0 : i32
    %add3A_719 = arith.addi %add3A_716, %add3A_718 : i32
    %add3A_720 = vector.broadcast %add3A_719 : i32 to vector<16xi32>
    %add3A_721 = arith.addi %iota3A_717, %add3A_720 : vector<16xi32>
    %swap3A_722 = arith.constant 0 : index
    %swap3A_723 = tpu.vector_load %arg7[%swap3A_722] {strides = array<i32>} : memref<128xi32, #tpu.memory_space<vmem>>, vector<16xi32>,
    %swap3A_724 = vector.shape_cast %swap3A_723 : vector<16xi32> to vector<16xi32>
    %swap3A_725 = vector.shape_cast %add3A_721 : vector<16xi32> to vector<16xi32>
    tpu.vector_store %arg7[%swap3A_722], %swap3A_725 {strides = array<i32>} : memref<128xi32, #tpu.memory_space<vmem>>, vector<16xi32>,
    %iota3A_726 = tpu.iota {dimensions = array<i32: 0>} : vector<16xi32>
    %add3A_727 = arith.constant 16 : i32
    %add3A_728 = arith.addi %add3A_716, %add3A_727 : i32
    %add3A_729 = vector.broadcast %add3A_728 : i32 to vector<16xi32>
    %add3A_730 = arith.addi %iota3A_726, %add3A_729 : vector<16xi32>
    %swap3A_731 = arith.constant 16 : index
    %swap3A_732 = tpu.vector_load %arg7[%swap3A_731] {strides = array<i32>} : memref<128xi32, #tpu.memory_space<vmem>>, vector<16xi32>,
    %swap3A_733 = vector.shape_cast %swap3A_732 : vector<16xi32> to vector<16xi32>
    %swap3A_734 = vector.shape_cast %add3A_730 : vector<16xi32> to vector<16xi32>
    tpu.vector_store %arg7[%swap3A_731], %swap3A_734 {strides = array<i32>} : memref<128xi32, #tpu.memory_space<vmem>>, vector<16xi32>,
    %iota3A_735 = tpu.iota {dimensions = array<i32: 0>} : vector<16xi32>
    %add3A_736 = arith.constant 32 : i32
    %add3A_737 = arith.addi %add3A_716, %add3A_736 : i32
    %add3A_738 = vector.broadcast %add3A_737 : i32 to vector<16xi32>
    %add3A_739 = arith.addi %iota3A_735, %add3A_738 : vector<16xi32>
    %swap3A_740 = arith.constant 32 : index
    %swap3A_741 = tpu.vector_load %arg7[%swap3A_740] {strides = array<i32>} : memref<128xi32, #tpu.memory_space<vmem>>, vector<16xi32>,
    %swap3A_742 = vector.shape_cast %swap3A_741 : vector<16xi32> to vector<16xi32>
    %swap3A_743 = vector.shape_cast %add3A_739 : vector<16xi32> to vector<16xi32>
    tpu.vector_store %arg7[%swap3A_740], %swap3A_743 {strides = array<i32>} : memref<128xi32, #tpu.memory_space<vmem>>, vector<16xi32>,
    %iota3A_744 = tpu.iota {dimensions = array<i32: 0>} : vector<16xi32>
    %add3A_745 = arith.constant 48 : i32
    %add3A_746 = arith.addi %add3A_716, %add3A_745 : i32
    %add3A_747 = vector.broadcast %add3A_746 : i32 to vector<16xi32>
    %add3A_748 = arith.addi %iota3A_744, %add3A_747 : vector<16xi32>
    %swap3A_749 = arith.constant 48 : index
    %swap3A_750 = tpu.vector_load %arg7[%swap3A_749] {strides = array<i32>} : memref<128xi32, #tpu.memory_space<vmem>>, vector<16xi32>,
    %swap3A_751 = vector.shape_cast %swap3A_750 : vector<16xi32> to vector<16xi32>
    %swap3A_752 = vector.shape_cast %add3A_748 : vector<16xi32> to vector<16xi32>
    tpu.vector_store %arg7[%swap3A_749], %swap3A_752 {strides = array<i32>} : memref<128xi32, #tpu.memory_space<vmem>>, vector<16xi32>,
    %iota3A_753 = tpu.iota {dimensions = array<i32: 0>} : vector<16xi32>
    %add3A_754 = arith.constant 64 : i32
    %add3A_755 = arith.addi %add3A_716, %add3A_754 : i32
    %add3A_756 = vector.broadcast %add3A_755 : i32 to vector<16xi32>
    %add3A_757 = arith.addi %iota3A_753, %add3A_756 : vector<16xi32>
    %swap3A_758 = arith.constant 64 : index
    %swap3A_759 = tpu.vector_load %arg7[%swap3A_758] {strides = array<i32>} : memref<128xi32, #tpu.memory_space<vmem>>, vector<16xi32>,
    %swap3A_760 = vector.shape_cast %swap3A_759 : vector<16xi32> to vector<16xi32>
    %swap3A_761 = vector.shape_cast %add3A_757 : vector<16xi32> to vector<16xi32>
    tpu.vector_store %arg7[%swap3A_758], %swap3A_761 {strides = array<i32>} : memref<128xi32, #tpu.memory_space<vmem>>, vector<16xi32>,
    %iota3A_762 = tpu.iota {dimensions = array<i32: 0>} : vector<16xi32>
    %add3A_763 = arith.constant 80 : i32
    %add3A_764 = arith.addi %add3A_716, %add3A_763 : i32
    %add3A_765 = vector.broadcast %add3A_764 : i32 to vector<16xi32>
    %add3A_766 = arith.addi %iota3A_762, %add3A_765 : vector<16xi32>
    %swap3A_767 = arith.constant 80 : index
    %swap3A_768 = tpu.vector_load %arg7[%swap3A_767] {strides = array<i32>} : memref<128xi32, #tpu.memory_space<vmem>>, vector<16xi32>,
    %swap3A_769 = vector.shape_cast %swap3A_768 : vector<16xi32> to vector<16xi32>
    %swap3A_770 = vector.shape_cast %add3A_766 : vector<16xi32> to vector<16xi32>
    tpu.vector_store %arg7[%swap3A_767], %swap3A_770 {strides = array<i32>} : memref<128xi32, #tpu.memory_space<vmem>>, vector<16xi32>,
    %iota3A_771 = tpu.iota {dimensions = array<i32: 0>} : vector<16xi32>
    %add3A_772 = arith.constant 96 : i32
    %add3A_773 = arith.addi %add3A_716, %add3A_772 : i32
    %add3A_774 = vector.broadcast %add3A_773 : i32 to vector<16xi32>
    %add3A_775 = arith.addi %iota3A_771, %add3A_774 : vector<16xi32>
    %swap3A_776 = arith.constant 96 : index
    %swap3A_777 = tpu.vector_load %arg7[%swap3A_776] {strides = array<i32>} : memref<128xi32, #tpu.memory_space<vmem>>, vector<16xi32>,
    %swap3A_778 = vector.shape_cast %swap3A_777 : vector<16xi32> to vector<16xi32>
    %swap3A_779 = vector.shape_cast %add3A_775 : vector<16xi32> to vector<16xi32>
    tpu.vector_store %arg7[%swap3A_776], %swap3A_779 {strides = array<i32>} : memref<128xi32, #tpu.memory_space<vmem>>, vector<16xi32>,
    %iota3A_780 = tpu.iota {dimensions = array<i32: 0>} : vector<16xi32>
    %add3A_781 = arith.constant 112 : i32
    %add3A_782 = arith.addi %add3A_716, %add3A_781 : i32
    %add3A_783 = vector.broadcast %add3A_782 : i32 to vector<16xi32>
    %add3A_784 = arith.addi %iota3A_780, %add3A_783 : vector<16xi32>
    %swap3A_785 = arith.constant 112 : index
    %swap3A_786 = tpu.vector_load %arg7[%swap3A_785] {strides = array<i32>} : memref<128xi32, #tpu.memory_space<vmem>>, vector<16xi32>,
    %swap3A_787 = vector.shape_cast %swap3A_786 : vector<16xi32> to vector<16xi32>
    %swap3A_788 = vector.shape_cast %add3A_784 : vector<16xi32> to vector<16xi32>
    tpu.vector_store %arg7[%swap3A_785], %swap3A_788 {strides = array<i32>} : memref<128xi32, #tpu.memory_space<vmem>>, vector<16xi32>,
    "tpu.region"() ({
      %run_scoped3A = tpu.sem_alloc : memref<!tpu.dma_semaphore, #tpu.memory_space<semaphore_mem>>
      %dma_start3A_792 = arith.constant 0 : i32
      %dma_start3A_793 = arith.constant 0 : i32
      %dma_start3A_794 = tpu.memref_slice %arg18[%dma_start3A_792, %dma_start3A_793] : memref<10240x128xf32, #tpu.memory_space<vmem_shared>> -> memref<10240x128xf32, #tpu.memory_space<vmem_shared>>
      tpu.enqueue_indirect_dma source(%dma_start3A_794 : memref<10240x128xf32, #tpu.memory_space<vmem_shared>>) target(%arg11 : memref<128x128xf32, #tpu.memory_space<vmem>>) offsets(%arg7 : memref<128xi32, #tpu.memory_space<vmem>>) semaphore(%run_scoped3A : memref<!tpu.dma_semaphore, #tpu.memory_space<semaphore_mem>>)
      %dma_wait3A = arith.constant 0 : i32
      %dma_wait3A_795 = arith.constant 0 : i32
      %dma_wait3A_796 = tpu.memref_slice %arg18[%dma_wait3A, %dma_wait3A_795] : memref<10240x128xf32, #tpu.memory_space<vmem_shared>> -> memref<10240x128xf32, #tpu.memory_space<vmem_shared>>
      tpu.wait_indirect_dma semaphore(%run_scoped3A : memref<!tpu.dma_semaphore, #tpu.memory_space<semaphore_mem>>) src(%dma_wait3A_796 : memref<10240x128xf32, #tpu.memory_space<vmem_shared>>) dst(%arg11 : memref<128x128xf32, #tpu.memory_space<vmem>>)
      tpu.yield
    }) : () -> ()
    %mul3A_789 = arith.constant 10240 : i32
    %mul3A_790 = arith.muli %arg0, %mul3A_789 : i32
    %add3A_791 = arith.addi %mul3A_790, %add3A_716 : i32
    "tpu.region"() ({
      %run_scoped3A = tpu.sem_alloc : memref<!tpu.dma_semaphore, #tpu.memory_space<semaphore_mem>>
      %dma_start3A_792 = arith.constant 0 : i32
      %dma_start3A_793 = tpu.memref_slice %arg6[%add3A_791, %dma_start3A_792] : memref<20480x128xf32, #tpu.memory_space<hbm>> -> memref<128x128xf32, #tpu.memory_space<hbm>>
      %dma_start3A_794 = arith.constant 0 : i32
      %dma_start3A_795 = tpu.memref_slice %arg6[%add3A_791, %dma_start3A_794] : memref<20480x128xf32, #tpu.memory_space<hbm>> -> memref<128x128xf32, #tpu.memory_space<hbm>>
      tpu.enqueue_dma source(%arg11 : memref<128x128xf32, #tpu.memory_space<vmem>>) target(%dma_start3A_795 : memref<128x128xf32, #tpu.memory_space<hbm>>) target_semaphore(%run_scoped3A : memref<!tpu.dma_semaphore, #tpu.memory_space<semaphore_mem>>)
      %dma_wait3A = arith.constant 0 : i32
      %dma_wait3A_796 = tpu.memref_slice %arg6[%add3A_791, %dma_wait3A] : memref<20480x128xf32, #tpu.memory_space<hbm>> -> memref<128x128xf32, #tpu.memory_space<hbm>>
      %dma_wait3A_797 = arith.constant 0 : i32
      %dma_wait3A_798 = tpu.memref_slice %arg6[%add3A_791, %dma_wait3A_797] : memref<20480x128xf32, #tpu.memory_space<hbm>> -> memref<128x128xf32, #tpu.memory_space<hbm>>
      tpu.wait_dma2 semaphore(%run_scoped3A : memref<!tpu.dma_semaphore, #tpu.memory_space<semaphore_mem>>) src(%arg11 : memref<128x128xf32, #tpu.memory_space<vmem>>) dst(%dma_wait3A_798 : memref<128x128xf32, #tpu.memory_space<hbm>>)
      tpu.yield
    }) : () -> ()
    return
  }
}

#map = affine_map<(d0, d1) -> (0)>
#map1 = affine_map<(d0, d1) -> (0, 0)>
module attributes {stable_mosaic.version = 14 : i64} {
  func.func @k(%arg0: i32, %arg1: i32, %arg2: memref<320000xi32, #tpu.memory_space<hbm>>, %arg3: memref<128x128xf32, #tpu.memory_space<hbm>>, %arg4: memref<128x128xf32, #tpu.memory_space<hbm>>, %arg5: memref<20480x128xf32, #tpu.memory_space<hbm>>, %arg6: memref<128xi32, #tpu.memory_space<vmem>>, %arg7: memref<128x128xf32, #tpu.memory_space<vmem>>, %arg8: memref<16xi32, #tpu.memory_space<vmem>>, %arg9: memref<128x128xf32, #tpu.memory_space<vmem>>, %arg10: memref<16x128xf32, #tpu.memory_space<vmem>>, %arg11: memref<10240x128xf32, #tpu.memory_space<vmem_shared>>) attributes {dimension_semantics = [#tpu.dimension_semantics<core_parallel>, #tpu.dimension_semantics<subcore_parallel>], iteration_bounds = array<i64: 2, 16>, scalar_prefetch = 0 : i64, scratch_operands = 6 : i64, tpu.core_type = #tpu.core_type<sc_vector_subcore>, window_params = [{transform_indices = #map}, {transform_indices = #map1}, {transform_indices = #map1}, {transform_indices = #map1}]} {
    %mul3A = arith.constant 2 : i32
    %mul3A_0 = arith.muli %arg1, %mul3A : i32
    %add3A = arith.addi %mul3A_0, %arg0 : i32
    "tpu.region"() ({
      %run_scoped3A = tpu.sem_alloc : memref<!tpu.dma_semaphore, #tpu.memory_space<semaphore_mem>>
      tpu.enqueue_dma source(%arg3 : memref<128x128xf32, #tpu.memory_space<hbm>>) target(%arg7 : memref<128x128xf32, #tpu.memory_space<vmem>>) target_semaphore(%run_scoped3A : memref<!tpu.dma_semaphore, #tpu.memory_space<semaphore_mem>>)
      tpu.wait_dma2 semaphore(%run_scoped3A : memref<!tpu.dma_semaphore, #tpu.memory_space<semaphore_mem>>) src(%arg3 : memref<128x128xf32, #tpu.memory_space<hbm>>) dst(%arg7 : memref<128x128xf32, #tpu.memory_space<vmem>>)
      tpu.yield
    }) : () -> ()
    "tpu.region"() ({
      %run_scoped3A = tpu.sem_alloc : memref<!tpu.dma_semaphore, #tpu.memory_space<semaphore_mem>>
      tpu.enqueue_dma source(%arg4 : memref<128x128xf32, #tpu.memory_space<hbm>>) target(%arg9 : memref<128x128xf32, #tpu.memory_space<vmem>>) target_semaphore(%run_scoped3A : memref<!tpu.dma_semaphore, #tpu.memory_space<semaphore_mem>>)
      tpu.wait_dma2 semaphore(%run_scoped3A : memref<!tpu.dma_semaphore, #tpu.memory_space<semaphore_mem>>) src(%arg4 : memref<128x128xf32, #tpu.memory_space<hbm>>) dst(%arg9 : memref<128x128xf32, #tpu.memory_space<vmem>>)
      tpu.yield
    }) : () -> ()
    "tpu.region"() ({
      %run_scoped3A = tpu.sem_alloc : memref<!tpu.dma_semaphore, #tpu.memory_space<semaphore_mem>>
      %dma_start3A = arith.constant 0 : i32
      %dma_start3A_783 = arith.constant 0 : i32
      %dma_start3A_784 = tpu.memref_slice %arg4[%dma_start3A, %dma_start3A_783] : memref<128x128xf32, #tpu.memory_space<hbm>> -> memref<16x128xf32, #tpu.memory_space<hbm>>
      %dma_start3A_785 = arith.constant 0 : i32
      %dma_start3A_786 = arith.constant 0 : i32
      %dma_start3A_787 = tpu.memref_slice %arg4[%dma_start3A_785, %dma_start3A_786] : memref<128x128xf32, #tpu.memory_space<hbm>> -> memref<16x128xf32, #tpu.memory_space<hbm>>
      tpu.enqueue_dma source(%dma_start3A_787 : memref<16x128xf32, #tpu.memory_space<hbm>>) target(%arg10 : memref<16x128xf32, #tpu.memory_space<vmem>>) target_semaphore(%run_scoped3A : memref<!tpu.dma_semaphore, #tpu.memory_space<semaphore_mem>>)
      %dma_wait3A = arith.constant 0 : i32
      %dma_wait3A_788 = arith.constant 0 : i32
      %dma_wait3A_789 = tpu.memref_slice %arg4[%dma_wait3A, %dma_wait3A_788] : memref<128x128xf32, #tpu.memory_space<hbm>> -> memref<16x128xf32, #tpu.memory_space<hbm>>
      %dma_wait3A_790 = arith.constant 0 : i32
      %dma_wait3A_791 = arith.constant 0 : i32
      %dma_wait3A_792 = tpu.memref_slice %arg4[%dma_wait3A_790, %dma_wait3A_791] : memref<128x128xf32, #tpu.memory_space<hbm>> -> memref<16x128xf32, #tpu.memory_space<hbm>>
      tpu.wait_dma2 semaphore(%run_scoped3A : memref<!tpu.dma_semaphore, #tpu.memory_space<semaphore_mem>>) src(%dma_wait3A_792 : memref<16x128xf32, #tpu.memory_space<hbm>>) dst(%arg10 : memref<16x128xf32, #tpu.memory_space<vmem>>)
      tpu.yield
    }) : () -> ()
    %mul3A_1 = arith.constant 640 : i32
    %mul3A_2 = arith.muli %arg1, %mul3A_1 : i32
    %add3A_3 = arith.constant 0 : i32
    %add3A_4 = arith.addi %mul3A_2, %add3A_3 : i32
    %iota3A = tpu.iota {dimensions = array<i32: 0>} : vector<16xi32>
    %add3A_5 = arith.constant 0 : i32
    %add3A_6 = arith.addi %add3A_4, %add3A_5 : i32
    %add3A_7 = vector.broadcast %add3A_6 : i32 to vector<16xi32>
    %add3A_8 = arith.addi %iota3A, %add3A_7 : vector<16xi32>
    %swap3A = arith.constant 0 : index
    %swap3A_9 = tpu.vector_load %arg6[%swap3A] {strides = array<i32>} : memref<128xi32, #tpu.memory_space<vmem>>, vector<16xi32>,
    %swap3A_10 = vector.shape_cast %swap3A_9 : vector<16xi32> to vector<16xi32>
    %swap3A_11 = vector.shape_cast %add3A_8 : vector<16xi32> to vector<16xi32>
    tpu.vector_store %arg6[%swap3A], %swap3A_11 {strides = array<i32>} : memref<128xi32, #tpu.memory_space<vmem>>, vector<16xi32>,
    %iota3A_12 = tpu.iota {dimensions = array<i32: 0>} : vector<16xi32>
    %add3A_13 = arith.constant 16 : i32
    %add3A_14 = arith.addi %add3A_4, %add3A_13 : i32
    %add3A_15 = vector.broadcast %add3A_14 : i32 to vector<16xi32>
    %add3A_16 = arith.addi %iota3A_12, %add3A_15 : vector<16xi32>
    %swap3A_17 = arith.constant 16 : index
    %swap3A_18 = tpu.vector_load %arg6[%swap3A_17] {strides = array<i32>} : memref<128xi32, #tpu.memory_space<vmem>>, vector<16xi32>,
    %swap3A_19 = vector.shape_cast %swap3A_18 : vector<16xi32> to vector<16xi32>
    %swap3A_20 = vector.shape_cast %add3A_16 : vector<16xi32> to vector<16xi32>
    tpu.vector_store %arg6[%swap3A_17], %swap3A_20 {strides = array<i32>} : memref<128xi32, #tpu.memory_space<vmem>>, vector<16xi32>,
    %iota3A_21 = tpu.iota {dimensions = array<i32: 0>} : vector<16xi32>
    %add3A_22 = arith.constant 32 : i32
    %add3A_23 = arith.addi %add3A_4, %add3A_22 : i32
    %add3A_24 = vector.broadcast %add3A_23 : i32 to vector<16xi32>
    %add3A_25 = arith.addi %iota3A_21, %add3A_24 : vector<16xi32>
    %swap3A_26 = arith.constant 32 : index
    %swap3A_27 = tpu.vector_load %arg6[%swap3A_26] {strides = array<i32>} : memref<128xi32, #tpu.memory_space<vmem>>, vector<16xi32>,
    %swap3A_28 = vector.shape_cast %swap3A_27 : vector<16xi32> to vector<16xi32>
    %swap3A_29 = vector.shape_cast %add3A_25 : vector<16xi32> to vector<16xi32>
    tpu.vector_store %arg6[%swap3A_26], %swap3A_29 {strides = array<i32>} : memref<128xi32, #tpu.memory_space<vmem>>, vector<16xi32>,
    %iota3A_30 = tpu.iota {dimensions = array<i32: 0>} : vector<16xi32>
    %add3A_31 = arith.constant 48 : i32
    %add3A_32 = arith.addi %add3A_4, %add3A_31 : i32
    %add3A_33 = vector.broadcast %add3A_32 : i32 to vector<16xi32>
    %add3A_34 = arith.addi %iota3A_30, %add3A_33 : vector<16xi32>
    %swap3A_35 = arith.constant 48 : index
    %swap3A_36 = tpu.vector_load %arg6[%swap3A_35] {strides = array<i32>} : memref<128xi32, #tpu.memory_space<vmem>>, vector<16xi32>,
    %swap3A_37 = vector.shape_cast %swap3A_36 : vector<16xi32> to vector<16xi32>
    %swap3A_38 = vector.shape_cast %add3A_34 : vector<16xi32> to vector<16xi32>
    tpu.vector_store %arg6[%swap3A_35], %swap3A_38 {strides = array<i32>} : memref<128xi32, #tpu.memory_space<vmem>>, vector<16xi32>,
    %iota3A_39 = tpu.iota {dimensions = array<i32: 0>} : vector<16xi32>
    %add3A_40 = arith.constant 64 : i32
    %add3A_41 = arith.addi %add3A_4, %add3A_40 : i32
    %add3A_42 = vector.broadcast %add3A_41 : i32 to vector<16xi32>
    %add3A_43 = arith.addi %iota3A_39, %add3A_42 : vector<16xi32>
    %swap3A_44 = arith.constant 64 : index
    %swap3A_45 = tpu.vector_load %arg6[%swap3A_44] {strides = array<i32>} : memref<128xi32, #tpu.memory_space<vmem>>, vector<16xi32>,
    %swap3A_46 = vector.shape_cast %swap3A_45 : vector<16xi32> to vector<16xi32>
    %swap3A_47 = vector.shape_cast %add3A_43 : vector<16xi32> to vector<16xi32>
    tpu.vector_store %arg6[%swap3A_44], %swap3A_47 {strides = array<i32>} : memref<128xi32, #tpu.memory_space<vmem>>, vector<16xi32>,
    %iota3A_48 = tpu.iota {dimensions = array<i32: 0>} : vector<16xi32>
    %add3A_49 = arith.constant 80 : i32
    %add3A_50 = arith.addi %add3A_4, %add3A_49 : i32
    %add3A_51 = vector.broadcast %add3A_50 : i32 to vector<16xi32>
    %add3A_52 = arith.addi %iota3A_48, %add3A_51 : vector<16xi32>
    %swap3A_53 = arith.constant 80 : index
    %swap3A_54 = tpu.vector_load %arg6[%swap3A_53] {strides = array<i32>} : memref<128xi32, #tpu.memory_space<vmem>>, vector<16xi32>,
    %swap3A_55 = vector.shape_cast %swap3A_54 : vector<16xi32> to vector<16xi32>
    %swap3A_56 = vector.shape_cast %add3A_52 : vector<16xi32> to vector<16xi32>
    tpu.vector_store %arg6[%swap3A_53], %swap3A_56 {strides = array<i32>} : memref<128xi32, #tpu.memory_space<vmem>>, vector<16xi32>,
    %iota3A_57 = tpu.iota {dimensions = array<i32: 0>} : vector<16xi32>
    %add3A_58 = arith.constant 96 : i32
    %add3A_59 = arith.addi %add3A_4, %add3A_58 : i32
    %add3A_60 = vector.broadcast %add3A_59 : i32 to vector<16xi32>
    %add3A_61 = arith.addi %iota3A_57, %add3A_60 : vector<16xi32>
    %swap3A_62 = arith.constant 96 : index
    %swap3A_63 = tpu.vector_load %arg6[%swap3A_62] {strides = array<i32>} : memref<128xi32, #tpu.memory_space<vmem>>, vector<16xi32>,
    %swap3A_64 = vector.shape_cast %swap3A_63 : vector<16xi32> to vector<16xi32>
    %swap3A_65 = vector.shape_cast %add3A_61 : vector<16xi32> to vector<16xi32>
    tpu.vector_store %arg6[%swap3A_62], %swap3A_65 {strides = array<i32>} : memref<128xi32, #tpu.memory_space<vmem>>, vector<16xi32>,
    %iota3A_66 = tpu.iota {dimensions = array<i32: 0>} : vector<16xi32>
    %add3A_67 = arith.constant 112 : i32
    %add3A_68 = arith.addi %add3A_4, %add3A_67 : i32
    %add3A_69 = vector.broadcast %add3A_68 : i32 to vector<16xi32>
    %add3A_70 = arith.addi %iota3A_66, %add3A_69 : vector<16xi32>
    %swap3A_71 = arith.constant 112 : index
    %swap3A_72 = tpu.vector_load %arg6[%swap3A_71] {strides = array<i32>} : memref<128xi32, #tpu.memory_space<vmem>>, vector<16xi32>,
    %swap3A_73 = vector.shape_cast %swap3A_72 : vector<16xi32> to vector<16xi32>
    %swap3A_74 = vector.shape_cast %add3A_70 : vector<16xi32> to vector<16xi32>
    tpu.vector_store %arg6[%swap3A_71], %swap3A_74 {strides = array<i32>} : memref<128xi32, #tpu.memory_space<vmem>>, vector<16xi32>,
    "tpu.region"() ({
      %run_scoped3A = tpu.sem_alloc : memref<!tpu.dma_semaphore, #tpu.memory_space<semaphore_mem>>
      %dma_start3A = arith.constant 0 : i32
      %dma_start3A_783 = arith.constant 0 : i32
      %dma_start3A_784 = tpu.memref_slice %arg11[%dma_start3A, %dma_start3A_783] : memref<10240x128xf32, #tpu.memory_space<vmem_shared>> -> memref<10240x128xf32, #tpu.memory_space<vmem_shared>>
      tpu.enqueue_indirect_dma source(%arg7 : memref<128x128xf32, #tpu.memory_space<vmem>>) target(%dma_start3A_784 : memref<10240x128xf32, #tpu.memory_space<vmem_shared>>) offsets(%arg6 : memref<128xi32, #tpu.memory_space<vmem>>) semaphore(%run_scoped3A : memref<!tpu.dma_semaphore, #tpu.memory_space<semaphore_mem>>)
      %dma_wait3A = arith.constant 0 : i32
      %dma_wait3A_785 = arith.constant 0 : i32
      %dma_wait3A_786 = tpu.memref_slice %arg11[%dma_wait3A, %dma_wait3A_785] : memref<10240x128xf32, #tpu.memory_space<vmem_shared>> -> memref<10240x128xf32, #tpu.memory_space<vmem_shared>>
      tpu.wait_indirect_dma semaphore(%run_scoped3A : memref<!tpu.dma_semaphore, #tpu.memory_space<semaphore_mem>>) src(%arg7 : memref<128x128xf32, #tpu.memory_space<vmem>>) dst(%dma_wait3A_786 : memref<10240x128xf32, #tpu.memory_space<vmem_shared>>)
      tpu.yield
    }) : () -> ()
    %mul3A_75 = arith.constant 640 : i32
    %mul3A_76 = arith.muli %arg1, %mul3A_75 : i32
    %add3A_77 = arith.constant 128 : i32
    %add3A_78 = arith.addi %mul3A_76, %add3A_77 : i32
    %iota3A_79 = tpu.iota {dimensions = array<i32: 0>} : vector<16xi32>
    %add3A_80 = arith.constant 0 : i32
    %add3A_81 = arith.addi %add3A_78, %add3A_80 : i32
    %add3A_82 = vector.broadcast %add3A_81 : i32 to vector<16xi32>
    %add3A_83 = arith.addi %iota3A_79, %add3A_82 : vector<16xi32>
    %swap3A_84 = arith.constant 0 : index
    %swap3A_85 = tpu.vector_load %arg6[%swap3A_84] {strides = array<i32>} : memref<128xi32, #tpu.memory_space<vmem>>, vector<16xi32>,
    %swap3A_86 = vector.shape_cast %swap3A_85 : vector<16xi32> to vector<16xi32>
    %swap3A_87 = vector.shape_cast %add3A_83 : vector<16xi32> to vector<16xi32>
    tpu.vector_store %arg6[%swap3A_84], %swap3A_87 {strides = array<i32>} : memref<128xi32, #tpu.memory_space<vmem>>, vector<16xi32>,
    %iota3A_88 = tpu.iota {dimensions = array<i32: 0>} : vector<16xi32>
    %add3A_89 = arith.constant 16 : i32
    %add3A_90 = arith.addi %add3A_78, %add3A_89 : i32
    %add3A_91 = vector.broadcast %add3A_90 : i32 to vector<16xi32>
    %add3A_92 = arith.addi %iota3A_88, %add3A_91 : vector<16xi32>
    %swap3A_93 = arith.constant 16 : index
    %swap3A_94 = tpu.vector_load %arg6[%swap3A_93] {strides = array<i32>} : memref<128xi32, #tpu.memory_space<vmem>>, vector<16xi32>,
    %swap3A_95 = vector.shape_cast %swap3A_94 : vector<16xi32> to vector<16xi32>
    %swap3A_96 = vector.shape_cast %add3A_92 : vector<16xi32> to vector<16xi32>
    tpu.vector_store %arg6[%swap3A_93], %swap3A_96 {strides = array<i32>} : memref<128xi32, #tpu.memory_space<vmem>>, vector<16xi32>,
    %iota3A_97 = tpu.iota {dimensions = array<i32: 0>} : vector<16xi32>
    %add3A_98 = arith.constant 32 : i32
    %add3A_99 = arith.addi %add3A_78, %add3A_98 : i32
    %add3A_100 = vector.broadcast %add3A_99 : i32 to vector<16xi32>
    %add3A_101 = arith.addi %iota3A_97, %add3A_100 : vector<16xi32>
    %swap3A_102 = arith.constant 32 : index
    %swap3A_103 = tpu.vector_load %arg6[%swap3A_102] {strides = array<i32>} : memref<128xi32, #tpu.memory_space<vmem>>, vector<16xi32>,
    %swap3A_104 = vector.shape_cast %swap3A_103 : vector<16xi32> to vector<16xi32>
    %swap3A_105 = vector.shape_cast %add3A_101 : vector<16xi32> to vector<16xi32>
    tpu.vector_store %arg6[%swap3A_102], %swap3A_105 {strides = array<i32>} : memref<128xi32, #tpu.memory_space<vmem>>, vector<16xi32>,
    %iota3A_106 = tpu.iota {dimensions = array<i32: 0>} : vector<16xi32>
    %add3A_107 = arith.constant 48 : i32
    %add3A_108 = arith.addi %add3A_78, %add3A_107 : i32
    %add3A_109 = vector.broadcast %add3A_108 : i32 to vector<16xi32>
    %add3A_110 = arith.addi %iota3A_106, %add3A_109 : vector<16xi32>
    %swap3A_111 = arith.constant 48 : index
    %swap3A_112 = tpu.vector_load %arg6[%swap3A_111] {strides = array<i32>} : memref<128xi32, #tpu.memory_space<vmem>>, vector<16xi32>,
    %swap3A_113 = vector.shape_cast %swap3A_112 : vector<16xi32> to vector<16xi32>
    %swap3A_114 = vector.shape_cast %add3A_110 : vector<16xi32> to vector<16xi32>
    tpu.vector_store %arg6[%swap3A_111], %swap3A_114 {strides = array<i32>} : memref<128xi32, #tpu.memory_space<vmem>>, vector<16xi32>,
    %iota3A_115 = tpu.iota {dimensions = array<i32: 0>} : vector<16xi32>
    %add3A_116 = arith.constant 64 : i32
    %add3A_117 = arith.addi %add3A_78, %add3A_116 : i32
    %add3A_118 = vector.broadcast %add3A_117 : i32 to vector<16xi32>
    %add3A_119 = arith.addi %iota3A_115, %add3A_118 : vector<16xi32>
    %swap3A_120 = arith.constant 64 : index
    %swap3A_121 = tpu.vector_load %arg6[%swap3A_120] {strides = array<i32>} : memref<128xi32, #tpu.memory_space<vmem>>, vector<16xi32>,
    %swap3A_122 = vector.shape_cast %swap3A_121 : vector<16xi32> to vector<16xi32>
    %swap3A_123 = vector.shape_cast %add3A_119 : vector<16xi32> to vector<16xi32>
    tpu.vector_store %arg6[%swap3A_120], %swap3A_123 {strides = array<i32>} : memref<128xi32, #tpu.memory_space<vmem>>, vector<16xi32>,
    %iota3A_124 = tpu.iota {dimensions = array<i32: 0>} : vector<16xi32>
    %add3A_125 = arith.constant 80 : i32
    %add3A_126 = arith.addi %add3A_78, %add3A_125 : i32
    %add3A_127 = vector.broadcast %add3A_126 : i32 to vector<16xi32>
    %add3A_128 = arith.addi %iota3A_124, %add3A_127 : vector<16xi32>
    %swap3A_129 = arith.constant 80 : index
    %swap3A_130 = tpu.vector_load %arg6[%swap3A_129] {strides = array<i32>} : memref<128xi32, #tpu.memory_space<vmem>>, vector<16xi32>,
    %swap3A_131 = vector.shape_cast %swap3A_130 : vector<16xi32> to vector<16xi32>
    %swap3A_132 = vector.shape_cast %add3A_128 : vector<16xi32> to vector<16xi32>
    tpu.vector_store %arg6[%swap3A_129], %swap3A_132 {strides = array<i32>} : memref<128xi32, #tpu.memory_space<vmem>>, vector<16xi32>,
    %iota3A_133 = tpu.iota {dimensions = array<i32: 0>} : vector<16xi32>
    %add3A_134 = arith.constant 96 : i32
    %add3A_135 = arith.addi %add3A_78, %add3A_134 : i32
    %add3A_136 = vector.broadcast %add3A_135 : i32 to vector<16xi32>
    %add3A_137 = arith.addi %iota3A_133, %add3A_136 : vector<16xi32>
    %swap3A_138 = arith.constant 96 : index
    %swap3A_139 = tpu.vector_load %arg6[%swap3A_138] {strides = array<i32>} : memref<128xi32, #tpu.memory_space<vmem>>, vector<16xi32>,
    %swap3A_140 = vector.shape_cast %swap3A_139 : vector<16xi32> to vector<16xi32>
    %swap3A_141 = vector.shape_cast %add3A_137 : vector<16xi32> to vector<16xi32>
    tpu.vector_store %arg6[%swap3A_138], %swap3A_141 {strides = array<i32>} : memref<128xi32, #tpu.memory_space<vmem>>, vector<16xi32>,
    %iota3A_142 = tpu.iota {dimensions = array<i32: 0>} : vector<16xi32>
    %add3A_143 = arith.constant 112 : i32
    %add3A_144 = arith.addi %add3A_78, %add3A_143 : i32
    %add3A_145 = vector.broadcast %add3A_144 : i32 to vector<16xi32>
    %add3A_146 = arith.addi %iota3A_142, %add3A_145 : vector<16xi32>
    %swap3A_147 = arith.constant 112 : index
    %swap3A_148 = tpu.vector_load %arg6[%swap3A_147] {strides = array<i32>} : memref<128xi32, #tpu.memory_space<vmem>>, vector<16xi32>,
    %swap3A_149 = vector.shape_cast %swap3A_148 : vector<16xi32> to vector<16xi32>
    %swap3A_150 = vector.shape_cast %add3A_146 : vector<16xi32> to vector<16xi32>
    tpu.vector_store %arg6[%swap3A_147], %swap3A_150 {strides = array<i32>} : memref<128xi32, #tpu.memory_space<vmem>>, vector<16xi32>,
    "tpu.region"() ({
      %run_scoped3A = tpu.sem_alloc : memref<!tpu.dma_semaphore, #tpu.memory_space<semaphore_mem>>
      %dma_start3A = arith.constant 0 : i32
      %dma_start3A_783 = arith.constant 0 : i32
      %dma_start3A_784 = tpu.memref_slice %arg11[%dma_start3A, %dma_start3A_783] : memref<10240x128xf32, #tpu.memory_space<vmem_shared>> -> memref<10240x128xf32, #tpu.memory_space<vmem_shared>>
      tpu.enqueue_indirect_dma source(%arg7 : memref<128x128xf32, #tpu.memory_space<vmem>>) target(%dma_start3A_784 : memref<10240x128xf32, #tpu.memory_space<vmem_shared>>) offsets(%arg6 : memref<128xi32, #tpu.memory_space<vmem>>) semaphore(%run_scoped3A : memref<!tpu.dma_semaphore, #tpu.memory_space<semaphore_mem>>)
      %dma_wait3A = arith.constant 0 : i32
      %dma_wait3A_785 = arith.constant 0 : i32
      %dma_wait3A_786 = tpu.memref_slice %arg11[%dma_wait3A, %dma_wait3A_785] : memref<10240x128xf32, #tpu.memory_space<vmem_shared>> -> memref<10240x128xf32, #tpu.memory_space<vmem_shared>>
      tpu.wait_indirect_dma semaphore(%run_scoped3A : memref<!tpu.dma_semaphore, #tpu.memory_space<semaphore_mem>>) src(%arg7 : memref<128x128xf32, #tpu.memory_space<vmem>>) dst(%dma_wait3A_786 : memref<10240x128xf32, #tpu.memory_space<vmem_shared>>)
      tpu.yield
    }) : () -> ()
    %mul3A_151 = arith.constant 640 : i32
    %mul3A_152 = arith.muli %arg1, %mul3A_151 : i32
    %add3A_153 = arith.constant 256 : i32
    %add3A_154 = arith.addi %mul3A_152, %add3A_153 : i32
    %iota3A_155 = tpu.iota {dimensions = array<i32: 0>} : vector<16xi32>
    %add3A_156 = arith.constant 0 : i32
    %add3A_157 = arith.addi %add3A_154, %add3A_156 : i32
    %add3A_158 = vector.broadcast %add3A_157 : i32 to vector<16xi32>
    %add3A_159 = arith.addi %iota3A_155, %add3A_158 : vector<16xi32>
    %swap3A_160 = arith.constant 0 : index
    %swap3A_161 = tpu.vector_load %arg6[%swap3A_160] {strides = array<i32>} : memref<128xi32, #tpu.memory_space<vmem>>, vector<16xi32>,
    %swap3A_162 = vector.shape_cast %swap3A_161 : vector<16xi32> to vector<16xi32>
    %swap3A_163 = vector.shape_cast %add3A_159 : vector<16xi32> to vector<16xi32>
    tpu.vector_store %arg6[%swap3A_160], %swap3A_163 {strides = array<i32>} : memref<128xi32, #tpu.memory_space<vmem>>, vector<16xi32>,
    %iota3A_164 = tpu.iota {dimensions = array<i32: 0>} : vector<16xi32>
    %add3A_165 = arith.constant 16 : i32
    %add3A_166 = arith.addi %add3A_154, %add3A_165 : i32
    %add3A_167 = vector.broadcast %add3A_166 : i32 to vector<16xi32>
    %add3A_168 = arith.addi %iota3A_164, %add3A_167 : vector<16xi32>
    %swap3A_169 = arith.constant 16 : index
    %swap3A_170 = tpu.vector_load %arg6[%swap3A_169] {strides = array<i32>} : memref<128xi32, #tpu.memory_space<vmem>>, vector<16xi32>,
    %swap3A_171 = vector.shape_cast %swap3A_170 : vector<16xi32> to vector<16xi32>
    %swap3A_172 = vector.shape_cast %add3A_168 : vector<16xi32> to vector<16xi32>
    tpu.vector_store %arg6[%swap3A_169], %swap3A_172 {strides = array<i32>} : memref<128xi32, #tpu.memory_space<vmem>>, vector<16xi32>,
    %iota3A_173 = tpu.iota {dimensions = array<i32: 0>} : vector<16xi32>
    %add3A_174 = arith.constant 32 : i32
    %add3A_175 = arith.addi %add3A_154, %add3A_174 : i32
    %add3A_176 = vector.broadcast %add3A_175 : i32 to vector<16xi32>
    %add3A_177 = arith.addi %iota3A_173, %add3A_176 : vector<16xi32>
    %swap3A_178 = arith.constant 32 : index
    %swap3A_179 = tpu.vector_load %arg6[%swap3A_178] {strides = array<i32>} : memref<128xi32, #tpu.memory_space<vmem>>, vector<16xi32>,
    %swap3A_180 = vector.shape_cast %swap3A_179 : vector<16xi32> to vector<16xi32>
    %swap3A_181 = vector.shape_cast %add3A_177 : vector<16xi32> to vector<16xi32>
    tpu.vector_store %arg6[%swap3A_178], %swap3A_181 {strides = array<i32>} : memref<128xi32, #tpu.memory_space<vmem>>, vector<16xi32>,
    %iota3A_182 = tpu.iota {dimensions = array<i32: 0>} : vector<16xi32>
    %add3A_183 = arith.constant 48 : i32
    %add3A_184 = arith.addi %add3A_154, %add3A_183 : i32
    %add3A_185 = vector.broadcast %add3A_184 : i32 to vector<16xi32>
    %add3A_186 = arith.addi %iota3A_182, %add3A_185 : vector<16xi32>
    %swap3A_187 = arith.constant 48 : index
    %swap3A_188 = tpu.vector_load %arg6[%swap3A_187] {strides = array<i32>} : memref<128xi32, #tpu.memory_space<vmem>>, vector<16xi32>,
    %swap3A_189 = vector.shape_cast %swap3A_188 : vector<16xi32> to vector<16xi32>
    %swap3A_190 = vector.shape_cast %add3A_186 : vector<16xi32> to vector<16xi32>
    tpu.vector_store %arg6[%swap3A_187], %swap3A_190 {strides = array<i32>} : memref<128xi32, #tpu.memory_space<vmem>>, vector<16xi32>,
    %iota3A_191 = tpu.iota {dimensions = array<i32: 0>} : vector<16xi32>
    %add3A_192 = arith.constant 64 : i32
    %add3A_193 = arith.addi %add3A_154, %add3A_192 : i32
    %add3A_194 = vector.broadcast %add3A_193 : i32 to vector<16xi32>
    %add3A_195 = arith.addi %iota3A_191, %add3A_194 : vector<16xi32>
    %swap3A_196 = arith.constant 64 : index
    %swap3A_197 = tpu.vector_load %arg6[%swap3A_196] {strides = array<i32>} : memref<128xi32, #tpu.memory_space<vmem>>, vector<16xi32>,
    %swap3A_198 = vector.shape_cast %swap3A_197 : vector<16xi32> to vector<16xi32>
    %swap3A_199 = vector.shape_cast %add3A_195 : vector<16xi32> to vector<16xi32>
    tpu.vector_store %arg6[%swap3A_196], %swap3A_199 {strides = array<i32>} : memref<128xi32, #tpu.memory_space<vmem>>, vector<16xi32>,
    %iota3A_200 = tpu.iota {dimensions = array<i32: 0>} : vector<16xi32>
    %add3A_201 = arith.constant 80 : i32
    %add3A_202 = arith.addi %add3A_154, %add3A_201 : i32
    %add3A_203 = vector.broadcast %add3A_202 : i32 to vector<16xi32>
    %add3A_204 = arith.addi %iota3A_200, %add3A_203 : vector<16xi32>
    %swap3A_205 = arith.constant 80 : index
    %swap3A_206 = tpu.vector_load %arg6[%swap3A_205] {strides = array<i32>} : memref<128xi32, #tpu.memory_space<vmem>>, vector<16xi32>,
    %swap3A_207 = vector.shape_cast %swap3A_206 : vector<16xi32> to vector<16xi32>
    %swap3A_208 = vector.shape_cast %add3A_204 : vector<16xi32> to vector<16xi32>
    tpu.vector_store %arg6[%swap3A_205], %swap3A_208 {strides = array<i32>} : memref<128xi32, #tpu.memory_space<vmem>>, vector<16xi32>,
    %iota3A_209 = tpu.iota {dimensions = array<i32: 0>} : vector<16xi32>
    %add3A_210 = arith.constant 96 : i32
    %add3A_211 = arith.addi %add3A_154, %add3A_210 : i32
    %add3A_212 = vector.broadcast %add3A_211 : i32 to vector<16xi32>
    %add3A_213 = arith.addi %iota3A_209, %add3A_212 : vector<16xi32>
    %swap3A_214 = arith.constant 96 : index
    %swap3A_215 = tpu.vector_load %arg6[%swap3A_214] {strides = array<i32>} : memref<128xi32, #tpu.memory_space<vmem>>, vector<16xi32>,
    %swap3A_216 = vector.shape_cast %swap3A_215 : vector<16xi32> to vector<16xi32>
    %swap3A_217 = vector.shape_cast %add3A_213 : vector<16xi32> to vector<16xi32>
    tpu.vector_store %arg6[%swap3A_214], %swap3A_217 {strides = array<i32>} : memref<128xi32, #tpu.memory_space<vmem>>, vector<16xi32>,
    %iota3A_218 = tpu.iota {dimensions = array<i32: 0>} : vector<16xi32>
    %add3A_219 = arith.constant 112 : i32
    %add3A_220 = arith.addi %add3A_154, %add3A_219 : i32
    %add3A_221 = vector.broadcast %add3A_220 : i32 to vector<16xi32>
    %add3A_222 = arith.addi %iota3A_218, %add3A_221 : vector<16xi32>
    %swap3A_223 = arith.constant 112 : index
    %swap3A_224 = tpu.vector_load %arg6[%swap3A_223] {strides = array<i32>} : memref<128xi32, #tpu.memory_space<vmem>>, vector<16xi32>,
    %swap3A_225 = vector.shape_cast %swap3A_224 : vector<16xi32> to vector<16xi32>
    %swap3A_226 = vector.shape_cast %add3A_222 : vector<16xi32> to vector<16xi32>
    tpu.vector_store %arg6[%swap3A_223], %swap3A_226 {strides = array<i32>} : memref<128xi32, #tpu.memory_space<vmem>>, vector<16xi32>,
    "tpu.region"() ({
      %run_scoped3A = tpu.sem_alloc : memref<!tpu.dma_semaphore, #tpu.memory_space<semaphore_mem>>
      %dma_start3A = arith.constant 0 : i32
      %dma_start3A_783 = arith.constant 0 : i32
      %dma_start3A_784 = tpu.memref_slice %arg11[%dma_start3A, %dma_start3A_783] : memref<10240x128xf32, #tpu.memory_space<vmem_shared>> -> memref<10240x128xf32, #tpu.memory_space<vmem_shared>>
      tpu.enqueue_indirect_dma source(%arg7 : memref<128x128xf32, #tpu.memory_space<vmem>>) target(%dma_start3A_784 : memref<10240x128xf32, #tpu.memory_space<vmem_shared>>) offsets(%arg6 : memref<128xi32, #tpu.memory_space<vmem>>) semaphore(%run_scoped3A : memref<!tpu.dma_semaphore, #tpu.memory_space<semaphore_mem>>)
      %dma_wait3A = arith.constant 0 : i32
      %dma_wait3A_785 = arith.constant 0 : i32
      %dma_wait3A_786 = tpu.memref_slice %arg11[%dma_wait3A, %dma_wait3A_785] : memref<10240x128xf32, #tpu.memory_space<vmem_shared>> -> memref<10240x128xf32, #tpu.memory_space<vmem_shared>>
      tpu.wait_indirect_dma semaphore(%run_scoped3A : memref<!tpu.dma_semaphore, #tpu.memory_space<semaphore_mem>>) src(%arg7 : memref<128x128xf32, #tpu.memory_space<vmem>>) dst(%dma_wait3A_786 : memref<10240x128xf32, #tpu.memory_space<vmem_shared>>)
      tpu.yield
    }) : () -> ()
    %mul3A_227 = arith.constant 640 : i32
    %mul3A_228 = arith.muli %arg1, %mul3A_227 : i32
    %add3A_229 = arith.constant 384 : i32
    %add3A_230 = arith.addi %mul3A_228, %add3A_229 : i32
    %iota3A_231 = tpu.iota {dimensions = array<i32: 0>} : vector<16xi32>
    %add3A_232 = arith.constant 0 : i32
    %add3A_233 = arith.addi %add3A_230, %add3A_232 : i32
    %add3A_234 = vector.broadcast %add3A_233 : i32 to vector<16xi32>
    %add3A_235 = arith.addi %iota3A_231, %add3A_234 : vector<16xi32>
    %swap3A_236 = arith.constant 0 : index
    %swap3A_237 = tpu.vector_load %arg6[%swap3A_236] {strides = array<i32>} : memref<128xi32, #tpu.memory_space<vmem>>, vector<16xi32>,
    %swap3A_238 = vector.shape_cast %swap3A_237 : vector<16xi32> to vector<16xi32>
    %swap3A_239 = vector.shape_cast %add3A_235 : vector<16xi32> to vector<16xi32>
    tpu.vector_store %arg6[%swap3A_236], %swap3A_239 {strides = array<i32>} : memref<128xi32, #tpu.memory_space<vmem>>, vector<16xi32>,
    %iota3A_240 = tpu.iota {dimensions = array<i32: 0>} : vector<16xi32>
    %add3A_241 = arith.constant 16 : i32
    %add3A_242 = arith.addi %add3A_230, %add3A_241 : i32
    %add3A_243 = vector.broadcast %add3A_242 : i32 to vector<16xi32>
    %add3A_244 = arith.addi %iota3A_240, %add3A_243 : vector<16xi32>
    %swap3A_245 = arith.constant 16 : index
    %swap3A_246 = tpu.vector_load %arg6[%swap3A_245] {strides = array<i32>} : memref<128xi32, #tpu.memory_space<vmem>>, vector<16xi32>,
    %swap3A_247 = vector.shape_cast %swap3A_246 : vector<16xi32> to vector<16xi32>
    %swap3A_248 = vector.shape_cast %add3A_244 : vector<16xi32> to vector<16xi32>
    tpu.vector_store %arg6[%swap3A_245], %swap3A_248 {strides = array<i32>} : memref<128xi32, #tpu.memory_space<vmem>>, vector<16xi32>,
    %iota3A_249 = tpu.iota {dimensions = array<i32: 0>} : vector<16xi32>
    %add3A_250 = arith.constant 32 : i32
    %add3A_251 = arith.addi %add3A_230, %add3A_250 : i32
    %add3A_252 = vector.broadcast %add3A_251 : i32 to vector<16xi32>
    %add3A_253 = arith.addi %iota3A_249, %add3A_252 : vector<16xi32>
    %swap3A_254 = arith.constant 32 : index
    %swap3A_255 = tpu.vector_load %arg6[%swap3A_254] {strides = array<i32>} : memref<128xi32, #tpu.memory_space<vmem>>, vector<16xi32>,
    %swap3A_256 = vector.shape_cast %swap3A_255 : vector<16xi32> to vector<16xi32>
    %swap3A_257 = vector.shape_cast %add3A_253 : vector<16xi32> to vector<16xi32>
    tpu.vector_store %arg6[%swap3A_254], %swap3A_257 {strides = array<i32>} : memref<128xi32, #tpu.memory_space<vmem>>, vector<16xi32>,
    %iota3A_258 = tpu.iota {dimensions = array<i32: 0>} : vector<16xi32>
    %add3A_259 = arith.constant 48 : i32
    %add3A_260 = arith.addi %add3A_230, %add3A_259 : i32
    %add3A_261 = vector.broadcast %add3A_260 : i32 to vector<16xi32>
    %add3A_262 = arith.addi %iota3A_258, %add3A_261 : vector<16xi32>
    %swap3A_263 = arith.constant 48 : index
    %swap3A_264 = tpu.vector_load %arg6[%swap3A_263] {strides = array<i32>} : memref<128xi32, #tpu.memory_space<vmem>>, vector<16xi32>,
    %swap3A_265 = vector.shape_cast %swap3A_264 : vector<16xi32> to vector<16xi32>
    %swap3A_266 = vector.shape_cast %add3A_262 : vector<16xi32> to vector<16xi32>
    tpu.vector_store %arg6[%swap3A_263], %swap3A_266 {strides = array<i32>} : memref<128xi32, #tpu.memory_space<vmem>>, vector<16xi32>,
    %iota3A_267 = tpu.iota {dimensions = array<i32: 0>} : vector<16xi32>
    %add3A_268 = arith.constant 64 : i32
    %add3A_269 = arith.addi %add3A_230, %add3A_268 : i32
    %add3A_270 = vector.broadcast %add3A_269 : i32 to vector<16xi32>
    %add3A_271 = arith.addi %iota3A_267, %add3A_270 : vector<16xi32>
    %swap3A_272 = arith.constant 64 : index
    %swap3A_273 = tpu.vector_load %arg6[%swap3A_272] {strides = array<i32>} : memref<128xi32, #tpu.memory_space<vmem>>, vector<16xi32>,
    %swap3A_274 = vector.shape_cast %swap3A_273 : vector<16xi32> to vector<16xi32>
    %swap3A_275 = vector.shape_cast %add3A_271 : vector<16xi32> to vector<16xi32>
    tpu.vector_store %arg6[%swap3A_272], %swap3A_275 {strides = array<i32>} : memref<128xi32, #tpu.memory_space<vmem>>, vector<16xi32>,
    %iota3A_276 = tpu.iota {dimensions = array<i32: 0>} : vector<16xi32>
    %add3A_277 = arith.constant 80 : i32
    %add3A_278 = arith.addi %add3A_230, %add3A_277 : i32
    %add3A_279 = vector.broadcast %add3A_278 : i32 to vector<16xi32>
    %add3A_280 = arith.addi %iota3A_276, %add3A_279 : vector<16xi32>
    %swap3A_281 = arith.constant 80 : index
    %swap3A_282 = tpu.vector_load %arg6[%swap3A_281] {strides = array<i32>} : memref<128xi32, #tpu.memory_space<vmem>>, vector<16xi32>,
    %swap3A_283 = vector.shape_cast %swap3A_282 : vector<16xi32> to vector<16xi32>
    %swap3A_284 = vector.shape_cast %add3A_280 : vector<16xi32> to vector<16xi32>
    tpu.vector_store %arg6[%swap3A_281], %swap3A_284 {strides = array<i32>} : memref<128xi32, #tpu.memory_space<vmem>>, vector<16xi32>,
    %iota3A_285 = tpu.iota {dimensions = array<i32: 0>} : vector<16xi32>
    %add3A_286 = arith.constant 96 : i32
    %add3A_287 = arith.addi %add3A_230, %add3A_286 : i32
    %add3A_288 = vector.broadcast %add3A_287 : i32 to vector<16xi32>
    %add3A_289 = arith.addi %iota3A_285, %add3A_288 : vector<16xi32>
    %swap3A_290 = arith.constant 96 : index
    %swap3A_291 = tpu.vector_load %arg6[%swap3A_290] {strides = array<i32>} : memref<128xi32, #tpu.memory_space<vmem>>, vector<16xi32>,
    %swap3A_292 = vector.shape_cast %swap3A_291 : vector<16xi32> to vector<16xi32>
    %swap3A_293 = vector.shape_cast %add3A_289 : vector<16xi32> to vector<16xi32>
    tpu.vector_store %arg6[%swap3A_290], %swap3A_293 {strides = array<i32>} : memref<128xi32, #tpu.memory_space<vmem>>, vector<16xi32>,
    %iota3A_294 = tpu.iota {dimensions = array<i32: 0>} : vector<16xi32>
    %add3A_295 = arith.constant 112 : i32
    %add3A_296 = arith.addi %add3A_230, %add3A_295 : i32
    %add3A_297 = vector.broadcast %add3A_296 : i32 to vector<16xi32>
    %add3A_298 = arith.addi %iota3A_294, %add3A_297 : vector<16xi32>
    %swap3A_299 = arith.constant 112 : index
    %swap3A_300 = tpu.vector_load %arg6[%swap3A_299] {strides = array<i32>} : memref<128xi32, #tpu.memory_space<vmem>>, vector<16xi32>,
    %swap3A_301 = vector.shape_cast %swap3A_300 : vector<16xi32> to vector<16xi32>
    %swap3A_302 = vector.shape_cast %add3A_298 : vector<16xi32> to vector<16xi32>
    tpu.vector_store %arg6[%swap3A_299], %swap3A_302 {strides = array<i32>} : memref<128xi32, #tpu.memory_space<vmem>>, vector<16xi32>,
    "tpu.region"() ({
      %run_scoped3A = tpu.sem_alloc : memref<!tpu.dma_semaphore, #tpu.memory_space<semaphore_mem>>
      %dma_start3A = arith.constant 0 : i32
      %dma_start3A_783 = arith.constant 0 : i32
      %dma_start3A_784 = tpu.memref_slice %arg11[%dma_start3A, %dma_start3A_783] : memref<10240x128xf32, #tpu.memory_space<vmem_shared>> -> memref<10240x128xf32, #tpu.memory_space<vmem_shared>>
      tpu.enqueue_indirect_dma source(%arg7 : memref<128x128xf32, #tpu.memory_space<vmem>>) target(%dma_start3A_784 : memref<10240x128xf32, #tpu.memory_space<vmem_shared>>) offsets(%arg6 : memref<128xi32, #tpu.memory_space<vmem>>) semaphore(%run_scoped3A : memref<!tpu.dma_semaphore, #tpu.memory_space<semaphore_mem>>)
      %dma_wait3A = arith.constant 0 : i32
      %dma_wait3A_785 = arith.constant 0 : i32
      %dma_wait3A_786 = tpu.memref_slice %arg11[%dma_wait3A, %dma_wait3A_785] : memref<10240x128xf32, #tpu.memory_space<vmem_shared>> -> memref<10240x128xf32, #tpu.memory_space<vmem_shared>>
      tpu.wait_indirect_dma semaphore(%run_scoped3A : memref<!tpu.dma_semaphore, #tpu.memory_space<semaphore_mem>>) src(%arg7 : memref<128x128xf32, #tpu.memory_space<vmem>>) dst(%dma_wait3A_786 : memref<10240x128xf32, #tpu.memory_space<vmem_shared>>)
      tpu.yield
    }) : () -> ()
    %mul3A_303 = arith.constant 640 : i32
    %mul3A_304 = arith.muli %arg1, %mul3A_303 : i32
    %add3A_305 = arith.constant 512 : i32
    %add3A_306 = arith.addi %mul3A_304, %add3A_305 : i32
    %iota3A_307 = tpu.iota {dimensions = array<i32: 0>} : vector<16xi32>
    %add3A_308 = arith.constant 0 : i32
    %add3A_309 = arith.addi %add3A_306, %add3A_308 : i32
    %add3A_310 = vector.broadcast %add3A_309 : i32 to vector<16xi32>
    %add3A_311 = arith.addi %iota3A_307, %add3A_310 : vector<16xi32>
    %swap3A_312 = arith.constant 0 : index
    %swap3A_313 = tpu.vector_load %arg6[%swap3A_312] {strides = array<i32>} : memref<128xi32, #tpu.memory_space<vmem>>, vector<16xi32>,
    %swap3A_314 = vector.shape_cast %swap3A_313 : vector<16xi32> to vector<16xi32>
    %swap3A_315 = vector.shape_cast %add3A_311 : vector<16xi32> to vector<16xi32>
    tpu.vector_store %arg6[%swap3A_312], %swap3A_315 {strides = array<i32>} : memref<128xi32, #tpu.memory_space<vmem>>, vector<16xi32>,
    %iota3A_316 = tpu.iota {dimensions = array<i32: 0>} : vector<16xi32>
    %add3A_317 = arith.constant 16 : i32
    %add3A_318 = arith.addi %add3A_306, %add3A_317 : i32
    %add3A_319 = vector.broadcast %add3A_318 : i32 to vector<16xi32>
    %add3A_320 = arith.addi %iota3A_316, %add3A_319 : vector<16xi32>
    %swap3A_321 = arith.constant 16 : index
    %swap3A_322 = tpu.vector_load %arg6[%swap3A_321] {strides = array<i32>} : memref<128xi32, #tpu.memory_space<vmem>>, vector<16xi32>,
    %swap3A_323 = vector.shape_cast %swap3A_322 : vector<16xi32> to vector<16xi32>
    %swap3A_324 = vector.shape_cast %add3A_320 : vector<16xi32> to vector<16xi32>
    tpu.vector_store %arg6[%swap3A_321], %swap3A_324 {strides = array<i32>} : memref<128xi32, #tpu.memory_space<vmem>>, vector<16xi32>,
    %iota3A_325 = tpu.iota {dimensions = array<i32: 0>} : vector<16xi32>
    %add3A_326 = arith.constant 32 : i32
    %add3A_327 = arith.addi %add3A_306, %add3A_326 : i32
    %add3A_328 = vector.broadcast %add3A_327 : i32 to vector<16xi32>
    %add3A_329 = arith.addi %iota3A_325, %add3A_328 : vector<16xi32>
    %swap3A_330 = arith.constant 32 : index
    %swap3A_331 = tpu.vector_load %arg6[%swap3A_330] {strides = array<i32>} : memref<128xi32, #tpu.memory_space<vmem>>, vector<16xi32>,
    %swap3A_332 = vector.shape_cast %swap3A_331 : vector<16xi32> to vector<16xi32>
    %swap3A_333 = vector.shape_cast %add3A_329 : vector<16xi32> to vector<16xi32>
    tpu.vector_store %arg6[%swap3A_330], %swap3A_333 {strides = array<i32>} : memref<128xi32, #tpu.memory_space<vmem>>, vector<16xi32>,
    %iota3A_334 = tpu.iota {dimensions = array<i32: 0>} : vector<16xi32>
    %add3A_335 = arith.constant 48 : i32
    %add3A_336 = arith.addi %add3A_306, %add3A_335 : i32
    %add3A_337 = vector.broadcast %add3A_336 : i32 to vector<16xi32>
    %add3A_338 = arith.addi %iota3A_334, %add3A_337 : vector<16xi32>
    %swap3A_339 = arith.constant 48 : index
    %swap3A_340 = tpu.vector_load %arg6[%swap3A_339] {strides = array<i32>} : memref<128xi32, #tpu.memory_space<vmem>>, vector<16xi32>,
    %swap3A_341 = vector.shape_cast %swap3A_340 : vector<16xi32> to vector<16xi32>
    %swap3A_342 = vector.shape_cast %add3A_338 : vector<16xi32> to vector<16xi32>
    tpu.vector_store %arg6[%swap3A_339], %swap3A_342 {strides = array<i32>} : memref<128xi32, #tpu.memory_space<vmem>>, vector<16xi32>,
    %iota3A_343 = tpu.iota {dimensions = array<i32: 0>} : vector<16xi32>
    %add3A_344 = arith.constant 64 : i32
    %add3A_345 = arith.addi %add3A_306, %add3A_344 : i32
    %add3A_346 = vector.broadcast %add3A_345 : i32 to vector<16xi32>
    %add3A_347 = arith.addi %iota3A_343, %add3A_346 : vector<16xi32>
    %swap3A_348 = arith.constant 64 : index
    %swap3A_349 = tpu.vector_load %arg6[%swap3A_348] {strides = array<i32>} : memref<128xi32, #tpu.memory_space<vmem>>, vector<16xi32>,
    %swap3A_350 = vector.shape_cast %swap3A_349 : vector<16xi32> to vector<16xi32>
    %swap3A_351 = vector.shape_cast %add3A_347 : vector<16xi32> to vector<16xi32>
    tpu.vector_store %arg6[%swap3A_348], %swap3A_351 {strides = array<i32>} : memref<128xi32, #tpu.memory_space<vmem>>, vector<16xi32>,
    %iota3A_352 = tpu.iota {dimensions = array<i32: 0>} : vector<16xi32>
    %add3A_353 = arith.constant 80 : i32
    %add3A_354 = arith.addi %add3A_306, %add3A_353 : i32
    %add3A_355 = vector.broadcast %add3A_354 : i32 to vector<16xi32>
    %add3A_356 = arith.addi %iota3A_352, %add3A_355 : vector<16xi32>
    %swap3A_357 = arith.constant 80 : index
    %swap3A_358 = tpu.vector_load %arg6[%swap3A_357] {strides = array<i32>} : memref<128xi32, #tpu.memory_space<vmem>>, vector<16xi32>,
    %swap3A_359 = vector.shape_cast %swap3A_358 : vector<16xi32> to vector<16xi32>
    %swap3A_360 = vector.shape_cast %add3A_356 : vector<16xi32> to vector<16xi32>
    tpu.vector_store %arg6[%swap3A_357], %swap3A_360 {strides = array<i32>} : memref<128xi32, #tpu.memory_space<vmem>>, vector<16xi32>,
    %iota3A_361 = tpu.iota {dimensions = array<i32: 0>} : vector<16xi32>
    %add3A_362 = arith.constant 96 : i32
    %add3A_363 = arith.addi %add3A_306, %add3A_362 : i32
    %add3A_364 = vector.broadcast %add3A_363 : i32 to vector<16xi32>
    %add3A_365 = arith.addi %iota3A_361, %add3A_364 : vector<16xi32>
    %swap3A_366 = arith.constant 96 : index
    %swap3A_367 = tpu.vector_load %arg6[%swap3A_366] {strides = array<i32>} : memref<128xi32, #tpu.memory_space<vmem>>, vector<16xi32>,
    %swap3A_368 = vector.shape_cast %swap3A_367 : vector<16xi32> to vector<16xi32>
    %swap3A_369 = vector.shape_cast %add3A_365 : vector<16xi32> to vector<16xi32>
    tpu.vector_store %arg6[%swap3A_366], %swap3A_369 {strides = array<i32>} : memref<128xi32, #tpu.memory_space<vmem>>, vector<16xi32>,
    %iota3A_370 = tpu.iota {dimensions = array<i32: 0>} : vector<16xi32>
    %add3A_371 = arith.constant 112 : i32
    %add3A_372 = arith.addi %add3A_306, %add3A_371 : i32
    %add3A_373 = vector.broadcast %add3A_372 : i32 to vector<16xi32>
    %add3A_374 = arith.addi %iota3A_370, %add3A_373 : vector<16xi32>
    %swap3A_375 = arith.constant 112 : index
    %swap3A_376 = tpu.vector_load %arg6[%swap3A_375] {strides = array<i32>} : memref<128xi32, #tpu.memory_space<vmem>>, vector<16xi32>,
    %swap3A_377 = vector.shape_cast %swap3A_376 : vector<16xi32> to vector<16xi32>
    %swap3A_378 = vector.shape_cast %add3A_374 : vector<16xi32> to vector<16xi32>
    tpu.vector_store %arg6[%swap3A_375], %swap3A_378 {strides = array<i32>} : memref<128xi32, #tpu.memory_space<vmem>>, vector<16xi32>,
    "tpu.region"() ({
      %run_scoped3A = tpu.sem_alloc : memref<!tpu.dma_semaphore, #tpu.memory_space<semaphore_mem>>
      %dma_start3A = arith.constant 0 : i32
      %dma_start3A_783 = arith.constant 0 : i32
      %dma_start3A_784 = tpu.memref_slice %arg11[%dma_start3A, %dma_start3A_783] : memref<10240x128xf32, #tpu.memory_space<vmem_shared>> -> memref<10240x128xf32, #tpu.memory_space<vmem_shared>>
      tpu.enqueue_indirect_dma source(%arg7 : memref<128x128xf32, #tpu.memory_space<vmem>>) target(%dma_start3A_784 : memref<10240x128xf32, #tpu.memory_space<vmem_shared>>) offsets(%arg6 : memref<128xi32, #tpu.memory_space<vmem>>) semaphore(%run_scoped3A : memref<!tpu.dma_semaphore, #tpu.memory_space<semaphore_mem>>)
      %dma_wait3A = arith.constant 0 : i32
      %dma_wait3A_785 = arith.constant 0 : i32
      %dma_wait3A_786 = tpu.memref_slice %arg11[%dma_wait3A, %dma_wait3A_785] : memref<10240x128xf32, #tpu.memory_space<vmem_shared>> -> memref<10240x128xf32, #tpu.memory_space<vmem_shared>>
      tpu.wait_indirect_dma semaphore(%run_scoped3A : memref<!tpu.dma_semaphore, #tpu.memory_space<semaphore_mem>>) src(%arg7 : memref<128x128xf32, #tpu.memory_space<vmem>>) dst(%dma_wait3A_786 : memref<10240x128xf32, #tpu.memory_space<vmem_shared>>)
      tpu.yield
    }) : () -> ()
    %barrier3A = arith.constant 0 : index
    tpu.barrier barrier_id(%barrier3A)
    %mul3A_379 = arith.constant 10000 : i32
    %mul3A_380 = arith.muli %add3A, %mul3A_379 : i32
    %scan3A = arith.constant 0 : i32
    %scan3A_381 = arith.constant 78 : i32
    %scan3A_382 = arith.addi %scan3A, %scan3A_381 : i32
    %scan3A_383 = arith.constant 1 : i32
    scf.for %scan3A_783 = %scan3A to %scan3A_382 step %scan3A_383  : i32 {
      %mul3A_784 = arith.constant 1 : i32
      %mul3A_785 = arith.muli %scan3A_783, %mul3A_784 : i32
      %add3A_786 = arith.constant 0 : i32
      %add3A_787 = arith.addi %add3A_786, %mul3A_785 : i32
      %mul3A_788 = arith.constant 128 : i32
      %mul3A_789 = arith.muli %add3A_787, %mul3A_788 : i32
      %add3A_790 = arith.addi %mul3A_380, %mul3A_789 : i32
      "tpu.region"() ({
        %run_scoped3A = tpu.sem_alloc : memref<!tpu.dma_semaphore, #tpu.memory_space<semaphore_mem>>
        %dma_start3A = tpu.memref_slice %arg2[%add3A_790] : memref<320000xi32, #tpu.memory_space<hbm>> -> memref<128xi32, #tpu.memory_space<hbm>>
        %dma_start3A_791 = tpu.memref_slice %arg2[%add3A_790] : memref<320000xi32, #tpu.memory_space<hbm>> -> memref<128xi32, #tpu.memory_space<hbm>>
        tpu.enqueue_dma source(%dma_start3A_791 : memref<128xi32, #tpu.memory_space<hbm>>) target(%arg6 : memref<128xi32, #tpu.memory_space<vmem>>) target_semaphore(%run_scoped3A : memref<!tpu.dma_semaphore, #tpu.memory_space<semaphore_mem>>)
        %dma_wait3A = tpu.memref_slice %arg2[%add3A_790] : memref<320000xi32, #tpu.memory_space<hbm>> -> memref<128xi32, #tpu.memory_space<hbm>>
        %dma_wait3A_792 = tpu.memref_slice %arg2[%add3A_790] : memref<320000xi32, #tpu.memory_space<hbm>> -> memref<128xi32, #tpu.memory_space<hbm>>
        tpu.wait_dma2 semaphore(%run_scoped3A : memref<!tpu.dma_semaphore, #tpu.memory_space<semaphore_mem>>) src(%dma_wait3A_792 : memref<128xi32, #tpu.memory_space<hbm>>) dst(%arg6 : memref<128xi32, #tpu.memory_space<vmem>>)
        tpu.yield
      }) : () -> ()
      "tpu.region"() ({
        %run_scoped3A = tpu.sem_alloc : memref<!tpu.dma_semaphore, #tpu.memory_space<semaphore_mem>>
        %dma_start3A = arith.constant 0 : i32
        %dma_start3A_791 = arith.constant 0 : i32
        %dma_start3A_792 = tpu.memref_slice %arg11[%dma_start3A, %dma_start3A_791] : memref<10240x128xf32, #tpu.memory_space<vmem_shared>> -> memref<10240x128xf32, #tpu.memory_space<vmem_shared>>
        tpu.enqueue_indirect_dma source(%arg9 : memref<128x128xf32, #tpu.memory_space<vmem>>) target(%dma_start3A_792 : memref<10240x128xf32, #tpu.memory_space<vmem_shared>>) offsets(%arg6 : memref<128xi32, #tpu.memory_space<vmem>>) semaphore(%run_scoped3A : memref<!tpu.dma_semaphore, #tpu.memory_space<semaphore_mem>>) {add = true}
        %dma_wait3A = arith.constant 0 : i32
        %dma_wait3A_793 = arith.constant 0 : i32
        %dma_wait3A_794 = tpu.memref_slice %arg11[%dma_wait3A, %dma_wait3A_793] : memref<10240x128xf32, #tpu.memory_space<vmem_shared>> -> memref<10240x128xf32, #tpu.memory_space<vmem_shared>>
        tpu.wait_indirect_dma semaphore(%run_scoped3A : memref<!tpu.dma_semaphore, #tpu.memory_space<semaphore_mem>>) src(%arg9 : memref<128x128xf32, #tpu.memory_space<vmem>>) dst(%dma_wait3A_794 : memref<10240x128xf32, #tpu.memory_space<vmem_shared>>)
        tpu.yield
      }) : () -> ()
    }
    %scan3A_384 = arith.constant 78 : i32
    %add3A_385 = arith.constant 9984 : i32
    %add3A_386 = arith.addi %mul3A_380, %add3A_385 : i32
    "tpu.region"() ({
      %run_scoped3A = tpu.sem_alloc : memref<!tpu.dma_semaphore, #tpu.memory_space<semaphore_mem>>
      %dma_start3A = tpu.memref_slice %arg2[%add3A_386] : memref<320000xi32, #tpu.memory_space<hbm>> -> memref<16xi32, #tpu.memory_space<hbm>>
      %dma_start3A_783 = tpu.memref_slice %arg2[%add3A_386] : memref<320000xi32, #tpu.memory_space<hbm>> -> memref<16xi32, #tpu.memory_space<hbm>>
      tpu.enqueue_dma source(%dma_start3A_783 : memref<16xi32, #tpu.memory_space<hbm>>) target(%arg8 : memref<16xi32, #tpu.memory_space<vmem>>) target_semaphore(%run_scoped3A : memref<!tpu.dma_semaphore, #tpu.memory_space<semaphore_mem>>)
      %dma_wait3A = tpu.memref_slice %arg2[%add3A_386] : memref<320000xi32, #tpu.memory_space<hbm>> -> memref<16xi32, #tpu.memory_space<hbm>>
      %dma_wait3A_784 = tpu.memref_slice %arg2[%add3A_386] : memref<320000xi32, #tpu.memory_space<hbm>> -> memref<16xi32, #tpu.memory_space<hbm>>
      tpu.wait_dma2 semaphore(%run_scoped3A : memref<!tpu.dma_semaphore, #tpu.memory_space<semaphore_mem>>) src(%dma_wait3A_784 : memref<16xi32, #tpu.memory_space<hbm>>) dst(%arg8 : memref<16xi32, #tpu.memory_space<vmem>>)
      tpu.yield
    }) : () -> ()
    "tpu.region"() ({
      %run_scoped3A = tpu.sem_alloc : memref<!tpu.dma_semaphore, #tpu.memory_space<semaphore_mem>>
      %dma_start3A = arith.constant 0 : i32
      %dma_start3A_783 = arith.constant 0 : i32
      %dma_start3A_784 = tpu.memref_slice %arg11[%dma_start3A, %dma_start3A_783] : memref<10240x128xf32, #tpu.memory_space<vmem_shared>> -> memref<10240x128xf32, #tpu.memory_space<vmem_shared>>
      tpu.enqueue_indirect_dma source(%arg10 : memref<16x128xf32, #tpu.memory_space<vmem>>) target(%dma_start3A_784 : memref<10240x128xf32, #tpu.memory_space<vmem_shared>>) offsets(%arg8 : memref<16xi32, #tpu.memory_space<vmem>>) semaphore(%run_scoped3A : memref<!tpu.dma_semaphore, #tpu.memory_space<semaphore_mem>>) {add = true}
      %dma_wait3A = arith.constant 0 : i32
      %dma_wait3A_785 = arith.constant 0 : i32
      %dma_wait3A_786 = tpu.memref_slice %arg11[%dma_wait3A, %dma_wait3A_785] : memref<10240x128xf32, #tpu.memory_space<vmem_shared>> -> memref<10240x128xf32, #tpu.memory_space<vmem_shared>>
      tpu.wait_indirect_dma semaphore(%run_scoped3A : memref<!tpu.dma_semaphore, #tpu.memory_space<semaphore_mem>>) src(%arg10 : memref<16x128xf32, #tpu.memory_space<vmem>>) dst(%dma_wait3A_786 : memref<10240x128xf32, #tpu.memory_space<vmem_shared>>)
      tpu.yield
    }) : () -> ()
    %barrier3A_387 = arith.constant 0 : index
    tpu.barrier barrier_id(%barrier3A_387)
    %mul3A_388 = arith.constant 640 : i32
    %mul3A_389 = arith.muli %arg1, %mul3A_388 : i32
    %add3A_390 = arith.constant 0 : i32
    %add3A_391 = arith.addi %mul3A_389, %add3A_390 : i32
    %iota3A_392 = tpu.iota {dimensions = array<i32: 0>} : vector<16xi32>
    %add3A_393 = arith.constant 0 : i32
    %add3A_394 = arith.addi %add3A_391, %add3A_393 : i32
    %add3A_395 = vector.broadcast %add3A_394 : i32 to vector<16xi32>
    %add3A_396 = arith.addi %iota3A_392, %add3A_395 : vector<16xi32>
    %swap3A_397 = arith.constant 0 : index
    %swap3A_398 = tpu.vector_load %arg6[%swap3A_397] {strides = array<i32>} : memref<128xi32, #tpu.memory_space<vmem>>, vector<16xi32>,
    %swap3A_399 = vector.shape_cast %swap3A_398 : vector<16xi32> to vector<16xi32>
    %swap3A_400 = vector.shape_cast %add3A_396 : vector<16xi32> to vector<16xi32>
    tpu.vector_store %arg6[%swap3A_397], %swap3A_400 {strides = array<i32>} : memref<128xi32, #tpu.memory_space<vmem>>, vector<16xi32>,
    %iota3A_401 = tpu.iota {dimensions = array<i32: 0>} : vector<16xi32>
    %add3A_402 = arith.constant 16 : i32
    %add3A_403 = arith.addi %add3A_391, %add3A_402 : i32
    %add3A_404 = vector.broadcast %add3A_403 : i32 to vector<16xi32>
    %add3A_405 = arith.addi %iota3A_401, %add3A_404 : vector<16xi32>
    %swap3A_406 = arith.constant 16 : index
    %swap3A_407 = tpu.vector_load %arg6[%swap3A_406] {strides = array<i32>} : memref<128xi32, #tpu.memory_space<vmem>>, vector<16xi32>,
    %swap3A_408 = vector.shape_cast %swap3A_407 : vector<16xi32> to vector<16xi32>
    %swap3A_409 = vector.shape_cast %add3A_405 : vector<16xi32> to vector<16xi32>
    tpu.vector_store %arg6[%swap3A_406], %swap3A_409 {strides = array<i32>} : memref<128xi32, #tpu.memory_space<vmem>>, vector<16xi32>,
    %iota3A_410 = tpu.iota {dimensions = array<i32: 0>} : vector<16xi32>
    %add3A_411 = arith.constant 32 : i32
    %add3A_412 = arith.addi %add3A_391, %add3A_411 : i32
    %add3A_413 = vector.broadcast %add3A_412 : i32 to vector<16xi32>
    %add3A_414 = arith.addi %iota3A_410, %add3A_413 : vector<16xi32>
    %swap3A_415 = arith.constant 32 : index
    %swap3A_416 = tpu.vector_load %arg6[%swap3A_415] {strides = array<i32>} : memref<128xi32, #tpu.memory_space<vmem>>, vector<16xi32>,
    %swap3A_417 = vector.shape_cast %swap3A_416 : vector<16xi32> to vector<16xi32>
    %swap3A_418 = vector.shape_cast %add3A_414 : vector<16xi32> to vector<16xi32>
    tpu.vector_store %arg6[%swap3A_415], %swap3A_418 {strides = array<i32>} : memref<128xi32, #tpu.memory_space<vmem>>, vector<16xi32>,
    %iota3A_419 = tpu.iota {dimensions = array<i32: 0>} : vector<16xi32>
    %add3A_420 = arith.constant 48 : i32
    %add3A_421 = arith.addi %add3A_391, %add3A_420 : i32
    %add3A_422 = vector.broadcast %add3A_421 : i32 to vector<16xi32>
    %add3A_423 = arith.addi %iota3A_419, %add3A_422 : vector<16xi32>
    %swap3A_424 = arith.constant 48 : index
    %swap3A_425 = tpu.vector_load %arg6[%swap3A_424] {strides = array<i32>} : memref<128xi32, #tpu.memory_space<vmem>>, vector<16xi32>,
    %swap3A_426 = vector.shape_cast %swap3A_425 : vector<16xi32> to vector<16xi32>
    %swap3A_427 = vector.shape_cast %add3A_423 : vector<16xi32> to vector<16xi32>
    tpu.vector_store %arg6[%swap3A_424], %swap3A_427 {strides = array<i32>} : memref<128xi32, #tpu.memory_space<vmem>>, vector<16xi32>,
    %iota3A_428 = tpu.iota {dimensions = array<i32: 0>} : vector<16xi32>
    %add3A_429 = arith.constant 64 : i32
    %add3A_430 = arith.addi %add3A_391, %add3A_429 : i32
    %add3A_431 = vector.broadcast %add3A_430 : i32 to vector<16xi32>
    %add3A_432 = arith.addi %iota3A_428, %add3A_431 : vector<16xi32>
    %swap3A_433 = arith.constant 64 : index
    %swap3A_434 = tpu.vector_load %arg6[%swap3A_433] {strides = array<i32>} : memref<128xi32, #tpu.memory_space<vmem>>, vector<16xi32>,
    %swap3A_435 = vector.shape_cast %swap3A_434 : vector<16xi32> to vector<16xi32>
    %swap3A_436 = vector.shape_cast %add3A_432 : vector<16xi32> to vector<16xi32>
    tpu.vector_store %arg6[%swap3A_433], %swap3A_436 {strides = array<i32>} : memref<128xi32, #tpu.memory_space<vmem>>, vector<16xi32>,
    %iota3A_437 = tpu.iota {dimensions = array<i32: 0>} : vector<16xi32>
    %add3A_438 = arith.constant 80 : i32
    %add3A_439 = arith.addi %add3A_391, %add3A_438 : i32
    %add3A_440 = vector.broadcast %add3A_439 : i32 to vector<16xi32>
    %add3A_441 = arith.addi %iota3A_437, %add3A_440 : vector<16xi32>
    %swap3A_442 = arith.constant 80 : index
    %swap3A_443 = tpu.vector_load %arg6[%swap3A_442] {strides = array<i32>} : memref<128xi32, #tpu.memory_space<vmem>>, vector<16xi32>,
    %swap3A_444 = vector.shape_cast %swap3A_443 : vector<16xi32> to vector<16xi32>
    %swap3A_445 = vector.shape_cast %add3A_441 : vector<16xi32> to vector<16xi32>
    tpu.vector_store %arg6[%swap3A_442], %swap3A_445 {strides = array<i32>} : memref<128xi32, #tpu.memory_space<vmem>>, vector<16xi32>,
    %iota3A_446 = tpu.iota {dimensions = array<i32: 0>} : vector<16xi32>
    %add3A_447 = arith.constant 96 : i32
    %add3A_448 = arith.addi %add3A_391, %add3A_447 : i32
    %add3A_449 = vector.broadcast %add3A_448 : i32 to vector<16xi32>
    %add3A_450 = arith.addi %iota3A_446, %add3A_449 : vector<16xi32>
    %swap3A_451 = arith.constant 96 : index
    %swap3A_452 = tpu.vector_load %arg6[%swap3A_451] {strides = array<i32>} : memref<128xi32, #tpu.memory_space<vmem>>, vector<16xi32>,
    %swap3A_453 = vector.shape_cast %swap3A_452 : vector<16xi32> to vector<16xi32>
    %swap3A_454 = vector.shape_cast %add3A_450 : vector<16xi32> to vector<16xi32>
    tpu.vector_store %arg6[%swap3A_451], %swap3A_454 {strides = array<i32>} : memref<128xi32, #tpu.memory_space<vmem>>, vector<16xi32>,
    %iota3A_455 = tpu.iota {dimensions = array<i32: 0>} : vector<16xi32>
    %add3A_456 = arith.constant 112 : i32
    %add3A_457 = arith.addi %add3A_391, %add3A_456 : i32
    %add3A_458 = vector.broadcast %add3A_457 : i32 to vector<16xi32>
    %add3A_459 = arith.addi %iota3A_455, %add3A_458 : vector<16xi32>
    %swap3A_460 = arith.constant 112 : index
    %swap3A_461 = tpu.vector_load %arg6[%swap3A_460] {strides = array<i32>} : memref<128xi32, #tpu.memory_space<vmem>>, vector<16xi32>,
    %swap3A_462 = vector.shape_cast %swap3A_461 : vector<16xi32> to vector<16xi32>
    %swap3A_463 = vector.shape_cast %add3A_459 : vector<16xi32> to vector<16xi32>
    tpu.vector_store %arg6[%swap3A_460], %swap3A_463 {strides = array<i32>} : memref<128xi32, #tpu.memory_space<vmem>>, vector<16xi32>,
    "tpu.region"() ({
      %run_scoped3A = tpu.sem_alloc : memref<!tpu.dma_semaphore, #tpu.memory_space<semaphore_mem>>
      %dma_start3A = arith.constant 0 : i32
      %dma_start3A_783 = arith.constant 0 : i32
      %dma_start3A_784 = tpu.memref_slice %arg11[%dma_start3A, %dma_start3A_783] : memref<10240x128xf32, #tpu.memory_space<vmem_shared>> -> memref<10240x128xf32, #tpu.memory_space<vmem_shared>>
      tpu.enqueue_indirect_dma source(%dma_start3A_784 : memref<10240x128xf32, #tpu.memory_space<vmem_shared>>) target(%arg7 : memref<128x128xf32, #tpu.memory_space<vmem>>) offsets(%arg6 : memref<128xi32, #tpu.memory_space<vmem>>) semaphore(%run_scoped3A : memref<!tpu.dma_semaphore, #tpu.memory_space<semaphore_mem>>)
      %dma_wait3A = arith.constant 0 : i32
      %dma_wait3A_785 = arith.constant 0 : i32
      %dma_wait3A_786 = tpu.memref_slice %arg11[%dma_wait3A, %dma_wait3A_785] : memref<10240x128xf32, #tpu.memory_space<vmem_shared>> -> memref<10240x128xf32, #tpu.memory_space<vmem_shared>>
      tpu.wait_indirect_dma semaphore(%run_scoped3A : memref<!tpu.dma_semaphore, #tpu.memory_space<semaphore_mem>>) src(%dma_wait3A_786 : memref<10240x128xf32, #tpu.memory_space<vmem_shared>>) dst(%arg7 : memref<128x128xf32, #tpu.memory_space<vmem>>)
      tpu.yield
    }) : () -> ()
    %mul3A_464 = arith.constant 10240 : i32
    %mul3A_465 = arith.muli %arg0, %mul3A_464 : i32
    %add3A_466 = arith.addi %mul3A_465, %add3A_391 : i32
    "tpu.region"() ({
      %run_scoped3A = tpu.sem_alloc : memref<!tpu.dma_semaphore, #tpu.memory_space<semaphore_mem>>
      %dma_start3A = arith.constant 0 : i32
      %dma_start3A_783 = tpu.memref_slice %arg5[%add3A_466, %dma_start3A] : memref<20480x128xf32, #tpu.memory_space<hbm>> -> memref<128x128xf32, #tpu.memory_space<hbm>>
      %dma_start3A_784 = arith.constant 0 : i32
      %dma_start3A_785 = tpu.memref_slice %arg5[%add3A_466, %dma_start3A_784] : memref<20480x128xf32, #tpu.memory_space<hbm>> -> memref<128x128xf32, #tpu.memory_space<hbm>>
      tpu.enqueue_dma source(%arg7 : memref<128x128xf32, #tpu.memory_space<vmem>>) target(%dma_start3A_785 : memref<128x128xf32, #tpu.memory_space<hbm>>) target_semaphore(%run_scoped3A : memref<!tpu.dma_semaphore, #tpu.memory_space<semaphore_mem>>)
      %dma_wait3A = arith.constant 0 : i32
      %dma_wait3A_786 = tpu.memref_slice %arg5[%add3A_466, %dma_wait3A] : memref<20480x128xf32, #tpu.memory_space<hbm>> -> memref<128x128xf32, #tpu.memory_space<hbm>>
      %dma_wait3A_787 = arith.constant 0 : i32
      %dma_wait3A_788 = tpu.memref_slice %arg5[%add3A_466, %dma_wait3A_787] : memref<20480x128xf32, #tpu.memory_space<hbm>> -> memref<128x128xf32, #tpu.memory_space<hbm>>
      tpu.wait_dma2 semaphore(%run_scoped3A : memref<!tpu.dma_semaphore, #tpu.memory_space<semaphore_mem>>) src(%arg7 : memref<128x128xf32, #tpu.memory_space<vmem>>) dst(%dma_wait3A_788 : memref<128x128xf32, #tpu.memory_space<hbm>>)
      tpu.yield
    }) : () -> ()
    %mul3A_467 = arith.constant 640 : i32
    %mul3A_468 = arith.muli %arg1, %mul3A_467 : i32
    %add3A_469 = arith.constant 128 : i32
    %add3A_470 = arith.addi %mul3A_468, %add3A_469 : i32
    %iota3A_471 = tpu.iota {dimensions = array<i32: 0>} : vector<16xi32>
    %add3A_472 = arith.constant 0 : i32
    %add3A_473 = arith.addi %add3A_470, %add3A_472 : i32
    %add3A_474 = vector.broadcast %add3A_473 : i32 to vector<16xi32>
    %add3A_475 = arith.addi %iota3A_471, %add3A_474 : vector<16xi32>
    %swap3A_476 = arith.constant 0 : index
    %swap3A_477 = tpu.vector_load %arg6[%swap3A_476] {strides = array<i32>} : memref<128xi32, #tpu.memory_space<vmem>>, vector<16xi32>,
    %swap3A_478 = vector.shape_cast %swap3A_477 : vector<16xi32> to vector<16xi32>
    %swap3A_479 = vector.shape_cast %add3A_475 : vector<16xi32> to vector<16xi32>
    tpu.vector_store %arg6[%swap3A_476], %swap3A_479 {strides = array<i32>} : memref<128xi32, #tpu.memory_space<vmem>>, vector<16xi32>,
    %iota3A_480 = tpu.iota {dimensions = array<i32: 0>} : vector<16xi32>
    %add3A_481 = arith.constant 16 : i32
    %add3A_482 = arith.addi %add3A_470, %add3A_481 : i32
    %add3A_483 = vector.broadcast %add3A_482 : i32 to vector<16xi32>
    %add3A_484 = arith.addi %iota3A_480, %add3A_483 : vector<16xi32>
    %swap3A_485 = arith.constant 16 : index
    %swap3A_486 = tpu.vector_load %arg6[%swap3A_485] {strides = array<i32>} : memref<128xi32, #tpu.memory_space<vmem>>, vector<16xi32>,
    %swap3A_487 = vector.shape_cast %swap3A_486 : vector<16xi32> to vector<16xi32>
    %swap3A_488 = vector.shape_cast %add3A_484 : vector<16xi32> to vector<16xi32>
    tpu.vector_store %arg6[%swap3A_485], %swap3A_488 {strides = array<i32>} : memref<128xi32, #tpu.memory_space<vmem>>, vector<16xi32>,
    %iota3A_489 = tpu.iota {dimensions = array<i32: 0>} : vector<16xi32>
    %add3A_490 = arith.constant 32 : i32
    %add3A_491 = arith.addi %add3A_470, %add3A_490 : i32
    %add3A_492 = vector.broadcast %add3A_491 : i32 to vector<16xi32>
    %add3A_493 = arith.addi %iota3A_489, %add3A_492 : vector<16xi32>
    %swap3A_494 = arith.constant 32 : index
    %swap3A_495 = tpu.vector_load %arg6[%swap3A_494] {strides = array<i32>} : memref<128xi32, #tpu.memory_space<vmem>>, vector<16xi32>,
    %swap3A_496 = vector.shape_cast %swap3A_495 : vector<16xi32> to vector<16xi32>
    %swap3A_497 = vector.shape_cast %add3A_493 : vector<16xi32> to vector<16xi32>
    tpu.vector_store %arg6[%swap3A_494], %swap3A_497 {strides = array<i32>} : memref<128xi32, #tpu.memory_space<vmem>>, vector<16xi32>,
    %iota3A_498 = tpu.iota {dimensions = array<i32: 0>} : vector<16xi32>
    %add3A_499 = arith.constant 48 : i32
    %add3A_500 = arith.addi %add3A_470, %add3A_499 : i32
    %add3A_501 = vector.broadcast %add3A_500 : i32 to vector<16xi32>
    %add3A_502 = arith.addi %iota3A_498, %add3A_501 : vector<16xi32>
    %swap3A_503 = arith.constant 48 : index
    %swap3A_504 = tpu.vector_load %arg6[%swap3A_503] {strides = array<i32>} : memref<128xi32, #tpu.memory_space<vmem>>, vector<16xi32>,
    %swap3A_505 = vector.shape_cast %swap3A_504 : vector<16xi32> to vector<16xi32>
    %swap3A_506 = vector.shape_cast %add3A_502 : vector<16xi32> to vector<16xi32>
    tpu.vector_store %arg6[%swap3A_503], %swap3A_506 {strides = array<i32>} : memref<128xi32, #tpu.memory_space<vmem>>, vector<16xi32>,
    %iota3A_507 = tpu.iota {dimensions = array<i32: 0>} : vector<16xi32>
    %add3A_508 = arith.constant 64 : i32
    %add3A_509 = arith.addi %add3A_470, %add3A_508 : i32
    %add3A_510 = vector.broadcast %add3A_509 : i32 to vector<16xi32>
    %add3A_511 = arith.addi %iota3A_507, %add3A_510 : vector<16xi32>
    %swap3A_512 = arith.constant 64 : index
    %swap3A_513 = tpu.vector_load %arg6[%swap3A_512] {strides = array<i32>} : memref<128xi32, #tpu.memory_space<vmem>>, vector<16xi32>,
    %swap3A_514 = vector.shape_cast %swap3A_513 : vector<16xi32> to vector<16xi32>
    %swap3A_515 = vector.shape_cast %add3A_511 : vector<16xi32> to vector<16xi32>
    tpu.vector_store %arg6[%swap3A_512], %swap3A_515 {strides = array<i32>} : memref<128xi32, #tpu.memory_space<vmem>>, vector<16xi32>,
    %iota3A_516 = tpu.iota {dimensions = array<i32: 0>} : vector<16xi32>
    %add3A_517 = arith.constant 80 : i32
    %add3A_518 = arith.addi %add3A_470, %add3A_517 : i32
    %add3A_519 = vector.broadcast %add3A_518 : i32 to vector<16xi32>
    %add3A_520 = arith.addi %iota3A_516, %add3A_519 : vector<16xi32>
    %swap3A_521 = arith.constant 80 : index
    %swap3A_522 = tpu.vector_load %arg6[%swap3A_521] {strides = array<i32>} : memref<128xi32, #tpu.memory_space<vmem>>, vector<16xi32>,
    %swap3A_523 = vector.shape_cast %swap3A_522 : vector<16xi32> to vector<16xi32>
    %swap3A_524 = vector.shape_cast %add3A_520 : vector<16xi32> to vector<16xi32>
    tpu.vector_store %arg6[%swap3A_521], %swap3A_524 {strides = array<i32>} : memref<128xi32, #tpu.memory_space<vmem>>, vector<16xi32>,
    %iota3A_525 = tpu.iota {dimensions = array<i32: 0>} : vector<16xi32>
    %add3A_526 = arith.constant 96 : i32
    %add3A_527 = arith.addi %add3A_470, %add3A_526 : i32
    %add3A_528 = vector.broadcast %add3A_527 : i32 to vector<16xi32>
    %add3A_529 = arith.addi %iota3A_525, %add3A_528 : vector<16xi32>
    %swap3A_530 = arith.constant 96 : index
    %swap3A_531 = tpu.vector_load %arg6[%swap3A_530] {strides = array<i32>} : memref<128xi32, #tpu.memory_space<vmem>>, vector<16xi32>,
    %swap3A_532 = vector.shape_cast %swap3A_531 : vector<16xi32> to vector<16xi32>
    %swap3A_533 = vector.shape_cast %add3A_529 : vector<16xi32> to vector<16xi32>
    tpu.vector_store %arg6[%swap3A_530], %swap3A_533 {strides = array<i32>} : memref<128xi32, #tpu.memory_space<vmem>>, vector<16xi32>,
    %iota3A_534 = tpu.iota {dimensions = array<i32: 0>} : vector<16xi32>
    %add3A_535 = arith.constant 112 : i32
    %add3A_536 = arith.addi %add3A_470, %add3A_535 : i32
    %add3A_537 = vector.broadcast %add3A_536 : i32 to vector<16xi32>
    %add3A_538 = arith.addi %iota3A_534, %add3A_537 : vector<16xi32>
    %swap3A_539 = arith.constant 112 : index
    %swap3A_540 = tpu.vector_load %arg6[%swap3A_539] {strides = array<i32>} : memref<128xi32, #tpu.memory_space<vmem>>, vector<16xi32>,
    %swap3A_541 = vector.shape_cast %swap3A_540 : vector<16xi32> to vector<16xi32>
    %swap3A_542 = vector.shape_cast %add3A_538 : vector<16xi32> to vector<16xi32>
    tpu.vector_store %arg6[%swap3A_539], %swap3A_542 {strides = array<i32>} : memref<128xi32, #tpu.memory_space<vmem>>, vector<16xi32>,
    "tpu.region"() ({
      %run_scoped3A = tpu.sem_alloc : memref<!tpu.dma_semaphore, #tpu.memory_space<semaphore_mem>>
      %dma_start3A = arith.constant 0 : i32
      %dma_start3A_783 = arith.constant 0 : i32
      %dma_start3A_784 = tpu.memref_slice %arg11[%dma_start3A, %dma_start3A_783] : memref<10240x128xf32, #tpu.memory_space<vmem_shared>> -> memref<10240x128xf32, #tpu.memory_space<vmem_shared>>
      tpu.enqueue_indirect_dma source(%dma_start3A_784 : memref<10240x128xf32, #tpu.memory_space<vmem_shared>>) target(%arg7 : memref<128x128xf32, #tpu.memory_space<vmem>>) offsets(%arg6 : memref<128xi32, #tpu.memory_space<vmem>>) semaphore(%run_scoped3A : memref<!tpu.dma_semaphore, #tpu.memory_space<semaphore_mem>>)
      %dma_wait3A = arith.constant 0 : i32
      %dma_wait3A_785 = arith.constant 0 : i32
      %dma_wait3A_786 = tpu.memref_slice %arg11[%dma_wait3A, %dma_wait3A_785] : memref<10240x128xf32, #tpu.memory_space<vmem_shared>> -> memref<10240x128xf32, #tpu.memory_space<vmem_shared>>
      tpu.wait_indirect_dma semaphore(%run_scoped3A : memref<!tpu.dma_semaphore, #tpu.memory_space<semaphore_mem>>) src(%dma_wait3A_786 : memref<10240x128xf32, #tpu.memory_space<vmem_shared>>) dst(%arg7 : memref<128x128xf32, #tpu.memory_space<vmem>>)
      tpu.yield
    }) : () -> ()
    %mul3A_543 = arith.constant 10240 : i32
    %mul3A_544 = arith.muli %arg0, %mul3A_543 : i32
    %add3A_545 = arith.addi %mul3A_544, %add3A_470 : i32
    "tpu.region"() ({
      %run_scoped3A = tpu.sem_alloc : memref<!tpu.dma_semaphore, #tpu.memory_space<semaphore_mem>>
      %dma_start3A = arith.constant 0 : i32
      %dma_start3A_783 = tpu.memref_slice %arg5[%add3A_545, %dma_start3A] : memref<20480x128xf32, #tpu.memory_space<hbm>> -> memref<128x128xf32, #tpu.memory_space<hbm>>
      %dma_start3A_784 = arith.constant 0 : i32
      %dma_start3A_785 = tpu.memref_slice %arg5[%add3A_545, %dma_start3A_784] : memref<20480x128xf32, #tpu.memory_space<hbm>> -> memref<128x128xf32, #tpu.memory_space<hbm>>
      tpu.enqueue_dma source(%arg7 : memref<128x128xf32, #tpu.memory_space<vmem>>) target(%dma_start3A_785 : memref<128x128xf32, #tpu.memory_space<hbm>>) target_semaphore(%run_scoped3A : memref<!tpu.dma_semaphore, #tpu.memory_space<semaphore_mem>>)
      %dma_wait3A = arith.constant 0 : i32
      %dma_wait3A_786 = tpu.memref_slice %arg5[%add3A_545, %dma_wait3A] : memref<20480x128xf32, #tpu.memory_space<hbm>> -> memref<128x128xf32, #tpu.memory_space<hbm>>
      %dma_wait3A_787 = arith.constant 0 : i32
      %dma_wait3A_788 = tpu.memref_slice %arg5[%add3A_545, %dma_wait3A_787] : memref<20480x128xf32, #tpu.memory_space<hbm>> -> memref<128x128xf32, #tpu.memory_space<hbm>>
      tpu.wait_dma2 semaphore(%run_scoped3A : memref<!tpu.dma_semaphore, #tpu.memory_space<semaphore_mem>>) src(%arg7 : memref<128x128xf32, #tpu.memory_space<vmem>>) dst(%dma_wait3A_788 : memref<128x128xf32, #tpu.memory_space<hbm>>)
      tpu.yield
    }) : () -> ()
    %mul3A_546 = arith.constant 640 : i32
    %mul3A_547 = arith.muli %arg1, %mul3A_546 : i32
    %add3A_548 = arith.constant 256 : i32
    %add3A_549 = arith.addi %mul3A_547, %add3A_548 : i32
    %iota3A_550 = tpu.iota {dimensions = array<i32: 0>} : vector<16xi32>
    %add3A_551 = arith.constant 0 : i32
    %add3A_552 = arith.addi %add3A_549, %add3A_551 : i32
    %add3A_553 = vector.broadcast %add3A_552 : i32 to vector<16xi32>
    %add3A_554 = arith.addi %iota3A_550, %add3A_553 : vector<16xi32>
    %swap3A_555 = arith.constant 0 : index
    %swap3A_556 = tpu.vector_load %arg6[%swap3A_555] {strides = array<i32>} : memref<128xi32, #tpu.memory_space<vmem>>, vector<16xi32>,
    %swap3A_557 = vector.shape_cast %swap3A_556 : vector<16xi32> to vector<16xi32>
    %swap3A_558 = vector.shape_cast %add3A_554 : vector<16xi32> to vector<16xi32>
    tpu.vector_store %arg6[%swap3A_555], %swap3A_558 {strides = array<i32>} : memref<128xi32, #tpu.memory_space<vmem>>, vector<16xi32>,
    %iota3A_559 = tpu.iota {dimensions = array<i32: 0>} : vector<16xi32>
    %add3A_560 = arith.constant 16 : i32
    %add3A_561 = arith.addi %add3A_549, %add3A_560 : i32
    %add3A_562 = vector.broadcast %add3A_561 : i32 to vector<16xi32>
    %add3A_563 = arith.addi %iota3A_559, %add3A_562 : vector<16xi32>
    %swap3A_564 = arith.constant 16 : index
    %swap3A_565 = tpu.vector_load %arg6[%swap3A_564] {strides = array<i32>} : memref<128xi32, #tpu.memory_space<vmem>>, vector<16xi32>,
    %swap3A_566 = vector.shape_cast %swap3A_565 : vector<16xi32> to vector<16xi32>
    %swap3A_567 = vector.shape_cast %add3A_563 : vector<16xi32> to vector<16xi32>
    tpu.vector_store %arg6[%swap3A_564], %swap3A_567 {strides = array<i32>} : memref<128xi32, #tpu.memory_space<vmem>>, vector<16xi32>,
    %iota3A_568 = tpu.iota {dimensions = array<i32: 0>} : vector<16xi32>
    %add3A_569 = arith.constant 32 : i32
    %add3A_570 = arith.addi %add3A_549, %add3A_569 : i32
    %add3A_571 = vector.broadcast %add3A_570 : i32 to vector<16xi32>
    %add3A_572 = arith.addi %iota3A_568, %add3A_571 : vector<16xi32>
    %swap3A_573 = arith.constant 32 : index
    %swap3A_574 = tpu.vector_load %arg6[%swap3A_573] {strides = array<i32>} : memref<128xi32, #tpu.memory_space<vmem>>, vector<16xi32>,
    %swap3A_575 = vector.shape_cast %swap3A_574 : vector<16xi32> to vector<16xi32>
    %swap3A_576 = vector.shape_cast %add3A_572 : vector<16xi32> to vector<16xi32>
    tpu.vector_store %arg6[%swap3A_573], %swap3A_576 {strides = array<i32>} : memref<128xi32, #tpu.memory_space<vmem>>, vector<16xi32>,
    %iota3A_577 = tpu.iota {dimensions = array<i32: 0>} : vector<16xi32>
    %add3A_578 = arith.constant 48 : i32
    %add3A_579 = arith.addi %add3A_549, %add3A_578 : i32
    %add3A_580 = vector.broadcast %add3A_579 : i32 to vector<16xi32>
    %add3A_581 = arith.addi %iota3A_577, %add3A_580 : vector<16xi32>
    %swap3A_582 = arith.constant 48 : index
    %swap3A_583 = tpu.vector_load %arg6[%swap3A_582] {strides = array<i32>} : memref<128xi32, #tpu.memory_space<vmem>>, vector<16xi32>,
    %swap3A_584 = vector.shape_cast %swap3A_583 : vector<16xi32> to vector<16xi32>
    %swap3A_585 = vector.shape_cast %add3A_581 : vector<16xi32> to vector<16xi32>
    tpu.vector_store %arg6[%swap3A_582], %swap3A_585 {strides = array<i32>} : memref<128xi32, #tpu.memory_space<vmem>>, vector<16xi32>,
    %iota3A_586 = tpu.iota {dimensions = array<i32: 0>} : vector<16xi32>
    %add3A_587 = arith.constant 64 : i32
    %add3A_588 = arith.addi %add3A_549, %add3A_587 : i32
    %add3A_589 = vector.broadcast %add3A_588 : i32 to vector<16xi32>
    %add3A_590 = arith.addi %iota3A_586, %add3A_589 : vector<16xi32>
    %swap3A_591 = arith.constant 64 : index
    %swap3A_592 = tpu.vector_load %arg6[%swap3A_591] {strides = array<i32>} : memref<128xi32, #tpu.memory_space<vmem>>, vector<16xi32>,
    %swap3A_593 = vector.shape_cast %swap3A_592 : vector<16xi32> to vector<16xi32>
    %swap3A_594 = vector.shape_cast %add3A_590 : vector<16xi32> to vector<16xi32>
    tpu.vector_store %arg6[%swap3A_591], %swap3A_594 {strides = array<i32>} : memref<128xi32, #tpu.memory_space<vmem>>, vector<16xi32>,
    %iota3A_595 = tpu.iota {dimensions = array<i32: 0>} : vector<16xi32>
    %add3A_596 = arith.constant 80 : i32
    %add3A_597 = arith.addi %add3A_549, %add3A_596 : i32
    %add3A_598 = vector.broadcast %add3A_597 : i32 to vector<16xi32>
    %add3A_599 = arith.addi %iota3A_595, %add3A_598 : vector<16xi32>
    %swap3A_600 = arith.constant 80 : index
    %swap3A_601 = tpu.vector_load %arg6[%swap3A_600] {strides = array<i32>} : memref<128xi32, #tpu.memory_space<vmem>>, vector<16xi32>,
    %swap3A_602 = vector.shape_cast %swap3A_601 : vector<16xi32> to vector<16xi32>
    %swap3A_603 = vector.shape_cast %add3A_599 : vector<16xi32> to vector<16xi32>
    tpu.vector_store %arg6[%swap3A_600], %swap3A_603 {strides = array<i32>} : memref<128xi32, #tpu.memory_space<vmem>>, vector<16xi32>,
    %iota3A_604 = tpu.iota {dimensions = array<i32: 0>} : vector<16xi32>
    %add3A_605 = arith.constant 96 : i32
    %add3A_606 = arith.addi %add3A_549, %add3A_605 : i32
    %add3A_607 = vector.broadcast %add3A_606 : i32 to vector<16xi32>
    %add3A_608 = arith.addi %iota3A_604, %add3A_607 : vector<16xi32>
    %swap3A_609 = arith.constant 96 : index
    %swap3A_610 = tpu.vector_load %arg6[%swap3A_609] {strides = array<i32>} : memref<128xi32, #tpu.memory_space<vmem>>, vector<16xi32>,
    %swap3A_611 = vector.shape_cast %swap3A_610 : vector<16xi32> to vector<16xi32>
    %swap3A_612 = vector.shape_cast %add3A_608 : vector<16xi32> to vector<16xi32>
    tpu.vector_store %arg6[%swap3A_609], %swap3A_612 {strides = array<i32>} : memref<128xi32, #tpu.memory_space<vmem>>, vector<16xi32>,
    %iota3A_613 = tpu.iota {dimensions = array<i32: 0>} : vector<16xi32>
    %add3A_614 = arith.constant 112 : i32
    %add3A_615 = arith.addi %add3A_549, %add3A_614 : i32
    %add3A_616 = vector.broadcast %add3A_615 : i32 to vector<16xi32>
    %add3A_617 = arith.addi %iota3A_613, %add3A_616 : vector<16xi32>
    %swap3A_618 = arith.constant 112 : index
    %swap3A_619 = tpu.vector_load %arg6[%swap3A_618] {strides = array<i32>} : memref<128xi32, #tpu.memory_space<vmem>>, vector<16xi32>,
    %swap3A_620 = vector.shape_cast %swap3A_619 : vector<16xi32> to vector<16xi32>
    %swap3A_621 = vector.shape_cast %add3A_617 : vector<16xi32> to vector<16xi32>
    tpu.vector_store %arg6[%swap3A_618], %swap3A_621 {strides = array<i32>} : memref<128xi32, #tpu.memory_space<vmem>>, vector<16xi32>,
    "tpu.region"() ({
      %run_scoped3A = tpu.sem_alloc : memref<!tpu.dma_semaphore, #tpu.memory_space<semaphore_mem>>
      %dma_start3A = arith.constant 0 : i32
      %dma_start3A_783 = arith.constant 0 : i32
      %dma_start3A_784 = tpu.memref_slice %arg11[%dma_start3A, %dma_start3A_783] : memref<10240x128xf32, #tpu.memory_space<vmem_shared>> -> memref<10240x128xf32, #tpu.memory_space<vmem_shared>>
      tpu.enqueue_indirect_dma source(%dma_start3A_784 : memref<10240x128xf32, #tpu.memory_space<vmem_shared>>) target(%arg7 : memref<128x128xf32, #tpu.memory_space<vmem>>) offsets(%arg6 : memref<128xi32, #tpu.memory_space<vmem>>) semaphore(%run_scoped3A : memref<!tpu.dma_semaphore, #tpu.memory_space<semaphore_mem>>)
      %dma_wait3A = arith.constant 0 : i32
      %dma_wait3A_785 = arith.constant 0 : i32
      %dma_wait3A_786 = tpu.memref_slice %arg11[%dma_wait3A, %dma_wait3A_785] : memref<10240x128xf32, #tpu.memory_space<vmem_shared>> -> memref<10240x128xf32, #tpu.memory_space<vmem_shared>>
      tpu.wait_indirect_dma semaphore(%run_scoped3A : memref<!tpu.dma_semaphore, #tpu.memory_space<semaphore_mem>>) src(%dma_wait3A_786 : memref<10240x128xf32, #tpu.memory_space<vmem_shared>>) dst(%arg7 : memref<128x128xf32, #tpu.memory_space<vmem>>)
      tpu.yield
    }) : () -> ()
    %mul3A_622 = arith.constant 10240 : i32
    %mul3A_623 = arith.muli %arg0, %mul3A_622 : i32
    %add3A_624 = arith.addi %mul3A_623, %add3A_549 : i32
    "tpu.region"() ({
      %run_scoped3A = tpu.sem_alloc : memref<!tpu.dma_semaphore, #tpu.memory_space<semaphore_mem>>
      %dma_start3A = arith.constant 0 : i32
      %dma_start3A_783 = tpu.memref_slice %arg5[%add3A_624, %dma_start3A] : memref<20480x128xf32, #tpu.memory_space<hbm>> -> memref<128x128xf32, #tpu.memory_space<hbm>>
      %dma_start3A_784 = arith.constant 0 : i32
      %dma_start3A_785 = tpu.memref_slice %arg5[%add3A_624, %dma_start3A_784] : memref<20480x128xf32, #tpu.memory_space<hbm>> -> memref<128x128xf32, #tpu.memory_space<hbm>>
      tpu.enqueue_dma source(%arg7 : memref<128x128xf32, #tpu.memory_space<vmem>>) target(%dma_start3A_785 : memref<128x128xf32, #tpu.memory_space<hbm>>) target_semaphore(%run_scoped3A : memref<!tpu.dma_semaphore, #tpu.memory_space<semaphore_mem>>)
      %dma_wait3A = arith.constant 0 : i32
      %dma_wait3A_786 = tpu.memref_slice %arg5[%add3A_624, %dma_wait3A] : memref<20480x128xf32, #tpu.memory_space<hbm>> -> memref<128x128xf32, #tpu.memory_space<hbm>>
      %dma_wait3A_787 = arith.constant 0 : i32
      %dma_wait3A_788 = tpu.memref_slice %arg5[%add3A_624, %dma_wait3A_787] : memref<20480x128xf32, #tpu.memory_space<hbm>> -> memref<128x128xf32, #tpu.memory_space<hbm>>
      tpu.wait_dma2 semaphore(%run_scoped3A : memref<!tpu.dma_semaphore, #tpu.memory_space<semaphore_mem>>) src(%arg7 : memref<128x128xf32, #tpu.memory_space<vmem>>) dst(%dma_wait3A_788 : memref<128x128xf32, #tpu.memory_space<hbm>>)
      tpu.yield
    }) : () -> ()
    %mul3A_625 = arith.constant 640 : i32
    %mul3A_626 = arith.muli %arg1, %mul3A_625 : i32
    %add3A_627 = arith.constant 384 : i32
    %add3A_628 = arith.addi %mul3A_626, %add3A_627 : i32
    %iota3A_629 = tpu.iota {dimensions = array<i32: 0>} : vector<16xi32>
    %add3A_630 = arith.constant 0 : i32
    %add3A_631 = arith.addi %add3A_628, %add3A_630 : i32
    %add3A_632 = vector.broadcast %add3A_631 : i32 to vector<16xi32>
    %add3A_633 = arith.addi %iota3A_629, %add3A_632 : vector<16xi32>
    %swap3A_634 = arith.constant 0 : index
    %swap3A_635 = tpu.vector_load %arg6[%swap3A_634] {strides = array<i32>} : memref<128xi32, #tpu.memory_space<vmem>>, vector<16xi32>,
    %swap3A_636 = vector.shape_cast %swap3A_635 : vector<16xi32> to vector<16xi32>
    %swap3A_637 = vector.shape_cast %add3A_633 : vector<16xi32> to vector<16xi32>
    tpu.vector_store %arg6[%swap3A_634], %swap3A_637 {strides = array<i32>} : memref<128xi32, #tpu.memory_space<vmem>>, vector<16xi32>,
    %iota3A_638 = tpu.iota {dimensions = array<i32: 0>} : vector<16xi32>
    %add3A_639 = arith.constant 16 : i32
    %add3A_640 = arith.addi %add3A_628, %add3A_639 : i32
    %add3A_641 = vector.broadcast %add3A_640 : i32 to vector<16xi32>
    %add3A_642 = arith.addi %iota3A_638, %add3A_641 : vector<16xi32>
    %swap3A_643 = arith.constant 16 : index
    %swap3A_644 = tpu.vector_load %arg6[%swap3A_643] {strides = array<i32>} : memref<128xi32, #tpu.memory_space<vmem>>, vector<16xi32>,
    %swap3A_645 = vector.shape_cast %swap3A_644 : vector<16xi32> to vector<16xi32>
    %swap3A_646 = vector.shape_cast %add3A_642 : vector<16xi32> to vector<16xi32>
    tpu.vector_store %arg6[%swap3A_643], %swap3A_646 {strides = array<i32>} : memref<128xi32, #tpu.memory_space<vmem>>, vector<16xi32>,
    %iota3A_647 = tpu.iota {dimensions = array<i32: 0>} : vector<16xi32>
    %add3A_648 = arith.constant 32 : i32
    %add3A_649 = arith.addi %add3A_628, %add3A_648 : i32
    %add3A_650 = vector.broadcast %add3A_649 : i32 to vector<16xi32>
    %add3A_651 = arith.addi %iota3A_647, %add3A_650 : vector<16xi32>
    %swap3A_652 = arith.constant 32 : index
    %swap3A_653 = tpu.vector_load %arg6[%swap3A_652] {strides = array<i32>} : memref<128xi32, #tpu.memory_space<vmem>>, vector<16xi32>,
    %swap3A_654 = vector.shape_cast %swap3A_653 : vector<16xi32> to vector<16xi32>
    %swap3A_655 = vector.shape_cast %add3A_651 : vector<16xi32> to vector<16xi32>
    tpu.vector_store %arg6[%swap3A_652], %swap3A_655 {strides = array<i32>} : memref<128xi32, #tpu.memory_space<vmem>>, vector<16xi32>,
    %iota3A_656 = tpu.iota {dimensions = array<i32: 0>} : vector<16xi32>
    %add3A_657 = arith.constant 48 : i32
    %add3A_658 = arith.addi %add3A_628, %add3A_657 : i32
    %add3A_659 = vector.broadcast %add3A_658 : i32 to vector<16xi32>
    %add3A_660 = arith.addi %iota3A_656, %add3A_659 : vector<16xi32>
    %swap3A_661 = arith.constant 48 : index
    %swap3A_662 = tpu.vector_load %arg6[%swap3A_661] {strides = array<i32>} : memref<128xi32, #tpu.memory_space<vmem>>, vector<16xi32>,
    %swap3A_663 = vector.shape_cast %swap3A_662 : vector<16xi32> to vector<16xi32>
    %swap3A_664 = vector.shape_cast %add3A_660 : vector<16xi32> to vector<16xi32>
    tpu.vector_store %arg6[%swap3A_661], %swap3A_664 {strides = array<i32>} : memref<128xi32, #tpu.memory_space<vmem>>, vector<16xi32>,
    %iota3A_665 = tpu.iota {dimensions = array<i32: 0>} : vector<16xi32>
    %add3A_666 = arith.constant 64 : i32
    %add3A_667 = arith.addi %add3A_628, %add3A_666 : i32
    %add3A_668 = vector.broadcast %add3A_667 : i32 to vector<16xi32>
    %add3A_669 = arith.addi %iota3A_665, %add3A_668 : vector<16xi32>
    %swap3A_670 = arith.constant 64 : index
    %swap3A_671 = tpu.vector_load %arg6[%swap3A_670] {strides = array<i32>} : memref<128xi32, #tpu.memory_space<vmem>>, vector<16xi32>,
    %swap3A_672 = vector.shape_cast %swap3A_671 : vector<16xi32> to vector<16xi32>
    %swap3A_673 = vector.shape_cast %add3A_669 : vector<16xi32> to vector<16xi32>
    tpu.vector_store %arg6[%swap3A_670], %swap3A_673 {strides = array<i32>} : memref<128xi32, #tpu.memory_space<vmem>>, vector<16xi32>,
    %iota3A_674 = tpu.iota {dimensions = array<i32: 0>} : vector<16xi32>
    %add3A_675 = arith.constant 80 : i32
    %add3A_676 = arith.addi %add3A_628, %add3A_675 : i32
    %add3A_677 = vector.broadcast %add3A_676 : i32 to vector<16xi32>
    %add3A_678 = arith.addi %iota3A_674, %add3A_677 : vector<16xi32>
    %swap3A_679 = arith.constant 80 : index
    %swap3A_680 = tpu.vector_load %arg6[%swap3A_679] {strides = array<i32>} : memref<128xi32, #tpu.memory_space<vmem>>, vector<16xi32>,
    %swap3A_681 = vector.shape_cast %swap3A_680 : vector<16xi32> to vector<16xi32>
    %swap3A_682 = vector.shape_cast %add3A_678 : vector<16xi32> to vector<16xi32>
    tpu.vector_store %arg6[%swap3A_679], %swap3A_682 {strides = array<i32>} : memref<128xi32, #tpu.memory_space<vmem>>, vector<16xi32>,
    %iota3A_683 = tpu.iota {dimensions = array<i32: 0>} : vector<16xi32>
    %add3A_684 = arith.constant 96 : i32
    %add3A_685 = arith.addi %add3A_628, %add3A_684 : i32
    %add3A_686 = vector.broadcast %add3A_685 : i32 to vector<16xi32>
    %add3A_687 = arith.addi %iota3A_683, %add3A_686 : vector<16xi32>
    %swap3A_688 = arith.constant 96 : index
    %swap3A_689 = tpu.vector_load %arg6[%swap3A_688] {strides = array<i32>} : memref<128xi32, #tpu.memory_space<vmem>>, vector<16xi32>,
    %swap3A_690 = vector.shape_cast %swap3A_689 : vector<16xi32> to vector<16xi32>
    %swap3A_691 = vector.shape_cast %add3A_687 : vector<16xi32> to vector<16xi32>
    tpu.vector_store %arg6[%swap3A_688], %swap3A_691 {strides = array<i32>} : memref<128xi32, #tpu.memory_space<vmem>>, vector<16xi32>,
    %iota3A_692 = tpu.iota {dimensions = array<i32: 0>} : vector<16xi32>
    %add3A_693 = arith.constant 112 : i32
    %add3A_694 = arith.addi %add3A_628, %add3A_693 : i32
    %add3A_695 = vector.broadcast %add3A_694 : i32 to vector<16xi32>
    %add3A_696 = arith.addi %iota3A_692, %add3A_695 : vector<16xi32>
    %swap3A_697 = arith.constant 112 : index
    %swap3A_698 = tpu.vector_load %arg6[%swap3A_697] {strides = array<i32>} : memref<128xi32, #tpu.memory_space<vmem>>, vector<16xi32>,
    %swap3A_699 = vector.shape_cast %swap3A_698 : vector<16xi32> to vector<16xi32>
    %swap3A_700 = vector.shape_cast %add3A_696 : vector<16xi32> to vector<16xi32>
    tpu.vector_store %arg6[%swap3A_697], %swap3A_700 {strides = array<i32>} : memref<128xi32, #tpu.memory_space<vmem>>, vector<16xi32>,
    "tpu.region"() ({
      %run_scoped3A = tpu.sem_alloc : memref<!tpu.dma_semaphore, #tpu.memory_space<semaphore_mem>>
      %dma_start3A = arith.constant 0 : i32
      %dma_start3A_783 = arith.constant 0 : i32
      %dma_start3A_784 = tpu.memref_slice %arg11[%dma_start3A, %dma_start3A_783] : memref<10240x128xf32, #tpu.memory_space<vmem_shared>> -> memref<10240x128xf32, #tpu.memory_space<vmem_shared>>
      tpu.enqueue_indirect_dma source(%dma_start3A_784 : memref<10240x128xf32, #tpu.memory_space<vmem_shared>>) target(%arg7 : memref<128x128xf32, #tpu.memory_space<vmem>>) offsets(%arg6 : memref<128xi32, #tpu.memory_space<vmem>>) semaphore(%run_scoped3A : memref<!tpu.dma_semaphore, #tpu.memory_space<semaphore_mem>>)
      %dma_wait3A = arith.constant 0 : i32
      %dma_wait3A_785 = arith.constant 0 : i32
      %dma_wait3A_786 = tpu.memref_slice %arg11[%dma_wait3A, %dma_wait3A_785] : memref<10240x128xf32, #tpu.memory_space<vmem_shared>> -> memref<10240x128xf32, #tpu.memory_space<vmem_shared>>
      tpu.wait_indirect_dma semaphore(%run_scoped3A : memref<!tpu.dma_semaphore, #tpu.memory_space<semaphore_mem>>) src(%dma_wait3A_786 : memref<10240x128xf32, #tpu.memory_space<vmem_shared>>) dst(%arg7 : memref<128x128xf32, #tpu.memory_space<vmem>>)
      tpu.yield
    }) : () -> ()
    %mul3A_701 = arith.constant 10240 : i32
    %mul3A_702 = arith.muli %arg0, %mul3A_701 : i32
    %add3A_703 = arith.addi %mul3A_702, %add3A_628 : i32
    "tpu.region"() ({
      %run_scoped3A = tpu.sem_alloc : memref<!tpu.dma_semaphore, #tpu.memory_space<semaphore_mem>>
      %dma_start3A = arith.constant 0 : i32
      %dma_start3A_783 = tpu.memref_slice %arg5[%add3A_703, %dma_start3A] : memref<20480x128xf32, #tpu.memory_space<hbm>> -> memref<128x128xf32, #tpu.memory_space<hbm>>
      %dma_start3A_784 = arith.constant 0 : i32
      %dma_start3A_785 = tpu.memref_slice %arg5[%add3A_703, %dma_start3A_784] : memref<20480x128xf32, #tpu.memory_space<hbm>> -> memref<128x128xf32, #tpu.memory_space<hbm>>
      tpu.enqueue_dma source(%arg7 : memref<128x128xf32, #tpu.memory_space<vmem>>) target(%dma_start3A_785 : memref<128x128xf32, #tpu.memory_space<hbm>>) target_semaphore(%run_scoped3A : memref<!tpu.dma_semaphore, #tpu.memory_space<semaphore_mem>>)
      %dma_wait3A = arith.constant 0 : i32
      %dma_wait3A_786 = tpu.memref_slice %arg5[%add3A_703, %dma_wait3A] : memref<20480x128xf32, #tpu.memory_space<hbm>> -> memref<128x128xf32, #tpu.memory_space<hbm>>
      %dma_wait3A_787 = arith.constant 0 : i32
      %dma_wait3A_788 = tpu.memref_slice %arg5[%add3A_703, %dma_wait3A_787] : memref<20480x128xf32, #tpu.memory_space<hbm>> -> memref<128x128xf32, #tpu.memory_space<hbm>>
      tpu.wait_dma2 semaphore(%run_scoped3A : memref<!tpu.dma_semaphore, #tpu.memory_space<semaphore_mem>>) src(%arg7 : memref<128x128xf32, #tpu.memory_space<vmem>>) dst(%dma_wait3A_788 : memref<128x128xf32, #tpu.memory_space<hbm>>)
      tpu.yield
    }) : () -> ()
    %mul3A_704 = arith.constant 640 : i32
    %mul3A_705 = arith.muli %arg1, %mul3A_704 : i32
    %add3A_706 = arith.constant 512 : i32
    %add3A_707 = arith.addi %mul3A_705, %add3A_706 : i32
    %iota3A_708 = tpu.iota {dimensions = array<i32: 0>} : vector<16xi32>
    %add3A_709 = arith.constant 0 : i32
    %add3A_710 = arith.addi %add3A_707, %add3A_709 : i32
    %add3A_711 = vector.broadcast %add3A_710 : i32 to vector<16xi32>
    %add3A_712 = arith.addi %iota3A_708, %add3A_711 : vector<16xi32>
    %swap3A_713 = arith.constant 0 : index
    %swap3A_714 = tpu.vector_load %arg6[%swap3A_713] {strides = array<i32>} : memref<128xi32, #tpu.memory_space<vmem>>, vector<16xi32>,
    %swap3A_715 = vector.shape_cast %swap3A_714 : vector<16xi32> to vector<16xi32>
    %swap3A_716 = vector.shape_cast %add3A_712 : vector<16xi32> to vector<16xi32>
    tpu.vector_store %arg6[%swap3A_713], %swap3A_716 {strides = array<i32>} : memref<128xi32, #tpu.memory_space<vmem>>, vector<16xi32>,
    %iota3A_717 = tpu.iota {dimensions = array<i32: 0>} : vector<16xi32>
    %add3A_718 = arith.constant 16 : i32
    %add3A_719 = arith.addi %add3A_707, %add3A_718 : i32
    %add3A_720 = vector.broadcast %add3A_719 : i32 to vector<16xi32>
    %add3A_721 = arith.addi %iota3A_717, %add3A_720 : vector<16xi32>
    %swap3A_722 = arith.constant 16 : index
    %swap3A_723 = tpu.vector_load %arg6[%swap3A_722] {strides = array<i32>} : memref<128xi32, #tpu.memory_space<vmem>>, vector<16xi32>,
    %swap3A_724 = vector.shape_cast %swap3A_723 : vector<16xi32> to vector<16xi32>
    %swap3A_725 = vector.shape_cast %add3A_721 : vector<16xi32> to vector<16xi32>
    tpu.vector_store %arg6[%swap3A_722], %swap3A_725 {strides = array<i32>} : memref<128xi32, #tpu.memory_space<vmem>>, vector<16xi32>,
    %iota3A_726 = tpu.iota {dimensions = array<i32: 0>} : vector<16xi32>
    %add3A_727 = arith.constant 32 : i32
    %add3A_728 = arith.addi %add3A_707, %add3A_727 : i32
    %add3A_729 = vector.broadcast %add3A_728 : i32 to vector<16xi32>
    %add3A_730 = arith.addi %iota3A_726, %add3A_729 : vector<16xi32>
    %swap3A_731 = arith.constant 32 : index
    %swap3A_732 = tpu.vector_load %arg6[%swap3A_731] {strides = array<i32>} : memref<128xi32, #tpu.memory_space<vmem>>, vector<16xi32>,
    %swap3A_733 = vector.shape_cast %swap3A_732 : vector<16xi32> to vector<16xi32>
    %swap3A_734 = vector.shape_cast %add3A_730 : vector<16xi32> to vector<16xi32>
    tpu.vector_store %arg6[%swap3A_731], %swap3A_734 {strides = array<i32>} : memref<128xi32, #tpu.memory_space<vmem>>, vector<16xi32>,
    %iota3A_735 = tpu.iota {dimensions = array<i32: 0>} : vector<16xi32>
    %add3A_736 = arith.constant 48 : i32
    %add3A_737 = arith.addi %add3A_707, %add3A_736 : i32
    %add3A_738 = vector.broadcast %add3A_737 : i32 to vector<16xi32>
    %add3A_739 = arith.addi %iota3A_735, %add3A_738 : vector<16xi32>
    %swap3A_740 = arith.constant 48 : index
    %swap3A_741 = tpu.vector_load %arg6[%swap3A_740] {strides = array<i32>} : memref<128xi32, #tpu.memory_space<vmem>>, vector<16xi32>,
    %swap3A_742 = vector.shape_cast %swap3A_741 : vector<16xi32> to vector<16xi32>
    %swap3A_743 = vector.shape_cast %add3A_739 : vector<16xi32> to vector<16xi32>
    tpu.vector_store %arg6[%swap3A_740], %swap3A_743 {strides = array<i32>} : memref<128xi32, #tpu.memory_space<vmem>>, vector<16xi32>,
    %iota3A_744 = tpu.iota {dimensions = array<i32: 0>} : vector<16xi32>
    %add3A_745 = arith.constant 64 : i32
    %add3A_746 = arith.addi %add3A_707, %add3A_745 : i32
    %add3A_747 = vector.broadcast %add3A_746 : i32 to vector<16xi32>
    %add3A_748 = arith.addi %iota3A_744, %add3A_747 : vector<16xi32>
    %swap3A_749 = arith.constant 64 : index
    %swap3A_750 = tpu.vector_load %arg6[%swap3A_749] {strides = array<i32>} : memref<128xi32, #tpu.memory_space<vmem>>, vector<16xi32>,
    %swap3A_751 = vector.shape_cast %swap3A_750 : vector<16xi32> to vector<16xi32>
    %swap3A_752 = vector.shape_cast %add3A_748 : vector<16xi32> to vector<16xi32>
    tpu.vector_store %arg6[%swap3A_749], %swap3A_752 {strides = array<i32>} : memref<128xi32, #tpu.memory_space<vmem>>, vector<16xi32>,
    %iota3A_753 = tpu.iota {dimensions = array<i32: 0>} : vector<16xi32>
    %add3A_754 = arith.constant 80 : i32
    %add3A_755 = arith.addi %add3A_707, %add3A_754 : i32
    %add3A_756 = vector.broadcast %add3A_755 : i32 to vector<16xi32>
    %add3A_757 = arith.addi %iota3A_753, %add3A_756 : vector<16xi32>
    %swap3A_758 = arith.constant 80 : index
    %swap3A_759 = tpu.vector_load %arg6[%swap3A_758] {strides = array<i32>} : memref<128xi32, #tpu.memory_space<vmem>>, vector<16xi32>,
    %swap3A_760 = vector.shape_cast %swap3A_759 : vector<16xi32> to vector<16xi32>
    %swap3A_761 = vector.shape_cast %add3A_757 : vector<16xi32> to vector<16xi32>
    tpu.vector_store %arg6[%swap3A_758], %swap3A_761 {strides = array<i32>} : memref<128xi32, #tpu.memory_space<vmem>>, vector<16xi32>,
    %iota3A_762 = tpu.iota {dimensions = array<i32: 0>} : vector<16xi32>
    %add3A_763 = arith.constant 96 : i32
    %add3A_764 = arith.addi %add3A_707, %add3A_763 : i32
    %add3A_765 = vector.broadcast %add3A_764 : i32 to vector<16xi32>
    %add3A_766 = arith.addi %iota3A_762, %add3A_765 : vector<16xi32>
    %swap3A_767 = arith.constant 96 : index
    %swap3A_768 = tpu.vector_load %arg6[%swap3A_767] {strides = array<i32>} : memref<128xi32, #tpu.memory_space<vmem>>, vector<16xi32>,
    %swap3A_769 = vector.shape_cast %swap3A_768 : vector<16xi32> to vector<16xi32>
    %swap3A_770 = vector.shape_cast %add3A_766 : vector<16xi32> to vector<16xi32>
    tpu.vector_store %arg6[%swap3A_767], %swap3A_770 {strides = array<i32>} : memref<128xi32, #tpu.memory_space<vmem>>, vector<16xi32>,
    %iota3A_771 = tpu.iota {dimensions = array<i32: 0>} : vector<16xi32>
    %add3A_772 = arith.constant 112 : i32
    %add3A_773 = arith.addi %add3A_707, %add3A_772 : i32
    %add3A_774 = vector.broadcast %add3A_773 : i32 to vector<16xi32>
    %add3A_775 = arith.addi %iota3A_771, %add3A_774 : vector<16xi32>
    %swap3A_776 = arith.constant 112 : index
    %swap3A_777 = tpu.vector_load %arg6[%swap3A_776] {strides = array<i32>} : memref<128xi32, #tpu.memory_space<vmem>>, vector<16xi32>,
    %swap3A_778 = vector.shape_cast %swap3A_777 : vector<16xi32> to vector<16xi32>
    %swap3A_779 = vector.shape_cast %add3A_775 : vector<16xi32> to vector<16xi32>
    tpu.vector_store %arg6[%swap3A_776], %swap3A_779 {strides = array<i32>} : memref<128xi32, #tpu.memory_space<vmem>>, vector<16xi32>,
    "tpu.region"() ({
      %run_scoped3A = tpu.sem_alloc : memref<!tpu.dma_semaphore, #tpu.memory_space<semaphore_mem>>
      %dma_start3A = arith.constant 0 : i32
      %dma_start3A_783 = arith.constant 0 : i32
      %dma_start3A_784 = tpu.memref_slice %arg11[%dma_start3A, %dma_start3A_783] : memref<10240x128xf32, #tpu.memory_space<vmem_shared>> -> memref<10240x128xf32, #tpu.memory_space<vmem_shared>>
      tpu.enqueue_indirect_dma source(%dma_start3A_784 : memref<10240x128xf32, #tpu.memory_space<vmem_shared>>) target(%arg7 : memref<128x128xf32, #tpu.memory_space<vmem>>) offsets(%arg6 : memref<128xi32, #tpu.memory_space<vmem>>) semaphore(%run_scoped3A : memref<!tpu.dma_semaphore, #tpu.memory_space<semaphore_mem>>)
      %dma_wait3A = arith.constant 0 : i32
      %dma_wait3A_785 = arith.constant 0 : i32
      %dma_wait3A_786 = tpu.memref_slice %arg11[%dma_wait3A, %dma_wait3A_785] : memref<10240x128xf32, #tpu.memory_space<vmem_shared>> -> memref<10240x128xf32, #tpu.memory_space<vmem_shared>>
      tpu.wait_indirect_dma semaphore(%run_scoped3A : memref<!tpu.dma_semaphore, #tpu.memory_space<semaphore_mem>>) src(%dma_wait3A_786 : memref<10240x128xf32, #tpu.memory_space<vmem_shared>>) dst(%arg7 : memref<128x128xf32, #tpu.memory_space<vmem>>)
      tpu.yield
    }) : () -> ()
    %mul3A_780 = arith.constant 10240 : i32
    %mul3A_781 = arith.muli %arg0, %mul3A_780 : i32
    %add3A_782 = arith.addi %mul3A_781, %add3A_707 : i32
    "tpu.region"() ({
      %run_scoped3A = tpu.sem_alloc : memref<!tpu.dma_semaphore, #tpu.memory_space<semaphore_mem>>
      %dma_start3A = arith.constant 0 : i32
      %dma_start3A_783 = tpu.memref_slice %arg5[%add3A_782, %dma_start3A] : memref<20480x128xf32, #tpu.memory_space<hbm>> -> memref<128x128xf32, #tpu.memory_space<hbm>>
      %dma_start3A_784 = arith.constant 0 : i32
      %dma_start3A_785 = tpu.memref_slice %arg5[%add3A_782, %dma_start3A_784] : memref<20480x128xf32, #tpu.memory_space<hbm>> -> memref<128x128xf32, #tpu.memory_space<hbm>>
      tpu.enqueue_dma source(%arg7 : memref<128x128xf32, #tpu.memory_space<vmem>>) target(%dma_start3A_785 : memref<128x128xf32, #tpu.memory_space<hbm>>) target_semaphore(%run_scoped3A : memref<!tpu.dma_semaphore, #tpu.memory_space<semaphore_mem>>)
      %dma_wait3A = arith.constant 0 : i32
      %dma_wait3A_786 = tpu.memref_slice %arg5[%add3A_782, %dma_wait3A] : memref<20480x128xf32, #tpu.memory_space<hbm>> -> memref<128x128xf32, #tpu.memory_space<hbm>>
      %dma_wait3A_787 = arith.constant 0 : i32
      %dma_wait3A_788 = tpu.memref_slice %arg5[%add3A_782, %dma_wait3A_787] : memref<20480x128xf32, #tpu.memory_space<hbm>> -> memref<128x128xf32, #tpu.memory_space<hbm>>
      tpu.wait_dma2 semaphore(%run_scoped3A : memref<!tpu.dma_semaphore, #tpu.memory_space<semaphore_mem>>) src(%arg7 : memref<128x128xf32, #tpu.memory_space<vmem>>) dst(%dma_wait3A_788 : memref<128x128xf32, #tpu.memory_space<hbm>>)
      tpu.yield
    }) : () -> ()
    return
  }
}

#map = affine_map<(d0, d1) -> (0, 0)>
#map1 = affine_map<(d0, d1) -> (0)>
module attributes {stable_mosaic.version = 14 : i64} {
  func.func @k(%arg0: i32, %arg1: i32, %arg2: memref<10240x128xf32, #tpu.memory_space<hbm>>, %arg3: memref<320000xi32, #tpu.memory_space<hbm>>, %arg4: memref<320000xi32, #tpu.memory_space<hbm>>, %arg5: memref<128x128xf32, #tpu.memory_space<hbm>>, %arg6: memref<20480x128xf32, #tpu.memory_space<hbm>>, %arg7: memref<128xi32, #tpu.memory_space<vmem>>, %arg8: memref<128xi32, #tpu.memory_space<vmem>>, %arg9: memref<128xi32, #tpu.memory_space<vmem>>, %arg10: memref<128xi32, #tpu.memory_space<vmem>>, %arg11: memref<128x128xf32, #tpu.memory_space<vmem>>, %arg12: memref<128x128xf32, #tpu.memory_space<vmem>>, %arg13: memref<16xi32, #tpu.memory_space<vmem>>, %arg14: memref<16xi32, #tpu.memory_space<vmem>>, %arg15: memref<16x128xf32, #tpu.memory_space<vmem>>, %arg16: memref<!tpu.dma_semaphore, #tpu.memory_space<semaphore_mem>>, %arg17: memref<!tpu.dma_semaphore, #tpu.memory_space<semaphore_mem>>, %arg18: memref<10240x128xf32, #tpu.memory_space<vmem_shared>>) attributes {dimension_semantics = [#tpu.dimension_semantics<core_parallel>, #tpu.dimension_semantics<subcore_parallel>], iteration_bounds = array<i64: 2, 16>, scalar_prefetch = 0 : i64, scratch_operands = 12 : i64, tpu.core_type = #tpu.core_type<sc_vector_subcore>, window_params = [{transform_indices = #map}, {transform_indices = #map1}, {transform_indices = #map1}, {transform_indices = #map}, {transform_indices = #map}]} {
    %mul3A = arith.constant 2 : i32
    %mul3A_0 = arith.muli %arg1, %mul3A : i32
    %add3A = arith.addi %mul3A_0, %arg0 : i32
    "tpu.region"() ({
      %run_scoped3A = tpu.sem_alloc : memref<!tpu.dma_semaphore, #tpu.memory_space<semaphore_mem>>
      tpu.enqueue_dma source(%arg5 : memref<128x128xf32, #tpu.memory_space<hbm>>) target(%arg11 : memref<128x128xf32, #tpu.memory_space<vmem>>) target_semaphore(%run_scoped3A : memref<!tpu.dma_semaphore, #tpu.memory_space<semaphore_mem>>)
      tpu.wait_dma2 semaphore(%run_scoped3A : memref<!tpu.dma_semaphore, #tpu.memory_space<semaphore_mem>>) src(%arg5 : memref<128x128xf32, #tpu.memory_space<hbm>>) dst(%arg11 : memref<128x128xf32, #tpu.memory_space<vmem>>)
      tpu.yield
    }) : () -> ()
    %mul3A_1 = arith.constant 640 : i32
    %mul3A_2 = arith.muli %arg1, %mul3A_1 : i32
    %add3A_3 = arith.constant 0 : i32
    %add3A_4 = arith.addi %mul3A_2, %add3A_3 : i32
    %iota3A = tpu.iota {dimensions = array<i32: 0>} : vector<16xi32>
    %add3A_5 = arith.constant 0 : i32
    %add3A_6 = arith.addi %add3A_4, %add3A_5 : i32
    %add3A_7 = vector.broadcast %add3A_6 : i32 to vector<16xi32>
    %add3A_8 = arith.addi %iota3A, %add3A_7 : vector<16xi32>
    %swap3A = arith.constant 0 : index
    %swap3A_9 = tpu.vector_load %arg7[%swap3A] {strides = array<i32>} : memref<128xi32, #tpu.memory_space<vmem>>, vector<16xi32>,
    %swap3A_10 = vector.shape_cast %swap3A_9 : vector<16xi32> to vector<16xi32>
    %swap3A_11 = vector.shape_cast %add3A_8 : vector<16xi32> to vector<16xi32>
    tpu.vector_store %arg7[%swap3A], %swap3A_11 {strides = array<i32>} : memref<128xi32, #tpu.memory_space<vmem>>, vector<16xi32>,
    %iota3A_12 = tpu.iota {dimensions = array<i32: 0>} : vector<16xi32>
    %add3A_13 = arith.constant 16 : i32
    %add3A_14 = arith.addi %add3A_4, %add3A_13 : i32
    %add3A_15 = vector.broadcast %add3A_14 : i32 to vector<16xi32>
    %add3A_16 = arith.addi %iota3A_12, %add3A_15 : vector<16xi32>
    %swap3A_17 = arith.constant 16 : index
    %swap3A_18 = tpu.vector_load %arg7[%swap3A_17] {strides = array<i32>} : memref<128xi32, #tpu.memory_space<vmem>>, vector<16xi32>,
    %swap3A_19 = vector.shape_cast %swap3A_18 : vector<16xi32> to vector<16xi32>
    %swap3A_20 = vector.shape_cast %add3A_16 : vector<16xi32> to vector<16xi32>
    tpu.vector_store %arg7[%swap3A_17], %swap3A_20 {strides = array<i32>} : memref<128xi32, #tpu.memory_space<vmem>>, vector<16xi32>,
    %iota3A_21 = tpu.iota {dimensions = array<i32: 0>} : vector<16xi32>
    %add3A_22 = arith.constant 32 : i32
    %add3A_23 = arith.addi %add3A_4, %add3A_22 : i32
    %add3A_24 = vector.broadcast %add3A_23 : i32 to vector<16xi32>
    %add3A_25 = arith.addi %iota3A_21, %add3A_24 : vector<16xi32>
    %swap3A_26 = arith.constant 32 : index
    %swap3A_27 = tpu.vector_load %arg7[%swap3A_26] {strides = array<i32>} : memref<128xi32, #tpu.memory_space<vmem>>, vector<16xi32>,
    %swap3A_28 = vector.shape_cast %swap3A_27 : vector<16xi32> to vector<16xi32>
    %swap3A_29 = vector.shape_cast %add3A_25 : vector<16xi32> to vector<16xi32>
    tpu.vector_store %arg7[%swap3A_26], %swap3A_29 {strides = array<i32>} : memref<128xi32, #tpu.memory_space<vmem>>, vector<16xi32>,
    %iota3A_30 = tpu.iota {dimensions = array<i32: 0>} : vector<16xi32>
    %add3A_31 = arith.constant 48 : i32
    %add3A_32 = arith.addi %add3A_4, %add3A_31 : i32
    %add3A_33 = vector.broadcast %add3A_32 : i32 to vector<16xi32>
    %add3A_34 = arith.addi %iota3A_30, %add3A_33 : vector<16xi32>
    %swap3A_35 = arith.constant 48 : index
    %swap3A_36 = tpu.vector_load %arg7[%swap3A_35] {strides = array<i32>} : memref<128xi32, #tpu.memory_space<vmem>>, vector<16xi32>,
    %swap3A_37 = vector.shape_cast %swap3A_36 : vector<16xi32> to vector<16xi32>
    %swap3A_38 = vector.shape_cast %add3A_34 : vector<16xi32> to vector<16xi32>
    tpu.vector_store %arg7[%swap3A_35], %swap3A_38 {strides = array<i32>} : memref<128xi32, #tpu.memory_space<vmem>>, vector<16xi32>,
    %iota3A_39 = tpu.iota {dimensions = array<i32: 0>} : vector<16xi32>
    %add3A_40 = arith.constant 64 : i32
    %add3A_41 = arith.addi %add3A_4, %add3A_40 : i32
    %add3A_42 = vector.broadcast %add3A_41 : i32 to vector<16xi32>
    %add3A_43 = arith.addi %iota3A_39, %add3A_42 : vector<16xi32>
    %swap3A_44 = arith.constant 64 : index
    %swap3A_45 = tpu.vector_load %arg7[%swap3A_44] {strides = array<i32>} : memref<128xi32, #tpu.memory_space<vmem>>, vector<16xi32>,
    %swap3A_46 = vector.shape_cast %swap3A_45 : vector<16xi32> to vector<16xi32>
    %swap3A_47 = vector.shape_cast %add3A_43 : vector<16xi32> to vector<16xi32>
    tpu.vector_store %arg7[%swap3A_44], %swap3A_47 {strides = array<i32>} : memref<128xi32, #tpu.memory_space<vmem>>, vector<16xi32>,
    %iota3A_48 = tpu.iota {dimensions = array<i32: 0>} : vector<16xi32>
    %add3A_49 = arith.constant 80 : i32
    %add3A_50 = arith.addi %add3A_4, %add3A_49 : i32
    %add3A_51 = vector.broadcast %add3A_50 : i32 to vector<16xi32>
    %add3A_52 = arith.addi %iota3A_48, %add3A_51 : vector<16xi32>
    %swap3A_53 = arith.constant 80 : index
    %swap3A_54 = tpu.vector_load %arg7[%swap3A_53] {strides = array<i32>} : memref<128xi32, #tpu.memory_space<vmem>>, vector<16xi32>,
    %swap3A_55 = vector.shape_cast %swap3A_54 : vector<16xi32> to vector<16xi32>
    %swap3A_56 = vector.shape_cast %add3A_52 : vector<16xi32> to vector<16xi32>
    tpu.vector_store %arg7[%swap3A_53], %swap3A_56 {strides = array<i32>} : memref<128xi32, #tpu.memory_space<vmem>>, vector<16xi32>,
    %iota3A_57 = tpu.iota {dimensions = array<i32: 0>} : vector<16xi32>
    %add3A_58 = arith.constant 96 : i32
    %add3A_59 = arith.addi %add3A_4, %add3A_58 : i32
    %add3A_60 = vector.broadcast %add3A_59 : i32 to vector<16xi32>
    %add3A_61 = arith.addi %iota3A_57, %add3A_60 : vector<16xi32>
    %swap3A_62 = arith.constant 96 : index
    %swap3A_63 = tpu.vector_load %arg7[%swap3A_62] {strides = array<i32>} : memref<128xi32, #tpu.memory_space<vmem>>, vector<16xi32>,
    %swap3A_64 = vector.shape_cast %swap3A_63 : vector<16xi32> to vector<16xi32>
    %swap3A_65 = vector.shape_cast %add3A_61 : vector<16xi32> to vector<16xi32>
    tpu.vector_store %arg7[%swap3A_62], %swap3A_65 {strides = array<i32>} : memref<128xi32, #tpu.memory_space<vmem>>, vector<16xi32>,
    %iota3A_66 = tpu.iota {dimensions = array<i32: 0>} : vector<16xi32>
    %add3A_67 = arith.constant 112 : i32
    %add3A_68 = arith.addi %add3A_4, %add3A_67 : i32
    %add3A_69 = vector.broadcast %add3A_68 : i32 to vector<16xi32>
    %add3A_70 = arith.addi %iota3A_66, %add3A_69 : vector<16xi32>
    %swap3A_71 = arith.constant 112 : index
    %swap3A_72 = tpu.vector_load %arg7[%swap3A_71] {strides = array<i32>} : memref<128xi32, #tpu.memory_space<vmem>>, vector<16xi32>,
    %swap3A_73 = vector.shape_cast %swap3A_72 : vector<16xi32> to vector<16xi32>
    %swap3A_74 = vector.shape_cast %add3A_70 : vector<16xi32> to vector<16xi32>
    tpu.vector_store %arg7[%swap3A_71], %swap3A_74 {strides = array<i32>} : memref<128xi32, #tpu.memory_space<vmem>>, vector<16xi32>,
    "tpu.region"() ({
      %run_scoped3A = tpu.sem_alloc : memref<!tpu.dma_semaphore, #tpu.memory_space<semaphore_mem>>
      %dma_start3A_792 = arith.constant 0 : i32
      %dma_start3A_793 = arith.constant 0 : i32
      %dma_start3A_794 = tpu.memref_slice %arg18[%dma_start3A_792, %dma_start3A_793] : memref<10240x128xf32, #tpu.memory_space<vmem_shared>> -> memref<10240x128xf32, #tpu.memory_space<vmem_shared>>
      tpu.enqueue_indirect_dma source(%arg11 : memref<128x128xf32, #tpu.memory_space<vmem>>) target(%dma_start3A_794 : memref<10240x128xf32, #tpu.memory_space<vmem_shared>>) offsets(%arg7 : memref<128xi32, #tpu.memory_space<vmem>>) semaphore(%run_scoped3A : memref<!tpu.dma_semaphore, #tpu.memory_space<semaphore_mem>>)
      %dma_wait3A = arith.constant 0 : i32
      %dma_wait3A_795 = arith.constant 0 : i32
      %dma_wait3A_796 = tpu.memref_slice %arg18[%dma_wait3A, %dma_wait3A_795] : memref<10240x128xf32, #tpu.memory_space<vmem_shared>> -> memref<10240x128xf32, #tpu.memory_space<vmem_shared>>
      tpu.wait_indirect_dma semaphore(%run_scoped3A : memref<!tpu.dma_semaphore, #tpu.memory_space<semaphore_mem>>) src(%arg11 : memref<128x128xf32, #tpu.memory_space<vmem>>) dst(%dma_wait3A_796 : memref<10240x128xf32, #tpu.memory_space<vmem_shared>>)
      tpu.yield
    }) : () -> ()
    %mul3A_75 = arith.constant 640 : i32
    %mul3A_76 = arith.muli %arg1, %mul3A_75 : i32
    %add3A_77 = arith.constant 128 : i32
    %add3A_78 = arith.addi %mul3A_76, %add3A_77 : i32
    %iota3A_79 = tpu.iota {dimensions = array<i32: 0>} : vector<16xi32>
    %add3A_80 = arith.constant 0 : i32
    %add3A_81 = arith.addi %add3A_78, %add3A_80 : i32
    %add3A_82 = vector.broadcast %add3A_81 : i32 to vector<16xi32>
    %add3A_83 = arith.addi %iota3A_79, %add3A_82 : vector<16xi32>
    %swap3A_84 = arith.constant 0 : index
    %swap3A_85 = tpu.vector_load %arg7[%swap3A_84] {strides = array<i32>} : memref<128xi32, #tpu.memory_space<vmem>>, vector<16xi32>,
    %swap3A_86 = vector.shape_cast %swap3A_85 : vector<16xi32> to vector<16xi32>
    %swap3A_87 = vector.shape_cast %add3A_83 : vector<16xi32> to vector<16xi32>
    tpu.vector_store %arg7[%swap3A_84], %swap3A_87 {strides = array<i32>} : memref<128xi32, #tpu.memory_space<vmem>>, vector<16xi32>,
    %iota3A_88 = tpu.iota {dimensions = array<i32: 0>} : vector<16xi32>
    %add3A_89 = arith.constant 16 : i32
    %add3A_90 = arith.addi %add3A_78, %add3A_89 : i32
    %add3A_91 = vector.broadcast %add3A_90 : i32 to vector<16xi32>
    %add3A_92 = arith.addi %iota3A_88, %add3A_91 : vector<16xi32>
    %swap3A_93 = arith.constant 16 : index
    %swap3A_94 = tpu.vector_load %arg7[%swap3A_93] {strides = array<i32>} : memref<128xi32, #tpu.memory_space<vmem>>, vector<16xi32>,
    %swap3A_95 = vector.shape_cast %swap3A_94 : vector<16xi32> to vector<16xi32>
    %swap3A_96 = vector.shape_cast %add3A_92 : vector<16xi32> to vector<16xi32>
    tpu.vector_store %arg7[%swap3A_93], %swap3A_96 {strides = array<i32>} : memref<128xi32, #tpu.memory_space<vmem>>, vector<16xi32>,
    %iota3A_97 = tpu.iota {dimensions = array<i32: 0>} : vector<16xi32>
    %add3A_98 = arith.constant 32 : i32
    %add3A_99 = arith.addi %add3A_78, %add3A_98 : i32
    %add3A_100 = vector.broadcast %add3A_99 : i32 to vector<16xi32>
    %add3A_101 = arith.addi %iota3A_97, %add3A_100 : vector<16xi32>
    %swap3A_102 = arith.constant 32 : index
    %swap3A_103 = tpu.vector_load %arg7[%swap3A_102] {strides = array<i32>} : memref<128xi32, #tpu.memory_space<vmem>>, vector<16xi32>,
    %swap3A_104 = vector.shape_cast %swap3A_103 : vector<16xi32> to vector<16xi32>
    %swap3A_105 = vector.shape_cast %add3A_101 : vector<16xi32> to vector<16xi32>
    tpu.vector_store %arg7[%swap3A_102], %swap3A_105 {strides = array<i32>} : memref<128xi32, #tpu.memory_space<vmem>>, vector<16xi32>,
    %iota3A_106 = tpu.iota {dimensions = array<i32: 0>} : vector<16xi32>
    %add3A_107 = arith.constant 48 : i32
    %add3A_108 = arith.addi %add3A_78, %add3A_107 : i32
    %add3A_109 = vector.broadcast %add3A_108 : i32 to vector<16xi32>
    %add3A_110 = arith.addi %iota3A_106, %add3A_109 : vector<16xi32>
    %swap3A_111 = arith.constant 48 : index
    %swap3A_112 = tpu.vector_load %arg7[%swap3A_111] {strides = array<i32>} : memref<128xi32, #tpu.memory_space<vmem>>, vector<16xi32>,
    %swap3A_113 = vector.shape_cast %swap3A_112 : vector<16xi32> to vector<16xi32>
    %swap3A_114 = vector.shape_cast %add3A_110 : vector<16xi32> to vector<16xi32>
    tpu.vector_store %arg7[%swap3A_111], %swap3A_114 {strides = array<i32>} : memref<128xi32, #tpu.memory_space<vmem>>, vector<16xi32>,
    %iota3A_115 = tpu.iota {dimensions = array<i32: 0>} : vector<16xi32>
    %add3A_116 = arith.constant 64 : i32
    %add3A_117 = arith.addi %add3A_78, %add3A_116 : i32
    %add3A_118 = vector.broadcast %add3A_117 : i32 to vector<16xi32>
    %add3A_119 = arith.addi %iota3A_115, %add3A_118 : vector<16xi32>
    %swap3A_120 = arith.constant 64 : index
    %swap3A_121 = tpu.vector_load %arg7[%swap3A_120] {strides = array<i32>} : memref<128xi32, #tpu.memory_space<vmem>>, vector<16xi32>,
    %swap3A_122 = vector.shape_cast %swap3A_121 : vector<16xi32> to vector<16xi32>
    %swap3A_123 = vector.shape_cast %add3A_119 : vector<16xi32> to vector<16xi32>
    tpu.vector_store %arg7[%swap3A_120], %swap3A_123 {strides = array<i32>} : memref<128xi32, #tpu.memory_space<vmem>>, vector<16xi32>,
    %iota3A_124 = tpu.iota {dimensions = array<i32: 0>} : vector<16xi32>
    %add3A_125 = arith.constant 80 : i32
    %add3A_126 = arith.addi %add3A_78, %add3A_125 : i32
    %add3A_127 = vector.broadcast %add3A_126 : i32 to vector<16xi32>
    %add3A_128 = arith.addi %iota3A_124, %add3A_127 : vector<16xi32>
    %swap3A_129 = arith.constant 80 : index
    %swap3A_130 = tpu.vector_load %arg7[%swap3A_129] {strides = array<i32>} : memref<128xi32, #tpu.memory_space<vmem>>, vector<16xi32>,
    %swap3A_131 = vector.shape_cast %swap3A_130 : vector<16xi32> to vector<16xi32>
    %swap3A_132 = vector.shape_cast %add3A_128 : vector<16xi32> to vector<16xi32>
    tpu.vector_store %arg7[%swap3A_129], %swap3A_132 {strides = array<i32>} : memref<128xi32, #tpu.memory_space<vmem>>, vector<16xi32>,
    %iota3A_133 = tpu.iota {dimensions = array<i32: 0>} : vector<16xi32>
    %add3A_134 = arith.constant 96 : i32
    %add3A_135 = arith.addi %add3A_78, %add3A_134 : i32
    %add3A_136 = vector.broadcast %add3A_135 : i32 to vector<16xi32>
    %add3A_137 = arith.addi %iota3A_133, %add3A_136 : vector<16xi32>
    %swap3A_138 = arith.constant 96 : index
    %swap3A_139 = tpu.vector_load %arg7[%swap3A_138] {strides = array<i32>} : memref<128xi32, #tpu.memory_space<vmem>>, vector<16xi32>,
    %swap3A_140 = vector.shape_cast %swap3A_139 : vector<16xi32> to vector<16xi32>
    %swap3A_141 = vector.shape_cast %add3A_137 : vector<16xi32> to vector<16xi32>
    tpu.vector_store %arg7[%swap3A_138], %swap3A_141 {strides = array<i32>} : memref<128xi32, #tpu.memory_space<vmem>>, vector<16xi32>,
    %iota3A_142 = tpu.iota {dimensions = array<i32: 0>} : vector<16xi32>
    %add3A_143 = arith.constant 112 : i32
    %add3A_144 = arith.addi %add3A_78, %add3A_143 : i32
    %add3A_145 = vector.broadcast %add3A_144 : i32 to vector<16xi32>
    %add3A_146 = arith.addi %iota3A_142, %add3A_145 : vector<16xi32>
    %swap3A_147 = arith.constant 112 : index
    %swap3A_148 = tpu.vector_load %arg7[%swap3A_147] {strides = array<i32>} : memref<128xi32, #tpu.memory_space<vmem>>, vector<16xi32>,
    %swap3A_149 = vector.shape_cast %swap3A_148 : vector<16xi32> to vector<16xi32>
    %swap3A_150 = vector.shape_cast %add3A_146 : vector<16xi32> to vector<16xi32>
    tpu.vector_store %arg7[%swap3A_147], %swap3A_150 {strides = array<i32>} : memref<128xi32, #tpu.memory_space<vmem>>, vector<16xi32>,
    "tpu.region"() ({
      %run_scoped3A = tpu.sem_alloc : memref<!tpu.dma_semaphore, #tpu.memory_space<semaphore_mem>>
      %dma_start3A_792 = arith.constant 0 : i32
      %dma_start3A_793 = arith.constant 0 : i32
      %dma_start3A_794 = tpu.memref_slice %arg18[%dma_start3A_792, %dma_start3A_793] : memref<10240x128xf32, #tpu.memory_space<vmem_shared>> -> memref<10240x128xf32, #tpu.memory_space<vmem_shared>>
      tpu.enqueue_indirect_dma source(%arg11 : memref<128x128xf32, #tpu.memory_space<vmem>>) target(%dma_start3A_794 : memref<10240x128xf32, #tpu.memory_space<vmem_shared>>) offsets(%arg7 : memref<128xi32, #tpu.memory_space<vmem>>) semaphore(%run_scoped3A : memref<!tpu.dma_semaphore, #tpu.memory_space<semaphore_mem>>)
      %dma_wait3A = arith.constant 0 : i32
      %dma_wait3A_795 = arith.constant 0 : i32
      %dma_wait3A_796 = tpu.memref_slice %arg18[%dma_wait3A, %dma_wait3A_795] : memref<10240x128xf32, #tpu.memory_space<vmem_shared>> -> memref<10240x128xf32, #tpu.memory_space<vmem_shared>>
      tpu.wait_indirect_dma semaphore(%run_scoped3A : memref<!tpu.dma_semaphore, #tpu.memory_space<semaphore_mem>>) src(%arg11 : memref<128x128xf32, #tpu.memory_space<vmem>>) dst(%dma_wait3A_796 : memref<10240x128xf32, #tpu.memory_space<vmem_shared>>)
      tpu.yield
    }) : () -> ()
    %mul3A_151 = arith.constant 640 : i32
    %mul3A_152 = arith.muli %arg1, %mul3A_151 : i32
    %add3A_153 = arith.constant 256 : i32
    %add3A_154 = arith.addi %mul3A_152, %add3A_153 : i32
    %iota3A_155 = tpu.iota {dimensions = array<i32: 0>} : vector<16xi32>
    %add3A_156 = arith.constant 0 : i32
    %add3A_157 = arith.addi %add3A_154, %add3A_156 : i32
    %add3A_158 = vector.broadcast %add3A_157 : i32 to vector<16xi32>
    %add3A_159 = arith.addi %iota3A_155, %add3A_158 : vector<16xi32>
    %swap3A_160 = arith.constant 0 : index
    %swap3A_161 = tpu.vector_load %arg7[%swap3A_160] {strides = array<i32>} : memref<128xi32, #tpu.memory_space<vmem>>, vector<16xi32>,
    %swap3A_162 = vector.shape_cast %swap3A_161 : vector<16xi32> to vector<16xi32>
    %swap3A_163 = vector.shape_cast %add3A_159 : vector<16xi32> to vector<16xi32>
    tpu.vector_store %arg7[%swap3A_160], %swap3A_163 {strides = array<i32>} : memref<128xi32, #tpu.memory_space<vmem>>, vector<16xi32>,
    %iota3A_164 = tpu.iota {dimensions = array<i32: 0>} : vector<16xi32>
    %add3A_165 = arith.constant 16 : i32
    %add3A_166 = arith.addi %add3A_154, %add3A_165 : i32
    %add3A_167 = vector.broadcast %add3A_166 : i32 to vector<16xi32>
    %add3A_168 = arith.addi %iota3A_164, %add3A_167 : vector<16xi32>
    %swap3A_169 = arith.constant 16 : index
    %swap3A_170 = tpu.vector_load %arg7[%swap3A_169] {strides = array<i32>} : memref<128xi32, #tpu.memory_space<vmem>>, vector<16xi32>,
    %swap3A_171 = vector.shape_cast %swap3A_170 : vector<16xi32> to vector<16xi32>
    %swap3A_172 = vector.shape_cast %add3A_168 : vector<16xi32> to vector<16xi32>
    tpu.vector_store %arg7[%swap3A_169], %swap3A_172 {strides = array<i32>} : memref<128xi32, #tpu.memory_space<vmem>>, vector<16xi32>,
    %iota3A_173 = tpu.iota {dimensions = array<i32: 0>} : vector<16xi32>
    %add3A_174 = arith.constant 32 : i32
    %add3A_175 = arith.addi %add3A_154, %add3A_174 : i32
    %add3A_176 = vector.broadcast %add3A_175 : i32 to vector<16xi32>
    %add3A_177 = arith.addi %iota3A_173, %add3A_176 : vector<16xi32>
    %swap3A_178 = arith.constant 32 : index
    %swap3A_179 = tpu.vector_load %arg7[%swap3A_178] {strides = array<i32>} : memref<128xi32, #tpu.memory_space<vmem>>, vector<16xi32>,
    %swap3A_180 = vector.shape_cast %swap3A_179 : vector<16xi32> to vector<16xi32>
    %swap3A_181 = vector.shape_cast %add3A_177 : vector<16xi32> to vector<16xi32>
    tpu.vector_store %arg7[%swap3A_178], %swap3A_181 {strides = array<i32>} : memref<128xi32, #tpu.memory_space<vmem>>, vector<16xi32>,
    %iota3A_182 = tpu.iota {dimensions = array<i32: 0>} : vector<16xi32>
    %add3A_183 = arith.constant 48 : i32
    %add3A_184 = arith.addi %add3A_154, %add3A_183 : i32
    %add3A_185 = vector.broadcast %add3A_184 : i32 to vector<16xi32>
    %add3A_186 = arith.addi %iota3A_182, %add3A_185 : vector<16xi32>
    %swap3A_187 = arith.constant 48 : index
    %swap3A_188 = tpu.vector_load %arg7[%swap3A_187] {strides = array<i32>} : memref<128xi32, #tpu.memory_space<vmem>>, vector<16xi32>,
    %swap3A_189 = vector.shape_cast %swap3A_188 : vector<16xi32> to vector<16xi32>
    %swap3A_190 = vector.shape_cast %add3A_186 : vector<16xi32> to vector<16xi32>
    tpu.vector_store %arg7[%swap3A_187], %swap3A_190 {strides = array<i32>} : memref<128xi32, #tpu.memory_space<vmem>>, vector<16xi32>,
    %iota3A_191 = tpu.iota {dimensions = array<i32: 0>} : vector<16xi32>
    %add3A_192 = arith.constant 64 : i32
    %add3A_193 = arith.addi %add3A_154, %add3A_192 : i32
    %add3A_194 = vector.broadcast %add3A_193 : i32 to vector<16xi32>
    %add3A_195 = arith.addi %iota3A_191, %add3A_194 : vector<16xi32>
    %swap3A_196 = arith.constant 64 : index
    %swap3A_197 = tpu.vector_load %arg7[%swap3A_196] {strides = array<i32>} : memref<128xi32, #tpu.memory_space<vmem>>, vector<16xi32>,
    %swap3A_198 = vector.shape_cast %swap3A_197 : vector<16xi32> to vector<16xi32>
    %swap3A_199 = vector.shape_cast %add3A_195 : vector<16xi32> to vector<16xi32>
    tpu.vector_store %arg7[%swap3A_196], %swap3A_199 {strides = array<i32>} : memref<128xi32, #tpu.memory_space<vmem>>, vector<16xi32>,
    %iota3A_200 = tpu.iota {dimensions = array<i32: 0>} : vector<16xi32>
    %add3A_201 = arith.constant 80 : i32
    %add3A_202 = arith.addi %add3A_154, %add3A_201 : i32
    %add3A_203 = vector.broadcast %add3A_202 : i32 to vector<16xi32>
    %add3A_204 = arith.addi %iota3A_200, %add3A_203 : vector<16xi32>
    %swap3A_205 = arith.constant 80 : index
    %swap3A_206 = tpu.vector_load %arg7[%swap3A_205] {strides = array<i32>} : memref<128xi32, #tpu.memory_space<vmem>>, vector<16xi32>,
    %swap3A_207 = vector.shape_cast %swap3A_206 : vector<16xi32> to vector<16xi32>
    %swap3A_208 = vector.shape_cast %add3A_204 : vector<16xi32> to vector<16xi32>
    tpu.vector_store %arg7[%swap3A_205], %swap3A_208 {strides = array<i32>} : memref<128xi32, #tpu.memory_space<vmem>>, vector<16xi32>,
    %iota3A_209 = tpu.iota {dimensions = array<i32: 0>} : vector<16xi32>
    %add3A_210 = arith.constant 96 : i32
    %add3A_211 = arith.addi %add3A_154, %add3A_210 : i32
    %add3A_212 = vector.broadcast %add3A_211 : i32 to vector<16xi32>
    %add3A_213 = arith.addi %iota3A_209, %add3A_212 : vector<16xi32>
    %swap3A_214 = arith.constant 96 : index
    %swap3A_215 = tpu.vector_load %arg7[%swap3A_214] {strides = array<i32>} : memref<128xi32, #tpu.memory_space<vmem>>, vector<16xi32>,
    %swap3A_216 = vector.shape_cast %swap3A_215 : vector<16xi32> to vector<16xi32>
    %swap3A_217 = vector.shape_cast %add3A_213 : vector<16xi32> to vector<16xi32>
    tpu.vector_store %arg7[%swap3A_214], %swap3A_217 {strides = array<i32>} : memref<128xi32, #tpu.memory_space<vmem>>, vector<16xi32>,
    %iota3A_218 = tpu.iota {dimensions = array<i32: 0>} : vector<16xi32>
    %add3A_219 = arith.constant 112 : i32
    %add3A_220 = arith.addi %add3A_154, %add3A_219 : i32
    %add3A_221 = vector.broadcast %add3A_220 : i32 to vector<16xi32>
    %add3A_222 = arith.addi %iota3A_218, %add3A_221 : vector<16xi32>
    %swap3A_223 = arith.constant 112 : index
    %swap3A_224 = tpu.vector_load %arg7[%swap3A_223] {strides = array<i32>} : memref<128xi32, #tpu.memory_space<vmem>>, vector<16xi32>,
    %swap3A_225 = vector.shape_cast %swap3A_224 : vector<16xi32> to vector<16xi32>
    %swap3A_226 = vector.shape_cast %add3A_222 : vector<16xi32> to vector<16xi32>
    tpu.vector_store %arg7[%swap3A_223], %swap3A_226 {strides = array<i32>} : memref<128xi32, #tpu.memory_space<vmem>>, vector<16xi32>,
    "tpu.region"() ({
      %run_scoped3A = tpu.sem_alloc : memref<!tpu.dma_semaphore, #tpu.memory_space<semaphore_mem>>
      %dma_start3A_792 = arith.constant 0 : i32
      %dma_start3A_793 = arith.constant 0 : i32
      %dma_start3A_794 = tpu.memref_slice %arg18[%dma_start3A_792, %dma_start3A_793] : memref<10240x128xf32, #tpu.memory_space<vmem_shared>> -> memref<10240x128xf32, #tpu.memory_space<vmem_shared>>
      tpu.enqueue_indirect_dma source(%arg11 : memref<128x128xf32, #tpu.memory_space<vmem>>) target(%dma_start3A_794 : memref<10240x128xf32, #tpu.memory_space<vmem_shared>>) offsets(%arg7 : memref<128xi32, #tpu.memory_space<vmem>>) semaphore(%run_scoped3A : memref<!tpu.dma_semaphore, #tpu.memory_space<semaphore_mem>>)
      %dma_wait3A = arith.constant 0 : i32
      %dma_wait3A_795 = arith.constant 0 : i32
      %dma_wait3A_796 = tpu.memref_slice %arg18[%dma_wait3A, %dma_wait3A_795] : memref<10240x128xf32, #tpu.memory_space<vmem_shared>> -> memref<10240x128xf32, #tpu.memory_space<vmem_shared>>
      tpu.wait_indirect_dma semaphore(%run_scoped3A : memref<!tpu.dma_semaphore, #tpu.memory_space<semaphore_mem>>) src(%arg11 : memref<128x128xf32, #tpu.memory_space<vmem>>) dst(%dma_wait3A_796 : memref<10240x128xf32, #tpu.memory_space<vmem_shared>>)
      tpu.yield
    }) : () -> ()
    %mul3A_227 = arith.constant 640 : i32
    %mul3A_228 = arith.muli %arg1, %mul3A_227 : i32
    %add3A_229 = arith.constant 384 : i32
    %add3A_230 = arith.addi %mul3A_228, %add3A_229 : i32
    %iota3A_231 = tpu.iota {dimensions = array<i32: 0>} : vector<16xi32>
    %add3A_232 = arith.constant 0 : i32
    %add3A_233 = arith.addi %add3A_230, %add3A_232 : i32
    %add3A_234 = vector.broadcast %add3A_233 : i32 to vector<16xi32>
    %add3A_235 = arith.addi %iota3A_231, %add3A_234 : vector<16xi32>
    %swap3A_236 = arith.constant 0 : index
    %swap3A_237 = tpu.vector_load %arg7[%swap3A_236] {strides = array<i32>} : memref<128xi32, #tpu.memory_space<vmem>>, vector<16xi32>,
    %swap3A_238 = vector.shape_cast %swap3A_237 : vector<16xi32> to vector<16xi32>
    %swap3A_239 = vector.shape_cast %add3A_235 : vector<16xi32> to vector<16xi32>
    tpu.vector_store %arg7[%swap3A_236], %swap3A_239 {strides = array<i32>} : memref<128xi32, #tpu.memory_space<vmem>>, vector<16xi32>,
    %iota3A_240 = tpu.iota {dimensions = array<i32: 0>} : vector<16xi32>
    %add3A_241 = arith.constant 16 : i32
    %add3A_242 = arith.addi %add3A_230, %add3A_241 : i32
    %add3A_243 = vector.broadcast %add3A_242 : i32 to vector<16xi32>
    %add3A_244 = arith.addi %iota3A_240, %add3A_243 : vector<16xi32>
    %swap3A_245 = arith.constant 16 : index
    %swap3A_246 = tpu.vector_load %arg7[%swap3A_245] {strides = array<i32>} : memref<128xi32, #tpu.memory_space<vmem>>, vector<16xi32>,
    %swap3A_247 = vector.shape_cast %swap3A_246 : vector<16xi32> to vector<16xi32>
    %swap3A_248 = vector.shape_cast %add3A_244 : vector<16xi32> to vector<16xi32>
    tpu.vector_store %arg7[%swap3A_245], %swap3A_248 {strides = array<i32>} : memref<128xi32, #tpu.memory_space<vmem>>, vector<16xi32>,
    %iota3A_249 = tpu.iota {dimensions = array<i32: 0>} : vector<16xi32>
    %add3A_250 = arith.constant 32 : i32
    %add3A_251 = arith.addi %add3A_230, %add3A_250 : i32
    %add3A_252 = vector.broadcast %add3A_251 : i32 to vector<16xi32>
    %add3A_253 = arith.addi %iota3A_249, %add3A_252 : vector<16xi32>
    %swap3A_254 = arith.constant 32 : index
    %swap3A_255 = tpu.vector_load %arg7[%swap3A_254] {strides = array<i32>} : memref<128xi32, #tpu.memory_space<vmem>>, vector<16xi32>,
    %swap3A_256 = vector.shape_cast %swap3A_255 : vector<16xi32> to vector<16xi32>
    %swap3A_257 = vector.shape_cast %add3A_253 : vector<16xi32> to vector<16xi32>
    tpu.vector_store %arg7[%swap3A_254], %swap3A_257 {strides = array<i32>} : memref<128xi32, #tpu.memory_space<vmem>>, vector<16xi32>,
    %iota3A_258 = tpu.iota {dimensions = array<i32: 0>} : vector<16xi32>
    %add3A_259 = arith.constant 48 : i32
    %add3A_260 = arith.addi %add3A_230, %add3A_259 : i32
    %add3A_261 = vector.broadcast %add3A_260 : i32 to vector<16xi32>
    %add3A_262 = arith.addi %iota3A_258, %add3A_261 : vector<16xi32>
    %swap3A_263 = arith.constant 48 : index
    %swap3A_264 = tpu.vector_load %arg7[%swap3A_263] {strides = array<i32>} : memref<128xi32, #tpu.memory_space<vmem>>, vector<16xi32>,
    %swap3A_265 = vector.shape_cast %swap3A_264 : vector<16xi32> to vector<16xi32>
    %swap3A_266 = vector.shape_cast %add3A_262 : vector<16xi32> to vector<16xi32>
    tpu.vector_store %arg7[%swap3A_263], %swap3A_266 {strides = array<i32>} : memref<128xi32, #tpu.memory_space<vmem>>, vector<16xi32>,
    %iota3A_267 = tpu.iota {dimensions = array<i32: 0>} : vector<16xi32>
    %add3A_268 = arith.constant 64 : i32
    %add3A_269 = arith.addi %add3A_230, %add3A_268 : i32
    %add3A_270 = vector.broadcast %add3A_269 : i32 to vector<16xi32>
    %add3A_271 = arith.addi %iota3A_267, %add3A_270 : vector<16xi32>
    %swap3A_272 = arith.constant 64 : index
    %swap3A_273 = tpu.vector_load %arg7[%swap3A_272] {strides = array<i32>} : memref<128xi32, #tpu.memory_space<vmem>>, vector<16xi32>,
    %swap3A_274 = vector.shape_cast %swap3A_273 : vector<16xi32> to vector<16xi32>
    %swap3A_275 = vector.shape_cast %add3A_271 : vector<16xi32> to vector<16xi32>
    tpu.vector_store %arg7[%swap3A_272], %swap3A_275 {strides = array<i32>} : memref<128xi32, #tpu.memory_space<vmem>>, vector<16xi32>,
    %iota3A_276 = tpu.iota {dimensions = array<i32: 0>} : vector<16xi32>
    %add3A_277 = arith.constant 80 : i32
    %add3A_278 = arith.addi %add3A_230, %add3A_277 : i32
    %add3A_279 = vector.broadcast %add3A_278 : i32 to vector<16xi32>
    %add3A_280 = arith.addi %iota3A_276, %add3A_279 : vector<16xi32>
    %swap3A_281 = arith.constant 80 : index
    %swap3A_282 = tpu.vector_load %arg7[%swap3A_281] {strides = array<i32>} : memref<128xi32, #tpu.memory_space<vmem>>, vector<16xi32>,
    %swap3A_283 = vector.shape_cast %swap3A_282 : vector<16xi32> to vector<16xi32>
    %swap3A_284 = vector.shape_cast %add3A_280 : vector<16xi32> to vector<16xi32>
    tpu.vector_store %arg7[%swap3A_281], %swap3A_284 {strides = array<i32>} : memref<128xi32, #tpu.memory_space<vmem>>, vector<16xi32>,
    %iota3A_285 = tpu.iota {dimensions = array<i32: 0>} : vector<16xi32>
    %add3A_286 = arith.constant 96 : i32
    %add3A_287 = arith.addi %add3A_230, %add3A_286 : i32
    %add3A_288 = vector.broadcast %add3A_287 : i32 to vector<16xi32>
    %add3A_289 = arith.addi %iota3A_285, %add3A_288 : vector<16xi32>
    %swap3A_290 = arith.constant 96 : index
    %swap3A_291 = tpu.vector_load %arg7[%swap3A_290] {strides = array<i32>} : memref<128xi32, #tpu.memory_space<vmem>>, vector<16xi32>,
    %swap3A_292 = vector.shape_cast %swap3A_291 : vector<16xi32> to vector<16xi32>
    %swap3A_293 = vector.shape_cast %add3A_289 : vector<16xi32> to vector<16xi32>
    tpu.vector_store %arg7[%swap3A_290], %swap3A_293 {strides = array<i32>} : memref<128xi32, #tpu.memory_space<vmem>>, vector<16xi32>,
    %iota3A_294 = tpu.iota {dimensions = array<i32: 0>} : vector<16xi32>
    %add3A_295 = arith.constant 112 : i32
    %add3A_296 = arith.addi %add3A_230, %add3A_295 : i32
    %add3A_297 = vector.broadcast %add3A_296 : i32 to vector<16xi32>
    %add3A_298 = arith.addi %iota3A_294, %add3A_297 : vector<16xi32>
    %swap3A_299 = arith.constant 112 : index
    %swap3A_300 = tpu.vector_load %arg7[%swap3A_299] {strides = array<i32>} : memref<128xi32, #tpu.memory_space<vmem>>, vector<16xi32>,
    %swap3A_301 = vector.shape_cast %swap3A_300 : vector<16xi32> to vector<16xi32>
    %swap3A_302 = vector.shape_cast %add3A_298 : vector<16xi32> to vector<16xi32>
    tpu.vector_store %arg7[%swap3A_299], %swap3A_302 {strides = array<i32>} : memref<128xi32, #tpu.memory_space<vmem>>, vector<16xi32>,
    "tpu.region"() ({
      %run_scoped3A = tpu.sem_alloc : memref<!tpu.dma_semaphore, #tpu.memory_space<semaphore_mem>>
      %dma_start3A_792 = arith.constant 0 : i32
      %dma_start3A_793 = arith.constant 0 : i32
      %dma_start3A_794 = tpu.memref_slice %arg18[%dma_start3A_792, %dma_start3A_793] : memref<10240x128xf32, #tpu.memory_space<vmem_shared>> -> memref<10240x128xf32, #tpu.memory_space<vmem_shared>>
      tpu.enqueue_indirect_dma source(%arg11 : memref<128x128xf32, #tpu.memory_space<vmem>>) target(%dma_start3A_794 : memref<10240x128xf32, #tpu.memory_space<vmem_shared>>) offsets(%arg7 : memref<128xi32, #tpu.memory_space<vmem>>) semaphore(%run_scoped3A : memref<!tpu.dma_semaphore, #tpu.memory_space<semaphore_mem>>)
      %dma_wait3A = arith.constant 0 : i32
      %dma_wait3A_795 = arith.constant 0 : i32
      %dma_wait3A_796 = tpu.memref_slice %arg18[%dma_wait3A, %dma_wait3A_795] : memref<10240x128xf32, #tpu.memory_space<vmem_shared>> -> memref<10240x128xf32, #tpu.memory_space<vmem_shared>>
      tpu.wait_indirect_dma semaphore(%run_scoped3A : memref<!tpu.dma_semaphore, #tpu.memory_space<semaphore_mem>>) src(%arg11 : memref<128x128xf32, #tpu.memory_space<vmem>>) dst(%dma_wait3A_796 : memref<10240x128xf32, #tpu.memory_space<vmem_shared>>)
      tpu.yield
    }) : () -> ()
    %mul3A_303 = arith.constant 640 : i32
    %mul3A_304 = arith.muli %arg1, %mul3A_303 : i32
    %add3A_305 = arith.constant 512 : i32
    %add3A_306 = arith.addi %mul3A_304, %add3A_305 : i32
    %iota3A_307 = tpu.iota {dimensions = array<i32: 0>} : vector<16xi32>
    %add3A_308 = arith.constant 0 : i32
    %add3A_309 = arith.addi %add3A_306, %add3A_308 : i32
    %add3A_310 = vector.broadcast %add3A_309 : i32 to vector<16xi32>
    %add3A_311 = arith.addi %iota3A_307, %add3A_310 : vector<16xi32>
    %swap3A_312 = arith.constant 0 : index
    %swap3A_313 = tpu.vector_load %arg7[%swap3A_312] {strides = array<i32>} : memref<128xi32, #tpu.memory_space<vmem>>, vector<16xi32>,
    %swap3A_314 = vector.shape_cast %swap3A_313 : vector<16xi32> to vector<16xi32>
    %swap3A_315 = vector.shape_cast %add3A_311 : vector<16xi32> to vector<16xi32>
    tpu.vector_store %arg7[%swap3A_312], %swap3A_315 {strides = array<i32>} : memref<128xi32, #tpu.memory_space<vmem>>, vector<16xi32>,
    %iota3A_316 = tpu.iota {dimensions = array<i32: 0>} : vector<16xi32>
    %add3A_317 = arith.constant 16 : i32
    %add3A_318 = arith.addi %add3A_306, %add3A_317 : i32
    %add3A_319 = vector.broadcast %add3A_318 : i32 to vector<16xi32>
    %add3A_320 = arith.addi %iota3A_316, %add3A_319 : vector<16xi32>
    %swap3A_321 = arith.constant 16 : index
    %swap3A_322 = tpu.vector_load %arg7[%swap3A_321] {strides = array<i32>} : memref<128xi32, #tpu.memory_space<vmem>>, vector<16xi32>,
    %swap3A_323 = vector.shape_cast %swap3A_322 : vector<16xi32> to vector<16xi32>
    %swap3A_324 = vector.shape_cast %add3A_320 : vector<16xi32> to vector<16xi32>
    tpu.vector_store %arg7[%swap3A_321], %swap3A_324 {strides = array<i32>} : memref<128xi32, #tpu.memory_space<vmem>>, vector<16xi32>,
    %iota3A_325 = tpu.iota {dimensions = array<i32: 0>} : vector<16xi32>
    %add3A_326 = arith.constant 32 : i32
    %add3A_327 = arith.addi %add3A_306, %add3A_326 : i32
    %add3A_328 = vector.broadcast %add3A_327 : i32 to vector<16xi32>
    %add3A_329 = arith.addi %iota3A_325, %add3A_328 : vector<16xi32>
    %swap3A_330 = arith.constant 32 : index
    %swap3A_331 = tpu.vector_load %arg7[%swap3A_330] {strides = array<i32>} : memref<128xi32, #tpu.memory_space<vmem>>, vector<16xi32>,
    %swap3A_332 = vector.shape_cast %swap3A_331 : vector<16xi32> to vector<16xi32>
    %swap3A_333 = vector.shape_cast %add3A_329 : vector<16xi32> to vector<16xi32>
    tpu.vector_store %arg7[%swap3A_330], %swap3A_333 {strides = array<i32>} : memref<128xi32, #tpu.memory_space<vmem>>, vector<16xi32>,
    %iota3A_334 = tpu.iota {dimensions = array<i32: 0>} : vector<16xi32>
    %add3A_335 = arith.constant 48 : i32
    %add3A_336 = arith.addi %add3A_306, %add3A_335 : i32
    %add3A_337 = vector.broadcast %add3A_336 : i32 to vector<16xi32>
    %add3A_338 = arith.addi %iota3A_334, %add3A_337 : vector<16xi32>
    %swap3A_339 = arith.constant 48 : index
    %swap3A_340 = tpu.vector_load %arg7[%swap3A_339] {strides = array<i32>} : memref<128xi32, #tpu.memory_space<vmem>>, vector<16xi32>,
    %swap3A_341 = vector.shape_cast %swap3A_340 : vector<16xi32> to vector<16xi32>
    %swap3A_342 = vector.shape_cast %add3A_338 : vector<16xi32> to vector<16xi32>
    tpu.vector_store %arg7[%swap3A_339], %swap3A_342 {strides = array<i32>} : memref<128xi32, #tpu.memory_space<vmem>>, vector<16xi32>,
    %iota3A_343 = tpu.iota {dimensions = array<i32: 0>} : vector<16xi32>
    %add3A_344 = arith.constant 64 : i32
    %add3A_345 = arith.addi %add3A_306, %add3A_344 : i32
    %add3A_346 = vector.broadcast %add3A_345 : i32 to vector<16xi32>
    %add3A_347 = arith.addi %iota3A_343, %add3A_346 : vector<16xi32>
    %swap3A_348 = arith.constant 64 : index
    %swap3A_349 = tpu.vector_load %arg7[%swap3A_348] {strides = array<i32>} : memref<128xi32, #tpu.memory_space<vmem>>, vector<16xi32>,
    %swap3A_350 = vector.shape_cast %swap3A_349 : vector<16xi32> to vector<16xi32>
    %swap3A_351 = vector.shape_cast %add3A_347 : vector<16xi32> to vector<16xi32>
    tpu.vector_store %arg7[%swap3A_348], %swap3A_351 {strides = array<i32>} : memref<128xi32, #tpu.memory_space<vmem>>, vector<16xi32>,
    %iota3A_352 = tpu.iota {dimensions = array<i32: 0>} : vector<16xi32>
    %add3A_353 = arith.constant 80 : i32
    %add3A_354 = arith.addi %add3A_306, %add3A_353 : i32
    %add3A_355 = vector.broadcast %add3A_354 : i32 to vector<16xi32>
    %add3A_356 = arith.addi %iota3A_352, %add3A_355 : vector<16xi32>
    %swap3A_357 = arith.constant 80 : index
    %swap3A_358 = tpu.vector_load %arg7[%swap3A_357] {strides = array<i32>} : memref<128xi32, #tpu.memory_space<vmem>>, vector<16xi32>,
    %swap3A_359 = vector.shape_cast %swap3A_358 : vector<16xi32> to vector<16xi32>
    %swap3A_360 = vector.shape_cast %add3A_356 : vector<16xi32> to vector<16xi32>
    tpu.vector_store %arg7[%swap3A_357], %swap3A_360 {strides = array<i32>} : memref<128xi32, #tpu.memory_space<vmem>>, vector<16xi32>,
    %iota3A_361 = tpu.iota {dimensions = array<i32: 0>} : vector<16xi32>
    %add3A_362 = arith.constant 96 : i32
    %add3A_363 = arith.addi %add3A_306, %add3A_362 : i32
    %add3A_364 = vector.broadcast %add3A_363 : i32 to vector<16xi32>
    %add3A_365 = arith.addi %iota3A_361, %add3A_364 : vector<16xi32>
    %swap3A_366 = arith.constant 96 : index
    %swap3A_367 = tpu.vector_load %arg7[%swap3A_366] {strides = array<i32>} : memref<128xi32, #tpu.memory_space<vmem>>, vector<16xi32>,
    %swap3A_368 = vector.shape_cast %swap3A_367 : vector<16xi32> to vector<16xi32>
    %swap3A_369 = vector.shape_cast %add3A_365 : vector<16xi32> to vector<16xi32>
    tpu.vector_store %arg7[%swap3A_366], %swap3A_369 {strides = array<i32>} : memref<128xi32, #tpu.memory_space<vmem>>, vector<16xi32>,
    %iota3A_370 = tpu.iota {dimensions = array<i32: 0>} : vector<16xi32>
    %add3A_371 = arith.constant 112 : i32
    %add3A_372 = arith.addi %add3A_306, %add3A_371 : i32
    %add3A_373 = vector.broadcast %add3A_372 : i32 to vector<16xi32>
    %add3A_374 = arith.addi %iota3A_370, %add3A_373 : vector<16xi32>
    %swap3A_375 = arith.constant 112 : index
    %swap3A_376 = tpu.vector_load %arg7[%swap3A_375] {strides = array<i32>} : memref<128xi32, #tpu.memory_space<vmem>>, vector<16xi32>,
    %swap3A_377 = vector.shape_cast %swap3A_376 : vector<16xi32> to vector<16xi32>
    %swap3A_378 = vector.shape_cast %add3A_374 : vector<16xi32> to vector<16xi32>
    tpu.vector_store %arg7[%swap3A_375], %swap3A_378 {strides = array<i32>} : memref<128xi32, #tpu.memory_space<vmem>>, vector<16xi32>,
    "tpu.region"() ({
      %run_scoped3A = tpu.sem_alloc : memref<!tpu.dma_semaphore, #tpu.memory_space<semaphore_mem>>
      %dma_start3A_792 = arith.constant 0 : i32
      %dma_start3A_793 = arith.constant 0 : i32
      %dma_start3A_794 = tpu.memref_slice %arg18[%dma_start3A_792, %dma_start3A_793] : memref<10240x128xf32, #tpu.memory_space<vmem_shared>> -> memref<10240x128xf32, #tpu.memory_space<vmem_shared>>
      tpu.enqueue_indirect_dma source(%arg11 : memref<128x128xf32, #tpu.memory_space<vmem>>) target(%dma_start3A_794 : memref<10240x128xf32, #tpu.memory_space<vmem_shared>>) offsets(%arg7 : memref<128xi32, #tpu.memory_space<vmem>>) semaphore(%run_scoped3A : memref<!tpu.dma_semaphore, #tpu.memory_space<semaphore_mem>>)
      %dma_wait3A = arith.constant 0 : i32
      %dma_wait3A_795 = arith.constant 0 : i32
      %dma_wait3A_796 = tpu.memref_slice %arg18[%dma_wait3A, %dma_wait3A_795] : memref<10240x128xf32, #tpu.memory_space<vmem_shared>> -> memref<10240x128xf32, #tpu.memory_space<vmem_shared>>
      tpu.wait_indirect_dma semaphore(%run_scoped3A : memref<!tpu.dma_semaphore, #tpu.memory_space<semaphore_mem>>) src(%arg11 : memref<128x128xf32, #tpu.memory_space<vmem>>) dst(%dma_wait3A_796 : memref<10240x128xf32, #tpu.memory_space<vmem_shared>>)
      tpu.yield
    }) : () -> ()
    %barrier3A = arith.constant 0 : index
    tpu.barrier barrier_id(%barrier3A)
    %mul3A_379 = arith.constant 10000 : i32
    %mul3A_380 = arith.muli %add3A, %mul3A_379 : i32
    %add3A_381 = arith.constant 0 : i32
    %add3A_382 = arith.addi %mul3A_380, %add3A_381 : i32
    "tpu.region"() ({
      %run_scoped3A = tpu.sem_alloc : memref<!tpu.dma_semaphore, #tpu.memory_space<semaphore_mem>>
      %dma_start3A_792 = tpu.memref_slice %arg3[%add3A_382] : memref<320000xi32, #tpu.memory_space<hbm>> -> memref<128xi32, #tpu.memory_space<hbm>>
      %dma_start3A_793 = tpu.memref_slice %arg3[%add3A_382] : memref<320000xi32, #tpu.memory_space<hbm>> -> memref<128xi32, #tpu.memory_space<hbm>>
      tpu.enqueue_dma source(%dma_start3A_793 : memref<128xi32, #tpu.memory_space<hbm>>) target(%arg7 : memref<128xi32, #tpu.memory_space<vmem>>) target_semaphore(%run_scoped3A : memref<!tpu.dma_semaphore, #tpu.memory_space<semaphore_mem>>)
      %dma_wait3A = tpu.memref_slice %arg3[%add3A_382] : memref<320000xi32, #tpu.memory_space<hbm>> -> memref<128xi32, #tpu.memory_space<hbm>>
      %dma_wait3A_794 = tpu.memref_slice %arg3[%add3A_382] : memref<320000xi32, #tpu.memory_space<hbm>> -> memref<128xi32, #tpu.memory_space<hbm>>
      tpu.wait_dma2 semaphore(%run_scoped3A : memref<!tpu.dma_semaphore, #tpu.memory_space<semaphore_mem>>) src(%dma_wait3A_794 : memref<128xi32, #tpu.memory_space<hbm>>) dst(%arg7 : memref<128xi32, #tpu.memory_space<vmem>>)
      tpu.yield
    }) : () -> ()
    "tpu.region"() ({
      %run_scoped3A = tpu.sem_alloc : memref<!tpu.dma_semaphore, #tpu.memory_space<semaphore_mem>>
      %dma_start3A_792 = tpu.memref_slice %arg4[%add3A_382] : memref<320000xi32, #tpu.memory_space<hbm>> -> memref<128xi32, #tpu.memory_space<hbm>>
      %dma_start3A_793 = tpu.memref_slice %arg4[%add3A_382] : memref<320000xi32, #tpu.memory_space<hbm>> -> memref<128xi32, #tpu.memory_space<hbm>>
      tpu.enqueue_dma source(%dma_start3A_793 : memref<128xi32, #tpu.memory_space<hbm>>) target(%arg8 : memref<128xi32, #tpu.memory_space<vmem>>) target_semaphore(%run_scoped3A : memref<!tpu.dma_semaphore, #tpu.memory_space<semaphore_mem>>)
      %dma_wait3A = tpu.memref_slice %arg4[%add3A_382] : memref<320000xi32, #tpu.memory_space<hbm>> -> memref<128xi32, #tpu.memory_space<hbm>>
      %dma_wait3A_794 = tpu.memref_slice %arg4[%add3A_382] : memref<320000xi32, #tpu.memory_space<hbm>> -> memref<128xi32, #tpu.memory_space<hbm>>
      tpu.wait_dma2 semaphore(%run_scoped3A : memref<!tpu.dma_semaphore, #tpu.memory_space<semaphore_mem>>) src(%dma_wait3A_794 : memref<128xi32, #tpu.memory_space<hbm>>) dst(%arg8 : memref<128xi32, #tpu.memory_space<vmem>>)
      tpu.yield
    }) : () -> ()
    %dma_start3A = arith.constant 0 : i32
    %dma_start3A_383 = arith.constant 0 : i32
    %dma_start3A_384 = tpu.memref_slice %arg2[%dma_start3A, %dma_start3A_383] : memref<10240x128xf32, #tpu.memory_space<hbm>> -> memref<10240x128xf32, #tpu.memory_space<hbm>>
    tpu.enqueue_indirect_dma source(%dma_start3A_384 : memref<10240x128xf32, #tpu.memory_space<hbm>>) target(%arg11 : memref<128x128xf32, #tpu.memory_space<vmem>>) offsets(%arg7 : memref<128xi32, #tpu.memory_space<vmem>>) semaphore(%arg16 : memref<!tpu.dma_semaphore, #tpu.memory_space<semaphore_mem>>)
    %add3A_385 = arith.constant 128 : i32
    %add3A_386 = arith.addi %mul3A_380, %add3A_385 : i32
    "tpu.region"() ({
      %run_scoped3A = tpu.sem_alloc : memref<!tpu.dma_semaphore, #tpu.memory_space<semaphore_mem>>
      %dma_start3A_792 = tpu.memref_slice %arg3[%add3A_386] : memref<320000xi32, #tpu.memory_space<hbm>> -> memref<128xi32, #tpu.memory_space<hbm>>
      %dma_start3A_793 = tpu.memref_slice %arg3[%add3A_386] : memref<320000xi32, #tpu.memory_space<hbm>> -> memref<128xi32, #tpu.memory_space<hbm>>
      tpu.enqueue_dma source(%dma_start3A_793 : memref<128xi32, #tpu.memory_space<hbm>>) target(%arg9 : memref<128xi32, #tpu.memory_space<vmem>>) target_semaphore(%run_scoped3A : memref<!tpu.dma_semaphore, #tpu.memory_space<semaphore_mem>>)
      %dma_wait3A = tpu.memref_slice %arg3[%add3A_386] : memref<320000xi32, #tpu.memory_space<hbm>> -> memref<128xi32, #tpu.memory_space<hbm>>
      %dma_wait3A_794 = tpu.memref_slice %arg3[%add3A_386] : memref<320000xi32, #tpu.memory_space<hbm>> -> memref<128xi32, #tpu.memory_space<hbm>>
      tpu.wait_dma2 semaphore(%run_scoped3A : memref<!tpu.dma_semaphore, #tpu.memory_space<semaphore_mem>>) src(%dma_wait3A_794 : memref<128xi32, #tpu.memory_space<hbm>>) dst(%arg9 : memref<128xi32, #tpu.memory_space<vmem>>)
      tpu.yield
    }) : () -> ()
    "tpu.region"() ({
      %run_scoped3A = tpu.sem_alloc : memref<!tpu.dma_semaphore, #tpu.memory_space<semaphore_mem>>
      %dma_start3A_792 = tpu.memref_slice %arg4[%add3A_386] : memref<320000xi32, #tpu.memory_space<hbm>> -> memref<128xi32, #tpu.memory_space<hbm>>
      %dma_start3A_793 = tpu.memref_slice %arg4[%add3A_386] : memref<320000xi32, #tpu.memory_space<hbm>> -> memref<128xi32, #tpu.memory_space<hbm>>
      tpu.enqueue_dma source(%dma_start3A_793 : memref<128xi32, #tpu.memory_space<hbm>>) target(%arg10 : memref<128xi32, #tpu.memory_space<vmem>>) target_semaphore(%run_scoped3A : memref<!tpu.dma_semaphore, #tpu.memory_space<semaphore_mem>>)
      %dma_wait3A = tpu.memref_slice %arg4[%add3A_386] : memref<320000xi32, #tpu.memory_space<hbm>> -> memref<128xi32, #tpu.memory_space<hbm>>
      %dma_wait3A_794 = tpu.memref_slice %arg4[%add3A_386] : memref<320000xi32, #tpu.memory_space<hbm>> -> memref<128xi32, #tpu.memory_space<hbm>>
      tpu.wait_dma2 semaphore(%run_scoped3A : memref<!tpu.dma_semaphore, #tpu.memory_space<semaphore_mem>>) src(%dma_wait3A_794 : memref<128xi32, #tpu.memory_space<hbm>>) dst(%arg10 : memref<128xi32, #tpu.memory_space<vmem>>)
      tpu.yield
    }) : () -> ()
    %dma_start3A_387 = arith.constant 0 : i32
    %dma_start3A_388 = arith.constant 0 : i32
    %dma_start3A_389 = tpu.memref_slice %arg2[%dma_start3A_387, %dma_start3A_388] : memref<10240x128xf32, #tpu.memory_space<hbm>> -> memref<10240x128xf32, #tpu.memory_space<hbm>>
    tpu.enqueue_indirect_dma source(%dma_start3A_389 : memref<10240x128xf32, #tpu.memory_space<hbm>>) target(%arg12 : memref<128x128xf32, #tpu.memory_space<vmem>>) offsets(%arg9 : memref<128xi32, #tpu.memory_space<vmem>>) semaphore(%arg17 : memref<!tpu.dma_semaphore, #tpu.memory_space<semaphore_mem>>)
    %scan3A = arith.constant 0 : i32
    %scan3A_390 = arith.constant 39 : i32
    %scan3A_391 = arith.addi %scan3A, %scan3A_390 : i32
    %scan3A_392 = arith.constant 1 : i32
    scf.for %scan3A_792 = %scan3A to %scan3A_391 step %scan3A_392  : i32 {
      %mul3A_793 = arith.constant 1 : i32
      %mul3A_794 = arith.muli %scan3A_792, %mul3A_793 : i32
      %add3A_795 = arith.constant 0 : i32
      %add3A_796 = arith.addi %add3A_795, %mul3A_794 : i32
      %mul3A_797 = arith.constant 2 : i32
      %mul3A_798 = arith.muli %mul3A_797, %add3A_796 : i32
      %dma_wait3A = arith.constant 0 : i32
      %dma_wait3A_799 = arith.constant 0 : i32
      %dma_wait3A_800 = tpu.memref_slice %arg2[%dma_wait3A, %dma_wait3A_799] : memref<10240x128xf32, #tpu.memory_space<hbm>> -> memref<10240x128xf32, #tpu.memory_space<hbm>>
      tpu.wait_indirect_dma semaphore(%arg16 : memref<!tpu.dma_semaphore, #tpu.memory_space<semaphore_mem>>) src(%dma_wait3A_800 : memref<10240x128xf32, #tpu.memory_space<hbm>>) dst(%arg11 : memref<128x128xf32, #tpu.memory_space<vmem>>)
      "tpu.region"() ({
        %run_scoped3A = tpu.sem_alloc : memref<!tpu.dma_semaphore, #tpu.memory_space<semaphore_mem>>
        %dma_start3A_815 = arith.constant 0 : i32
        %dma_start3A_816 = arith.constant 0 : i32
        %dma_start3A_817 = tpu.memref_slice %arg18[%dma_start3A_815, %dma_start3A_816] : memref<10240x128xf32, #tpu.memory_space<vmem_shared>> -> memref<10240x128xf32, #tpu.memory_space<vmem_shared>>
        tpu.enqueue_indirect_dma source(%arg11 : memref<128x128xf32, #tpu.memory_space<vmem>>) target(%dma_start3A_817 : memref<10240x128xf32, #tpu.memory_space<vmem_shared>>) offsets(%arg8 : memref<128xi32, #tpu.memory_space<vmem>>) semaphore(%run_scoped3A : memref<!tpu.dma_semaphore, #tpu.memory_space<semaphore_mem>>) {add = true}
        %dma_wait3A_818 = arith.constant 0 : i32
        %dma_wait3A_819 = arith.constant 0 : i32
        %dma_wait3A_820 = tpu.memref_slice %arg18[%dma_wait3A_818, %dma_wait3A_819] : memref<10240x128xf32, #tpu.memory_space<vmem_shared>> -> memref<10240x128xf32, #tpu.memory_space<vmem_shared>>
        tpu.wait_indirect_dma semaphore(%run_scoped3A : memref<!tpu.dma_semaphore, #tpu.memory_space<semaphore_mem>>) src(%arg11 : memref<128x128xf32, #tpu.memory_space<vmem>>) dst(%dma_wait3A_820 : memref<10240x128xf32, #tpu.memory_space<vmem_shared>>)
        tpu.yield
      }) : () -> ()
      %add3A_801 = arith.constant 2 : i32
      %add3A_802 = arith.addi %mul3A_798, %add3A_801 : i32
      %lt3A = arith.constant 78 : i32
      %lt3A_803 = arith.cmpi slt, %add3A_802, %lt3A : i32
      %convert_element_type3A = arith.extui %lt3A_803 : i1 to i32
      %cond3A = arith.constant 0 : i32
      %cond3A_804 = arith.cmpi ne, %convert_element_type3A, %cond3A : i32
      scf.if %cond3A_804 {
        %add3A_815 = arith.constant 2 : i32
        %add3A_816 = arith.addi %mul3A_798, %add3A_815 : i32
        %mul3A_817 = arith.constant 128 : i32
        %mul3A_818 = arith.muli %add3A_816, %mul3A_817 : i32
        %add3A_819 = arith.addi %mul3A_380, %mul3A_818 : i32
        "tpu.region"() ({
          %run_scoped3A = tpu.sem_alloc : memref<!tpu.dma_semaphore, #tpu.memory_space<semaphore_mem>>
          %dma_start3A_823 = tpu.memref_slice %arg3[%add3A_819] : memref<320000xi32, #tpu.memory_space<hbm>> -> memref<128xi32, #tpu.memory_space<hbm>>
          %dma_start3A_824 = tpu.memref_slice %arg3[%add3A_819] : memref<320000xi32, #tpu.memory_space<hbm>> -> memref<128xi32, #tpu.memory_space<hbm>>
          tpu.enqueue_dma source(%dma_start3A_824 : memref<128xi32, #tpu.memory_space<hbm>>) target(%arg7 : memref<128xi32, #tpu.memory_space<vmem>>) target_semaphore(%run_scoped3A : memref<!tpu.dma_semaphore, #tpu.memory_space<semaphore_mem>>)
          %dma_wait3A_825 = tpu.memref_slice %arg3[%add3A_819] : memref<320000xi32, #tpu.memory_space<hbm>> -> memref<128xi32, #tpu.memory_space<hbm>>
          %dma_wait3A_826 = tpu.memref_slice %arg3[%add3A_819] : memref<320000xi32, #tpu.memory_space<hbm>> -> memref<128xi32, #tpu.memory_space<hbm>>
          tpu.wait_dma2 semaphore(%run_scoped3A : memref<!tpu.dma_semaphore, #tpu.memory_space<semaphore_mem>>) src(%dma_wait3A_826 : memref<128xi32, #tpu.memory_space<hbm>>) dst(%arg7 : memref<128xi32, #tpu.memory_space<vmem>>)
          tpu.yield
        }) : () -> ()
        "tpu.region"() ({
          %run_scoped3A = tpu.sem_alloc : memref<!tpu.dma_semaphore, #tpu.memory_space<semaphore_mem>>
          %dma_start3A_823 = tpu.memref_slice %arg4[%add3A_819] : memref<320000xi32, #tpu.memory_space<hbm>> -> memref<128xi32, #tpu.memory_space<hbm>>
          %dma_start3A_824 = tpu.memref_slice %arg4[%add3A_819] : memref<320000xi32, #tpu.memory_space<hbm>> -> memref<128xi32, #tpu.memory_space<hbm>>
          tpu.enqueue_dma source(%dma_start3A_824 : memref<128xi32, #tpu.memory_space<hbm>>) target(%arg8 : memref<128xi32, #tpu.memory_space<vmem>>) target_semaphore(%run_scoped3A : memref<!tpu.dma_semaphore, #tpu.memory_space<semaphore_mem>>)
          %dma_wait3A_825 = tpu.memref_slice %arg4[%add3A_819] : memref<320000xi32, #tpu.memory_space<hbm>> -> memref<128xi32, #tpu.memory_space<hbm>>
          %dma_wait3A_826 = tpu.memref_slice %arg4[%add3A_819] : memref<320000xi32, #tpu.memory_space<hbm>> -> memref<128xi32, #tpu.memory_space<hbm>>
          tpu.wait_dma2 semaphore(%run_scoped3A : memref<!tpu.dma_semaphore, #tpu.memory_space<semaphore_mem>>) src(%dma_wait3A_826 : memref<128xi32, #tpu.memory_space<hbm>>) dst(%arg8 : memref<128xi32, #tpu.memory_space<vmem>>)
          tpu.yield
        }) : () -> ()
        %dma_start3A_820 = arith.constant 0 : i32
        %dma_start3A_821 = arith.constant 0 : i32
        %dma_start3A_822 = tpu.memref_slice %arg2[%dma_start3A_820, %dma_start3A_821] : memref<10240x128xf32, #tpu.memory_space<hbm>> -> memref<10240x128xf32, #tpu.memory_space<hbm>>
        tpu.enqueue_indirect_dma source(%dma_start3A_822 : memref<10240x128xf32, #tpu.memory_space<hbm>>) target(%arg11 : memref<128x128xf32, #tpu.memory_space<vmem>>) offsets(%arg7 : memref<128xi32, #tpu.memory_space<vmem>>) semaphore(%arg16 : memref<!tpu.dma_semaphore, #tpu.memory_space<semaphore_mem>>)
      } else {
      }
      %dma_wait3A_805 = arith.constant 0 : i32
      %dma_wait3A_806 = arith.constant 0 : i32
      %dma_wait3A_807 = tpu.memref_slice %arg2[%dma_wait3A_805, %dma_wait3A_806] : memref<10240x128xf32, #tpu.memory_space<hbm>> -> memref<10240x128xf32, #tpu.memory_space<hbm>>
      tpu.wait_indirect_dma semaphore(%arg17 : memref<!tpu.dma_semaphore, #tpu.memory_space<semaphore_mem>>) src(%dma_wait3A_807 : memref<10240x128xf32, #tpu.memory_space<hbm>>) dst(%arg12 : memref<128x128xf32, #tpu.memory_space<vmem>>)
      "tpu.region"() ({
        %run_scoped3A = tpu.sem_alloc : memref<!tpu.dma_semaphore, #tpu.memory_space<semaphore_mem>>
        %dma_start3A_815 = arith.constant 0 : i32
        %dma_start3A_816 = arith.constant 0 : i32
        %dma_start3A_817 = tpu.memref_slice %arg18[%dma_start3A_815, %dma_start3A_816] : memref<10240x128xf32, #tpu.memory_space<vmem_shared>> -> memref<10240x128xf32, #tpu.memory_space<vmem_shared>>
        tpu.enqueue_indirect_dma source(%arg12 : memref<128x128xf32, #tpu.memory_space<vmem>>) target(%dma_start3A_817 : memref<10240x128xf32, #tpu.memory_space<vmem_shared>>) offsets(%arg10 : memref<128xi32, #tpu.memory_space<vmem>>) semaphore(%run_scoped3A : memref<!tpu.dma_semaphore, #tpu.memory_space<semaphore_mem>>) {add = true}
        %dma_wait3A_818 = arith.constant 0 : i32
        %dma_wait3A_819 = arith.constant 0 : i32
        %dma_wait3A_820 = tpu.memref_slice %arg18[%dma_wait3A_818, %dma_wait3A_819] : memref<10240x128xf32, #tpu.memory_space<vmem_shared>> -> memref<10240x128xf32, #tpu.memory_space<vmem_shared>>
        tpu.wait_indirect_dma semaphore(%run_scoped3A : memref<!tpu.dma_semaphore, #tpu.memory_space<semaphore_mem>>) src(%arg12 : memref<128x128xf32, #tpu.memory_space<vmem>>) dst(%dma_wait3A_820 : memref<10240x128xf32, #tpu.memory_space<vmem_shared>>)
        tpu.yield
      }) : () -> ()
      %add3A_808 = arith.constant 3 : i32
      %add3A_809 = arith.addi %mul3A_798, %add3A_808 : i32
      %lt3A_810 = arith.constant 78 : i32
      %lt3A_811 = arith.cmpi slt, %add3A_809, %lt3A_810 : i32
      %convert_element_type3A_812 = arith.extui %lt3A_811 : i1 to i32
      %cond3A_813 = arith.constant 0 : i32
      %cond3A_814 = arith.cmpi ne, %convert_element_type3A_812, %cond3A_813 : i32
      scf.if %cond3A_814 {
        %add3A_815 = arith.constant 3 : i32
        %add3A_816 = arith.addi %mul3A_798, %add3A_815 : i32
        %mul3A_817 = arith.constant 128 : i32
        %mul3A_818 = arith.muli %add3A_816, %mul3A_817 : i32
        %add3A_819 = arith.addi %mul3A_380, %mul3A_818 : i32
        "tpu.region"() ({
          %run_scoped3A = tpu.sem_alloc : memref<!tpu.dma_semaphore, #tpu.memory_space<semaphore_mem>>
          %dma_start3A_823 = tpu.memref_slice %arg3[%add3A_819] : memref<320000xi32, #tpu.memory_space<hbm>> -> memref<128xi32, #tpu.memory_space<hbm>>
          %dma_start3A_824 = tpu.memref_slice %arg3[%add3A_819] : memref<320000xi32, #tpu.memory_space<hbm>> -> memref<128xi32, #tpu.memory_space<hbm>>
          tpu.enqueue_dma source(%dma_start3A_824 : memref<128xi32, #tpu.memory_space<hbm>>) target(%arg9 : memref<128xi32, #tpu.memory_space<vmem>>) target_semaphore(%run_scoped3A : memref<!tpu.dma_semaphore, #tpu.memory_space<semaphore_mem>>)
          %dma_wait3A_825 = tpu.memref_slice %arg3[%add3A_819] : memref<320000xi32, #tpu.memory_space<hbm>> -> memref<128xi32, #tpu.memory_space<hbm>>
          %dma_wait3A_826 = tpu.memref_slice %arg3[%add3A_819] : memref<320000xi32, #tpu.memory_space<hbm>> -> memref<128xi32, #tpu.memory_space<hbm>>
          tpu.wait_dma2 semaphore(%run_scoped3A : memref<!tpu.dma_semaphore, #tpu.memory_space<semaphore_mem>>) src(%dma_wait3A_826 : memref<128xi32, #tpu.memory_space<hbm>>) dst(%arg9 : memref<128xi32, #tpu.memory_space<vmem>>)
          tpu.yield
        }) : () -> ()
        "tpu.region"() ({
          %run_scoped3A = tpu.sem_alloc : memref<!tpu.dma_semaphore, #tpu.memory_space<semaphore_mem>>
          %dma_start3A_823 = tpu.memref_slice %arg4[%add3A_819] : memref<320000xi32, #tpu.memory_space<hbm>> -> memref<128xi32, #tpu.memory_space<hbm>>
          %dma_start3A_824 = tpu.memref_slice %arg4[%add3A_819] : memref<320000xi32, #tpu.memory_space<hbm>> -> memref<128xi32, #tpu.memory_space<hbm>>
          tpu.enqueue_dma source(%dma_start3A_824 : memref<128xi32, #tpu.memory_space<hbm>>) target(%arg10 : memref<128xi32, #tpu.memory_space<vmem>>) target_semaphore(%run_scoped3A : memref<!tpu.dma_semaphore, #tpu.memory_space<semaphore_mem>>)
          %dma_wait3A_825 = tpu.memref_slice %arg4[%add3A_819] : memref<320000xi32, #tpu.memory_space<hbm>> -> memref<128xi32, #tpu.memory_space<hbm>>
          %dma_wait3A_826 = tpu.memref_slice %arg4[%add3A_819] : memref<320000xi32, #tpu.memory_space<hbm>> -> memref<128xi32, #tpu.memory_space<hbm>>
          tpu.wait_dma2 semaphore(%run_scoped3A : memref<!tpu.dma_semaphore, #tpu.memory_space<semaphore_mem>>) src(%dma_wait3A_826 : memref<128xi32, #tpu.memory_space<hbm>>) dst(%arg10 : memref<128xi32, #tpu.memory_space<vmem>>)
          tpu.yield
        }) : () -> ()
        %dma_start3A_820 = arith.constant 0 : i32
        %dma_start3A_821 = arith.constant 0 : i32
        %dma_start3A_822 = tpu.memref_slice %arg2[%dma_start3A_820, %dma_start3A_821] : memref<10240x128xf32, #tpu.memory_space<hbm>> -> memref<10240x128xf32, #tpu.memory_space<hbm>>
        tpu.enqueue_indirect_dma source(%dma_start3A_822 : memref<10240x128xf32, #tpu.memory_space<hbm>>) target(%arg12 : memref<128x128xf32, #tpu.memory_space<vmem>>) offsets(%arg9 : memref<128xi32, #tpu.memory_space<vmem>>) semaphore(%arg17 : memref<!tpu.dma_semaphore, #tpu.memory_space<semaphore_mem>>)
      } else {
      }
    }
    %scan3A_393 = arith.constant 39 : i32
    %add3A_394 = arith.constant 9984 : i32
    %add3A_395 = arith.addi %mul3A_380, %add3A_394 : i32
    "tpu.region"() ({
      %run_scoped3A = tpu.sem_alloc : memref<!tpu.dma_semaphore, #tpu.memory_space<semaphore_mem>>
      %dma_start3A_792 = tpu.memref_slice %arg3[%add3A_395] : memref<320000xi32, #tpu.memory_space<hbm>> -> memref<16xi32, #tpu.memory_space<hbm>>
      %dma_start3A_793 = tpu.memref_slice %arg3[%add3A_395] : memref<320000xi32, #tpu.memory_space<hbm>> -> memref<16xi32, #tpu.memory_space<hbm>>
      tpu.enqueue_dma source(%dma_start3A_793 : memref<16xi32, #tpu.memory_space<hbm>>) target(%arg13 : memref<16xi32, #tpu.memory_space<vmem>>) target_semaphore(%run_scoped3A : memref<!tpu.dma_semaphore, #tpu.memory_space<semaphore_mem>>)
      %dma_wait3A = tpu.memref_slice %arg3[%add3A_395] : memref<320000xi32, #tpu.memory_space<hbm>> -> memref<16xi32, #tpu.memory_space<hbm>>
      %dma_wait3A_794 = tpu.memref_slice %arg3[%add3A_395] : memref<320000xi32, #tpu.memory_space<hbm>> -> memref<16xi32, #tpu.memory_space<hbm>>
      tpu.wait_dma2 semaphore(%run_scoped3A : memref<!tpu.dma_semaphore, #tpu.memory_space<semaphore_mem>>) src(%dma_wait3A_794 : memref<16xi32, #tpu.memory_space<hbm>>) dst(%arg13 : memref<16xi32, #tpu.memory_space<vmem>>)
      tpu.yield
    }) : () -> ()
    "tpu.region"() ({
      %run_scoped3A = tpu.sem_alloc : memref<!tpu.dma_semaphore, #tpu.memory_space<semaphore_mem>>
      %dma_start3A_792 = tpu.memref_slice %arg4[%add3A_395] : memref<320000xi32, #tpu.memory_space<hbm>> -> memref<16xi32, #tpu.memory_space<hbm>>
      %dma_start3A_793 = tpu.memref_slice %arg4[%add3A_395] : memref<320000xi32, #tpu.memory_space<hbm>> -> memref<16xi32, #tpu.memory_space<hbm>>
      tpu.enqueue_dma source(%dma_start3A_793 : memref<16xi32, #tpu.memory_space<hbm>>) target(%arg14 : memref<16xi32, #tpu.memory_space<vmem>>) target_semaphore(%run_scoped3A : memref<!tpu.dma_semaphore, #tpu.memory_space<semaphore_mem>>)
      %dma_wait3A = tpu.memref_slice %arg4[%add3A_395] : memref<320000xi32, #tpu.memory_space<hbm>> -> memref<16xi32, #tpu.memory_space<hbm>>
      %dma_wait3A_794 = tpu.memref_slice %arg4[%add3A_395] : memref<320000xi32, #tpu.memory_space<hbm>> -> memref<16xi32, #tpu.memory_space<hbm>>
      tpu.wait_dma2 semaphore(%run_scoped3A : memref<!tpu.dma_semaphore, #tpu.memory_space<semaphore_mem>>) src(%dma_wait3A_794 : memref<16xi32, #tpu.memory_space<hbm>>) dst(%arg14 : memref<16xi32, #tpu.memory_space<vmem>>)
      tpu.yield
    }) : () -> ()
    "tpu.region"() ({
      %run_scoped3A = tpu.sem_alloc : memref<!tpu.dma_semaphore, #tpu.memory_space<semaphore_mem>>
      %dma_start3A_792 = arith.constant 0 : i32
      %dma_start3A_793 = arith.constant 0 : i32
      %dma_start3A_794 = tpu.memref_slice %arg2[%dma_start3A_792, %dma_start3A_793] : memref<10240x128xf32, #tpu.memory_space<hbm>> -> memref<10240x128xf32, #tpu.memory_space<hbm>>
      tpu.enqueue_indirect_dma source(%dma_start3A_794 : memref<10240x128xf32, #tpu.memory_space<hbm>>) target(%arg15 : memref<16x128xf32, #tpu.memory_space<vmem>>) offsets(%arg13 : memref<16xi32, #tpu.memory_space<vmem>>) semaphore(%run_scoped3A : memref<!tpu.dma_semaphore, #tpu.memory_space<semaphore_mem>>)
      %dma_wait3A = arith.constant 0 : i32
      %dma_wait3A_795 = arith.constant 0 : i32
      %dma_wait3A_796 = tpu.memref_slice %arg2[%dma_wait3A, %dma_wait3A_795] : memref<10240x128xf32, #tpu.memory_space<hbm>> -> memref<10240x128xf32, #tpu.memory_space<hbm>>
      tpu.wait_indirect_dma semaphore(%run_scoped3A : memref<!tpu.dma_semaphore, #tpu.memory_space<semaphore_mem>>) src(%dma_wait3A_796 : memref<10240x128xf32, #tpu.memory_space<hbm>>) dst(%arg15 : memref<16x128xf32, #tpu.memory_space<vmem>>)
      tpu.yield
    }) : () -> ()
    "tpu.region"() ({
      %run_scoped3A = tpu.sem_alloc : memref<!tpu.dma_semaphore, #tpu.memory_space<semaphore_mem>>
      %dma_start3A_792 = arith.constant 0 : i32
      %dma_start3A_793 = arith.constant 0 : i32
      %dma_start3A_794 = tpu.memref_slice %arg18[%dma_start3A_792, %dma_start3A_793] : memref<10240x128xf32, #tpu.memory_space<vmem_shared>> -> memref<10240x128xf32, #tpu.memory_space<vmem_shared>>
      tpu.enqueue_indirect_dma source(%arg15 : memref<16x128xf32, #tpu.memory_space<vmem>>) target(%dma_start3A_794 : memref<10240x128xf32, #tpu.memory_space<vmem_shared>>) offsets(%arg14 : memref<16xi32, #tpu.memory_space<vmem>>) semaphore(%run_scoped3A : memref<!tpu.dma_semaphore, #tpu.memory_space<semaphore_mem>>) {add = true}
      %dma_wait3A = arith.constant 0 : i32
      %dma_wait3A_795 = arith.constant 0 : i32
      %dma_wait3A_796 = tpu.memref_slice %arg18[%dma_wait3A, %dma_wait3A_795] : memref<10240x128xf32, #tpu.memory_space<vmem_shared>> -> memref<10240x128xf32, #tpu.memory_space<vmem_shared>>
      tpu.wait_indirect_dma semaphore(%run_scoped3A : memref<!tpu.dma_semaphore, #tpu.memory_space<semaphore_mem>>) src(%arg15 : memref<16x128xf32, #tpu.memory_space<vmem>>) dst(%dma_wait3A_796 : memref<10240x128xf32, #tpu.memory_space<vmem_shared>>)
      tpu.yield
    }) : () -> ()
    %barrier3A_396 = arith.constant 0 : index
    tpu.barrier barrier_id(%barrier3A_396)
    %mul3A_397 = arith.constant 640 : i32
    %mul3A_398 = arith.muli %arg1, %mul3A_397 : i32
    %add3A_399 = arith.constant 0 : i32
    %add3A_400 = arith.addi %mul3A_398, %add3A_399 : i32
    %iota3A_401 = tpu.iota {dimensions = array<i32: 0>} : vector<16xi32>
    %add3A_402 = arith.constant 0 : i32
    %add3A_403 = arith.addi %add3A_400, %add3A_402 : i32
    %add3A_404 = vector.broadcast %add3A_403 : i32 to vector<16xi32>
    %add3A_405 = arith.addi %iota3A_401, %add3A_404 : vector<16xi32>
    %swap3A_406 = arith.constant 0 : index
    %swap3A_407 = tpu.vector_load %arg7[%swap3A_406] {strides = array<i32>} : memref<128xi32, #tpu.memory_space<vmem>>, vector<16xi32>,
    %swap3A_408 = vector.shape_cast %swap3A_407 : vector<16xi32> to vector<16xi32>
    %swap3A_409 = vector.shape_cast %add3A_405 : vector<16xi32> to vector<16xi32>
    tpu.vector_store %arg7[%swap3A_406], %swap3A_409 {strides = array<i32>} : memref<128xi32, #tpu.memory_space<vmem>>, vector<16xi32>,
    %iota3A_410 = tpu.iota {dimensions = array<i32: 0>} : vector<16xi32>
    %add3A_411 = arith.constant 16 : i32
    %add3A_412 = arith.addi %add3A_400, %add3A_411 : i32
    %add3A_413 = vector.broadcast %add3A_412 : i32 to vector<16xi32>
    %add3A_414 = arith.addi %iota3A_410, %add3A_413 : vector<16xi32>
    %swap3A_415 = arith.constant 16 : index
    %swap3A_416 = tpu.vector_load %arg7[%swap3A_415] {strides = array<i32>} : memref<128xi32, #tpu.memory_space<vmem>>, vector<16xi32>,
    %swap3A_417 = vector.shape_cast %swap3A_416 : vector<16xi32> to vector<16xi32>
    %swap3A_418 = vector.shape_cast %add3A_414 : vector<16xi32> to vector<16xi32>
    tpu.vector_store %arg7[%swap3A_415], %swap3A_418 {strides = array<i32>} : memref<128xi32, #tpu.memory_space<vmem>>, vector<16xi32>,
    %iota3A_419 = tpu.iota {dimensions = array<i32: 0>} : vector<16xi32>
    %add3A_420 = arith.constant 32 : i32
    %add3A_421 = arith.addi %add3A_400, %add3A_420 : i32
    %add3A_422 = vector.broadcast %add3A_421 : i32 to vector<16xi32>
    %add3A_423 = arith.addi %iota3A_419, %add3A_422 : vector<16xi32>
    %swap3A_424 = arith.constant 32 : index
    %swap3A_425 = tpu.vector_load %arg7[%swap3A_424] {strides = array<i32>} : memref<128xi32, #tpu.memory_space<vmem>>, vector<16xi32>,
    %swap3A_426 = vector.shape_cast %swap3A_425 : vector<16xi32> to vector<16xi32>
    %swap3A_427 = vector.shape_cast %add3A_423 : vector<16xi32> to vector<16xi32>
    tpu.vector_store %arg7[%swap3A_424], %swap3A_427 {strides = array<i32>} : memref<128xi32, #tpu.memory_space<vmem>>, vector<16xi32>,
    %iota3A_428 = tpu.iota {dimensions = array<i32: 0>} : vector<16xi32>
    %add3A_429 = arith.constant 48 : i32
    %add3A_430 = arith.addi %add3A_400, %add3A_429 : i32
    %add3A_431 = vector.broadcast %add3A_430 : i32 to vector<16xi32>
    %add3A_432 = arith.addi %iota3A_428, %add3A_431 : vector<16xi32>
    %swap3A_433 = arith.constant 48 : index
    %swap3A_434 = tpu.vector_load %arg7[%swap3A_433] {strides = array<i32>} : memref<128xi32, #tpu.memory_space<vmem>>, vector<16xi32>,
    %swap3A_435 = vector.shape_cast %swap3A_434 : vector<16xi32> to vector<16xi32>
    %swap3A_436 = vector.shape_cast %add3A_432 : vector<16xi32> to vector<16xi32>
    tpu.vector_store %arg7[%swap3A_433], %swap3A_436 {strides = array<i32>} : memref<128xi32, #tpu.memory_space<vmem>>, vector<16xi32>,
    %iota3A_437 = tpu.iota {dimensions = array<i32: 0>} : vector<16xi32>
    %add3A_438 = arith.constant 64 : i32
    %add3A_439 = arith.addi %add3A_400, %add3A_438 : i32
    %add3A_440 = vector.broadcast %add3A_439 : i32 to vector<16xi32>
    %add3A_441 = arith.addi %iota3A_437, %add3A_440 : vector<16xi32>
    %swap3A_442 = arith.constant 64 : index
    %swap3A_443 = tpu.vector_load %arg7[%swap3A_442] {strides = array<i32>} : memref<128xi32, #tpu.memory_space<vmem>>, vector<16xi32>,
    %swap3A_444 = vector.shape_cast %swap3A_443 : vector<16xi32> to vector<16xi32>
    %swap3A_445 = vector.shape_cast %add3A_441 : vector<16xi32> to vector<16xi32>
    tpu.vector_store %arg7[%swap3A_442], %swap3A_445 {strides = array<i32>} : memref<128xi32, #tpu.memory_space<vmem>>, vector<16xi32>,
    %iota3A_446 = tpu.iota {dimensions = array<i32: 0>} : vector<16xi32>
    %add3A_447 = arith.constant 80 : i32
    %add3A_448 = arith.addi %add3A_400, %add3A_447 : i32
    %add3A_449 = vector.broadcast %add3A_448 : i32 to vector<16xi32>
    %add3A_450 = arith.addi %iota3A_446, %add3A_449 : vector<16xi32>
    %swap3A_451 = arith.constant 80 : index
    %swap3A_452 = tpu.vector_load %arg7[%swap3A_451] {strides = array<i32>} : memref<128xi32, #tpu.memory_space<vmem>>, vector<16xi32>,
    %swap3A_453 = vector.shape_cast %swap3A_452 : vector<16xi32> to vector<16xi32>
    %swap3A_454 = vector.shape_cast %add3A_450 : vector<16xi32> to vector<16xi32>
    tpu.vector_store %arg7[%swap3A_451], %swap3A_454 {strides = array<i32>} : memref<128xi32, #tpu.memory_space<vmem>>, vector<16xi32>,
    %iota3A_455 = tpu.iota {dimensions = array<i32: 0>} : vector<16xi32>
    %add3A_456 = arith.constant 96 : i32
    %add3A_457 = arith.addi %add3A_400, %add3A_456 : i32
    %add3A_458 = vector.broadcast %add3A_457 : i32 to vector<16xi32>
    %add3A_459 = arith.addi %iota3A_455, %add3A_458 : vector<16xi32>
    %swap3A_460 = arith.constant 96 : index
    %swap3A_461 = tpu.vector_load %arg7[%swap3A_460] {strides = array<i32>} : memref<128xi32, #tpu.memory_space<vmem>>, vector<16xi32>,
    %swap3A_462 = vector.shape_cast %swap3A_461 : vector<16xi32> to vector<16xi32>
    %swap3A_463 = vector.shape_cast %add3A_459 : vector<16xi32> to vector<16xi32>
    tpu.vector_store %arg7[%swap3A_460], %swap3A_463 {strides = array<i32>} : memref<128xi32, #tpu.memory_space<vmem>>, vector<16xi32>,
    %iota3A_464 = tpu.iota {dimensions = array<i32: 0>} : vector<16xi32>
    %add3A_465 = arith.constant 112 : i32
    %add3A_466 = arith.addi %add3A_400, %add3A_465 : i32
    %add3A_467 = vector.broadcast %add3A_466 : i32 to vector<16xi32>
    %add3A_468 = arith.addi %iota3A_464, %add3A_467 : vector<16xi32>
    %swap3A_469 = arith.constant 112 : index
    %swap3A_470 = tpu.vector_load %arg7[%swap3A_469] {strides = array<i32>} : memref<128xi32, #tpu.memory_space<vmem>>, vector<16xi32>,
    %swap3A_471 = vector.shape_cast %swap3A_470 : vector<16xi32> to vector<16xi32>
    %swap3A_472 = vector.shape_cast %add3A_468 : vector<16xi32> to vector<16xi32>
    tpu.vector_store %arg7[%swap3A_469], %swap3A_472 {strides = array<i32>} : memref<128xi32, #tpu.memory_space<vmem>>, vector<16xi32>,
    "tpu.region"() ({
      %run_scoped3A = tpu.sem_alloc : memref<!tpu.dma_semaphore, #tpu.memory_space<semaphore_mem>>
      %dma_start3A_792 = arith.constant 0 : i32
      %dma_start3A_793 = arith.constant 0 : i32
      %dma_start3A_794 = tpu.memref_slice %arg18[%dma_start3A_792, %dma_start3A_793] : memref<10240x128xf32, #tpu.memory_space<vmem_shared>> -> memref<10240x128xf32, #tpu.memory_space<vmem_shared>>
      tpu.enqueue_indirect_dma source(%dma_start3A_794 : memref<10240x128xf32, #tpu.memory_space<vmem_shared>>) target(%arg11 : memref<128x128xf32, #tpu.memory_space<vmem>>) offsets(%arg7 : memref<128xi32, #tpu.memory_space<vmem>>) semaphore(%run_scoped3A : memref<!tpu.dma_semaphore, #tpu.memory_space<semaphore_mem>>)
      %dma_wait3A = arith.constant 0 : i32
      %dma_wait3A_795 = arith.constant 0 : i32
      %dma_wait3A_796 = tpu.memref_slice %arg18[%dma_wait3A, %dma_wait3A_795] : memref<10240x128xf32, #tpu.memory_space<vmem_shared>> -> memref<10240x128xf32, #tpu.memory_space<vmem_shared>>
      tpu.wait_indirect_dma semaphore(%run_scoped3A : memref<!tpu.dma_semaphore, #tpu.memory_space<semaphore_mem>>) src(%dma_wait3A_796 : memref<10240x128xf32, #tpu.memory_space<vmem_shared>>) dst(%arg11 : memref<128x128xf32, #tpu.memory_space<vmem>>)
      tpu.yield
    }) : () -> ()
    %mul3A_473 = arith.constant 10240 : i32
    %mul3A_474 = arith.muli %arg0, %mul3A_473 : i32
    %add3A_475 = arith.addi %mul3A_474, %add3A_400 : i32
    "tpu.region"() ({
      %run_scoped3A = tpu.sem_alloc : memref<!tpu.dma_semaphore, #tpu.memory_space<semaphore_mem>>
      %dma_start3A_792 = arith.constant 0 : i32
      %dma_start3A_793 = tpu.memref_slice %arg6[%add3A_475, %dma_start3A_792] : memref<20480x128xf32, #tpu.memory_space<hbm>> -> memref<128x128xf32, #tpu.memory_space<hbm>>
      %dma_start3A_794 = arith.constant 0 : i32
      %dma_start3A_795 = tpu.memref_slice %arg6[%add3A_475, %dma_start3A_794] : memref<20480x128xf32, #tpu.memory_space<hbm>> -> memref<128x128xf32, #tpu.memory_space<hbm>>
      tpu.enqueue_dma source(%arg11 : memref<128x128xf32, #tpu.memory_space<vmem>>) target(%dma_start3A_795 : memref<128x128xf32, #tpu.memory_space<hbm>>) target_semaphore(%run_scoped3A : memref<!tpu.dma_semaphore, #tpu.memory_space<semaphore_mem>>)
      %dma_wait3A = arith.constant 0 : i32
      %dma_wait3A_796 = tpu.memref_slice %arg6[%add3A_475, %dma_wait3A] : memref<20480x128xf32, #tpu.memory_space<hbm>> -> memref<128x128xf32, #tpu.memory_space<hbm>>
      %dma_wait3A_797 = arith.constant 0 : i32
      %dma_wait3A_798 = tpu.memref_slice %arg6[%add3A_475, %dma_wait3A_797] : memref<20480x128xf32, #tpu.memory_space<hbm>> -> memref<128x128xf32, #tpu.memory_space<hbm>>
      tpu.wait_dma2 semaphore(%run_scoped3A : memref<!tpu.dma_semaphore, #tpu.memory_space<semaphore_mem>>) src(%arg11 : memref<128x128xf32, #tpu.memory_space<vmem>>) dst(%dma_wait3A_798 : memref<128x128xf32, #tpu.memory_space<hbm>>)
      tpu.yield
    }) : () -> ()
    %mul3A_476 = arith.constant 640 : i32
    %mul3A_477 = arith.muli %arg1, %mul3A_476 : i32
    %add3A_478 = arith.constant 128 : i32
    %add3A_479 = arith.addi %mul3A_477, %add3A_478 : i32
    %iota3A_480 = tpu.iota {dimensions = array<i32: 0>} : vector<16xi32>
    %add3A_481 = arith.constant 0 : i32
    %add3A_482 = arith.addi %add3A_479, %add3A_481 : i32
    %add3A_483 = vector.broadcast %add3A_482 : i32 to vector<16xi32>
    %add3A_484 = arith.addi %iota3A_480, %add3A_483 : vector<16xi32>
    %swap3A_485 = arith.constant 0 : index
    %swap3A_486 = tpu.vector_load %arg7[%swap3A_485] {strides = array<i32>} : memref<128xi32, #tpu.memory_space<vmem>>, vector<16xi32>,
    %swap3A_487 = vector.shape_cast %swap3A_486 : vector<16xi32> to vector<16xi32>
    %swap3A_488 = vector.shape_cast %add3A_484 : vector<16xi32> to vector<16xi32>
    tpu.vector_store %arg7[%swap3A_485], %swap3A_488 {strides = array<i32>} : memref<128xi32, #tpu.memory_space<vmem>>, vector<16xi32>,
    %iota3A_489 = tpu.iota {dimensions = array<i32: 0>} : vector<16xi32>
    %add3A_490 = arith.constant 16 : i32
    %add3A_491 = arith.addi %add3A_479, %add3A_490 : i32
    %add3A_492 = vector.broadcast %add3A_491 : i32 to vector<16xi32>
    %add3A_493 = arith.addi %iota3A_489, %add3A_492 : vector<16xi32>
    %swap3A_494 = arith.constant 16 : index
    %swap3A_495 = tpu.vector_load %arg7[%swap3A_494] {strides = array<i32>} : memref<128xi32, #tpu.memory_space<vmem>>, vector<16xi32>,
    %swap3A_496 = vector.shape_cast %swap3A_495 : vector<16xi32> to vector<16xi32>
    %swap3A_497 = vector.shape_cast %add3A_493 : vector<16xi32> to vector<16xi32>
    tpu.vector_store %arg7[%swap3A_494], %swap3A_497 {strides = array<i32>} : memref<128xi32, #tpu.memory_space<vmem>>, vector<16xi32>,
    %iota3A_498 = tpu.iota {dimensions = array<i32: 0>} : vector<16xi32>
    %add3A_499 = arith.constant 32 : i32
    %add3A_500 = arith.addi %add3A_479, %add3A_499 : i32
    %add3A_501 = vector.broadcast %add3A_500 : i32 to vector<16xi32>
    %add3A_502 = arith.addi %iota3A_498, %add3A_501 : vector<16xi32>
    %swap3A_503 = arith.constant 32 : index
    %swap3A_504 = tpu.vector_load %arg7[%swap3A_503] {strides = array<i32>} : memref<128xi32, #tpu.memory_space<vmem>>, vector<16xi32>,
    %swap3A_505 = vector.shape_cast %swap3A_504 : vector<16xi32> to vector<16xi32>
    %swap3A_506 = vector.shape_cast %add3A_502 : vector<16xi32> to vector<16xi32>
    tpu.vector_store %arg7[%swap3A_503], %swap3A_506 {strides = array<i32>} : memref<128xi32, #tpu.memory_space<vmem>>, vector<16xi32>,
    %iota3A_507 = tpu.iota {dimensions = array<i32: 0>} : vector<16xi32>
    %add3A_508 = arith.constant 48 : i32
    %add3A_509 = arith.addi %add3A_479, %add3A_508 : i32
    %add3A_510 = vector.broadcast %add3A_509 : i32 to vector<16xi32>
    %add3A_511 = arith.addi %iota3A_507, %add3A_510 : vector<16xi32>
    %swap3A_512 = arith.constant 48 : index
    %swap3A_513 = tpu.vector_load %arg7[%swap3A_512] {strides = array<i32>} : memref<128xi32, #tpu.memory_space<vmem>>, vector<16xi32>,
    %swap3A_514 = vector.shape_cast %swap3A_513 : vector<16xi32> to vector<16xi32>
    %swap3A_515 = vector.shape_cast %add3A_511 : vector<16xi32> to vector<16xi32>
    tpu.vector_store %arg7[%swap3A_512], %swap3A_515 {strides = array<i32>} : memref<128xi32, #tpu.memory_space<vmem>>, vector<16xi32>,
    %iota3A_516 = tpu.iota {dimensions = array<i32: 0>} : vector<16xi32>
    %add3A_517 = arith.constant 64 : i32
    %add3A_518 = arith.addi %add3A_479, %add3A_517 : i32
    %add3A_519 = vector.broadcast %add3A_518 : i32 to vector<16xi32>
    %add3A_520 = arith.addi %iota3A_516, %add3A_519 : vector<16xi32>
    %swap3A_521 = arith.constant 64 : index
    %swap3A_522 = tpu.vector_load %arg7[%swap3A_521] {strides = array<i32>} : memref<128xi32, #tpu.memory_space<vmem>>, vector<16xi32>,
    %swap3A_523 = vector.shape_cast %swap3A_522 : vector<16xi32> to vector<16xi32>
    %swap3A_524 = vector.shape_cast %add3A_520 : vector<16xi32> to vector<16xi32>
    tpu.vector_store %arg7[%swap3A_521], %swap3A_524 {strides = array<i32>} : memref<128xi32, #tpu.memory_space<vmem>>, vector<16xi32>,
    %iota3A_525 = tpu.iota {dimensions = array<i32: 0>} : vector<16xi32>
    %add3A_526 = arith.constant 80 : i32
    %add3A_527 = arith.addi %add3A_479, %add3A_526 : i32
    %add3A_528 = vector.broadcast %add3A_527 : i32 to vector<16xi32>
    %add3A_529 = arith.addi %iota3A_525, %add3A_528 : vector<16xi32>
    %swap3A_530 = arith.constant 80 : index
    %swap3A_531 = tpu.vector_load %arg7[%swap3A_530] {strides = array<i32>} : memref<128xi32, #tpu.memory_space<vmem>>, vector<16xi32>,
    %swap3A_532 = vector.shape_cast %swap3A_531 : vector<16xi32> to vector<16xi32>
    %swap3A_533 = vector.shape_cast %add3A_529 : vector<16xi32> to vector<16xi32>
    tpu.vector_store %arg7[%swap3A_530], %swap3A_533 {strides = array<i32>} : memref<128xi32, #tpu.memory_space<vmem>>, vector<16xi32>,
    %iota3A_534 = tpu.iota {dimensions = array<i32: 0>} : vector<16xi32>
    %add3A_535 = arith.constant 96 : i32
    %add3A_536 = arith.addi %add3A_479, %add3A_535 : i32
    %add3A_537 = vector.broadcast %add3A_536 : i32 to vector<16xi32>
    %add3A_538 = arith.addi %iota3A_534, %add3A_537 : vector<16xi32>
    %swap3A_539 = arith.constant 96 : index
    %swap3A_540 = tpu.vector_load %arg7[%swap3A_539] {strides = array<i32>} : memref<128xi32, #tpu.memory_space<vmem>>, vector<16xi32>,
    %swap3A_541 = vector.shape_cast %swap3A_540 : vector<16xi32> to vector<16xi32>
    %swap3A_542 = vector.shape_cast %add3A_538 : vector<16xi32> to vector<16xi32>
    tpu.vector_store %arg7[%swap3A_539], %swap3A_542 {strides = array<i32>} : memref<128xi32, #tpu.memory_space<vmem>>, vector<16xi32>,
    %iota3A_543 = tpu.iota {dimensions = array<i32: 0>} : vector<16xi32>
    %add3A_544 = arith.constant 112 : i32
    %add3A_545 = arith.addi %add3A_479, %add3A_544 : i32
    %add3A_546 = vector.broadcast %add3A_545 : i32 to vector<16xi32>
    %add3A_547 = arith.addi %iota3A_543, %add3A_546 : vector<16xi32>
    %swap3A_548 = arith.constant 112 : index
    %swap3A_549 = tpu.vector_load %arg7[%swap3A_548] {strides = array<i32>} : memref<128xi32, #tpu.memory_space<vmem>>, vector<16xi32>,
    %swap3A_550 = vector.shape_cast %swap3A_549 : vector<16xi32> to vector<16xi32>
    %swap3A_551 = vector.shape_cast %add3A_547 : vector<16xi32> to vector<16xi32>
    tpu.vector_store %arg7[%swap3A_548], %swap3A_551 {strides = array<i32>} : memref<128xi32, #tpu.memory_space<vmem>>, vector<16xi32>,
    "tpu.region"() ({
      %run_scoped3A = tpu.sem_alloc : memref<!tpu.dma_semaphore, #tpu.memory_space<semaphore_mem>>
      %dma_start3A_792 = arith.constant 0 : i32
      %dma_start3A_793 = arith.constant 0 : i32
      %dma_start3A_794 = tpu.memref_slice %arg18[%dma_start3A_792, %dma_start3A_793] : memref<10240x128xf32, #tpu.memory_space<vmem_shared>> -> memref<10240x128xf32, #tpu.memory_space<vmem_shared>>
      tpu.enqueue_indirect_dma source(%dma_start3A_794 : memref<10240x128xf32, #tpu.memory_space<vmem_shared>>) target(%arg11 : memref<128x128xf32, #tpu.memory_space<vmem>>) offsets(%arg7 : memref<128xi32, #tpu.memory_space<vmem>>) semaphore(%run_scoped3A : memref<!tpu.dma_semaphore, #tpu.memory_space<semaphore_mem>>)
      %dma_wait3A = arith.constant 0 : i32
      %dma_wait3A_795 = arith.constant 0 : i32
      %dma_wait3A_796 = tpu.memref_slice %arg18[%dma_wait3A, %dma_wait3A_795] : memref<10240x128xf32, #tpu.memory_space<vmem_shared>> -> memref<10240x128xf32, #tpu.memory_space<vmem_shared>>
      tpu.wait_indirect_dma semaphore(%run_scoped3A : memref<!tpu.dma_semaphore, #tpu.memory_space<semaphore_mem>>) src(%dma_wait3A_796 : memref<10240x128xf32, #tpu.memory_space<vmem_shared>>) dst(%arg11 : memref<128x128xf32, #tpu.memory_space<vmem>>)
      tpu.yield
    }) : () -> ()
    %mul3A_552 = arith.constant 10240 : i32
    %mul3A_553 = arith.muli %arg0, %mul3A_552 : i32
    %add3A_554 = arith.addi %mul3A_553, %add3A_479 : i32
    "tpu.region"() ({
      %run_scoped3A = tpu.sem_alloc : memref<!tpu.dma_semaphore, #tpu.memory_space<semaphore_mem>>
      %dma_start3A_792 = arith.constant 0 : i32
      %dma_start3A_793 = tpu.memref_slice %arg6[%add3A_554, %dma_start3A_792] : memref<20480x128xf32, #tpu.memory_space<hbm>> -> memref<128x128xf32, #tpu.memory_space<hbm>>
      %dma_start3A_794 = arith.constant 0 : i32
      %dma_start3A_795 = tpu.memref_slice %arg6[%add3A_554, %dma_start3A_794] : memref<20480x128xf32, #tpu.memory_space<hbm>> -> memref<128x128xf32, #tpu.memory_space<hbm>>
      tpu.enqueue_dma source(%arg11 : memref<128x128xf32, #tpu.memory_space<vmem>>) target(%dma_start3A_795 : memref<128x128xf32, #tpu.memory_space<hbm>>) target_semaphore(%run_scoped3A : memref<!tpu.dma_semaphore, #tpu.memory_space<semaphore_mem>>)
      %dma_wait3A = arith.constant 0 : i32
      %dma_wait3A_796 = tpu.memref_slice %arg6[%add3A_554, %dma_wait3A] : memref<20480x128xf32, #tpu.memory_space<hbm>> -> memref<128x128xf32, #tpu.memory_space<hbm>>
      %dma_wait3A_797 = arith.constant 0 : i32
      %dma_wait3A_798 = tpu.memref_slice %arg6[%add3A_554, %dma_wait3A_797] : memref<20480x128xf32, #tpu.memory_space<hbm>> -> memref<128x128xf32, #tpu.memory_space<hbm>>
      tpu.wait_dma2 semaphore(%run_scoped3A : memref<!tpu.dma_semaphore, #tpu.memory_space<semaphore_mem>>) src(%arg11 : memref<128x128xf32, #tpu.memory_space<vmem>>) dst(%dma_wait3A_798 : memref<128x128xf32, #tpu.memory_space<hbm>>)
      tpu.yield
    }) : () -> ()
    %mul3A_555 = arith.constant 640 : i32
    %mul3A_556 = arith.muli %arg1, %mul3A_555 : i32
    %add3A_557 = arith.constant 256 : i32
    %add3A_558 = arith.addi %mul3A_556, %add3A_557 : i32
    %iota3A_559 = tpu.iota {dimensions = array<i32: 0>} : vector<16xi32>
    %add3A_560 = arith.constant 0 : i32
    %add3A_561 = arith.addi %add3A_558, %add3A_560 : i32
    %add3A_562 = vector.broadcast %add3A_561 : i32 to vector<16xi32>
    %add3A_563 = arith.addi %iota3A_559, %add3A_562 : vector<16xi32>
    %swap3A_564 = arith.constant 0 : index
    %swap3A_565 = tpu.vector_load %arg7[%swap3A_564] {strides = array<i32>} : memref<128xi32, #tpu.memory_space<vmem>>, vector<16xi32>,
    %swap3A_566 = vector.shape_cast %swap3A_565 : vector<16xi32> to vector<16xi32>
    %swap3A_567 = vector.shape_cast %add3A_563 : vector<16xi32> to vector<16xi32>
    tpu.vector_store %arg7[%swap3A_564], %swap3A_567 {strides = array<i32>} : memref<128xi32, #tpu.memory_space<vmem>>, vector<16xi32>,
    %iota3A_568 = tpu.iota {dimensions = array<i32: 0>} : vector<16xi32>
    %add3A_569 = arith.constant 16 : i32
    %add3A_570 = arith.addi %add3A_558, %add3A_569 : i32
    %add3A_571 = vector.broadcast %add3A_570 : i32 to vector<16xi32>
    %add3A_572 = arith.addi %iota3A_568, %add3A_571 : vector<16xi32>
    %swap3A_573 = arith.constant 16 : index
    %swap3A_574 = tpu.vector_load %arg7[%swap3A_573] {strides = array<i32>} : memref<128xi32, #tpu.memory_space<vmem>>, vector<16xi32>,
    %swap3A_575 = vector.shape_cast %swap3A_574 : vector<16xi32> to vector<16xi32>
    %swap3A_576 = vector.shape_cast %add3A_572 : vector<16xi32> to vector<16xi32>
    tpu.vector_store %arg7[%swap3A_573], %swap3A_576 {strides = array<i32>} : memref<128xi32, #tpu.memory_space<vmem>>, vector<16xi32>,
    %iota3A_577 = tpu.iota {dimensions = array<i32: 0>} : vector<16xi32>
    %add3A_578 = arith.constant 32 : i32
    %add3A_579 = arith.addi %add3A_558, %add3A_578 : i32
    %add3A_580 = vector.broadcast %add3A_579 : i32 to vector<16xi32>
    %add3A_581 = arith.addi %iota3A_577, %add3A_580 : vector<16xi32>
    %swap3A_582 = arith.constant 32 : index
    %swap3A_583 = tpu.vector_load %arg7[%swap3A_582] {strides = array<i32>} : memref<128xi32, #tpu.memory_space<vmem>>, vector<16xi32>,
    %swap3A_584 = vector.shape_cast %swap3A_583 : vector<16xi32> to vector<16xi32>
    %swap3A_585 = vector.shape_cast %add3A_581 : vector<16xi32> to vector<16xi32>
    tpu.vector_store %arg7[%swap3A_582], %swap3A_585 {strides = array<i32>} : memref<128xi32, #tpu.memory_space<vmem>>, vector<16xi32>,
    %iota3A_586 = tpu.iota {dimensions = array<i32: 0>} : vector<16xi32>
    %add3A_587 = arith.constant 48 : i32
    %add3A_588 = arith.addi %add3A_558, %add3A_587 : i32
    %add3A_589 = vector.broadcast %add3A_588 : i32 to vector<16xi32>
    %add3A_590 = arith.addi %iota3A_586, %add3A_589 : vector<16xi32>
    %swap3A_591 = arith.constant 48 : index
    %swap3A_592 = tpu.vector_load %arg7[%swap3A_591] {strides = array<i32>} : memref<128xi32, #tpu.memory_space<vmem>>, vector<16xi32>,
    %swap3A_593 = vector.shape_cast %swap3A_592 : vector<16xi32> to vector<16xi32>
    %swap3A_594 = vector.shape_cast %add3A_590 : vector<16xi32> to vector<16xi32>
    tpu.vector_store %arg7[%swap3A_591], %swap3A_594 {strides = array<i32>} : memref<128xi32, #tpu.memory_space<vmem>>, vector<16xi32>,
    %iota3A_595 = tpu.iota {dimensions = array<i32: 0>} : vector<16xi32>
    %add3A_596 = arith.constant 64 : i32
    %add3A_597 = arith.addi %add3A_558, %add3A_596 : i32
    %add3A_598 = vector.broadcast %add3A_597 : i32 to vector<16xi32>
    %add3A_599 = arith.addi %iota3A_595, %add3A_598 : vector<16xi32>
    %swap3A_600 = arith.constant 64 : index
    %swap3A_601 = tpu.vector_load %arg7[%swap3A_600] {strides = array<i32>} : memref<128xi32, #tpu.memory_space<vmem>>, vector<16xi32>,
    %swap3A_602 = vector.shape_cast %swap3A_601 : vector<16xi32> to vector<16xi32>
    %swap3A_603 = vector.shape_cast %add3A_599 : vector<16xi32> to vector<16xi32>
    tpu.vector_store %arg7[%swap3A_600], %swap3A_603 {strides = array<i32>} : memref<128xi32, #tpu.memory_space<vmem>>, vector<16xi32>,
    %iota3A_604 = tpu.iota {dimensions = array<i32: 0>} : vector<16xi32>
    %add3A_605 = arith.constant 80 : i32
    %add3A_606 = arith.addi %add3A_558, %add3A_605 : i32
    %add3A_607 = vector.broadcast %add3A_606 : i32 to vector<16xi32>
    %add3A_608 = arith.addi %iota3A_604, %add3A_607 : vector<16xi32>
    %swap3A_609 = arith.constant 80 : index
    %swap3A_610 = tpu.vector_load %arg7[%swap3A_609] {strides = array<i32>} : memref<128xi32, #tpu.memory_space<vmem>>, vector<16xi32>,
    %swap3A_611 = vector.shape_cast %swap3A_610 : vector<16xi32> to vector<16xi32>
    %swap3A_612 = vector.shape_cast %add3A_608 : vector<16xi32> to vector<16xi32>
    tpu.vector_store %arg7[%swap3A_609], %swap3A_612 {strides = array<i32>} : memref<128xi32, #tpu.memory_space<vmem>>, vector<16xi32>,
    %iota3A_613 = tpu.iota {dimensions = array<i32: 0>} : vector<16xi32>
    %add3A_614 = arith.constant 96 : i32
    %add3A_615 = arith.addi %add3A_558, %add3A_614 : i32
    %add3A_616 = vector.broadcast %add3A_615 : i32 to vector<16xi32>
    %add3A_617 = arith.addi %iota3A_613, %add3A_616 : vector<16xi32>
    %swap3A_618 = arith.constant 96 : index
    %swap3A_619 = tpu.vector_load %arg7[%swap3A_618] {strides = array<i32>} : memref<128xi32, #tpu.memory_space<vmem>>, vector<16xi32>,
    %swap3A_620 = vector.shape_cast %swap3A_619 : vector<16xi32> to vector<16xi32>
    %swap3A_621 = vector.shape_cast %add3A_617 : vector<16xi32> to vector<16xi32>
    tpu.vector_store %arg7[%swap3A_618], %swap3A_621 {strides = array<i32>} : memref<128xi32, #tpu.memory_space<vmem>>, vector<16xi32>,
    %iota3A_622 = tpu.iota {dimensions = array<i32: 0>} : vector<16xi32>
    %add3A_623 = arith.constant 112 : i32
    %add3A_624 = arith.addi %add3A_558, %add3A_623 : i32
    %add3A_625 = vector.broadcast %add3A_624 : i32 to vector<16xi32>
    %add3A_626 = arith.addi %iota3A_622, %add3A_625 : vector<16xi32>
    %swap3A_627 = arith.constant 112 : index
    %swap3A_628 = tpu.vector_load %arg7[%swap3A_627] {strides = array<i32>} : memref<128xi32, #tpu.memory_space<vmem>>, vector<16xi32>,
    %swap3A_629 = vector.shape_cast %swap3A_628 : vector<16xi32> to vector<16xi32>
    %swap3A_630 = vector.shape_cast %add3A_626 : vector<16xi32> to vector<16xi32>
    tpu.vector_store %arg7[%swap3A_627], %swap3A_630 {strides = array<i32>} : memref<128xi32, #tpu.memory_space<vmem>>, vector<16xi32>,
    "tpu.region"() ({
      %run_scoped3A = tpu.sem_alloc : memref<!tpu.dma_semaphore, #tpu.memory_space<semaphore_mem>>
      %dma_start3A_792 = arith.constant 0 : i32
      %dma_start3A_793 = arith.constant 0 : i32
      %dma_start3A_794 = tpu.memref_slice %arg18[%dma_start3A_792, %dma_start3A_793] : memref<10240x128xf32, #tpu.memory_space<vmem_shared>> -> memref<10240x128xf32, #tpu.memory_space<vmem_shared>>
      tpu.enqueue_indirect_dma source(%dma_start3A_794 : memref<10240x128xf32, #tpu.memory_space<vmem_shared>>) target(%arg11 : memref<128x128xf32, #tpu.memory_space<vmem>>) offsets(%arg7 : memref<128xi32, #tpu.memory_space<vmem>>) semaphore(%run_scoped3A : memref<!tpu.dma_semaphore, #tpu.memory_space<semaphore_mem>>)
      %dma_wait3A = arith.constant 0 : i32
      %dma_wait3A_795 = arith.constant 0 : i32
      %dma_wait3A_796 = tpu.memref_slice %arg18[%dma_wait3A, %dma_wait3A_795] : memref<10240x128xf32, #tpu.memory_space<vmem_shared>> -> memref<10240x128xf32, #tpu.memory_space<vmem_shared>>
      tpu.wait_indirect_dma semaphore(%run_scoped3A : memref<!tpu.dma_semaphore, #tpu.memory_space<semaphore_mem>>) src(%dma_wait3A_796 : memref<10240x128xf32, #tpu.memory_space<vmem_shared>>) dst(%arg11 : memref<128x128xf32, #tpu.memory_space<vmem>>)
      tpu.yield
    }) : () -> ()
    %mul3A_631 = arith.constant 10240 : i32
    %mul3A_632 = arith.muli %arg0, %mul3A_631 : i32
    %add3A_633 = arith.addi %mul3A_632, %add3A_558 : i32
    "tpu.region"() ({
      %run_scoped3A = tpu.sem_alloc : memref<!tpu.dma_semaphore, #tpu.memory_space<semaphore_mem>>
      %dma_start3A_792 = arith.constant 0 : i32
      %dma_start3A_793 = tpu.memref_slice %arg6[%add3A_633, %dma_start3A_792] : memref<20480x128xf32, #tpu.memory_space<hbm>> -> memref<128x128xf32, #tpu.memory_space<hbm>>
      %dma_start3A_794 = arith.constant 0 : i32
      %dma_start3A_795 = tpu.memref_slice %arg6[%add3A_633, %dma_start3A_794] : memref<20480x128xf32, #tpu.memory_space<hbm>> -> memref<128x128xf32, #tpu.memory_space<hbm>>
      tpu.enqueue_dma source(%arg11 : memref<128x128xf32, #tpu.memory_space<vmem>>) target(%dma_start3A_795 : memref<128x128xf32, #tpu.memory_space<hbm>>) target_semaphore(%run_scoped3A : memref<!tpu.dma_semaphore, #tpu.memory_space<semaphore_mem>>)
      %dma_wait3A = arith.constant 0 : i32
      %dma_wait3A_796 = tpu.memref_slice %arg6[%add3A_633, %dma_wait3A] : memref<20480x128xf32, #tpu.memory_space<hbm>> -> memref<128x128xf32, #tpu.memory_space<hbm>>
      %dma_wait3A_797 = arith.constant 0 : i32
      %dma_wait3A_798 = tpu.memref_slice %arg6[%add3A_633, %dma_wait3A_797] : memref<20480x128xf32, #tpu.memory_space<hbm>> -> memref<128x128xf32, #tpu.memory_space<hbm>>
      tpu.wait_dma2 semaphore(%run_scoped3A : memref<!tpu.dma_semaphore, #tpu.memory_space<semaphore_mem>>) src(%arg11 : memref<128x128xf32, #tpu.memory_space<vmem>>) dst(%dma_wait3A_798 : memref<128x128xf32, #tpu.memory_space<hbm>>)
      tpu.yield
    }) : () -> ()
    %mul3A_634 = arith.constant 640 : i32
    %mul3A_635 = arith.muli %arg1, %mul3A_634 : i32
    %add3A_636 = arith.constant 384 : i32
    %add3A_637 = arith.addi %mul3A_635, %add3A_636 : i32
    %iota3A_638 = tpu.iota {dimensions = array<i32: 0>} : vector<16xi32>
    %add3A_639 = arith.constant 0 : i32
    %add3A_640 = arith.addi %add3A_637, %add3A_639 : i32
    %add3A_641 = vector.broadcast %add3A_640 : i32 to vector<16xi32>
    %add3A_642 = arith.addi %iota3A_638, %add3A_641 : vector<16xi32>
    %swap3A_643 = arith.constant 0 : index
    %swap3A_644 = tpu.vector_load %arg7[%swap3A_643] {strides = array<i32>} : memref<128xi32, #tpu.memory_space<vmem>>, vector<16xi32>,
    %swap3A_645 = vector.shape_cast %swap3A_644 : vector<16xi32> to vector<16xi32>
    %swap3A_646 = vector.shape_cast %add3A_642 : vector<16xi32> to vector<16xi32>
    tpu.vector_store %arg7[%swap3A_643], %swap3A_646 {strides = array<i32>} : memref<128xi32, #tpu.memory_space<vmem>>, vector<16xi32>,
    %iota3A_647 = tpu.iota {dimensions = array<i32: 0>} : vector<16xi32>
    %add3A_648 = arith.constant 16 : i32
    %add3A_649 = arith.addi %add3A_637, %add3A_648 : i32
    %add3A_650 = vector.broadcast %add3A_649 : i32 to vector<16xi32>
    %add3A_651 = arith.addi %iota3A_647, %add3A_650 : vector<16xi32>
    %swap3A_652 = arith.constant 16 : index
    %swap3A_653 = tpu.vector_load %arg7[%swap3A_652] {strides = array<i32>} : memref<128xi32, #tpu.memory_space<vmem>>, vector<16xi32>,
    %swap3A_654 = vector.shape_cast %swap3A_653 : vector<16xi32> to vector<16xi32>
    %swap3A_655 = vector.shape_cast %add3A_651 : vector<16xi32> to vector<16xi32>
    tpu.vector_store %arg7[%swap3A_652], %swap3A_655 {strides = array<i32>} : memref<128xi32, #tpu.memory_space<vmem>>, vector<16xi32>,
    %iota3A_656 = tpu.iota {dimensions = array<i32: 0>} : vector<16xi32>
    %add3A_657 = arith.constant 32 : i32
    %add3A_658 = arith.addi %add3A_637, %add3A_657 : i32
    %add3A_659 = vector.broadcast %add3A_658 : i32 to vector<16xi32>
    %add3A_660 = arith.addi %iota3A_656, %add3A_659 : vector<16xi32>
    %swap3A_661 = arith.constant 32 : index
    %swap3A_662 = tpu.vector_load %arg7[%swap3A_661] {strides = array<i32>} : memref<128xi32, #tpu.memory_space<vmem>>, vector<16xi32>,
    %swap3A_663 = vector.shape_cast %swap3A_662 : vector<16xi32> to vector<16xi32>
    %swap3A_664 = vector.shape_cast %add3A_660 : vector<16xi32> to vector<16xi32>
    tpu.vector_store %arg7[%swap3A_661], %swap3A_664 {strides = array<i32>} : memref<128xi32, #tpu.memory_space<vmem>>, vector<16xi32>,
    %iota3A_665 = tpu.iota {dimensions = array<i32: 0>} : vector<16xi32>
    %add3A_666 = arith.constant 48 : i32
    %add3A_667 = arith.addi %add3A_637, %add3A_666 : i32
    %add3A_668 = vector.broadcast %add3A_667 : i32 to vector<16xi32>
    %add3A_669 = arith.addi %iota3A_665, %add3A_668 : vector<16xi32>
    %swap3A_670 = arith.constant 48 : index
    %swap3A_671 = tpu.vector_load %arg7[%swap3A_670] {strides = array<i32>} : memref<128xi32, #tpu.memory_space<vmem>>, vector<16xi32>,
    %swap3A_672 = vector.shape_cast %swap3A_671 : vector<16xi32> to vector<16xi32>
    %swap3A_673 = vector.shape_cast %add3A_669 : vector<16xi32> to vector<16xi32>
    tpu.vector_store %arg7[%swap3A_670], %swap3A_673 {strides = array<i32>} : memref<128xi32, #tpu.memory_space<vmem>>, vector<16xi32>,
    %iota3A_674 = tpu.iota {dimensions = array<i32: 0>} : vector<16xi32>
    %add3A_675 = arith.constant 64 : i32
    %add3A_676 = arith.addi %add3A_637, %add3A_675 : i32
    %add3A_677 = vector.broadcast %add3A_676 : i32 to vector<16xi32>
    %add3A_678 = arith.addi %iota3A_674, %add3A_677 : vector<16xi32>
    %swap3A_679 = arith.constant 64 : index
    %swap3A_680 = tpu.vector_load %arg7[%swap3A_679] {strides = array<i32>} : memref<128xi32, #tpu.memory_space<vmem>>, vector<16xi32>,
    %swap3A_681 = vector.shape_cast %swap3A_680 : vector<16xi32> to vector<16xi32>
    %swap3A_682 = vector.shape_cast %add3A_678 : vector<16xi32> to vector<16xi32>
    tpu.vector_store %arg7[%swap3A_679], %swap3A_682 {strides = array<i32>} : memref<128xi32, #tpu.memory_space<vmem>>, vector<16xi32>,
    %iota3A_683 = tpu.iota {dimensions = array<i32: 0>} : vector<16xi32>
    %add3A_684 = arith.constant 80 : i32
    %add3A_685 = arith.addi %add3A_637, %add3A_684 : i32
    %add3A_686 = vector.broadcast %add3A_685 : i32 to vector<16xi32>
    %add3A_687 = arith.addi %iota3A_683, %add3A_686 : vector<16xi32>
    %swap3A_688 = arith.constant 80 : index
    %swap3A_689 = tpu.vector_load %arg7[%swap3A_688] {strides = array<i32>} : memref<128xi32, #tpu.memory_space<vmem>>, vector<16xi32>,
    %swap3A_690 = vector.shape_cast %swap3A_689 : vector<16xi32> to vector<16xi32>
    %swap3A_691 = vector.shape_cast %add3A_687 : vector<16xi32> to vector<16xi32>
    tpu.vector_store %arg7[%swap3A_688], %swap3A_691 {strides = array<i32>} : memref<128xi32, #tpu.memory_space<vmem>>, vector<16xi32>,
    %iota3A_692 = tpu.iota {dimensions = array<i32: 0>} : vector<16xi32>
    %add3A_693 = arith.constant 96 : i32
    %add3A_694 = arith.addi %add3A_637, %add3A_693 : i32
    %add3A_695 = vector.broadcast %add3A_694 : i32 to vector<16xi32>
    %add3A_696 = arith.addi %iota3A_692, %add3A_695 : vector<16xi32>
    %swap3A_697 = arith.constant 96 : index
    %swap3A_698 = tpu.vector_load %arg7[%swap3A_697] {strides = array<i32>} : memref<128xi32, #tpu.memory_space<vmem>>, vector<16xi32>,
    %swap3A_699 = vector.shape_cast %swap3A_698 : vector<16xi32> to vector<16xi32>
    %swap3A_700 = vector.shape_cast %add3A_696 : vector<16xi32> to vector<16xi32>
    tpu.vector_store %arg7[%swap3A_697], %swap3A_700 {strides = array<i32>} : memref<128xi32, #tpu.memory_space<vmem>>, vector<16xi32>,
    %iota3A_701 = tpu.iota {dimensions = array<i32: 0>} : vector<16xi32>
    %add3A_702 = arith.constant 112 : i32
    %add3A_703 = arith.addi %add3A_637, %add3A_702 : i32
    %add3A_704 = vector.broadcast %add3A_703 : i32 to vector<16xi32>
    %add3A_705 = arith.addi %iota3A_701, %add3A_704 : vector<16xi32>
    %swap3A_706 = arith.constant 112 : index
    %swap3A_707 = tpu.vector_load %arg7[%swap3A_706] {strides = array<i32>} : memref<128xi32, #tpu.memory_space<vmem>>, vector<16xi32>,
    %swap3A_708 = vector.shape_cast %swap3A_707 : vector<16xi32> to vector<16xi32>
    %swap3A_709 = vector.shape_cast %add3A_705 : vector<16xi32> to vector<16xi32>
    tpu.vector_store %arg7[%swap3A_706], %swap3A_709 {strides = array<i32>} : memref<128xi32, #tpu.memory_space<vmem>>, vector<16xi32>,
    "tpu.region"() ({
      %run_scoped3A = tpu.sem_alloc : memref<!tpu.dma_semaphore, #tpu.memory_space<semaphore_mem>>
      %dma_start3A_792 = arith.constant 0 : i32
      %dma_start3A_793 = arith.constant 0 : i32
      %dma_start3A_794 = tpu.memref_slice %arg18[%dma_start3A_792, %dma_start3A_793] : memref<10240x128xf32, #tpu.memory_space<vmem_shared>> -> memref<10240x128xf32, #tpu.memory_space<vmem_shared>>
      tpu.enqueue_indirect_dma source(%dma_start3A_794 : memref<10240x128xf32, #tpu.memory_space<vmem_shared>>) target(%arg11 : memref<128x128xf32, #tpu.memory_space<vmem>>) offsets(%arg7 : memref<128xi32, #tpu.memory_space<vmem>>) semaphore(%run_scoped3A : memref<!tpu.dma_semaphore, #tpu.memory_space<semaphore_mem>>)
      %dma_wait3A = arith.constant 0 : i32
      %dma_wait3A_795 = arith.constant 0 : i32
      %dma_wait3A_796 = tpu.memref_slice %arg18[%dma_wait3A, %dma_wait3A_795] : memref<10240x128xf32, #tpu.memory_space<vmem_shared>> -> memref<10240x128xf32, #tpu.memory_space<vmem_shared>>
      tpu.wait_indirect_dma semaphore(%run_scoped3A : memref<!tpu.dma_semaphore, #tpu.memory_space<semaphore_mem>>) src(%dma_wait3A_796 : memref<10240x128xf32, #tpu.memory_space<vmem_shared>>) dst(%arg11 : memref<128x128xf32, #tpu.memory_space<vmem>>)
      tpu.yield
    }) : () -> ()
    %mul3A_710 = arith.constant 10240 : i32
    %mul3A_711 = arith.muli %arg0, %mul3A_710 : i32
    %add3A_712 = arith.addi %mul3A_711, %add3A_637 : i32
    "tpu.region"() ({
      %run_scoped3A = tpu.sem_alloc : memref<!tpu.dma_semaphore, #tpu.memory_space<semaphore_mem>>
      %dma_start3A_792 = arith.constant 0 : i32
      %dma_start3A_793 = tpu.memref_slice %arg6[%add3A_712, %dma_start3A_792] : memref<20480x128xf32, #tpu.memory_space<hbm>> -> memref<128x128xf32, #tpu.memory_space<hbm>>
      %dma_start3A_794 = arith.constant 0 : i32
      %dma_start3A_795 = tpu.memref_slice %arg6[%add3A_712, %dma_start3A_794] : memref<20480x128xf32, #tpu.memory_space<hbm>> -> memref<128x128xf32, #tpu.memory_space<hbm>>
      tpu.enqueue_dma source(%arg11 : memref<128x128xf32, #tpu.memory_space<vmem>>) target(%dma_start3A_795 : memref<128x128xf32, #tpu.memory_space<hbm>>) target_semaphore(%run_scoped3A : memref<!tpu.dma_semaphore, #tpu.memory_space<semaphore_mem>>)
      %dma_wait3A = arith.constant 0 : i32
      %dma_wait3A_796 = tpu.memref_slice %arg6[%add3A_712, %dma_wait3A] : memref<20480x128xf32, #tpu.memory_space<hbm>> -> memref<128x128xf32, #tpu.memory_space<hbm>>
      %dma_wait3A_797 = arith.constant 0 : i32
      %dma_wait3A_798 = tpu.memref_slice %arg6[%add3A_712, %dma_wait3A_797] : memref<20480x128xf32, #tpu.memory_space<hbm>> -> memref<128x128xf32, #tpu.memory_space<hbm>>
      tpu.wait_dma2 semaphore(%run_scoped3A : memref<!tpu.dma_semaphore, #tpu.memory_space<semaphore_mem>>) src(%arg11 : memref<128x128xf32, #tpu.memory_space<vmem>>) dst(%dma_wait3A_798 : memref<128x128xf32, #tpu.memory_space<hbm>>)
      tpu.yield
    }) : () -> ()
    %mul3A_713 = arith.constant 640 : i32
    %mul3A_714 = arith.muli %arg1, %mul3A_713 : i32
    %add3A_715 = arith.constant 512 : i32
    %add3A_716 = arith.addi %mul3A_714, %add3A_715 : i32
    %iota3A_717 = tpu.iota {dimensions = array<i32: 0>} : vector<16xi32>
    %add3A_718 = arith.constant 0 : i32
    %add3A_719 = arith.addi %add3A_716, %add3A_718 : i32
    %add3A_720 = vector.broadcast %add3A_719 : i32 to vector<16xi32>
    %add3A_721 = arith.addi %iota3A_717, %add3A_720 : vector<16xi32>
    %swap3A_722 = arith.constant 0 : index
    %swap3A_723 = tpu.vector_load %arg7[%swap3A_722] {strides = array<i32>} : memref<128xi32, #tpu.memory_space<vmem>>, vector<16xi32>,
    %swap3A_724 = vector.shape_cast %swap3A_723 : vector<16xi32> to vector<16xi32>
    %swap3A_725 = vector.shape_cast %add3A_721 : vector<16xi32> to vector<16xi32>
    tpu.vector_store %arg7[%swap3A_722], %swap3A_725 {strides = array<i32>} : memref<128xi32, #tpu.memory_space<vmem>>, vector<16xi32>,
    %iota3A_726 = tpu.iota {dimensions = array<i32: 0>} : vector<16xi32>
    %add3A_727 = arith.constant 16 : i32
    %add3A_728 = arith.addi %add3A_716, %add3A_727 : i32
    %add3A_729 = vector.broadcast %add3A_728 : i32 to vector<16xi32>
    %add3A_730 = arith.addi %iota3A_726, %add3A_729 : vector<16xi32>
    %swap3A_731 = arith.constant 16 : index
    %swap3A_732 = tpu.vector_load %arg7[%swap3A_731] {strides = array<i32>} : memref<128xi32, #tpu.memory_space<vmem>>, vector<16xi32>,
    %swap3A_733 = vector.shape_cast %swap3A_732 : vector<16xi32> to vector<16xi32>
    %swap3A_734 = vector.shape_cast %add3A_730 : vector<16xi32> to vector<16xi32>
    tpu.vector_store %arg7[%swap3A_731], %swap3A_734 {strides = array<i32>} : memref<128xi32, #tpu.memory_space<vmem>>, vector<16xi32>,
    %iota3A_735 = tpu.iota {dimensions = array<i32: 0>} : vector<16xi32>
    %add3A_736 = arith.constant 32 : i32
    %add3A_737 = arith.addi %add3A_716, %add3A_736 : i32
    %add3A_738 = vector.broadcast %add3A_737 : i32 to vector<16xi32>
    %add3A_739 = arith.addi %iota3A_735, %add3A_738 : vector<16xi32>
    %swap3A_740 = arith.constant 32 : index
    %swap3A_741 = tpu.vector_load %arg7[%swap3A_740] {strides = array<i32>} : memref<128xi32, #tpu.memory_space<vmem>>, vector<16xi32>,
    %swap3A_742 = vector.shape_cast %swap3A_741 : vector<16xi32> to vector<16xi32>
    %swap3A_743 = vector.shape_cast %add3A_739 : vector<16xi32> to vector<16xi32>
    tpu.vector_store %arg7[%swap3A_740], %swap3A_743 {strides = array<i32>} : memref<128xi32, #tpu.memory_space<vmem>>, vector<16xi32>,
    %iota3A_744 = tpu.iota {dimensions = array<i32: 0>} : vector<16xi32>
    %add3A_745 = arith.constant 48 : i32
    %add3A_746 = arith.addi %add3A_716, %add3A_745 : i32
    %add3A_747 = vector.broadcast %add3A_746 : i32 to vector<16xi32>
    %add3A_748 = arith.addi %iota3A_744, %add3A_747 : vector<16xi32>
    %swap3A_749 = arith.constant 48 : index
    %swap3A_750 = tpu.vector_load %arg7[%swap3A_749] {strides = array<i32>} : memref<128xi32, #tpu.memory_space<vmem>>, vector<16xi32>,
    %swap3A_751 = vector.shape_cast %swap3A_750 : vector<16xi32> to vector<16xi32>
    %swap3A_752 = vector.shape_cast %add3A_748 : vector<16xi32> to vector<16xi32>
    tpu.vector_store %arg7[%swap3A_749], %swap3A_752 {strides = array<i32>} : memref<128xi32, #tpu.memory_space<vmem>>, vector<16xi32>,
    %iota3A_753 = tpu.iota {dimensions = array<i32: 0>} : vector<16xi32>
    %add3A_754 = arith.constant 64 : i32
    %add3A_755 = arith.addi %add3A_716, %add3A_754 : i32
    %add3A_756 = vector.broadcast %add3A_755 : i32 to vector<16xi32>
    %add3A_757 = arith.addi %iota3A_753, %add3A_756 : vector<16xi32>
    %swap3A_758 = arith.constant 64 : index
    %swap3A_759 = tpu.vector_load %arg7[%swap3A_758] {strides = array<i32>} : memref<128xi32, #tpu.memory_space<vmem>>, vector<16xi32>,
    %swap3A_760 = vector.shape_cast %swap3A_759 : vector<16xi32> to vector<16xi32>
    %swap3A_761 = vector.shape_cast %add3A_757 : vector<16xi32> to vector<16xi32>
    tpu.vector_store %arg7[%swap3A_758], %swap3A_761 {strides = array<i32>} : memref<128xi32, #tpu.memory_space<vmem>>, vector<16xi32>,
    %iota3A_762 = tpu.iota {dimensions = array<i32: 0>} : vector<16xi32>
    %add3A_763 = arith.constant 80 : i32
    %add3A_764 = arith.addi %add3A_716, %add3A_763 : i32
    %add3A_765 = vector.broadcast %add3A_764 : i32 to vector<16xi32>
    %add3A_766 = arith.addi %iota3A_762, %add3A_765 : vector<16xi32>
    %swap3A_767 = arith.constant 80 : index
    %swap3A_768 = tpu.vector_load %arg7[%swap3A_767] {strides = array<i32>} : memref<128xi32, #tpu.memory_space<vmem>>, vector<16xi32>,
    %swap3A_769 = vector.shape_cast %swap3A_768 : vector<16xi32> to vector<16xi32>
    %swap3A_770 = vector.shape_cast %add3A_766 : vector<16xi32> to vector<16xi32>
    tpu.vector_store %arg7[%swap3A_767], %swap3A_770 {strides = array<i32>} : memref<128xi32, #tpu.memory_space<vmem>>, vector<16xi32>,
    %iota3A_771 = tpu.iota {dimensions = array<i32: 0>} : vector<16xi32>
    %add3A_772 = arith.constant 96 : i32
    %add3A_773 = arith.addi %add3A_716, %add3A_772 : i32
    %add3A_774 = vector.broadcast %add3A_773 : i32 to vector<16xi32>
    %add3A_775 = arith.addi %iota3A_771, %add3A_774 : vector<16xi32>
    %swap3A_776 = arith.constant 96 : index
    %swap3A_777 = tpu.vector_load %arg7[%swap3A_776] {strides = array<i32>} : memref<128xi32, #tpu.memory_space<vmem>>, vector<16xi32>,
    %swap3A_778 = vector.shape_cast %swap3A_777 : vector<16xi32> to vector<16xi32>
    %swap3A_779 = vector.shape_cast %add3A_775 : vector<16xi32> to vector<16xi32>
    tpu.vector_store %arg7[%swap3A_776], %swap3A_779 {strides = array<i32>} : memref<128xi32, #tpu.memory_space<vmem>>, vector<16xi32>,
    %iota3A_780 = tpu.iota {dimensions = array<i32: 0>} : vector<16xi32>
    %add3A_781 = arith.constant 112 : i32
    %add3A_782 = arith.addi %add3A_716, %add3A_781 : i32
    %add3A_783 = vector.broadcast %add3A_782 : i32 to vector<16xi32>
    %add3A_784 = arith.addi %iota3A_780, %add3A_783 : vector<16xi32>
    %swap3A_785 = arith.constant 112 : index
    %swap3A_786 = tpu.vector_load %arg7[%swap3A_785] {strides = array<i32>} : memref<128xi32, #tpu.memory_space<vmem>>, vector<16xi32>,
    %swap3A_787 = vector.shape_cast %swap3A_786 : vector<16xi32> to vector<16xi32>
    %swap3A_788 = vector.shape_cast %add3A_784 : vector<16xi32> to vector<16xi32>
    tpu.vector_store %arg7[%swap3A_785], %swap3A_788 {strides = array<i32>} : memref<128xi32, #tpu.memory_space<vmem>>, vector<16xi32>,
    "tpu.region"() ({
      %run_scoped3A = tpu.sem_alloc : memref<!tpu.dma_semaphore, #tpu.memory_space<semaphore_mem>>
      %dma_start3A_792 = arith.constant 0 : i32
      %dma_start3A_793 = arith.constant 0 : i32
      %dma_start3A_794 = tpu.memref_slice %arg18[%dma_start3A_792, %dma_start3A_793] : memref<10240x128xf32, #tpu.memory_space<vmem_shared>> -> memref<10240x128xf32, #tpu.memory_space<vmem_shared>>
      tpu.enqueue_indirect_dma source(%dma_start3A_794 : memref<10240x128xf32, #tpu.memory_space<vmem_shared>>) target(%arg11 : memref<128x128xf32, #tpu.memory_space<vmem>>) offsets(%arg7 : memref<128xi32, #tpu.memory_space<vmem>>) semaphore(%run_scoped3A : memref<!tpu.dma_semaphore, #tpu.memory_space<semaphore_mem>>)
      %dma_wait3A = arith.constant 0 : i32
      %dma_wait3A_795 = arith.constant 0 : i32
      %dma_wait3A_796 = tpu.memref_slice %arg18[%dma_wait3A, %dma_wait3A_795] : memref<10240x128xf32, #tpu.memory_space<vmem_shared>> -> memref<10240x128xf32, #tpu.memory_space<vmem_shared>>
      tpu.wait_indirect_dma semaphore(%run_scoped3A : memref<!tpu.dma_semaphore, #tpu.memory_space<semaphore_mem>>) src(%dma_wait3A_796 : memref<10240x128xf32, #tpu.memory_space<vmem_shared>>) dst(%arg11 : memref<128x128xf32, #tpu.memory_space<vmem>>)
      tpu.yield
    }) : () -> ()
    %mul3A_789 = arith.constant 10240 : i32
    %mul3A_790 = arith.muli %arg0, %mul3A_789 : i32
    %add3A_791 = arith.addi %mul3A_790, %add3A_716 : i32
    "tpu.region"() ({
      %run_scoped3A = tpu.sem_alloc : memref<!tpu.dma_semaphore, #tpu.memory_space<semaphore_mem>>
      %dma_start3A_792 = arith.constant 0 : i32
      %dma_start3A_793 = tpu.memref_slice %arg6[%add3A_791, %dma_start3A_792] : memref<20480x128xf32, #tpu.memory_space<hbm>> -> memref<128x128xf32, #tpu.memory_space<hbm>>
      %dma_start3A_794 = arith.constant 0 : i32
      %dma_start3A_795 = tpu.memref_slice %arg6[%add3A_791, %dma_start3A_794] : memref<20480x128xf32, #tpu.memory_space<hbm>> -> memref<128x128xf32, #tpu.memory_space<hbm>>
      tpu.enqueue_dma source(%arg11 : memref<128x128xf32, #tpu.memory_space<vmem>>) target(%dma_start3A_795 : memref<128x128xf32, #tpu.memory_space<hbm>>) target_semaphore(%run_scoped3A : memref<!tpu.dma_semaphore, #tpu.memory_space<semaphore_mem>>)
      %dma_wait3A = arith.constant 0 : i32
      %dma_wait3A_796 = tpu.memref_slice %arg6[%add3A_791, %dma_wait3A] : memref<20480x128xf32, #tpu.memory_space<hbm>> -> memref<128x128xf32, #tpu.memory_space<hbm>>
      %dma_wait3A_797 = arith.constant 0 : i32
      %dma_wait3A_798 = tpu.memref_slice %arg6[%add3A_791, %dma_wait3A_797] : memref<20480x128xf32, #tpu.memory_space<hbm>> -> memref<128x128xf32, #tpu.memory_space<hbm>>
      tpu.wait_dma2 semaphore(%run_scoped3A : memref<!tpu.dma_semaphore, #tpu.memory_space<semaphore_mem>>) src(%arg11 : memref<128x128xf32, #tpu.memory_space<vmem>>) dst(%dma_wait3A_798 : memref<128x128xf32, #tpu.memory_space<hbm>>)
      tpu.yield
    }) : () -> ()
    return
  }
}

#map = affine_map<(d0, d1) -> (0, 0)>
#map1 = affine_map<(d0, d1) -> (0)>
module attributes {stable_mosaic.version = 14 : i64} {
  func.func @k(%arg0: i32, %arg1: i32, %arg2: memref<100000x128xf32, #tpu.memory_space<hbm>>, %arg3: memref<320000xi32, #tpu.memory_space<hbm>>, %arg4: memref<327680x128xf32, #tpu.memory_space<hbm>>, %arg5: memref<128xi32, #tpu.memory_space<vmem>>, %arg6: memref<128xi32, #tpu.memory_space<vmem>>, %arg7: memref<128x128xf32, #tpu.memory_space<vmem>>, %arg8: memref<128x128xf32, #tpu.memory_space<vmem>>, %arg9: memref<16xi32, #tpu.memory_space<vmem>>, %arg10: memref<16x128xf32, #tpu.memory_space<vmem>>, %arg11: memref<!tpu.dma_semaphore, #tpu.memory_space<semaphore_mem>>, %arg12: memref<!tpu.dma_semaphore, #tpu.memory_space<semaphore_mem>>) attributes {dimension_semantics = [#tpu.dimension_semantics<core_parallel>, #tpu.dimension_semantics<subcore_parallel>], iteration_bounds = array<i64: 2, 16>, scalar_prefetch = 0 : i64, scratch_operands = 8 : i64, tpu.core_type = #tpu.core_type<sc_vector_subcore>, window_params = [{transform_indices = #map}, {transform_indices = #map1}, {transform_indices = #map}]} {
    %mul3A = arith.constant 2 : i32
    %mul3A_0 = arith.muli %arg1, %mul3A : i32
    %add3A = arith.addi %mul3A_0, %arg0 : i32
    %mul3A_1 = arith.constant 10000 : i32
    %mul3A_2 = arith.muli %add3A, %mul3A_1 : i32
    %add3A_3 = arith.constant 0 : i32
    %add3A_4 = arith.addi %mul3A_2, %add3A_3 : i32
    "tpu.region"() ({
      %run_scoped3A = tpu.sem_alloc : memref<!tpu.dma_semaphore, #tpu.memory_space<semaphore_mem>>
      %dma_start3A_18 = tpu.memref_slice %arg3[%add3A_4] : memref<320000xi32, #tpu.memory_space<hbm>> -> memref<128xi32, #tpu.memory_space<hbm>>
      %dma_start3A_19 = tpu.memref_slice %arg3[%add3A_4] : memref<320000xi32, #tpu.memory_space<hbm>> -> memref<128xi32, #tpu.memory_space<hbm>>
      tpu.enqueue_dma source(%dma_start3A_19 : memref<128xi32, #tpu.memory_space<hbm>>) target(%arg5 : memref<128xi32, #tpu.memory_space<vmem>>) target_semaphore(%run_scoped3A : memref<!tpu.dma_semaphore, #tpu.memory_space<semaphore_mem>>)
      %dma_wait3A = tpu.memref_slice %arg3[%add3A_4] : memref<320000xi32, #tpu.memory_space<hbm>> -> memref<128xi32, #tpu.memory_space<hbm>>
      %dma_wait3A_20 = tpu.memref_slice %arg3[%add3A_4] : memref<320000xi32, #tpu.memory_space<hbm>> -> memref<128xi32, #tpu.memory_space<hbm>>
      tpu.wait_dma2 semaphore(%run_scoped3A : memref<!tpu.dma_semaphore, #tpu.memory_space<semaphore_mem>>) src(%dma_wait3A_20 : memref<128xi32, #tpu.memory_space<hbm>>) dst(%arg5 : memref<128xi32, #tpu.memory_space<vmem>>)
      tpu.yield
    }) : () -> ()
    %dma_start3A = arith.constant 0 : i32
    %dma_start3A_5 = arith.constant 0 : i32
    %dma_start3A_6 = tpu.memref_slice %arg2[%dma_start3A, %dma_start3A_5] : memref<100000x128xf32, #tpu.memory_space<hbm>> -> memref<100000x128xf32, #tpu.memory_space<hbm>>
    tpu.enqueue_indirect_dma source(%dma_start3A_6 : memref<100000x128xf32, #tpu.memory_space<hbm>>) target(%arg7 : memref<128x128xf32, #tpu.memory_space<vmem>>) offsets(%arg5 : memref<128xi32, #tpu.memory_space<vmem>>) semaphore(%arg11 : memref<!tpu.dma_semaphore, #tpu.memory_space<semaphore_mem>>)
    %add3A_7 = arith.constant 128 : i32
    %add3A_8 = arith.addi %mul3A_2, %add3A_7 : i32
    "tpu.region"() ({
      %run_scoped3A = tpu.sem_alloc : memref<!tpu.dma_semaphore, #tpu.memory_space<semaphore_mem>>
      %dma_start3A_18 = tpu.memref_slice %arg3[%add3A_8] : memref<320000xi32, #tpu.memory_space<hbm>> -> memref<128xi32, #tpu.memory_space<hbm>>
      %dma_start3A_19 = tpu.memref_slice %arg3[%add3A_8] : memref<320000xi32, #tpu.memory_space<hbm>> -> memref<128xi32, #tpu.memory_space<hbm>>
      tpu.enqueue_dma source(%dma_start3A_19 : memref<128xi32, #tpu.memory_space<hbm>>) target(%arg6 : memref<128xi32, #tpu.memory_space<vmem>>) target_semaphore(%run_scoped3A : memref<!tpu.dma_semaphore, #tpu.memory_space<semaphore_mem>>)
      %dma_wait3A = tpu.memref_slice %arg3[%add3A_8] : memref<320000xi32, #tpu.memory_space<hbm>> -> memref<128xi32, #tpu.memory_space<hbm>>
      %dma_wait3A_20 = tpu.memref_slice %arg3[%add3A_8] : memref<320000xi32, #tpu.memory_space<hbm>> -> memref<128xi32, #tpu.memory_space<hbm>>
      tpu.wait_dma2 semaphore(%run_scoped3A : memref<!tpu.dma_semaphore, #tpu.memory_space<semaphore_mem>>) src(%dma_wait3A_20 : memref<128xi32, #tpu.memory_space<hbm>>) dst(%arg6 : memref<128xi32, #tpu.memory_space<vmem>>)
      tpu.yield
    }) : () -> ()
    %dma_start3A_9 = arith.constant 0 : i32
    %dma_start3A_10 = arith.constant 0 : i32
    %dma_start3A_11 = tpu.memref_slice %arg2[%dma_start3A_9, %dma_start3A_10] : memref<100000x128xf32, #tpu.memory_space<hbm>> -> memref<100000x128xf32, #tpu.memory_space<hbm>>
    tpu.enqueue_indirect_dma source(%dma_start3A_11 : memref<100000x128xf32, #tpu.memory_space<hbm>>) target(%arg8 : memref<128x128xf32, #tpu.memory_space<vmem>>) offsets(%arg6 : memref<128xi32, #tpu.memory_space<vmem>>) semaphore(%arg12 : memref<!tpu.dma_semaphore, #tpu.memory_space<semaphore_mem>>)
    %scan3A = arith.constant 0 : i32
    %scan3A_12 = arith.constant 39 : i32
    %scan3A_13 = arith.addi %scan3A, %scan3A_12 : i32
    %scan3A_14 = arith.constant 1 : i32
    scf.for %scan3A_18 = %scan3A to %scan3A_13 step %scan3A_14  : i32 {
      %mul3A_19 = arith.constant 1 : i32
      %mul3A_20 = arith.muli %scan3A_18, %mul3A_19 : i32
      %add3A_21 = arith.constant 0 : i32
      %add3A_22 = arith.addi %add3A_21, %mul3A_20 : i32
      %mul3A_23 = arith.constant 2 : i32
      %mul3A_24 = arith.muli %mul3A_23, %add3A_22 : i32
      %dma_wait3A = arith.constant 0 : i32
      %dma_wait3A_25 = arith.constant 0 : i32
      %dma_wait3A_26 = tpu.memref_slice %arg2[%dma_wait3A, %dma_wait3A_25] : memref<100000x128xf32, #tpu.memory_space<hbm>> -> memref<100000x128xf32, #tpu.memory_space<hbm>>
      tpu.wait_indirect_dma semaphore(%arg11 : memref<!tpu.dma_semaphore, #tpu.memory_space<semaphore_mem>>) src(%dma_wait3A_26 : memref<100000x128xf32, #tpu.memory_space<hbm>>) dst(%arg7 : memref<128x128xf32, #tpu.memory_space<vmem>>)
      %mul3A_27 = arith.constant 128 : i32
      %mul3A_28 = arith.muli %mul3A_24, %mul3A_27 : i32
      %add3A_29 = arith.addi %mul3A_2, %mul3A_28 : i32
      "tpu.region"() ({
        %run_scoped3A = tpu.sem_alloc : memref<!tpu.dma_semaphore, #tpu.memory_space<semaphore_mem>>
        %dma_start3A_49 = arith.constant 0 : i32
        %dma_start3A_50 = tpu.memref_slice %arg4[%add3A_29, %dma_start3A_49] : memref<327680x128xf32, #tpu.memory_space<hbm>> -> memref<128x128xf32, #tpu.memory_space<hbm>>
        %dma_start3A_51 = arith.constant 0 : i32
        %dma_start3A_52 = tpu.memref_slice %arg4[%add3A_29, %dma_start3A_51] : memref<327680x128xf32, #tpu.memory_space<hbm>> -> memref<128x128xf32, #tpu.memory_space<hbm>>
        tpu.enqueue_dma source(%arg7 : memref<128x128xf32, #tpu.memory_space<vmem>>) target(%dma_start3A_52 : memref<128x128xf32, #tpu.memory_space<hbm>>) target_semaphore(%run_scoped3A : memref<!tpu.dma_semaphore, #tpu.memory_space<semaphore_mem>>)
        %dma_wait3A_53 = arith.constant 0 : i32
        %dma_wait3A_54 = tpu.memref_slice %arg4[%add3A_29, %dma_wait3A_53] : memref<327680x128xf32, #tpu.memory_space<hbm>> -> memref<128x128xf32, #tpu.memory_space<hbm>>
        %dma_wait3A_55 = arith.constant 0 : i32
        %dma_wait3A_56 = tpu.memref_slice %arg4[%add3A_29, %dma_wait3A_55] : memref<327680x128xf32, #tpu.memory_space<hbm>> -> memref<128x128xf32, #tpu.memory_space<hbm>>
        tpu.wait_dma2 semaphore(%run_scoped3A : memref<!tpu.dma_semaphore, #tpu.memory_space<semaphore_mem>>) src(%arg7 : memref<128x128xf32, #tpu.memory_space<vmem>>) dst(%dma_wait3A_56 : memref<128x128xf32, #tpu.memory_space<hbm>>)
        tpu.yield
      }) : () -> ()
      %add3A_30 = arith.constant 2 : i32
      %add3A_31 = arith.addi %mul3A_24, %add3A_30 : i32
      %lt3A = arith.constant 78 : i32
      %lt3A_32 = arith.cmpi slt, %add3A_31, %lt3A : i32
      %convert_element_type3A = arith.extui %lt3A_32 : i1 to i32
      %cond3A = arith.constant 0 : i32
      %cond3A_33 = arith.cmpi ne, %convert_element_type3A, %cond3A : i32
      scf.if %cond3A_33 {
        %add3A_49 = arith.constant 2 : i32
        %add3A_50 = arith.addi %mul3A_24, %add3A_49 : i32
        %mul3A_51 = arith.constant 128 : i32
        %mul3A_52 = arith.muli %add3A_50, %mul3A_51 : i32
        %add3A_53 = arith.addi %mul3A_2, %mul3A_52 : i32
        "tpu.region"() ({
          %run_scoped3A = tpu.sem_alloc : memref<!tpu.dma_semaphore, #tpu.memory_space<semaphore_mem>>
          %dma_start3A_57 = tpu.memref_slice %arg3[%add3A_53] : memref<320000xi32, #tpu.memory_space<hbm>> -> memref<128xi32, #tpu.memory_space<hbm>>
          %dma_start3A_58 = tpu.memref_slice %arg3[%add3A_53] : memref<320000xi32, #tpu.memory_space<hbm>> -> memref<128xi32, #tpu.memory_space<hbm>>
          tpu.enqueue_dma source(%dma_start3A_58 : memref<128xi32, #tpu.memory_space<hbm>>) target(%arg5 : memref<128xi32, #tpu.memory_space<vmem>>) target_semaphore(%run_scoped3A : memref<!tpu.dma_semaphore, #tpu.memory_space<semaphore_mem>>)
          %dma_wait3A_59 = tpu.memref_slice %arg3[%add3A_53] : memref<320000xi32, #tpu.memory_space<hbm>> -> memref<128xi32, #tpu.memory_space<hbm>>
          %dma_wait3A_60 = tpu.memref_slice %arg3[%add3A_53] : memref<320000xi32, #tpu.memory_space<hbm>> -> memref<128xi32, #tpu.memory_space<hbm>>
          tpu.wait_dma2 semaphore(%run_scoped3A : memref<!tpu.dma_semaphore, #tpu.memory_space<semaphore_mem>>) src(%dma_wait3A_60 : memref<128xi32, #tpu.memory_space<hbm>>) dst(%arg5 : memref<128xi32, #tpu.memory_space<vmem>>)
          tpu.yield
        }) : () -> ()
        %dma_start3A_54 = arith.constant 0 : i32
        %dma_start3A_55 = arith.constant 0 : i32
        %dma_start3A_56 = tpu.memref_slice %arg2[%dma_start3A_54, %dma_start3A_55] : memref<100000x128xf32, #tpu.memory_space<hbm>> -> memref<100000x128xf32, #tpu.memory_space<hbm>>
        tpu.enqueue_indirect_dma source(%dma_start3A_56 : memref<100000x128xf32, #tpu.memory_space<hbm>>) target(%arg7 : memref<128x128xf32, #tpu.memory_space<vmem>>) offsets(%arg5 : memref<128xi32, #tpu.memory_space<vmem>>) semaphore(%arg11 : memref<!tpu.dma_semaphore, #tpu.memory_space<semaphore_mem>>)
      } else {
      }
      %add3A_34 = arith.constant 1 : i32
      %add3A_35 = arith.addi %mul3A_24, %add3A_34 : i32
      %dma_wait3A_36 = arith.constant 0 : i32
      %dma_wait3A_37 = arith.constant 0 : i32
      %dma_wait3A_38 = tpu.memref_slice %arg2[%dma_wait3A_36, %dma_wait3A_37] : memref<100000x128xf32, #tpu.memory_space<hbm>> -> memref<100000x128xf32, #tpu.memory_space<hbm>>
      tpu.wait_indirect_dma semaphore(%arg12 : memref<!tpu.dma_semaphore, #tpu.memory_space<semaphore_mem>>) src(%dma_wait3A_38 : memref<100000x128xf32, #tpu.memory_space<hbm>>) dst(%arg8 : memref<128x128xf32, #tpu.memory_space<vmem>>)
      %mul3A_39 = arith.constant 128 : i32
      %mul3A_40 = arith.muli %add3A_35, %mul3A_39 : i32
      %add3A_41 = arith.addi %mul3A_2, %mul3A_40 : i32
      "tpu.region"() ({
        %run_scoped3A = tpu.sem_alloc : memref<!tpu.dma_semaphore, #tpu.memory_space<semaphore_mem>>
        %dma_start3A_49 = arith.constant 0 : i32
        %dma_start3A_50 = tpu.memref_slice %arg4[%add3A_41, %dma_start3A_49] : memref<327680x128xf32, #tpu.memory_space<hbm>> -> memref<128x128xf32, #tpu.memory_space<hbm>>
        %dma_start3A_51 = arith.constant 0 : i32
        %dma_start3A_52 = tpu.memref_slice %arg4[%add3A_41, %dma_start3A_51] : memref<327680x128xf32, #tpu.memory_space<hbm>> -> memref<128x128xf32, #tpu.memory_space<hbm>>
        tpu.enqueue_dma source(%arg8 : memref<128x128xf32, #tpu.memory_space<vmem>>) target(%dma_start3A_52 : memref<128x128xf32, #tpu.memory_space<hbm>>) target_semaphore(%run_scoped3A : memref<!tpu.dma_semaphore, #tpu.memory_space<semaphore_mem>>)
        %dma_wait3A_53 = arith.constant 0 : i32
        %dma_wait3A_54 = tpu.memref_slice %arg4[%add3A_41, %dma_wait3A_53] : memref<327680x128xf32, #tpu.memory_space<hbm>> -> memref<128x128xf32, #tpu.memory_space<hbm>>
        %dma_wait3A_55 = arith.constant 0 : i32
        %dma_wait3A_56 = tpu.memref_slice %arg4[%add3A_41, %dma_wait3A_55] : memref<327680x128xf32, #tpu.memory_space<hbm>> -> memref<128x128xf32, #tpu.memory_space<hbm>>
        tpu.wait_dma2 semaphore(%run_scoped3A : memref<!tpu.dma_semaphore, #tpu.memory_space<semaphore_mem>>) src(%arg8 : memref<128x128xf32, #tpu.memory_space<vmem>>) dst(%dma_wait3A_56 : memref<128x128xf32, #tpu.memory_space<hbm>>)
        tpu.yield
      }) : () -> ()
      %add3A_42 = arith.constant 3 : i32
      %add3A_43 = arith.addi %mul3A_24, %add3A_42 : i32
      %lt3A_44 = arith.constant 78 : i32
      %lt3A_45 = arith.cmpi slt, %add3A_43, %lt3A_44 : i32
      %convert_element_type3A_46 = arith.extui %lt3A_45 : i1 to i32
      %cond3A_47 = arith.constant 0 : i32
      %cond3A_48 = arith.cmpi ne, %convert_element_type3A_46, %cond3A_47 : i32
      scf.if %cond3A_48 {
        %add3A_49 = arith.constant 3 : i32
        %add3A_50 = arith.addi %mul3A_24, %add3A_49 : i32
        %mul3A_51 = arith.constant 128 : i32
        %mul3A_52 = arith.muli %add3A_50, %mul3A_51 : i32
        %add3A_53 = arith.addi %mul3A_2, %mul3A_52 : i32
        "tpu.region"() ({
          %run_scoped3A = tpu.sem_alloc : memref<!tpu.dma_semaphore, #tpu.memory_space<semaphore_mem>>
          %dma_start3A_57 = tpu.memref_slice %arg3[%add3A_53] : memref<320000xi32, #tpu.memory_space<hbm>> -> memref<128xi32, #tpu.memory_space<hbm>>
          %dma_start3A_58 = tpu.memref_slice %arg3[%add3A_53] : memref<320000xi32, #tpu.memory_space<hbm>> -> memref<128xi32, #tpu.memory_space<hbm>>
          tpu.enqueue_dma source(%dma_start3A_58 : memref<128xi32, #tpu.memory_space<hbm>>) target(%arg6 : memref<128xi32, #tpu.memory_space<vmem>>) target_semaphore(%run_scoped3A : memref<!tpu.dma_semaphore, #tpu.memory_space<semaphore_mem>>)
          %dma_wait3A_59 = tpu.memref_slice %arg3[%add3A_53] : memref<320000xi32, #tpu.memory_space<hbm>> -> memref<128xi32, #tpu.memory_space<hbm>>
          %dma_wait3A_60 = tpu.memref_slice %arg3[%add3A_53] : memref<320000xi32, #tpu.memory_space<hbm>> -> memref<128xi32, #tpu.memory_space<hbm>>
          tpu.wait_dma2 semaphore(%run_scoped3A : memref<!tpu.dma_semaphore, #tpu.memory_space<semaphore_mem>>) src(%dma_wait3A_60 : memref<128xi32, #tpu.memory_space<hbm>>) dst(%arg6 : memref<128xi32, #tpu.memory_space<vmem>>)
          tpu.yield
        }) : () -> ()
        %dma_start3A_54 = arith.constant 0 : i32
        %dma_start3A_55 = arith.constant 0 : i32
        %dma_start3A_56 = tpu.memref_slice %arg2[%dma_start3A_54, %dma_start3A_55] : memref<100000x128xf32, #tpu.memory_space<hbm>> -> memref<100000x128xf32, #tpu.memory_space<hbm>>
        tpu.enqueue_indirect_dma source(%dma_start3A_56 : memref<100000x128xf32, #tpu.memory_space<hbm>>) target(%arg8 : memref<128x128xf32, #tpu.memory_space<vmem>>) offsets(%arg6 : memref<128xi32, #tpu.memory_space<vmem>>) semaphore(%arg12 : memref<!tpu.dma_semaphore, #tpu.memory_space<semaphore_mem>>)
      } else {
      }
    }
    %scan3A_15 = arith.constant 39 : i32
    %add3A_16 = arith.constant 9984 : i32
    %add3A_17 = arith.addi %mul3A_2, %add3A_16 : i32
    "tpu.region"() ({
      %run_scoped3A = tpu.sem_alloc : memref<!tpu.dma_semaphore, #tpu.memory_space<semaphore_mem>>
      %dma_start3A_18 = tpu.memref_slice %arg3[%add3A_17] : memref<320000xi32, #tpu.memory_space<hbm>> -> memref<16xi32, #tpu.memory_space<hbm>>
      %dma_start3A_19 = tpu.memref_slice %arg3[%add3A_17] : memref<320000xi32, #tpu.memory_space<hbm>> -> memref<16xi32, #tpu.memory_space<hbm>>
      tpu.enqueue_dma source(%dma_start3A_19 : memref<16xi32, #tpu.memory_space<hbm>>) target(%arg9 : memref<16xi32, #tpu.memory_space<vmem>>) target_semaphore(%run_scoped3A : memref<!tpu.dma_semaphore, #tpu.memory_space<semaphore_mem>>)
      %dma_wait3A = tpu.memref_slice %arg3[%add3A_17] : memref<320000xi32, #tpu.memory_space<hbm>> -> memref<16xi32, #tpu.memory_space<hbm>>
      %dma_wait3A_20 = tpu.memref_slice %arg3[%add3A_17] : memref<320000xi32, #tpu.memory_space<hbm>> -> memref<16xi32, #tpu.memory_space<hbm>>
      tpu.wait_dma2 semaphore(%run_scoped3A : memref<!tpu.dma_semaphore, #tpu.memory_space<semaphore_mem>>) src(%dma_wait3A_20 : memref<16xi32, #tpu.memory_space<hbm>>) dst(%arg9 : memref<16xi32, #tpu.memory_space<vmem>>)
      tpu.yield
    }) : () -> ()
    "tpu.region"() ({
      %run_scoped3A = tpu.sem_alloc : memref<!tpu.dma_semaphore, #tpu.memory_space<semaphore_mem>>
      %dma_start3A_18 = arith.constant 0 : i32
      %dma_start3A_19 = arith.constant 0 : i32
      %dma_start3A_20 = tpu.memref_slice %arg2[%dma_start3A_18, %dma_start3A_19] : memref<100000x128xf32, #tpu.memory_space<hbm>> -> memref<100000x128xf32, #tpu.memory_space<hbm>>
      tpu.enqueue_indirect_dma source(%dma_start3A_20 : memref<100000x128xf32, #tpu.memory_space<hbm>>) target(%arg10 : memref<16x128xf32, #tpu.memory_space<vmem>>) offsets(%arg9 : memref<16xi32, #tpu.memory_space<vmem>>) semaphore(%run_scoped3A : memref<!tpu.dma_semaphore, #tpu.memory_space<semaphore_mem>>)
      %dma_wait3A = arith.constant 0 : i32
      %dma_wait3A_21 = arith.constant 0 : i32
      %dma_wait3A_22 = tpu.memref_slice %arg2[%dma_wait3A, %dma_wait3A_21] : memref<100000x128xf32, #tpu.memory_space<hbm>> -> memref<100000x128xf32, #tpu.memory_space<hbm>>
      tpu.wait_indirect_dma semaphore(%run_scoped3A : memref<!tpu.dma_semaphore, #tpu.memory_space<semaphore_mem>>) src(%dma_wait3A_22 : memref<100000x128xf32, #tpu.memory_space<hbm>>) dst(%arg10 : memref<16x128xf32, #tpu.memory_space<vmem>>)
      tpu.yield
    }) : () -> ()
    "tpu.region"() ({
      %run_scoped3A = tpu.sem_alloc : memref<!tpu.dma_semaphore, #tpu.memory_space<semaphore_mem>>
      %dma_start3A_18 = arith.constant 0 : i32
      %dma_start3A_19 = tpu.memref_slice %arg4[%add3A_17, %dma_start3A_18] : memref<327680x128xf32, #tpu.memory_space<hbm>> -> memref<16x128xf32, #tpu.memory_space<hbm>>
      %dma_start3A_20 = arith.constant 0 : i32
      %dma_start3A_21 = tpu.memref_slice %arg4[%add3A_17, %dma_start3A_20] : memref<327680x128xf32, #tpu.memory_space<hbm>> -> memref<16x128xf32, #tpu.memory_space<hbm>>
      tpu.enqueue_dma source(%arg10 : memref<16x128xf32, #tpu.memory_space<vmem>>) target(%dma_start3A_21 : memref<16x128xf32, #tpu.memory_space<hbm>>) target_semaphore(%run_scoped3A : memref<!tpu.dma_semaphore, #tpu.memory_space<semaphore_mem>>)
      %dma_wait3A = arith.constant 0 : i32
      %dma_wait3A_22 = tpu.memref_slice %arg4[%add3A_17, %dma_wait3A] : memref<327680x128xf32, #tpu.memory_space<hbm>> -> memref<16x128xf32, #tpu.memory_space<hbm>>
      %dma_wait3A_23 = arith.constant 0 : i32
      %dma_wait3A_24 = tpu.memref_slice %arg4[%add3A_17, %dma_wait3A_23] : memref<327680x128xf32, #tpu.memory_space<hbm>> -> memref<16x128xf32, #tpu.memory_space<hbm>>
      tpu.wait_dma2 semaphore(%run_scoped3A : memref<!tpu.dma_semaphore, #tpu.memory_space<semaphore_mem>>) src(%arg10 : memref<16x128xf32, #tpu.memory_space<vmem>>) dst(%dma_wait3A_24 : memref<16x128xf32, #tpu.memory_space<hbm>>)
      tpu.yield
    }) : () -> ()
    return
  }
}

module attributes {stable_mosaic.version = 14 : i64} {
  func.func @_tc1a_body(%arg0: i32, %arg1: memref<256x4096xf32, #tpu.memory_space<vmem>>, %arg2: memref<256x32xi32, #tpu.memory_space<vmem>>, %arg3: memref<3x128xf32, #tpu.memory_space<vmem>>, %arg4: memref<1x32xf32, #tpu.memory_space<vmem>>, %arg5: memref<4096x32xf32, #tpu.memory_space<vmem>>, %arg6: memref<4096x128xf32, #tpu.memory_space<vmem>>, %arg7: memref<128x256xf32, #tpu.memory_space<vmem>>, %arg8: memref<1x256xf32, #tpu.memory_space<vmem>>, %arg9: memref<256x128xf32, #tpu.memory_space<vmem>>, %arg10: memref<1x128xf32, #tpu.memory_space<vmem>>, %arg11: memref<128x128xf32, #tpu.memory_space<vmem>>, %arg12: memref<256x128xf32, #tpu.memory_space<vmem>>) attributes {dimension_semantics = [#tpu.dimension_semantics<arbitrary>], iteration_bounds = array<i64: 40>, scalar_prefetch = 0 : i64, scratch_operands = 0 : i64, tpu.core_type = #tpu.core_type<tc>, window_params = [{transform_indices = @transform_0, window_bounds = array<i64: 256, 4096>}, {transform_indices = @transform_1, window_bounds = array<i64: 256, 32>}, {pipeline_mode = #tpu.pipeline_mode<synchronous>, transform_indices = @transform_2, window_bounds = array<i64: 3, 128>}, {pipeline_mode = #tpu.pipeline_mode<synchronous>, transform_indices = @transform_3, window_bounds = array<i64: 1, 32>}, {pipeline_mode = #tpu.pipeline_mode<synchronous>, transform_indices = @transform_4, window_bounds = array<i64: 4096, 32>}, {pipeline_mode = #tpu.pipeline_mode<synchronous>, transform_indices = @transform_5, window_bounds = array<i64: 4096, 128>}, {pipeline_mode = #tpu.pipeline_mode<synchronous>, transform_indices = @transform_6, window_bounds = array<i64: 128, 256>}, {pipeline_mode = #tpu.pipeline_mode<synchronous>, transform_indices = @transform_7, window_bounds = array<i64: 1, 256>}, {pipeline_mode = #tpu.pipeline_mode<synchronous>, transform_indices = @transform_8, window_bounds = array<i64: 256, 128>}, {pipeline_mode = #tpu.pipeline_mode<synchronous>, transform_indices = @transform_9, window_bounds = array<i64: 1, 128>}, {pipeline_mode = #tpu.pipeline_mode<synchronous>, transform_indices = @transform_10, window_bounds = array<i64: 128, 128>}, {transform_indices = @transform_11, window_bounds = array<i64: 256, 128>}]} {
    %get3A = arith.constant 0 : index
    %get3A_0 = arith.constant 0 : index
    %get3A_1 = vector.load %arg1[%get3A, %get3A_0] : memref<256x4096xf32, #tpu.memory_space<vmem>>, vector<256x4096xf32>
    %mul3A = arith.mulf %get3A_1, %get3A_1 : vector<256x4096xf32>
    %get3A_2 = arith.constant 0 : index
    %get3A_3 = arith.constant 0 : index
    %get3A_4 = vector.load %arg5[%get3A_2, %get3A_3] : memref<4096x32xf32, #tpu.memory_space<vmem>>, vector<4096x32xf32>
    %get3A_5 = arith.constant 0 : index
    %get3A_6 = arith.constant 0 : index
    %get3A_7 = vector.load %arg6[%get3A_5, %get3A_6] : memref<4096x128xf32, #tpu.memory_space<vmem>>, vector<4096x128xf32>
    %dot_general3A = arith.constant dense<0.000000e+00> : vector<256x32xf32>
    %dot_general3A_8 = tpu.matmul %mul3A, %get3A_4, %dot_general3A {dimension_numbers = #tpu.dot_dimension_numbers<[1], [0], [0], [1], [0, 0, 1, 1], [], []>, transpose_lhs_hint = false} : vector<256x4096xf32>, vector<4096x32xf32>, vector<256x32xf32> -> vector<256x32xf32>
    %get3A_9 = arith.constant 0 : index
    %get3A_10 = arith.constant 0 : index
    %get3A_11 = vector.load %arg4[%get3A_9, %get3A_10] : memref<1x32xf32, #tpu.memory_space<vmem>>, vector<1x32xf32>
    %get3A_12 = vector.shape_cast %get3A_11 : vector<1x32xf32> to vector<32xf32>
    %abs3A = math.absf %get3A_12 : vector<32xf32>
    %broadcast_in_dim3A = vector.shape_cast %abs3A : vector<32xf32> to vector<1x32xf32>
    %sqrt3A = math.sqrt %dot_general3A_8 : vector<256x32xf32>
    %mul3A_13 = vector.broadcast %broadcast_in_dim3A : vector<1x32xf32> to vector<256x32xf32>
    %mul3A_14 = arith.mulf %mul3A_13, %sqrt3A : vector<256x32xf32>
    %max3A = arith.constant 9.99999996E-13 : f32
    %max3A_15 = vector.broadcast %max3A : f32 to vector<256x32xf32>
    %max3A_16 = arith.maximumf %mul3A_14, %max3A_15 : vector<256x32xf32>
    %broadcast_in_dim3A_17 = vector.shape_cast %get3A_12 : vector<32xf32> to vector<1x32xf32>
    %div3A = vector.broadcast %broadcast_in_dim3A_17 : vector<1x32xf32> to vector<256x32xf32>
    %div3A_18 = arith.divf %div3A, %max3A_16 : vector<256x32xf32>
    %concatenate3A = tpu.concatenate %div3A_18, %div3A_18, %div3A_18, %div3A_18, %div3A_18, %div3A_18, %div3A_18, %div3A_18, %div3A_18, %div3A_18, %div3A_18, %div3A_18, %div3A_18, %div3A_18, %div3A_18, %div3A_18, %div3A_18, %div3A_18, %div3A_18, %div3A_18, %div3A_18, %div3A_18, %div3A_18, %div3A_18, %div3A_18, %div3A_18, %div3A_18, %div3A_18, %div3A_18, %div3A_18, %div3A_18, %div3A_18, %div3A_18, %div3A_18, %div3A_18, %div3A_18, %div3A_18, %div3A_18, %div3A_18, %div3A_18, %div3A_18, %div3A_18, %div3A_18, %div3A_18, %div3A_18, %div3A_18, %div3A_18, %div3A_18, %div3A_18, %div3A_18, %div3A_18, %div3A_18, %div3A_18, %div3A_18, %div3A_18, %div3A_18, %div3A_18, %div3A_18, %div3A_18, %div3A_18, %div3A_18, %div3A_18, %div3A_18, %div3A_18, %div3A_18, %div3A_18, %div3A_18, %div3A_18, %div3A_18, %div3A_18, %div3A_18, %div3A_18, %div3A_18, %div3A_18, %div3A_18, %div3A_18, %div3A_18, %div3A_18, %div3A_18, %div3A_18, %div3A_18, %div3A_18, %div3A_18, %div3A_18, %div3A_18, %div3A_18, %div3A_18, %div3A_18, %div3A_18, %div3A_18, %div3A_18, %div3A_18, %div3A_18, %div3A_18, %div3A_18, %div3A_18, %div3A_18, %div3A_18, %div3A_18, %div3A_18, %div3A_18, %div3A_18, %div3A_18, %div3A_18, %div3A_18, %div3A_18, %div3A_18, %div3A_18, %div3A_18, %div3A_18, %div3A_18, %div3A_18, %div3A_18, %div3A_18, %div3A_18, %div3A_18, %div3A_18, %div3A_18, %div3A_18, %div3A_18, %div3A_18, %div3A_18, %div3A_18, %div3A_18, %div3A_18, %div3A_18, %div3A_18, %div3A_18 in 1 : vector<256x32xf32>, vector<256x32xf32>, vector<256x32xf32>, vector<256x32xf32>, vector<256x32xf32>, vector<256x32xf32>, vector<256x32xf32>, vector<256x32xf32>, vector<256x32xf32>, vector<256x32xf32>, vector<256x32xf32>, vector<256x32xf32>, vector<256x32xf32>, vector<256x32xf32>, vector<256x32xf32>, vector<256x32xf32>, vector<256x32xf32>, vector<256x32xf32>, vector<256x32xf32>, vector<256x32xf32>, vector<256x32xf32>, vector<256x32xf32>, vector<256x32xf32>, vector<256x32xf32>, vector<256x32xf32>, vector<256x32xf32>, vector<256x32xf32>, vector<256x32xf32>, vector<256x32xf32>, vector<256x32xf32>, vector<256x32xf32>, vector<256x32xf32>, vector<256x32xf32>, vector<256x32xf32>, vector<256x32xf32>, vector<256x32xf32>, vector<256x32xf32>, vector<256x32xf32>, vector<256x32xf32>, vector<256x32xf32>, vector<256x32xf32>, vector<256x32xf32>, vector<256x32xf32>, vector<256x32xf32>, vector<256x32xf32>, vector<256x32xf32>, vector<256x32xf32>, vector<256x32xf32>, vector<256x32xf32>, vector<256x32xf32>, vector<256x32xf32>, vector<256x32xf32>, vector<256x32xf32>, vector<256x32xf32>, vector<256x32xf32>, vector<256x32xf32>, vector<256x32xf32>, vector<256x32xf32>, vector<256x32xf32>, vector<256x32xf32>, vector<256x32xf32>, vector<256x32xf32>, vector<256x32xf32>, vector<256x32xf32>, vector<256x32xf32>, vector<256x32xf32>, vector<256x32xf32>, vector<256x32xf32>, vector<256x32xf32>, vector<256x32xf32>, vector<256x32xf32>, vector<256x32xf32>, vector<256x32xf32>, vector<256x32xf32>, vector<256x32xf32>, vector<256x32xf32>, vector<256x32xf32>, vector<256x32xf32>, vector<256x32xf32>, vector<256x32xf32>, vector<256x32xf32>, vector<256x32xf32>, vector<256x32xf32>, vector<256x32xf32>, vector<256x32xf32>, vector<256x32xf32>, vector<256x32xf32>, vector<256x32xf32>, vector<256x32xf32>, vector<256x32xf32>, vector<256x32xf32>, vector<256x32xf32>, vector<256x32xf32>, vector<256x32xf32>, vector<256x32xf32>, vector<256x32xf32>, vector<256x32xf32>, vector<256x32xf32>, vector<256x32xf32>, vector<256x32xf32>, vector<256x32xf32>, vector<256x32xf32>, vector<256x32xf32>, vector<256x32xf32>, vector<256x32xf32>, vector<256x32xf32>, vector<256x32xf32>, vector<256x32xf32>, vector<256x32xf32>, vector<256x32xf32>, vector<256x32xf32>, vector<256x32xf32>, vector<256x32xf32>, vector<256x32xf32>, vector<256x32xf32>, vector<256x32xf32>, vector<256x32xf32>, vector<256x32xf32>, vector<256x32xf32>, vector<256x32xf32>, vector<256x32xf32>, vector<256x32xf32>, vector<256x32xf32>, vector<256x32xf32>, vector<256x32xf32>, vector<256x32xf32>, vector<256x32xf32>, vector<256x32xf32> -> vector<256x4096xf32>
    %mul3A_19 = arith.mulf %get3A_1, %concatenate3A : vector<256x4096xf32>
    %dot_general3A_20 = arith.constant dense<0.000000e+00> : vector<256x128xf32>
    %dot_general3A_21 = tpu.matmul %mul3A_19, %get3A_7, %dot_general3A_20 {dimension_numbers = #tpu.dot_dimension_numbers<[1], [0], [0], [1], [0, 0, 1, 1], [], []>, transpose_lhs_hint = false} : vector<256x4096xf32>, vector<4096x128xf32>, vector<256x128xf32> -> vector<256x128xf32>
    %get3A_22 = arith.constant 0 : index
    %get3A_23 = arith.constant 0 : index
    %get3A_24 = vector.load %arg2[%get3A_22, %get3A_23] : memref<256x32xi32, #tpu.memory_space<vmem>>, vector<256x32xi32>
    %get3A_25 = arith.constant 0 : index
    %get3A_26 = arith.constant 0 : index
    %get3A_27 = vector.load %arg3[%get3A_25, %get3A_26] : memref<3x128xf32, #tpu.memory_space<vmem>>, vector<3x128xf32>
    %reshape3A = vector.shape_cast %get3A_27 : vector<3x128xf32> to vector<3x4x32xf32>
    %mul3A_28 = arith.mulf %reshape3A, %reshape3A : vector<3x4x32xf32>
    %reduce_sum3A = arith.constant dense<0.000000e+00> : vector<3x32xf32>
    %reduce_sum3A_29 = vector.multi_reduction <add>, %mul3A_28, %reduce_sum3A [1] : vector<3x4x32xf32> to vector<3x32xf32>
    %eq3A = arith.constant 0 : i32
    %eq3A_30 = vector.broadcast %eq3A : i32 to vector<256x32xi32>
    %eq3A_31 = arith.cmpi eq, %get3A_24, %eq3A_30 : vector<256x32xi32>
    %convert_element_type3A = arith.extui %eq3A_31 : vector<256x32xi1> to vector<256x32xi32>
    %convert_element_type3A_32 = arith.sitofp %convert_element_type3A : vector<256x32xi32> to vector<256x32xf32>
    %eq3A_33 = arith.constant 1 : i32
    %eq3A_34 = vector.broadcast %eq3A_33 : i32 to vector<256x32xi32>
    %eq3A_35 = arith.cmpi eq, %get3A_24, %eq3A_34 : vector<256x32xi32>
    %convert_element_type3A_36 = arith.extui %eq3A_35 : vector<256x32xi1> to vector<256x32xi32>
    %convert_element_type3A_37 = arith.sitofp %convert_element_type3A_36 : vector<256x32xi32> to vector<256x32xf32>
    %eq3A_38 = arith.constant 2 : i32
    %eq3A_39 = vector.broadcast %eq3A_38 : i32 to vector<256x32xi32>
    %eq3A_40 = arith.cmpi eq, %get3A_24, %eq3A_39 : vector<256x32xi32>
    %convert_element_type3A_41 = arith.extui %eq3A_40 : vector<256x32xi1> to vector<256x32xi32>
    %convert_element_type3A_42 = arith.sitofp %convert_element_type3A_41 : vector<256x32xi32> to vector<256x32xf32>
    %reduce_sum3A_43 = arith.constant dense<0.000000e+00> : vector<256xf32>
    %reduce_sum3A_44 = vector.multi_reduction <add>, %convert_element_type3A_32, %reduce_sum3A_43 [1] : vector<256x32xf32> to vector<256xf32>
    %reduce_sum3A_45 = arith.constant dense<0.000000e+00> : vector<256xf32>
    %reduce_sum3A_46 = vector.multi_reduction <add>, %convert_element_type3A_37, %reduce_sum3A_45 [1] : vector<256x32xf32> to vector<256xf32>
    %reduce_sum3A_47 = arith.constant dense<0.000000e+00> : vector<256xf32>
    %reduce_sum3A_48 = vector.multi_reduction <add>, %convert_element_type3A_42, %reduce_sum3A_47 [1] : vector<256x32xf32> to vector<256xf32>
    %broadcast_in_dim3A_49 = vector.shape_cast %reduce_sum3A_44 : vector<256xf32> to vector<256x1xf32>
    %slice3A = vector.extract_strided_slice %reduce_sum3A_29 {offsets = [0, 0], sizes = [1, 32], strides = [1, 1]} : vector<3x32xf32> to vector<1x32xf32>
    %squeeze3A = vector.shape_cast %slice3A : vector<1x32xf32> to vector<32xf32>
    %broadcast_in_dim3A_50 = vector.shape_cast %squeeze3A : vector<32xf32> to vector<1x32xf32>
    %mul3A_51 = vector.broadcast %broadcast_in_dim3A_49 : vector<256x1xf32> to vector<256x32xf32>
    %mul3A_52 = vector.broadcast %broadcast_in_dim3A_50 : vector<1x32xf32> to vector<256x32xf32>
    %mul3A_53 = arith.mulf %mul3A_51, %mul3A_52 : vector<256x32xf32>
    %add3A = arith.constant 0.000000e+00 : f32
    %add3A_54 = vector.broadcast %add3A : f32 to vector<256x32xf32>
    %add3A_55 = arith.addf %add3A_54, %mul3A_53 : vector<256x32xf32>
    %broadcast_in_dim3A_56 = vector.shape_cast %reduce_sum3A_46 : vector<256xf32> to vector<256x1xf32>
    %slice3A_57 = vector.extract_strided_slice %reduce_sum3A_29 {offsets = [1, 0], sizes = [1, 32], strides = [1, 1]} : vector<3x32xf32> to vector<1x32xf32>
    %squeeze3A_58 = vector.shape_cast %slice3A_57 : vector<1x32xf32> to vector<32xf32>
    %broadcast_in_dim3A_59 = vector.shape_cast %squeeze3A_58 : vector<32xf32> to vector<1x32xf32>
    %mul3A_60 = vector.broadcast %broadcast_in_dim3A_56 : vector<256x1xf32> to vector<256x32xf32>
    %mul3A_61 = vector.broadcast %broadcast_in_dim3A_59 : vector<1x32xf32> to vector<256x32xf32>
    %mul3A_62 = arith.mulf %mul3A_60, %mul3A_61 : vector<256x32xf32>
    %add3A_63 = arith.addf %add3A_55, %mul3A_62 : vector<256x32xf32>
    %broadcast_in_dim3A_64 = vector.shape_cast %reduce_sum3A_48 : vector<256xf32> to vector<256x1xf32>
    %slice3A_65 = vector.extract_strided_slice %reduce_sum3A_29 {offsets = [2, 0], sizes = [1, 32], strides = [1, 1]} : vector<3x32xf32> to vector<1x32xf32>
    %squeeze3A_66 = vector.shape_cast %slice3A_65 : vector<1x32xf32> to vector<32xf32>
    %broadcast_in_dim3A_67 = vector.shape_cast %squeeze3A_66 : vector<32xf32> to vector<1x32xf32>
    %mul3A_68 = vector.broadcast %broadcast_in_dim3A_64 : vector<256x1xf32> to vector<256x32xf32>
    %mul3A_69 = vector.broadcast %broadcast_in_dim3A_67 : vector<1x32xf32> to vector<256x32xf32>
    %mul3A_70 = arith.mulf %mul3A_68, %mul3A_69 : vector<256x32xf32>
    %add3A_71 = arith.addf %add3A_63, %mul3A_70 : vector<256x32xf32>
    %sqrt3A_72 = math.sqrt %add3A_71 : vector<256x32xf32>
    %max3A_73 = arith.constant 9.99999996E-13 : f32
    %max3A_74 = vector.broadcast %max3A_73 : f32 to vector<256x32xf32>
    %max3A_75 = arith.maximumf %sqrt3A_72, %max3A_74 : vector<256x32xf32>
    %div3A_76 = arith.constant 1.000000e+00 : f32
    %div3A_77 = vector.broadcast %div3A_76 : f32 to vector<256x32xf32>
    %div3A_78 = arith.divf %div3A_77, %max3A_75 : vector<256x32xf32>
    %broadcast_in_dim3A_79 = vector.shape_cast %div3A_78 : vector<256x32xf32> to vector<256x1x32xf32>
    %slice3A_80 = vector.extract_strided_slice %reshape3A {offsets = [0, 0, 0], sizes = [1, 4, 32], strides = [1, 1, 1]} : vector<3x4x32xf32> to vector<1x4x32xf32>
    %squeeze3A_81 = vector.shape_cast %slice3A_80 : vector<1x4x32xf32> to vector<4x32xf32>
    %broadcast_in_dim3A_82 = vector.shape_cast %squeeze3A_81 : vector<4x32xf32> to vector<1x4x32xf32>
    %mul3A_83 = vector.broadcast %broadcast_in_dim3A_79 : vector<256x1x32xf32> to vector<256x4x32xf32>
    %mul3A_84 = vector.broadcast %broadcast_in_dim3A_82 : vector<1x4x32xf32> to vector<256x4x32xf32>
    %mul3A_85 = arith.mulf %mul3A_83, %mul3A_84 : vector<256x4x32xf32>
    %reduce_sum3A_86 = arith.constant dense<0.000000e+00> : vector<256x4xf32>
    %reduce_sum3A_87 = vector.multi_reduction <add>, %mul3A_85, %reduce_sum3A_86 [2] : vector<256x4x32xf32> to vector<256x4xf32>
    %broadcast_in_dim3A_88 = vector.shape_cast %div3A_78 : vector<256x32xf32> to vector<256x1x32xf32>
    %slice3A_89 = vector.extract_strided_slice %reshape3A {offsets = [1, 0, 0], sizes = [1, 4, 32], strides = [1, 1, 1]} : vector<3x4x32xf32> to vector<1x4x32xf32>
    %squeeze3A_90 = vector.shape_cast %slice3A_89 : vector<1x4x32xf32> to vector<4x32xf32>
    %broadcast_in_dim3A_91 = vector.shape_cast %squeeze3A_90 : vector<4x32xf32> to vector<1x4x32xf32>
    %mul3A_92 = vector.broadcast %broadcast_in_dim3A_88 : vector<256x1x32xf32> to vector<256x4x32xf32>
    %mul3A_93 = vector.broadcast %broadcast_in_dim3A_91 : vector<1x4x32xf32> to vector<256x4x32xf32>
    %mul3A_94 = arith.mulf %mul3A_92, %mul3A_93 : vector<256x4x32xf32>
    %reduce_sum3A_95 = arith.constant dense<0.000000e+00> : vector<256x4xf32>
    %reduce_sum3A_96 = vector.multi_reduction <add>, %mul3A_94, %reduce_sum3A_95 [2] : vector<256x4x32xf32> to vector<256x4xf32>
    %broadcast_in_dim3A_97 = vector.shape_cast %div3A_78 : vector<256x32xf32> to vector<256x1x32xf32>
    %slice3A_98 = vector.extract_strided_slice %reshape3A {offsets = [2, 0, 0], sizes = [1, 4, 32], strides = [1, 1, 1]} : vector<3x4x32xf32> to vector<1x4x32xf32>
    %squeeze3A_99 = vector.shape_cast %slice3A_98 : vector<1x4x32xf32> to vector<4x32xf32>
    %broadcast_in_dim3A_100 = vector.shape_cast %squeeze3A_99 : vector<4x32xf32> to vector<1x4x32xf32>
    %mul3A_101 = vector.broadcast %broadcast_in_dim3A_97 : vector<256x1x32xf32> to vector<256x4x32xf32>
    %mul3A_102 = vector.broadcast %broadcast_in_dim3A_100 : vector<1x4x32xf32> to vector<256x4x32xf32>
    %mul3A_103 = arith.mulf %mul3A_101, %mul3A_102 : vector<256x4x32xf32>
    %reduce_sum3A_104 = arith.constant dense<0.000000e+00> : vector<256x4xf32>
    %reduce_sum3A_105 = vector.multi_reduction <add>, %mul3A_103, %reduce_sum3A_104 [2] : vector<256x4x32xf32> to vector<256x4xf32>
    %broadcast_in_dim3A_106 = vector.shape_cast %convert_element_type3A_32 : vector<256x32xf32> to vector<256x32x1xf32>
    %broadcast_in_dim3A_107 = vector.shape_cast %reduce_sum3A_87 : vector<256x4xf32> to vector<256x1x4xf32>
    %mul3A_108 = vector.broadcast %broadcast_in_dim3A_106 : vector<256x32x1xf32> to vector<256x32x4xf32>
    %mul3A_109 = vector.broadcast %broadcast_in_dim3A_107 : vector<256x1x4xf32> to vector<256x32x4xf32>
    %mul3A_110 = arith.mulf %mul3A_108, %mul3A_109 : vector<256x32x4xf32>
    %add3A_111 = arith.constant 0.000000e+00 : f32
    %add3A_112 = vector.broadcast %add3A_111 : f32 to vector<256x32x4xf32>
    %add3A_113 = arith.addf %add3A_112, %mul3A_110 : vector<256x32x4xf32>
    %broadcast_in_dim3A_114 = vector.shape_cast %convert_element_type3A_37 : vector<256x32xf32> to vector<256x32x1xf32>
    %broadcast_in_dim3A_115 = vector.shape_cast %reduce_sum3A_96 : vector<256x4xf32> to vector<256x1x4xf32>
    %mul3A_116 = vector.broadcast %broadcast_in_dim3A_114 : vector<256x32x1xf32> to vector<256x32x4xf32>
    %mul3A_117 = vector.broadcast %broadcast_in_dim3A_115 : vector<256x1x4xf32> to vector<256x32x4xf32>
    %mul3A_118 = arith.mulf %mul3A_116, %mul3A_117 : vector<256x32x4xf32>
    %add3A_119 = arith.addf %add3A_113, %mul3A_118 : vector<256x32x4xf32>
    %broadcast_in_dim3A_120 = vector.shape_cast %convert_element_type3A_42 : vector<256x32xf32> to vector<256x32x1xf32>
    %broadcast_in_dim3A_121 = vector.shape_cast %reduce_sum3A_105 : vector<256x4xf32> to vector<256x1x4xf32>
    %mul3A_122 = vector.broadcast %broadcast_in_dim3A_120 : vector<256x32x1xf32> to vector<256x32x4xf32>
    %mul3A_123 = vector.broadcast %broadcast_in_dim3A_121 : vector<256x1x4xf32> to vector<256x32x4xf32>
    %mul3A_124 = arith.mulf %mul3A_122, %mul3A_123 : vector<256x32x4xf32>
    %add3A_125 = arith.addf %add3A_119, %mul3A_124 : vector<256x32x4xf32>
    %reshape3A_126 = vector.shape_cast %add3A_125 : vector<256x32x4xf32> to vector<256x128xf32>
    %add3A_127 = arith.addf %dot_general3A_21, %reshape3A_126 : vector<256x128xf32>
    %get3A_128 = arith.constant 0 : index
    %get3A_129 = arith.constant 0 : index
    %get3A_130 = vector.load %arg7[%get3A_128, %get3A_129] : memref<128x256xf32, #tpu.memory_space<vmem>>, vector<128x256xf32>
    %dot_general3A_131 = arith.constant dense<0.000000e+00> : vector<256x256xf32>
    %dot_general3A_132 = tpu.matmul %add3A_127, %get3A_130, %dot_general3A_131 {dimension_numbers = #tpu.dot_dimension_numbers<[1], [0], [0], [1], [0, 0, 1, 1], [], []>, precision = #tpu.contract_precision<fp32>, transpose_lhs_hint = false} : vector<256x128xf32>, vector<128x256xf32>, vector<256x256xf32> -> vector<256x256xf32>
    %get3A_133 = arith.constant 0 : index
    %get3A_134 = arith.constant 0 : index
    %get3A_135 = vector.load %arg8[%get3A_133, %get3A_134] : memref<1x256xf32, #tpu.memory_space<vmem>>, vector<1x256xf32>
    %get3A_136 = vector.shape_cast %get3A_135 : vector<1x256xf32> to vector<256xf32>
    %broadcast_in_dim3A_137 = vector.shape_cast %get3A_136 : vector<256xf32> to vector<1x256xf32>
    %add3A_138 = vector.broadcast %broadcast_in_dim3A_137 : vector<1x256xf32> to vector<256x256xf32>
    %add3A_139 = arith.addf %dot_general3A_132, %add3A_138 : vector<256x256xf32>
    %max3A_140 = arith.constant 0.000000e+00 : f32
    %max3A_141 = vector.broadcast %max3A_140 : f32 to vector<256x256xf32>
    %max3A_142 = arith.maximumf %add3A_139, %max3A_141 : vector<256x256xf32>
    %get3A_143 = arith.constant 0 : index
    %get3A_144 = arith.constant 0 : index
    %get3A_145 = vector.load %arg9[%get3A_143, %get3A_144] : memref<256x128xf32, #tpu.memory_space<vmem>>, vector<256x128xf32>
    %dot_general3A_146 = arith.constant dense<0.000000e+00> : vector<256x128xf32>
    %dot_general3A_147 = tpu.matmul %max3A_142, %get3A_145, %dot_general3A_146 {dimension_numbers = #tpu.dot_dimension_numbers<[1], [0], [0], [1], [0, 0, 1, 1], [], []>, precision = #tpu.contract_precision<fp32>, transpose_lhs_hint = false} : vector<256x256xf32>, vector<256x128xf32>, vector<256x128xf32> -> vector<256x128xf32>
    %get3A_148 = arith.constant 0 : index
    %get3A_149 = arith.constant 0 : index
    %get3A_150 = vector.load %arg10[%get3A_148, %get3A_149] : memref<1x128xf32, #tpu.memory_space<vmem>>, vector<1x128xf32>
    %get3A_151 = vector.shape_cast %get3A_150 : vector<1x128xf32> to vector<128xf32>
    %broadcast_in_dim3A_152 = vector.shape_cast %get3A_151 : vector<128xf32> to vector<1x128xf32>
    %add3A_153 = vector.broadcast %broadcast_in_dim3A_152 : vector<1x128xf32> to vector<256x128xf32>
    %add3A_154 = arith.addf %dot_general3A_147, %add3A_153 : vector<256x128xf32>
    %get3A_155 = arith.constant 0 : index
    %get3A_156 = arith.constant 0 : index
    %get3A_157 = vector.load %arg11[%get3A_155, %get3A_156] : memref<128x128xf32, #tpu.memory_space<vmem>>, vector<128x128xf32>
    %dot_general3A_158 = arith.constant dense<0.000000e+00> : vector<256x128xf32>
    %dot_general3A_159 = tpu.matmul %add3A_154, %get3A_157, %dot_general3A_158 {dimension_numbers = #tpu.dot_dimension_numbers<[1], [0], [0], [1], [0, 0, 1, 1], [], []>, precision = #tpu.contract_precision<fp32>, transpose_lhs_hint = false} : vector<256x128xf32>, vector<128x128xf32>, vector<256x128xf32> -> vector<256x128xf32>
    %swap3A = arith.constant 0 : index
    %swap3A_160 = arith.constant 0 : index
    %swap3A_161 = vector.load %arg12[%swap3A, %swap3A_160] : memref<256x128xf32, #tpu.memory_space<vmem>>, vector<256x128xf32>
    tpu.vector_store %arg12[%swap3A, %swap3A_160], %dot_general3A_159 {strides = array<i32>} : memref<256x128xf32, #tpu.memory_space<vmem>>, vector<256x128xf32>,
    return
  }
  func.func @transform_0(%arg0: i32) -> (i32, i32) {
    %c0_i32 = arith.constant 0 : i32
    %c0_i32_0 = arith.constant 0 : i32
    return %arg0, %c0_i32 : i32, i32
  }
  func.func @transform_1(%arg0: i32) -> (i32, i32) {
    %c0_i32 = arith.constant 0 : i32
    %c0_i32_0 = arith.constant 0 : i32
    return %arg0, %c0_i32 : i32, i32
  }
  func.func @transform_2(%arg0: i32) -> (i32, i32) {
    %c0_i32 = arith.constant 0 : i32
    %c0_i32_0 = arith.constant 0 : i32
    %c0_i32_1 = arith.constant 0 : i32
    return %c0_i32, %c0_i32_0 : i32, i32
  }
  func.func @transform_3(%arg0: i32) -> (i32, i32) {
    %c0_i32 = arith.constant 0 : i32
    %c0_i32_0 = arith.constant 0 : i32
    %c0_i32_1 = arith.constant 0 : i32
    return %c0_i32, %c0_i32_0 : i32, i32
  }
  func.func @transform_4(%arg0: i32) -> (i32, i32) {
    %c0_i32 = arith.constant 0 : i32
    %c0_i32_0 = arith.constant 0 : i32
    %c0_i32_1 = arith.constant 0 : i32
    return %c0_i32, %c0_i32_0 : i32, i32
  }
  func.func @transform_5(%arg0: i32) -> (i32, i32) {
    %c0_i32 = arith.constant 0 : i32
    %c0_i32_0 = arith.constant 0 : i32
    %c0_i32_1 = arith.constant 0 : i32
    return %c0_i32, %c0_i32_0 : i32, i32
  }
  func.func @transform_6(%arg0: i32) -> (i32, i32) {
    %c0_i32 = arith.constant 0 : i32
    %c0_i32_0 = arith.constant 0 : i32
    %c0_i32_1 = arith.constant 0 : i32
    return %c0_i32, %c0_i32_0 : i32, i32
  }
  func.func @transform_7(%arg0: i32) -> (i32, i32) {
    %c0_i32 = arith.constant 0 : i32
    %c0_i32_0 = arith.constant 0 : i32
    %c0_i32_1 = arith.constant 0 : i32
    return %c0_i32, %c0_i32_0 : i32, i32
  }
  func.func @transform_8(%arg0: i32) -> (i32, i32) {
    %c0_i32 = arith.constant 0 : i32
    %c0_i32_0 = arith.constant 0 : i32
    %c0_i32_1 = arith.constant 0 : i32
    return %c0_i32, %c0_i32_0 : i32, i32
  }
  func.func @transform_9(%arg0: i32) -> (i32, i32) {
    %c0_i32 = arith.constant 0 : i32
    %c0_i32_0 = arith.constant 0 : i32
    %c0_i32_1 = arith.constant 0 : i32
    return %c0_i32, %c0_i32_0 : i32, i32
  }
  func.func @transform_10(%arg0: i32) -> (i32, i32) {
    %c0_i32 = arith.constant 0 : i32
    %c0_i32_0 = arith.constant 0 : i32
    %c0_i32_1 = arith.constant 0 : i32
    return %c0_i32, %c0_i32_0 : i32, i32
  }
  func.func @transform_11(%arg0: i32) -> (i32, i32) {
    %c0_i32 = arith.constant 0 : i32
    %c0_i32_0 = arith.constant 0 : i32
    return %arg0, %c0_i32 : i32, i32
  }
}

module attributes {stable_mosaic.version = 14 : i64} {
  func.func @_tc1b_body(%arg0: i32, %arg1: memref<256x128xf32, #tpu.memory_space<vmem>>, %arg2: memref<2x256x128xf32, #tpu.memory_space<vmem>>, %arg3: memref<256x128xf32, #tpu.memory_space<vmem>>, %arg4: memref<256x128xf32, #tpu.memory_space<vmem>>) attributes {dimension_semantics = [#tpu.dimension_semantics<arbitrary>], iteration_bounds = array<i64: 40>, scalar_prefetch = 0 : i64, scratch_operands = 0 : i64, tpu.core_type = #tpu.core_type<tc>, window_params = [{transform_indices = @transform_0, window_bounds = array<i64: 256, 128>}, {transform_indices = @transform_1, window_bounds = array<i64: 2, 256, 128>}, {transform_indices = @transform_2, window_bounds = array<i64: 256, 128>}, {transform_indices = @transform_3, window_bounds = array<i64: 256, 128>}]} {
    %get3A = arith.constant 0 : index
    %get3A_0 = arith.constant 0 : index
    %get3A_1 = arith.constant 0 : index
    %get3A_2 = vector.load %arg2[%get3A, %get3A_0, %get3A_1] : memref<2x256x128xf32, #tpu.memory_space<vmem>>, vector<2x256x128xf32>
    %reduce_sum3A = arith.constant dense<0.000000e+00> : vector<256xf32>
    %reduce_sum3A_3 = vector.multi_reduction <add>, %get3A_2, %reduce_sum3A [0, 2] : vector<2x256x128xf32> to vector<256xf32>
    %add3A = arith.constant 1.000000e+00 : f32
    %add3A_4 = vector.broadcast %add3A : f32 to vector<256xf32>
    %add3A_5 = arith.addf %reduce_sum3A_3, %add3A_4 : vector<256xf32>
    %rsqrt3A = math.rsqrt %add3A_5 : vector<256xf32>
    %get3A_6 = arith.constant 0 : index
    %get3A_7 = arith.constant 0 : index
    %get3A_8 = vector.load %arg1[%get3A_6, %get3A_7] : memref<256x128xf32, #tpu.memory_space<vmem>>, vector<256x128xf32>
    %broadcast_in_dim3A = vector.shape_cast %rsqrt3A : vector<256xf32> to vector<256x1xf32>
    %mul3A = vector.broadcast %broadcast_in_dim3A : vector<256x1xf32> to vector<256x128xf32>
    %mul3A_9 = arith.mulf %get3A_8, %mul3A : vector<256x128xf32>
    %swap3A = arith.constant 0 : index
    %swap3A_10 = arith.constant 0 : index
    %swap3A_11 = vector.load %arg3[%swap3A, %swap3A_10] : memref<256x128xf32, #tpu.memory_space<vmem>>, vector<256x128xf32>
    tpu.vector_store %arg3[%swap3A, %swap3A_10], %mul3A_9 {strides = array<i32>} : memref<256x128xf32, #tpu.memory_space<vmem>>, vector<256x128xf32>,
    %broadcast_in_dim3A_12 = vector.shape_cast %rsqrt3A : vector<256xf32> to vector<256x1xf32>
    %broadcast_in_dim3A_13 = vector.shape_cast %broadcast_in_dim3A_12 : vector<256x1xf32> to vector<256x1xf32>
    %broadcast_in_dim3A_14 = vector.broadcast %broadcast_in_dim3A_13 : vector<256x1xf32> to vector<256x128xf32>
    %swap3A_15 = arith.constant 0 : index
    %swap3A_16 = arith.constant 0 : index
    %swap3A_17 = vector.load %arg4[%swap3A_15, %swap3A_16] : memref<256x128xf32, #tpu.memory_space<vmem>>, vector<256x128xf32>
    tpu.vector_store %arg4[%swap3A_15, %swap3A_16], %broadcast_in_dim3A_14 {strides = array<i32>} : memref<256x128xf32, #tpu.memory_space<vmem>>, vector<256x128xf32>,
    return
  }
  func.func @transform_0(%arg0: i32) -> (i32, i32) {
    %c0_i32 = arith.constant 0 : i32
    %c0_i32_0 = arith.constant 0 : i32
    return %arg0, %c0_i32 : i32, i32
  }
  func.func @transform_1(%arg0: i32) -> (i32, i32, i32) {
    %c0_i32 = arith.constant 0 : i32
    %c0_i32_0 = arith.constant 0 : i32
    %c0_i32_1 = arith.constant 0 : i32
    return %c0_i32, %arg0, %c0_i32_0 : i32, i32, i32
  }
  func.func @transform_2(%arg0: i32) -> (i32, i32) {
    %c0_i32 = arith.constant 0 : i32
    %c0_i32_0 = arith.constant 0 : i32
    return %arg0, %c0_i32 : i32, i32
  }
  func.func @transform_3(%arg0: i32) -> (i32, i32) {
    %c0_i32 = arith.constant 0 : i32
    %c0_i32_0 = arith.constant 0 : i32
    return %arg0, %c0_i32 : i32, i32
  }
}

module attributes {stable_mosaic.version = 14 : i64} {
  func.func @_tc2_body(%arg0: i32, %arg1: memref<2x256x128xf32, #tpu.memory_space<vmem>>, %arg2: memref<256x128xf32, #tpu.memory_space<vmem>>, %arg3: memref<256x128xf32, #tpu.memory_space<vmem>>, %arg4: memref<1x128xf32, #tpu.memory_space<vmem>>, %arg5: memref<128x128xf32, #tpu.memory_space<vmem>>, %arg6: memref<256x128xf32, #tpu.memory_space<vmem>>) attributes {dimension_semantics = [#tpu.dimension_semantics<arbitrary>], iteration_bounds = array<i64: 40>, scalar_prefetch = 0 : i64, scratch_operands = 0 : i64, tpu.core_type = #tpu.core_type<tc>, window_params = [{transform_indices = @transform_0, window_bounds = array<i64: 2, 256, 128>}, {transform_indices = @transform_1, window_bounds = array<i64: 256, 128>}, {transform_indices = @transform_2, window_bounds = array<i64: 256, 128>}, {pipeline_mode = #tpu.pipeline_mode<synchronous>, transform_indices = @transform_3, window_bounds = array<i64: 1, 128>}, {pipeline_mode = #tpu.pipeline_mode<synchronous>, transform_indices = @transform_4, window_bounds = array<i64: 128, 128>}, {transform_indices = @transform_5, window_bounds = array<i64: 256, 128>}]} {
    %get3A = arith.constant 0 : index
    %get3A_0 = arith.constant 0 : index
    %get3A_1 = arith.constant 0 : index
    %get3A_2 = vector.load %arg1[%get3A, %get3A_0, %get3A_1] : memref<2x256x128xf32, #tpu.memory_space<vmem>>, vector<1x256x128xf32>
    %get3A_3 = vector.shape_cast %get3A_2 : vector<1x256x128xf32> to vector<256x128xf32>
    %get3A_4 = arith.constant 1 : index
    %get3A_5 = arith.constant 0 : index
    %get3A_6 = arith.constant 0 : index
    %get3A_7 = vector.load %arg1[%get3A_4, %get3A_5, %get3A_6] : memref<2x256x128xf32, #tpu.memory_space<vmem>>, vector<1x256x128xf32>
    %get3A_8 = vector.shape_cast %get3A_7 : vector<1x256x128xf32> to vector<256x128xf32>
    %add3A = arith.addf %get3A_3, %get3A_8 : vector<256x128xf32>
    %get3A_9 = arith.constant 0 : index
    %get3A_10 = arith.constant 0 : index
    %get3A_11 = vector.load %arg3[%get3A_9, %get3A_10] : memref<256x128xf32, #tpu.memory_space<vmem>>, vector<256x128xf32>
    %get3A_12 = arith.constant 0 : index
    %get3A_13 = arith.constant 0 : index
    %get3A_14 = vector.load %arg2[%get3A_12, %get3A_13] : memref<256x128xf32, #tpu.memory_space<vmem>>, vector<256x128xf32>
    %add3A_15 = arith.addf %add3A, %get3A_14 : vector<256x128xf32>
    %mul3A = arith.mulf %get3A_11, %add3A_15 : vector<256x128xf32>
    %get3A_16 = arith.constant 0 : index
    %get3A_17 = arith.constant 0 : index
    %get3A_18 = vector.load %arg4[%get3A_16, %get3A_17] : memref<1x128xf32, #tpu.memory_space<vmem>>, vector<1x128xf32>
    %get3A_19 = vector.shape_cast %get3A_18 : vector<1x128xf32> to vector<128xf32>
    %broadcast_in_dim3A = vector.shape_cast %get3A_19 : vector<128xf32> to vector<1x128xf32>
    %add3A_20 = vector.broadcast %broadcast_in_dim3A : vector<1x128xf32> to vector<256x128xf32>
    %add3A_21 = arith.addf %mul3A, %add3A_20 : vector<256x128xf32>
    %max3A = arith.constant 0.000000e+00 : f32
    %max3A_22 = vector.broadcast %max3A : f32 to vector<256x128xf32>
    %max3A_23 = arith.maximumf %add3A_21, %max3A_22 : vector<256x128xf32>
    %get3A_24 = arith.constant 0 : index
    %get3A_25 = arith.constant 0 : index
    %get3A_26 = vector.load %arg5[%get3A_24, %get3A_25] : memref<128x128xf32, #tpu.memory_space<vmem>>, vector<128x128xf32>
    %dot_general3A = arith.constant dense<0.000000e+00> : vector<256x128xf32>
    %dot_general3A_27 = tpu.matmul %max3A_23, %get3A_26, %dot_general3A {dimension_numbers = #tpu.dot_dimension_numbers<[1], [0], [0], [1], [0, 0, 1, 1], [], []>, precision = #tpu.contract_precision<fp32>, transpose_lhs_hint = false} : vector<256x128xf32>, vector<128x128xf32>, vector<256x128xf32> -> vector<256x128xf32>
    %get3A_28 = arith.constant 0 : index
    %get3A_29 = arith.constant 0 : index
    %get3A_30 = vector.load %arg3[%get3A_28, %get3A_29] : memref<256x128xf32, #tpu.memory_space<vmem>>, vector<256x128xf32>
    %mul3A_31 = arith.mulf %dot_general3A_27, %get3A_30 : vector<256x128xf32>
    %swap3A = arith.constant 0 : index
    %swap3A_32 = arith.constant 0 : index
    %swap3A_33 = vector.load %arg6[%swap3A, %swap3A_32] : memref<256x128xf32, #tpu.memory_space<vmem>>, vector<256x128xf32>
    tpu.vector_store %arg6[%swap3A, %swap3A_32], %mul3A_31 {strides = array<i32>} : memref<256x128xf32, #tpu.memory_space<vmem>>, vector<256x128xf32>,
    return
  }
  func.func @transform_0(%arg0: i32) -> (i32, i32, i32) {
    %c0_i32 = arith.constant 0 : i32
    %c0_i32_0 = arith.constant 0 : i32
    %c0_i32_1 = arith.constant 0 : i32
    return %c0_i32, %arg0, %c0_i32_0 : i32, i32, i32
  }
  func.func @transform_1(%arg0: i32) -> (i32, i32) {
    %c0_i32 = arith.constant 0 : i32
    %c0_i32_0 = arith.constant 0 : i32
    return %arg0, %c0_i32 : i32, i32
  }
  func.func @transform_2(%arg0: i32) -> (i32, i32) {
    %c0_i32 = arith.constant 0 : i32
    %c0_i32_0 = arith.constant 0 : i32
    return %arg0, %c0_i32 : i32, i32
  }
  func.func @transform_3(%arg0: i32) -> (i32, i32) {
    %c0_i32 = arith.constant 0 : i32
    %c0_i32_0 = arith.constant 0 : i32
    %c0_i32_1 = arith.constant 0 : i32
    return %c0_i32, %c0_i32_0 : i32, i32
  }
  func.func @transform_4(%arg0: i32) -> (i32, i32) {
    %c0_i32 = arith.constant 0 : i32
    %c0_i32_0 = arith.constant 0 : i32
    %c0_i32_1 = arith.constant 0 : i32
    return %c0_i32, %c0_i32_0 : i32, i32
  }
  func.func @transform_5(%arg0: i32) -> (i32, i32) {
    %c0_i32 = arith.constant 0 : i32
    %c0_i32_0 = arith.constant 0 : i32
    return %arg0, %c0_i32 : i32, i32
  }
}

module attributes {stable_mosaic.version = 14 : i64} {
  func.func @_tc3_body(%arg0: i32, %arg1: memref<2x256x128xf32, #tpu.memory_space<vmem>>, %arg2: memref<256x128xf32, #tpu.memory_space<vmem>>, %arg3: memref<256x128xf32, #tpu.memory_space<vmem>>, %arg4: memref<1x128xf32, #tpu.memory_space<vmem>>, %arg5: memref<128x128xf32, #tpu.memory_space<vmem>>, %arg6: memref<1x128xf32, #tpu.memory_space<vmem>>, %arg7: memref<256x128xf32, #tpu.memory_space<vmem>>) attributes {dimension_semantics = [#tpu.dimension_semantics<arbitrary>], iteration_bounds = array<i64: 40>, scalar_prefetch = 0 : i64, scratch_operands = 0 : i64, tpu.core_type = #tpu.core_type<tc>, window_params = [{transform_indices = @transform_0, window_bounds = array<i64: 2, 256, 128>}, {transform_indices = @transform_1, window_bounds = array<i64: 256, 128>}, {transform_indices = @transform_2, window_bounds = array<i64: 256, 128>}, {pipeline_mode = #tpu.pipeline_mode<synchronous>, transform_indices = @transform_3, window_bounds = array<i64: 1, 128>}, {pipeline_mode = #tpu.pipeline_mode<synchronous>, transform_indices = @transform_4, window_bounds = array<i64: 128, 128>}, {pipeline_mode = #tpu.pipeline_mode<synchronous>, transform_indices = @transform_5, window_bounds = array<i64: 1, 128>}, {transform_indices = @transform_6, window_bounds = array<i64: 256, 128>}]} {
    %get3A = arith.constant 0 : index
    %get3A_0 = arith.constant 0 : index
    %get3A_1 = arith.constant 0 : index
    %get3A_2 = vector.load %arg1[%get3A, %get3A_0, %get3A_1] : memref<2x256x128xf32, #tpu.memory_space<vmem>>, vector<1x256x128xf32>
    %get3A_3 = vector.shape_cast %get3A_2 : vector<1x256x128xf32> to vector<256x128xf32>
    %get3A_4 = arith.constant 1 : index
    %get3A_5 = arith.constant 0 : index
    %get3A_6 = arith.constant 0 : index
    %get3A_7 = vector.load %arg1[%get3A_4, %get3A_5, %get3A_6] : memref<2x256x128xf32, #tpu.memory_space<vmem>>, vector<1x256x128xf32>
    %get3A_8 = vector.shape_cast %get3A_7 : vector<1x256x128xf32> to vector<256x128xf32>
    %add3A = arith.addf %get3A_3, %get3A_8 : vector<256x128xf32>
    %get3A_9 = arith.constant 0 : index
    %get3A_10 = arith.constant 0 : index
    %get3A_11 = vector.load %arg3[%get3A_9, %get3A_10] : memref<256x128xf32, #tpu.memory_space<vmem>>, vector<256x128xf32>
    %get3A_12 = arith.constant 0 : index
    %get3A_13 = arith.constant 0 : index
    %get3A_14 = vector.load %arg2[%get3A_12, %get3A_13] : memref<256x128xf32, #tpu.memory_space<vmem>>, vector<256x128xf32>
    %add3A_15 = arith.addf %add3A, %get3A_14 : vector<256x128xf32>
    %mul3A = arith.mulf %get3A_11, %add3A_15 : vector<256x128xf32>
    %get3A_16 = arith.constant 0 : index
    %get3A_17 = arith.constant 0 : index
    %get3A_18 = vector.load %arg4[%get3A_16, %get3A_17] : memref<1x128xf32, #tpu.memory_space<vmem>>, vector<1x128xf32>
    %get3A_19 = vector.shape_cast %get3A_18 : vector<1x128xf32> to vector<128xf32>
    %broadcast_in_dim3A = vector.shape_cast %get3A_19 : vector<128xf32> to vector<1x128xf32>
    %add3A_20 = vector.broadcast %broadcast_in_dim3A : vector<1x128xf32> to vector<256x128xf32>
    %add3A_21 = arith.addf %mul3A, %add3A_20 : vector<256x128xf32>
    %max3A = arith.constant 0.000000e+00 : f32
    %max3A_22 = vector.broadcast %max3A : f32 to vector<256x128xf32>
    %max3A_23 = arith.maximumf %add3A_21, %max3A_22 : vector<256x128xf32>
    %get3A_24 = arith.constant 0 : index
    %get3A_25 = arith.constant 0 : index
    %get3A_26 = vector.load %arg5[%get3A_24, %get3A_25] : memref<128x128xf32, #tpu.memory_space<vmem>>, vector<128x128xf32>
    %dot_general3A = arith.constant dense<0.000000e+00> : vector<256x128xf32>
    %dot_general3A_27 = tpu.matmul %max3A_23, %get3A_26, %dot_general3A {dimension_numbers = #tpu.dot_dimension_numbers<[1], [0], [0], [1], [0, 0, 1, 1], [], []>, precision = #tpu.contract_precision<fp32>, transpose_lhs_hint = false} : vector<256x128xf32>, vector<128x128xf32>, vector<256x128xf32> -> vector<256x128xf32>
    %get3A_28 = arith.constant 0 : index
    %get3A_29 = arith.constant 0 : index
    %get3A_30 = vector.load %arg6[%get3A_28, %get3A_29] : memref<1x128xf32, #tpu.memory_space<vmem>>, vector<1x128xf32>
    %get3A_31 = vector.shape_cast %get3A_30 : vector<1x128xf32> to vector<128xf32>
    %broadcast_in_dim3A_32 = vector.shape_cast %get3A_31 : vector<128xf32> to vector<1x128xf32>
    %add3A_33 = vector.broadcast %broadcast_in_dim3A_32 : vector<1x128xf32> to vector<256x128xf32>
    %add3A_34 = arith.addf %dot_general3A_27, %add3A_33 : vector<256x128xf32>
    %swap3A = arith.constant 0 : index
    %swap3A_35 = arith.constant 0 : index
    %swap3A_36 = vector.load %arg7[%swap3A, %swap3A_35] : memref<256x128xf32, #tpu.memory_space<vmem>>, vector<256x128xf32>
    tpu.vector_store %arg7[%swap3A, %swap3A_35], %add3A_34 {strides = array<i32>} : memref<256x128xf32, #tpu.memory_space<vmem>>, vector<256x128xf32>,
    return
  }
  func.func @transform_0(%arg0: i32) -> (i32, i32, i32) {
    %c0_i32 = arith.constant 0 : i32
    %c0_i32_0 = arith.constant 0 : i32
    %c0_i32_1 = arith.constant 0 : i32
    return %c0_i32, %arg0, %c0_i32_0 : i32, i32, i32
  }
  func.func @transform_1(%arg0: i32) -> (i32, i32) {
    %c0_i32 = arith.constant 0 : i32
    %c0_i32_0 = arith.constant 0 : i32
    return %arg0, %c0_i32 : i32, i32
  }
  func.func @transform_2(%arg0: i32) -> (i32, i32) {
    %c0_i32 = arith.constant 0 : i32
    %c0_i32_0 = arith.constant 0 : i32
    return %arg0, %c0_i32 : i32, i32
  }
  func.func @transform_3(%arg0: i32) -> (i32, i32) {
    %c0_i32 = arith.constant 0 : i32
    %c0_i32_0 = arith.constant 0 : i32
    %c0_i32_1 = arith.constant 0 : i32
    return %c0_i32, %c0_i32_0 : i32, i32
  }
  func.func @transform_4(%arg0: i32) -> (i32, i32) {
    %c0_i32 = arith.constant 0 : i32
    %c0_i32_0 = arith.constant 0 : i32
    %c0_i32_1 = arith.constant 0 : i32
    return %c0_i32, %c0_i32_0 : i32, i32
  }
  func.func @transform_5(%arg0: i32) -> (i32, i32) {
    %c0_i32 = arith.constant 0 : i32
    %c0_i32_0 = arith.constant 0 : i32
    %c0_i32_1 = arith.constant 0 : i32
    return %c0_i32, %c0_i32_0 : i32, i32
  }
  func.func @transform_6(%arg0: i32) -> (i32, i32) {
    %c0_i32 = arith.constant 0 : i32
    %c0_i32_0 = arith.constant 0 : i32
    return %arg0, %c0_i32 : i32, i32
  }
}

</mosaic_0001>

<sc_bundles>
// kernel: kernel.10.cloned.1.call-start
scs
__scs_entry_jumppad:
0x0: {  	(pc) =	sbr.rel $0x88, $3  }
0x1: {  	(tag) =	ssettag $0x0;
	lr =	simm.s32 $0x1  }
0x2: {  	[smem:$0x3F91] =	sst lr;
	_ =	strace $0xD0000000  }
0x3: {  	_ = 	snop  }
0x4: {  	_ = 	snop  }
0x5: {  	_ = 	snop  }
0x6: {  	_ = 	snop  }
0x7: {  	_ = 	snop  }
__scs_overlays_trampoline_lowered:
0x8: {  	[smem:$0x3FA0] =	sst s0  }
0x9: {  	[smem:$0x3FA1] =	sst s1  }
0xa: {  	[smem:$0x3FA2] =	sst s2  }
0xb: {  	[smem:$0x3FA3] =	sst s3  }
0xc: {  	[smem:$0x3FA4] =	sst s4  }
0xd: {  	[smem:$0x3FA5] =	sst s5  }
0xe: {  	[smem:$0x3FA6] =	sst s6  }
0xf: {  	[smem:$0x3FA7] =	sst s7  }
0x10: {  	[smem:$0x3FA8] =	sst s8  }
0x11: {  	[smem:$0x3FA9] =	sst s9;
	s0 =	simm.s32 @!p0 $0x0  }
0x12: {  	s1 =	sld [smem:$0x3F8F];
	s0 =	simm.s32 @p0 $0x1  }
0x13: {  	[smem:$0x3FAA] =	sst s0;
	s0 =	simm.s32 @!p1 $0x0  }
0x14: {  	s2 =	sld [smem:$0x3F8E];
	s0 =	simm.s32 @p1 $0x1  }
0x15: {  	[smem:$0x3FAB] =	sst s0;
	s0 =	simm.s32 @!p2 $0x0  }
0x16: {  	s3 =	sld [smem:$0x3FDB];
	s0 =	simm.s32 @p2 $0x1  }
0x17: {  	s4 =	simm.s32 $0x1BF5;
	[smem:$0x3FAD] =	sst s0  }
0x18: {  	s0 =	sld [smem:$0x3F90];
	_ =	swait.ge [sflag:s4], $0x0  }
0x19: {  	s7 =	sld [smem:$0x3F91]  }
0x1a: {  	s8 =	sadd.s32 $0xFFFFE003, lr  }
0x1b: {  	s9 =	sadd.s32 $0xFFFFFEF7, lr;
	s5 =	simm.s32 $0xFFFFFFFF;
	p2 =	slt.u32 s8, $0xFFFFF086  }
0x1c: {  	p1 =	slt.u32 s9, $0xF7A;
	s5 =	simm.s32 @!p2 $0x0  }
0x1d: {  	s5 =	simm.s32 @p1 $0x1;
	p0 =	seq.s32 s7, s2  }
0x1e: {  	s7 =	smul.u32 @!p0 $0xF7A, s2;
	p2 =	seq.s32 @!p0 s5, $0x0  }
0x1f: {  	s9 =	smul.u32 $0xF7A, s1;
	s8 =	simm.s32 @!p0 $0x1BF5;
	p2 =	por !p2, p0  }
0x20: {  	[sflag:s8] =	ssyncset.s32 @!p0 $0xFFFFF086;
	s6 =	sadd.s32 @!p0 s3, s7;
	s7 =	simm.s32 @!p0 $0x108  }
0x21: {  	s3 =	sadd.s32 s3, s9;
	s6 =	sadd.s32 @!p0 $0x88, s6;
	s7 =	simm.s32 @p2 $0x1082  }
0x22: {  	[simem:s7], [sflag:s8] =	dma.local @!p0 [hbm:s6], $0xF7A  }
0x23: {  	s9 =	sor.u32 $0xD0000000, s2;
	s6 =	simm.s32 $0x108;
	_ =	swait.ge @!p0 [sflag:s8], $0x0  }
0x24: {  	s3 =	sadd.s32 $0x88, s3;
	s6 =	simm.s32 @!p1 $0x1082;
	[sflag:s4] =	ssyncset.s32 $0xFFFFF086  }
0x25: {  	[simem:s6], [sflag:s4] =	dma.local [hbm:s3], $0xF7A  }
0x26: {  	[smem:$0x3F91] =	sst s1;
	(tag) =	ssettag s2;
	_ =	strace s9  }
0x27: {  	s1 =	sld [smem:$0x3FA1]  }
0x28: {  	s2 =	sld [smem:$0x3FA2]  }
0x29: {  	s4 =	sld [smem:$0x3FA4]  }
0x2a: {  	p0 =	seq.s32 s5, $0x0;
	s5 =	sld [smem:$0x3FA5]  }
0x2b: {  	s6 =	sld [smem:$0x3FA6]  }
0x2c: {  	s7 =	sld [smem:$0x3FA7]  }
0x2d: {  	s3 =	simm.s32 $0x108;
	s8 =	sld [smem:$0x3FA8]  }
0x2e: {  	s3 =	simm.s32 @!p0 $0x1082;
	s9 =	sld [smem:$0x3FA9]  }
0x2f: {  	lr =	sadd.s32 s0, s3;
	s0 =	sld [smem:$0x3FA0]  }
0x30: {  	s3 =	sld [smem:$0x3FA3]  }
0x31: {  	[smem:$0x3FAC] =	sst s10  }
0x32: {  	s10 =	sld [smem:$0x3FAA];
	_ =	sdelay $0x3  }
0x33: {  	p0 =	seq.s32 s10, $0x1;
	s10 =	sld [smem:$0x3FAC];
	_ =	sdelay $0x3  }
0x34: {  	[smem:$0x3FAC] =	sst s10  }
0x35: {  	s10 =	sld [smem:$0x3FAB];
	_ =	sdelay $0x3  }
0x36: {  	p1 =	seq.s32 s10, $0x1;
	s10 =	sld [smem:$0x3FAC];
	_ =	sdelay $0x3  }
0x37: {  	[smem:$0x3FAC] =	sst s10  }
0x38: {  	s10 =	sld [smem:$0x3FAD]  }
0x39: {  	_ = 	snop;
	(pc) =	sbr.ind lr, $3  }
0x3a: {  	_ = 	snop  }
0x3b: {  	_ = 	snop  }
0x3c: {  	p2 =	seq.s32 s10, $0x1;
	s10 =	sld [smem:$0x3FAC]  }
0x3d: {  	_ =	shalt  }
0x3e: {  	_ =	shalt  }
0x3f: {  	_ =	shalt  }
0x40: {  	_ =	shalt  }
0x41: {  	_ =	shalt  }
0x42: {  	_ =	shalt  }
0x43: {  	_ =	shalt  }
0x44: {  	_ =	shalt  }
0x45: {  	_ =	shalt  }
0x46: {  	_ =	shalt  }
0x47: {  	_ =	shalt  }
0x48: {  	_ =	shalt  }
0x49: {  	_ =	shalt  }
0x4a: {  	_ =	shalt  }
0x4b: {  	_ =	shalt  }
0x4c: {  	_ =	shalt  }
0x4d: {  	_ =	shalt  }
0x4e: {  	_ =	shalt  }
0x4f: {  	_ =	shalt  }
0x50: {  	_ =	shalt  }
0x51: {  	_ =	shalt  }
0x52: {  	_ =	shalt  }
0x53: {  	_ =	shalt  }
0x54: {  	_ =	shalt  }
0x55: {  	_ =	shalt  }
0x56: {  	_ =	shalt  }
0x57: {  	_ =	shalt  }
0x58: {  	_ =	shalt  }
0x59: {  	_ =	shalt  }
0x5a: {  	_ =	shalt  }
0x5b: {  	_ =	shalt  }
0x5c: {  	_ =	shalt  }
0x5d: {  	_ =	shalt  }
0x5e: {  	_ =	shalt  }
0x5f: {  	_ =	shalt  }
0x60: {  	_ =	shalt  }
0x61: {  	_ =	shalt  }
0x62: {  	_ =	shalt  }
0x63: {  	_ =	shalt  }
0x64: {  	_ =	shalt  }
0x65: {  	_ =	shalt  }
0x66: {  	_ =	shalt  }
0x67: {  	_ =	shalt  }
0x68: {  	_ =	shalt  }
0x69: {  	_ =	shalt  }
0x6a: {  	_ =	shalt  }
0x6b: {  	_ =	shalt  }
0x6c: {  	_ =	shalt  }
0x6d: {  	_ =	shalt  }
0x6e: {  	_ =	shalt  }
0x6f: {  	_ =	shalt  }
0x70: {  	_ =	shalt  }
0x71: {  	_ =	shalt  }
0x72: {  	_ =	shalt  }
0x73: {  	_ =	shalt  }
0x74: {  	_ =	shalt  }
0x75: {  	_ =	shalt  }
0x76: {  	_ =	shalt  }
0x77: {  	_ =	shalt  }
0x78: {  	_ =	shalt  }
0x79: {  	_ =	shalt  }
0x7a: {  	_ =	shalt  }
0x7b: {  	_ =	shalt  }
0x7c: {  	_ =	shalt  }
0x7d: {  	_ =	shalt  }
0x7e: {  	_ =	shalt  }
0x7f: {  	_ =	shalt  }
0x80: {  	_ =	shalt  }
0x81: {  	_ =	shalt  }
0x82: {  	_ =	shalt  }
0x83: {  	_ =	shalt  }
0x84: {  	_ =	shalt  }
0x85: {  	_ =	shalt  }
0x86: {  	_ =	shalt  }
0x87: {  	_ =	shalt  }
.Lfunc_end0:
.L_simem_size_0:
called_computation_lowered:
.L_overlay_start_0:
0x88: {  	s2 =	sld [smem:$0x3FD9]  }
0x89: {  	s3 =	sld [smem:$0x3FFE];
	_ =	sdelay $0x1  }
0x8a: {  	s1 =	srdreg.scid  }
0x8b: {  	s0 =	sand.u32 $0x1, s1  }
0x8c: {  	s17 =	sshll.u32 s0, $0xA;
	s2 =	sadd.s32 s3, s2  }
0x8d: {  	s2 =	sadd.s32 s2, s17  }
0x8e: {  	[smem:$0x3FB8] =	sst s2  }
0x8f: {  	_ = 	snop  }
0x90: {  	s2 =	sld [smem:$0x3FC6]  }
0x91: {  	s18 =	sld [smem:$0x3FD0];
	(tm) =	ssettm $0x1  }
0x92: {  	s4 =	sld [smem:$0x3FFB];
	_ =	sdelay $0x3  }
0x93: {  	_ =	strace s4  }
0x94: {  	s4 =	sld [smem:$0x3FFC];
	_ =	sdelay $0x3  }
0x95: {  	_ =	strace s4  }
0x96: {  	s4 =	sld [smem:$0x3FFD];
	_ =	sdelay $0x3  }
0x97: {  	_ =	strace s4  }
0x98: {  	_ =	strace $0x8FFFFFFF  }
0x99: {  	s19 =	sld [smem:$0x3FDB];
	_ =	sdelay $0x1  }
0x9a: {  	s5 =	simm.s32 $_scs_section_size  }
0x9b: {  	s6 =	simm.s32 $_size__tile_overlayer_lowered;
	s7 =	simm.s32 $_tile_overlayer_lowered  }
0x9c: {  	s22 =	simm.s32 $0x1BFF;
	s21 =	sshll.u32 s7, $0x1;
	s4 =	sadd.s32 s5, s19  }
0x9d: {  	s8 =	simm.s32 $0x0;
	s20 =	sshll.u32 s6, $0x1;
	s6 =	sadd.s32 s21, s4  }
0x9e: {  	[timem:s8], [sflag:s22] =	dma.local [hbm:s6], s20  }
0x9f: {  	_ =	swait.ge [sflag:s22], s20  }
0xa0: {  	s5 =	ssub.s32 $0x0, s20;
	[sflag:s22] =	ssyncset.done $0x0  }
0xa1: {  	[sflag:s22] =	ssyncadd.s32 s5;
	_ =	sdelay $0x1  }
0xa2: {  	s23 =	simm.s32 $0x1B8B  }
0xa3: {  	_ =	swait.ge [sflag:s23], $0x1  }
0xa4: {  	[sflag:s23] =	ssyncset.done $0x0  }
0xa5: {  	s25 =	simm.s32 $0x1B8E;
	s24 =	sld [smem:$0x3FFE];
	[sflag:s23] =	ssyncadd.s32 $0xFFFFFFFF  }
0xa6: {  	s26 =	simm.s32 $execute0_lowered;
	[smem:$0x3FD2] =	sst s25  }
0xa7: {  	s6 =	sshll.u32 s26, $0x1;
	_ =	strace $0x80000046;
	[dreg:$0x1] =	wrdreg $0xFFFFFFFF  }
0xa8: {  	s28 =	simm.s32 $_size_execute0_lowered;
	s4 =	sadd.s32 s4, s6;
	[dreg:$0x0] =	wrdreg $0x0  }
0xa9: {  	s6 =	sshll.u32 s28, $0x1;
	[dreg:$0x2] =	wrdreg s4  }
0xaa: {  	[dreg:$0x3] =	wrdreg s6  }
0xab: {  	[dreg:$0x4] =	wrdreg $0xC0  }
0xac: {  	_ =	task [dreg:s8], $0x5FFFF  }
0xad: {  	[dreg:$0x1] =	wrdreg $0xFFFFFFFF  }
0xae: {  	[dreg:$0x0] =	wrdreg $0x60  }
0xaf: {  	[dreg:$0x2] =	wrdreg s2  }
0xb0: {  	[dreg:$0x3] =	wrdreg s18  }
0xb1: {  	[dreg:$0x4] =	wrdreg s24  }
0xb2: {  	[dreg:$0x5] =	wrdreg $0x9  }
0xb3: {  	_ =	task.clear_ibuf [dreg:s8], $0x6FFFF;
	_ =	strace $0x90000046  }
0xb4: {  	s29 =	simm.s32 $0x9;
	_ =	strace $0x80000048  }
0xb5: {  	_ =	swait.ge [sflag:s29], $0x1  }
0xb6: {  	[sflag:s29] =	ssyncadd.s32 $0xFFFFFFFF  }
0xb7: {  	_ =	strace $0x90000048  }
0xb8: {  	_ =	sfence  }
0xb9: {  	s30 =	sld [smem:$0x0];
	_ =	sdelay $0x2  }
0xba: {  	s31 =	sshll.u32 s1, $0xD;
	s1 =	sshrl.u32 s1, $0x2  }
0xbb: {  	s3 =	sand.u32 $0x4000, s31;
	s1 =	sadd.s32 s1, s30  }
0xbc: {  	s0 =	sor.u32 s3, s0;
	s1 =	sshll.u32 s1, $0x11  }
0xbd: {  	s0 =	sor.u32 s1, s0  }
0xbe: {  	s0 =	sadd.s32 $0x8F2B, s0  }
0xbf: {  	[sflag:s0] =	ssyncadd.remote.s32 $0x1  }
0xc0: {  	_ =	sfence.sel $0xFFFF  }
0xc1: {  	[dreg:$0x0] =	wrdreg $0xFFFFFFFF;
	(pc) =	sbr.abs _section_cstart, $3  }
0xc2: {  	[dreg:$0x1] =	wrdreg $0xFFFFFFFF  }
0xc3: {  	_ =	task.clear_ibuf [dreg:s8], $0x2FFFF;
	_ =	strace $0x9FFFFFFF  }
0xc4: {  	(tm) =	ssettm $0x7FFFFFFF  }
0xc5: {  	_ =	shalt  }
tec
execute0_lowered:
.L_overlay_start_1:
0x0: {  	(tag) =	ssettag $0x1  }
0x1: {  	s1 =	rddreg [dreg:$0x0];
	s0 =	stileid.u32  }
0x2: {  	s3 =	rddreg [dreg:$0x1];
	s15 =	smul.u32 $0x271000, s0  }
0x3: {  	s2 =	srdreg.scid;
	s16 =	smul.u32 $0x4E20, s0  }
0x4: {  	s5 =	rddreg [dreg:$0x2];
	s12 =	sand.u32 $0x1, s2;
	s25 =	smul.u32 $0x4E200, s0  }
0x5: {  	s4 =	simm.s32 $0x0;
	s19 =	simm.s32 $0x4100;
	s17 =	smul.u32 $0x2710, s12  }
0x6: {  	s20 =	simm.s32 $0x1;
	s6 =	sshll.u32 s0, $0x1;
	s24 =	smul.u32 $0x138800, s12  }
0x7: {  	s2 =	rddreg [dreg:$0x3];
	s7 =	sor.u32 s12, s6;
	s18 =	smul.u32 $0x27100, s12  }
0x8: {  	[smem:$0x7FF] =	sst s4;
	s13 =	sadd.s32 $0x3400, s5;
	s8 =	smul.u32 $0x2710, s7  }
0x9: {  	s21 =	ssub.s32 $0x2, s12;
	_ =	strace $0x80000047;
	s10 =	smul.u32 $0x138800, s7  }
0xa: {  	s9 =	sshrl.u32 s21, $0x1;
	s14 =	smul.u32 $0x27100, s7;
	s30 =	sadd.s32 s25, s13  }
0xb: {  	s25 =	simm.s32 $0x0;
	s9 =	ssub.s32 s21, s9;
	s16 =	sadd.s32 s17, s16  }
0xc: {  	s31 =	sadd.s32 s18, s30;
	s17 =	simm.s32 $0x80;
	s18 =	simm.s32 $0x100  }
0xd: {  	s21 =	simm.s32 $0x2;
	s22 =	sshrl.u32 s8, $0x3;
	s8 =	sadd.s32 $0x2700, s8  }
0xe: {  	s10 =	sshrl.u32 s10, $0x3;
	s9 =	smax.u32 s9, $0x1;
	s23 =	sadd.s32 s13, s14  }
0xf: {  	s14 =	sadd.s32 s24, s15;
	s26 =	sadd.s32 $0x180, s16;
	s15 =	sadd.s32 $0x100, s16  }
0x10: {  	s16 =	simm.s32 $0x3;
	s24 =	simm.s32 $0x8180;
	s5 =	sadd.s32 s3, s22  }
0x11: {  	s11 =	sshrl.u32 s8, $0x3;
	s8 =	sshll.u32 s8, $0x4;
	s10 =	sadd.s32 s13, s10  }
0x12: {  	s28 =	sshrl.u32 s14, $0x3;
	s29 =	sshrl.u32 s26, $0x3;
	s14 =	sadd.s32 $0x800, s31  }
0x13: {  	s22 =	simm.s32 $0x8100;
	s6 =	sadd.s32 $0x10, s5;
	s7 =	sadd.s32 s3, s11  }
0x14: {  	s8 =	sadd.s32 s13, s8;
	s10 =	sadd.s32 $0x26000, s10;
	s11 =	sadd.s32 $0x26800, s23  }
0x15: {  	s12 =	sadd.s32 s28, s13;
	s13 =	sadd.s32 s29, s3;
	s23 =	simm.s32 $0x10  }
.LBB2_1:
0x16: {  	[tilespmem:s4], [sflag:$0x3] =	stream.linear.gather [hbm4b:s5+s4], $0x80, $0x38;
	[tilespmem:$0x8980] =	vst v63  }
0x17: {  	_ =	swait.ge [sflag:s16], $0x80  }
0x18: {  	[sflag:s16] =	ssyncset.done $0x0  }
0x19: {  	[sflag:s16] =	ssyncadd.s32 $0xFFFFFF80  }
0x1a: {  	[tilespmem:s18], [sflag:$0x1] =	stream.indirect.gather [hbm4b:s1+s17], $0x80, s4, s17, $0xb8;
	[tilespmem:$0x8980] =	vst v63  }
0x1b: {  	_ = 	snop  }
0x1c: {  	[tilespmem:s17], [sflag:$0x3] =	stream.linear.gather [hbm4b:s6+s4], $0x80, $0x38;
	[tilespmem:$0x8980] =	vst v63  }
0x1d: {  	_ =	swait.ge [sflag:s16], $0x80  }
0x1e: {  	[sflag:s16] =	ssyncset.done $0x0  }
0x1f: {  	[sflag:s16] =	ssyncadd.s32 $0xFFFFFF80  }
0x20: {  	[tilespmem:s19], [sflag:$0x2] =	stream.indirect.gather [hbm4b:s1+s17], $0x80, s17, s17, $0xb8;
	[tilespmem:$0x8980] =	vst v63  }
0x21: {  	_ =	swait.ge [sflag:s20], $0x4000  }
0x22: {  	[sflag:s20] =	ssyncset.done $0x0  }
0x23: {  	s26 =	sadd.s32 $0x0, s12;
	[sflag:s20] =	ssyncadd.s32 $0xFFFFC000  }
0x24: {  	[hbm4b:s26+s4] =	stream.linear.scatter [tilespmem:s18], [sflag:$0x3], $0x4000, $0x38;
	[tilespmem:$0x8980] =	vst v63  }
0x25: {  	_ =	swait.ge [sflag:s16], $0x4000  }
0x26: {  	s30 =	sshrl.u32 s15, $0x3;
	[sflag:s16] =	ssyncset.done $0x0  }
0x27: {  	s26 =	sadd.s32 s3, s30;
	[sflag:s16] =	ssyncadd.s32 $0xFFFFC000  }
0x28: {  	[tilespmem:s4], [sflag:$0x3] =	stream.linear.gather [hbm4b:s26+s4], $0x80, $0x38;
	[tilespmem:$0x8980] =	vst v63  }
0x29: {  	_ =	swait.ge [sflag:s16], $0x80  }
0x2a: {  	[sflag:s16] =	ssyncset.done $0x0  }
0x2b: {  	[sflag:s16] =	ssyncadd.s32 $0xFFFFFF80  }
0x2c: {  	[tilespmem:s18], [sflag:$0x1] =	stream.indirect.gather [hbm4b:s1+s17], $0x80, s4, s17, $0xb8;
	[tilespmem:$0x8980] =	vst v63  }
0x2d: {  	_ =	swait.ge [sflag:s21], $0x4000  }
0x2e: {  	[sflag:s21] =	ssyncset.done $0x0  }
0x2f: {  	s31 =	sadd.s32 $0x0, s14;
	[sflag:s21] =	ssyncadd.s32 $0xFFFFC000  }
0x30: {  	[hbm4b:s31+s4] =	stream.linear.scatter [tilespmem:s19], [sflag:$0x3], $0x4000, $0x38;
	[tilespmem:$0x8980] =	vst v63  }
0x31: {  	_ =	swait.ge [sflag:s16], $0x4000  }
0x32: {  	[sflag:s16] =	ssyncset.done $0x0  }
0x33: {  	[sflag:s16] =	ssyncadd.s32 $0xFFFFC000  }
0x34: {  	[tilespmem:s17], [sflag:$0x3] =	stream.linear.gather [hbm4b:s13+s4], $0x80, $0x38;
	[tilespmem:$0x8980] =	vst v63  }
0x35: {  	_ =	swait.ge [sflag:s16], $0x80  }
0x36: {  	s28 =	sadd.s32 $0x20, s13;
	[sflag:s16] =	ssyncset.done $0x0  }
0x37: {  	s29 =	sadd.s32 $0x100, s15;
	s26 =	simm.s32 $0x1000;
	[sflag:s16] =	ssyncadd.s32 $0xFFFFFF80  }
.LBB2_2:
0x38: {  	[tilespmem:s19], [sflag:$0x2] =	stream.indirect.gather [hbm4b:s1+s17], $0x80, s17, s17, $0xb8;
	[tilespmem:$0x8980] =	vst v63  }
0x39: {  	s30 =	smov.u32 s26  }
0x3a: {  	p0 =	sne.s32 s26, $0x25000;
	s26 =	sadd.s32 $0x1000, s26;
	_ =	swait.ge [sflag:s20], $0x4000  }
0x3b: {  	[sflag:s20] =	ssyncset.done $0x0  }
0x3c: {  	s31 =	sadd.s32 s30, s12;
	[sflag:s20] =	ssyncadd.s32 $0xFFFFC000  }
0x3d: {  	[hbm4b:s31+s4] =	stream.linear.scatter [tilespmem:s18], [sflag:$0x3], $0x4000, $0x38;
	[tilespmem:$0x8980] =	vst v63  }
0x3e: {  	_ =	swait.ge [sflag:s16], $0x4000  }
0x3f: {  	s31 =	sshrl.u32 s29, $0x3;
	[sflag:s16] =	ssyncset.done $0x0  }
0x40: {  	s31 =	sadd.s32 s3, s31;
	[sflag:s16] =	ssyncadd.s32 $0xFFFFC000  }
0x41: {  	[tilespmem:s4], [sflag:$0x3] =	stream.linear.gather [hbm4b:s31+s4], $0x80, $0x38;
	[tilespmem:$0x8980] =	vst v63  }
0x42: {  	_ =	swait.ge [sflag:s16], $0x80  }
0x43: {  	[sflag:s16] =	ssyncset.done $0x0  }
0x44: {  	[sflag:s16] =	ssyncadd.s32 $0xFFFFFF80  }
0x45: {  	[tilespmem:s18], [sflag:$0x1] =	stream.indirect.gather [hbm4b:s1+s17], $0x80, s4, s17, $0xb8;
	[tilespmem:$0x8980] =	vst v63  }
0x46: {  	_ =	swait.ge [sflag:s21], $0x4000  }
0x47: {  	[sflag:s21] =	ssyncset.done $0x0  }
0x48: {  	s30 =	sadd.s32 s30, s14;
	[sflag:s21] =	ssyncadd.s32 $0xFFFFC000  }
0x49: {  	[hbm4b:s30+s4] =	stream.linear.scatter [tilespmem:s19], [sflag:$0x3], $0x4000, $0x38;
	[tilespmem:$0x8980] =	vst v63  }
0x4a: {  	_ =	swait.ge [sflag:s16], $0x4000  }
0x4b: {  	[sflag:s16] =	ssyncset.done $0x0  }
.Ltmp0:
0x4c: {  	[sflag:s16] =	ssyncadd.s32 $0xFFFFC000;
	(pc) =	sbr.rel @p0 .LBB2_2-.Ltmp0, $4  }
0x4d: {  	[tilespmem:s17], [sflag:$0x3] =	stream.linear.gather [hbm4b:s28+s4], $0x80, $0x38;
	[tilespmem:$0x8980] =	vst v63  }
0x4e: {  	_ =	swait.ge [sflag:s16], $0x80  }
0x4f: {  	[sflag:s16] =	ssyncset.done $0x0  }
0x50: {  	s29 =	sadd.s32 $0x100, s29;
	s28 =	sadd.s32 $0x20, s28;
	[sflag:s16] =	ssyncadd.s32 $0xFFFFFF80  }
0x51: {  	[tilespmem:s19], [sflag:$0x2] =	stream.indirect.gather [hbm4b:s1+s17], $0x80, s17, s17, $0xb8;
	[tilespmem:$0x8980] =	vst v63  }
0x52: {  	_ =	swait.ge [sflag:s20], $0x4000  }
0x53: {  	[sflag:s20] =	ssyncset.done $0x0  }
0x54: {  	[sflag:s20] =	ssyncadd.s32 $0xFFFFC000  }
0x55: {  	[hbm4b:s10+s4] =	stream.linear.scatter [tilespmem:s18], [sflag:$0x3], $0x4000, $0x38;
	[tilespmem:$0x8980] =	vst v63  }
0x56: {  	_ =	swait.ge [sflag:s16], $0x4000  }
0x57: {  	[sflag:s16] =	ssyncset.done $0x0  }
0x58: {  	[sflag:s16] =	ssyncadd.s32 $0xFFFFC000  }
0x59: {  	_ =	swait.ge [sflag:s21], $0x4000  }
0x5a: {  	[sflag:s21] =	ssyncset.done $0x0  }
0x5b: {  	[sflag:s21] =	ssyncadd.s32 $0xFFFFC000  }
0x5c: {  	[hbm4b:s11+s4] =	stream.linear.scatter [tilespmem:s19], [sflag:$0x3], $0x4000, $0x38;
	[tilespmem:$0x8980] =	vst v63  }
0x5d: {  	_ =	swait.ge [sflag:s16], $0x4000  }
0x5e: {  	[sflag:s16] =	ssyncset.done $0x0  }
0x5f: {  	[sflag:s16] =	ssyncadd.s32 $0xFFFFC000  }
0x60: {  	[tilespmem:s22], [sflag:$0x3] =	stream.linear.gather [hbm4b:s7+s4], $0x10, $0x38;
	[tilespmem:$0x8980] =	vst v63  }
0x61: {  	_ =	swait.ge [sflag:s16], $0x10  }
0x62: {  	[sflag:s16] =	ssyncset.done $0x0  }
0x63: {  	[sflag:s16] =	ssyncadd.s32 $0xFFFFFFF0  }
0x64: {  	[tilespmem:s24], [sflag:$0x3] =	stream.indirect.gather [hbm4b:s1+s23], $0x80, s22, s23, $0xb8;
	[tilespmem:$0x8980] =	vst v63  }
0x65: {  	s25 =	sadd.s32 $0x1, s25;
	_ =	swait.ge [sflag:s16], $0x800  }
0x66: {  	p0 =	sne.s32 s25, s9;
	[sflag:s16] =	ssyncset.done $0x0  }
.Ltmp1:
0x67: {  	[sflag:s16] =	ssyncadd.s32 $0xFFFFF800;
	(pc) =	sbr.rel @p0 .LBB2_1-.Ltmp1, $4  }
0x68: {  	[hbm4b:s8+s4] =	stream.linear.scatter [tilespmem:s24], [sflag:$0x3], $0x800, $0x38;
	[tilespmem:$0x8980] =	vst v63  }
0x69: {  	_ =	swait.ge [sflag:s16], $0x800  }
0x6a: {  	[sflag:s16] =	ssyncset.done $0x0  }
0x6b: {  	[sflag:s16] =	ssyncadd.s32 $0xFFFFF800  }
0x6c: {  	_ =	sfence.sel $0x180000  }
0x6d: {  	[bflag:$0x0] =	sbarrier.arrive $0xFFFF  }
0x6e: {  	p0 =	sne.s32 s0, $0x0;
	_ =	strace $0x90000047  }
0x6f: {  	s0 =	sadd.s32 @!p0 $0x100000, s2;
	[bflag:$0x2] =	sbarrier.arrive $0xFFFF  }
0x70: {  	[sflag:s0] =	ssyncadd.tile.s32 @!p0 $0x1;
	_ =	shalt  }
.Lfunc_end2:
_tile_overlayer_lowered:
.L_overlay_start_2:
0x71: {  	(tag) =	ssettag $0x2  }
0x72: {  	s0 =	rddreg [dreg:$0x0];
	s2 =	stileid.u32  }
0x73: {  	s1 =	rddreg [dreg:$0x1];
	p0 =	sne.s32 s2, $0x0  }
0x74: {  	s3 =	rddreg [dreg:$0x2];
	[bflag:$0x3] =	sbarrier.arrive $0xFFFF;
	s2 =	simm.s32 @!p0 $0x1C03  }
0x75: {  	[timem:s3], [sflag:s2] =	dma.local @!p0 [hbm:s0], s1  }
0x76: {  	s0 =	simm.s32 @!p0 $0x3  }
0x77: {  	_ =	swait.ge @!p0 [sflag:s0], s1  }
0x78: {  	s1 =	ssub.s32 @!p0 $0x0, s1;
	[sflag:s0] =	ssyncset.done @!p0 $0x0  }
0x79: {  	[sflag:s0] =	ssyncadd.s32 @!p0 s1  }
0x7a: {  	[bflag:$0x3] =	sbarrier.arrive $0xFFFF  }
0x7b: {  	_ =	shalt  }

// kernel: kernel.13.cloned.1.call-start
scs
__scs_entry_jumppad:
0x0: {  	(pc) =	sbr.rel $0x88, $3  }
0x1: {  	(tag) =	ssettag $0x0;
	lr =	simm.s32 $0x1  }
0x2: {  	[smem:$0x3F91] =	sst lr;
	_ =	strace $0xD0000000  }
0x3: {  	_ = 	snop  }
0x4: {  	_ = 	snop  }
0x5: {  	_ = 	snop  }
0x6: {  	_ = 	snop  }
0x7: {  	_ = 	snop  }
__scs_overlays_trampoline_lowered:
0x8: {  	[smem:$0x3FA0] =	sst s0  }
0x9: {  	[smem:$0x3FA1] =	sst s1  }
0xa: {  	[smem:$0x3FA2] =	sst s2  }
0xb: {  	[smem:$0x3FA3] =	sst s3  }
0xc: {  	[smem:$0x3FA4] =	sst s4  }
0xd: {  	[smem:$0x3FA5] =	sst s5  }
0xe: {  	[smem:$0x3FA6] =	sst s6  }
0xf: {  	[smem:$0x3FA7] =	sst s7  }
0x10: {  	[smem:$0x3FA8] =	sst s8  }
0x11: {  	[smem:$0x3FA9] =	sst s9;
	s0 =	simm.s32 @!p0 $0x0  }
0x12: {  	s1 =	sld [smem:$0x3F8F];
	s0 =	simm.s32 @p0 $0x1  }
0x13: {  	[smem:$0x3FAA] =	sst s0;
	s0 =	simm.s32 @!p1 $0x0  }
0x14: {  	s2 =	sld [smem:$0x3F8E];
	s0 =	simm.s32 @p1 $0x1  }
0x15: {  	[smem:$0x3FAB] =	sst s0;
	s0 =	simm.s32 @!p2 $0x0  }
0x16: {  	s3 =	sld [smem:$0x3FDB];
	s0 =	simm.s32 @p2 $0x1  }
0x17: {  	s4 =	simm.s32 $0x1BF5;
	[smem:$0x3FAD] =	sst s0  }
0x18: {  	s0 =	sld [smem:$0x3F90];
	_ =	swait.ge [sflag:s4], $0x0  }
0x19: {  	s7 =	sld [smem:$0x3F91]  }
0x1a: {  	s8 =	sadd.s32 $0xFFFFE003, lr  }
0x1b: {  	s9 =	sadd.s32 $0xFFFFFEF7, lr;
	s5 =	simm.s32 $0xFFFFFFFF;
	p2 =	slt.u32 s8, $0xFFFFF086  }
0x1c: {  	p1 =	slt.u32 s9, $0xF7A;
	s5 =	simm.s32 @!p2 $0x0  }
0x1d: {  	s5 =	simm.s32 @p1 $0x1;
	p0 =	seq.s32 s7, s2  }
0x1e: {  	s7 =	smul.u32 @!p0 $0xF7A, s2;
	p2 =	seq.s32 @!p0 s5, $0x0  }
0x1f: {  	s9 =	smul.u32 $0xF7A, s1;
	s8 =	simm.s32 @!p0 $0x1BF5;
	p2 =	por !p2, p0  }
0x20: {  	[sflag:s8] =	ssyncset.s32 @!p0 $0xFFFFF086;
	s6 =	sadd.s32 @!p0 s3, s7;
	s7 =	simm.s32 @!p0 $0x108  }
0x21: {  	s3 =	sadd.s32 s3, s9;
	s6 =	sadd.s32 @!p0 $0x88, s6;
	s7 =	simm.s32 @p2 $0x1082  }
0x22: {  	[simem:s7], [sflag:s8] =	dma.local @!p0 [hbm:s6], $0xF7A  }
0x23: {  	s9 =	sor.u32 $0xD0000000, s2;
	s6 =	simm.s32 $0x108;
	_ =	swait.ge @!p0 [sflag:s8], $0x0  }
0x24: {  	s3 =	sadd.s32 $0x88, s3;
	s6 =	simm.s32 @!p1 $0x1082;
	[sflag:s4] =	ssyncset.s32 $0xFFFFF086  }
0x25: {  	[simem:s6], [sflag:s4] =	dma.local [hbm:s3], $0xF7A  }
0x26: {  	[smem:$0x3F91] =	sst s1;
	(tag) =	ssettag s2;
	_ =	strace s9  }
0x27: {  	s1 =	sld [smem:$0x3FA1]  }
0x28: {  	s2 =	sld [smem:$0x3FA2]  }
0x29: {  	s4 =	sld [smem:$0x3FA4]  }
0x2a: {  	p0 =	seq.s32 s5, $0x0;
	s5 =	sld [smem:$0x3FA5]  }
0x2b: {  	s6 =	sld [smem:$0x3FA6]  }
0x2c: {  	s7 =	sld [smem:$0x3FA7]  }
0x2d: {  	s3 =	simm.s32 $0x108;
	s8 =	sld [smem:$0x3FA8]  }
0x2e: {  	s3 =	simm.s32 @!p0 $0x1082;
	s9 =	sld [smem:$0x3FA9]  }
0x2f: {  	lr =	sadd.s32 s0, s3;
	s0 =	sld [smem:$0x3FA0]  }
0x30: {  	s3 =	sld [smem:$0x3FA3]  }
0x31: {  	[smem:$0x3FAC] =	sst s10  }
0x32: {  	s10 =	sld [smem:$0x3FAA];
	_ =	sdelay $0x3  }
0x33: {  	p0 =	seq.s32 s10, $0x1;
	s10 =	sld [smem:$0x3FAC];
	_ =	sdelay $0x3  }
0x34: {  	[smem:$0x3FAC] =	sst s10  }
0x35: {  	s10 =	sld [smem:$0x3FAB];
	_ =	sdelay $0x3  }
0x36: {  	p1 =	seq.s32 s10, $0x1;
	s10 =	sld [smem:$0x3FAC];
	_ =	sdelay $0x3  }
0x37: {  	[smem:$0x3FAC] =	sst s10  }
0x38: {  	s10 =	sld [smem:$0x3FAD]  }
0x39: {  	_ = 	snop;
	(pc) =	sbr.ind lr, $3  }
0x3a: {  	_ = 	snop  }
0x3b: {  	_ = 	snop  }
0x3c: {  	p2 =	seq.s32 s10, $0x1;
	s10 =	sld [smem:$0x3FAC]  }
0x3d: {  	_ =	shalt  }
0x3e: {  	_ =	shalt  }
0x3f: {  	_ =	shalt  }
0x40: {  	_ =	shalt  }
0x41: {  	_ =	shalt  }
0x42: {  	_ =	shalt  }
0x43: {  	_ =	shalt  }
0x44: {  	_ =	shalt  }
0x45: {  	_ =	shalt  }
0x46: {  	_ =	shalt  }
0x47: {  	_ =	shalt  }
0x48: {  	_ =	shalt  }
0x49: {  	_ =	shalt  }
0x4a: {  	_ =	shalt  }
0x4b: {  	_ =	shalt  }
0x4c: {  	_ =	shalt  }
0x4d: {  	_ =	shalt  }
0x4e: {  	_ =	shalt  }
0x4f: {  	_ =	shalt  }
0x50: {  	_ =	shalt  }
0x51: {  	_ =	shalt  }
0x52: {  	_ =	shalt  }
0x53: {  	_ =	shalt  }
0x54: {  	_ =	shalt  }
0x55: {  	_ =	shalt  }
0x56: {  	_ =	shalt  }
0x57: {  	_ =	shalt  }
0x58: {  	_ =	shalt  }
0x59: {  	_ =	shalt  }
0x5a: {  	_ =	shalt  }
0x5b: {  	_ =	shalt  }
0x5c: {  	_ =	shalt  }
0x5d: {  	_ =	shalt  }
0x5e: {  	_ =	shalt  }
0x5f: {  	_ =	shalt  }
0x60: {  	_ =	shalt  }
0x61: {  	_ =	shalt  }
0x62: {  	_ =	shalt  }
0x63: {  	_ =	shalt  }
0x64: {  	_ =	shalt  }
0x65: {  	_ =	shalt  }
0x66: {  	_ =	shalt  }
0x67: {  	_ =	shalt  }
0x68: {  	_ =	shalt  }
0x69: {  	_ =	shalt  }
0x6a: {  	_ =	shalt  }
0x6b: {  	_ =	shalt  }
0x6c: {  	_ =	shalt  }
0x6d: {  	_ =	shalt  }
0x6e: {  	_ =	shalt  }
0x6f: {  	_ =	shalt  }
0x70: {  	_ =	shalt  }
0x71: {  	_ =	shalt  }
0x72: {  	_ =	shalt  }
0x73: {  	_ =	shalt  }
0x74: {  	_ =	shalt  }
0x75: {  	_ =	shalt  }
0x76: {  	_ =	shalt  }
0x77: {  	_ =	shalt  }
0x78: {  	_ =	shalt  }
0x79: {  	_ =	shalt  }
0x7a: {  	_ =	shalt  }
0x7b: {  	_ =	shalt  }
0x7c: {  	_ =	shalt  }
0x7d: {  	_ =	shalt  }
0x7e: {  	_ =	shalt  }
0x7f: {  	_ =	shalt  }
0x80: {  	_ =	shalt  }
0x81: {  	_ =	shalt  }
0x82: {  	_ =	shalt  }
0x83: {  	_ =	shalt  }
0x84: {  	_ =	shalt  }
0x85: {  	_ =	shalt  }
0x86: {  	_ =	shalt  }
0x87: {  	_ =	shalt  }
.Lfunc_end0:
.L_simem_size_0:
called_computation.1_lowered:
.L_overlay_start_0:
0x88: {  	s2 =	sld [smem:$0x3FD9]  }
0x89: {  	s3 =	sld [smem:$0x3FFE];
	_ =	sdelay $0x1  }
0x8a: {  	s1 =	srdreg.scid  }
0x8b: {  	s0 =	sand.u32 $0x1, s1  }
0x8c: {  	s17 =	sshll.u32 s0, $0xA;
	s2 =	sadd.s32 s3, s2  }
0x8d: {  	s2 =	sadd.s32 s2, s17  }
0x8e: {  	[smem:$0x3FB8] =	sst s2  }
0x8f: {  	_ = 	snop  }
0x90: {  	(tm) =	ssettm $0x1  }
0x91: {  	s18 =	sld [smem:$0x3FFB];
	_ =	sdelay $0x3  }
0x92: {  	_ =	strace s18  }
0x93: {  	s2 =	sld [smem:$0x3FFC];
	_ =	sdelay $0x3  }
0x94: {  	_ =	strace s2  }
0x95: {  	s2 =	sld [smem:$0x3FFD];
	_ =	sdelay $0x3  }
0x96: {  	_ =	strace s2  }
0x97: {  	_ =	strace $0x8FFFFFFF  }
0x98: {  	s19 =	sld [smem:$0x3FDB];
	_ =	sdelay $0x1  }
0x99: {  	s20 =	simm.s32 $_scs_section_size  }
0x9a: {  	s4 =	simm.s32 $_size__tile_overlayer_lowered;
	s5 =	simm.s32 $_tile_overlayer_lowered  }
0x9b: {  	s6 =	simm.s32 $0x1BFF;
	s21 =	sshll.u32 s5, $0x1;
	s3 =	sadd.s32 s20, s19  }
0x9c: {  	s22 =	simm.s32 $0x0;
	s4 =	sshll.u32 s4, $0x1;
	s5 =	sadd.s32 s21, s3  }
0x9d: {  	[timem:s22], [sflag:s6] =	dma.local [hbm:s5], s4  }
0x9e: {  	_ =	swait.ge [sflag:s6], s4  }
0x9f: {  	s4 =	ssub.s32 $0x0, s4;
	[sflag:s6] =	ssyncset.done $0x0  }
0xa0: {  	[sflag:s6] =	ssyncadd.s32 s4;
	_ =	sdelay $0x1  }
0xa1: {  	s23 =	simm.s32 $0x1B8B  }
0xa2: {  	_ =	swait.ge [sflag:s23], $0x1  }
0xa3: {  	[sflag:s23] =	ssyncset.done $0x0  }
0xa4: {  	[sflag:s23] =	ssyncadd.s32 $0xFFFFFFFF  }
0xa5: {  	s4 =	sld [smem:$0x0]  }
0xa6: {  	s5 =	sand.u32 $0xFFFFFFFE, s1  }
0xa7: {  	p0 =	sne.s32 s1, s5  }
0xa8: {  	s5 =	sshll.u32 @p0 s5, $0xE  }
0xa9: {  	s5 =	sadd.s32 @p0 $0x11B8D, s5;
	s6 =	sshll.u32 @p0 s4, $0x11  }
0xaa: {  	s5 =	sor.u32 @p0 s6, s5  }
0xab: {  	[sflag:s5] =	ssyncadd.remote.s32 @p0 $0x1;
	_ =	sdelay $0x1  }
0xac: {  	s5 =	simm.s32 @p0 $0x1B8D  }
0xad: {  	_ =	swait.eq @p0 [sflag:s5], $0x1  }
0xae: {  	[sflag:s5] =	ssyncadd.s32 @p0 $0xFFFFFFFF  }
0xaf: {  	s6 =	sshll.u32 @!p0 s1, $0xE  }
0xb0: {  	s6 =	sor.u32 @!p0 $0x4000, s6;
	s5 =	simm.s32 @!p0 $0x1B8D  }
0xb1: {  	s4 =	sshll.u32 @!p0 s4, $0x11;
	s6 =	sadd.s32 @!p0 $0x11B8D, s6;
	_ =	swait.eq @!p0 [sflag:s5], $0x1  }
0xb2: {  	s4 =	sor.u32 @!p0 s4, s6;
	[sflag:s5] =	ssyncadd.s32 @!p0 $0xFFFFFFFF  }
0xb3: {  	s25 =	simm.s32 $0x1B8E;
	s24 =	sld [smem:$0x3FFE];
	[sflag:s4] =	ssyncadd.remote.s32 @!p0 $0x1  }
0xb4: {  	s26 =	simm.s32 $execute0_lowered;
	[smem:$0x3FD2] =	sst s25  }
0xb5: {  	s5 =	sshll.u32 s26, $0x1;
	_ =	strace $0x80000049;
	[dreg:$0x1] =	wrdreg $0xFFFFFFFF  }
0xb6: {  	s28 =	simm.s32 $_size_execute0_lowered;
	s3 =	sadd.s32 s3, s5;
	[dreg:$0x0] =	wrdreg $0x0  }
0xb7: {  	s5 =	sshll.u32 s28, $0x1;
	[dreg:$0x2] =	wrdreg s3  }
0xb8: {  	[dreg:$0x3] =	wrdreg s5  }
0xb9: {  	[dreg:$0x4] =	wrdreg $0xC0  }
0xba: {  	_ =	task [dreg:s22], $0x5FFFF  }
0xbb: {  	[dreg:$0x1] =	wrdreg $0xFFFFFFFF  }
0xbc: {  	[dreg:$0x0] =	wrdreg $0x60  }
0xbd: {  	[dreg:$0x2] =	wrdreg s24  }
0xbe: {  	[dreg:$0x3] =	wrdreg $0x89000  }
0xbf: {  	[dreg:$0x4] =	wrdreg $0xA  }
0xc0: {  	_ =	task.clear_ibuf [dreg:s22], $0x5FFFF;
	_ =	strace $0x90000049  }
0xc1: {  	s29 =	simm.s32 $0xA;
	_ =	strace $0x8000004B  }
0xc2: {  	_ =	swait.ge [sflag:s29], $0x1  }
0xc3: {  	[sflag:s29] =	ssyncadd.s32 $0xFFFFFFFF  }
0xc4: {  	_ =	strace $0x9000004B  }
0xc5: {  	_ =	sfence  }
0xc6: {  	s30 =	sld [smem:$0x0];
	_ =	sdelay $0x2  }
0xc7: {  	s31 =	sshll.u32 s1, $0xD;
	s1 =	sshrl.u32 s1, $0x2  }
0xc8: {  	s4 =	sand.u32 $0x4000, s31;
	s1 =	sadd.s32 s1, s30  }
0xc9: {  	s0 =	sor.u32 s4, s0;
	s1 =	sshll.u32 s1, $0x11  }
0xca: {  	s0 =	sor.u32 s1, s0  }
0xcb: {  	s0 =	sadd.s32 $0x8F2B, s0  }
0xcc: {  	[sflag:s0] =	ssyncadd.remote.s32 $0x1  }
0xcd: {  	_ =	sfence.sel $0xFFFF  }
0xce: {  	[dreg:$0x0] =	wrdreg $0xFFFFFFFF;
	(pc) =	sbr.abs _section_cstart, $3  }
0xcf: {  	[dreg:$0x1] =	wrdreg $0xFFFFFFFF  }
0xd0: {  	_ =	task.clear_ibuf [dreg:s22], $0x2FFFF;
	_ =	strace $0x9FFFFFFF  }
0xd1: {  	(tm) =	ssettm $0x7FFFFFFF  }
tec
execute0_lowered:
.L_overlay_start_1:
0x0: {  	(tag) =	ssettag $0x1  }
0x1: {  	s6 =	rddreg [dreg:$0x0]  }
0x2: {  	s1 =	rddreg [dreg:$0x1]  }
0x3: {  	s0 =	rddreg [dreg:$0x2];
	s2 =	simm.s32 $0x0  }
0x4: {  	s3 =	srdreg.scid;
	[smem:$0x7FF] =	sst s2;
	s13 =	sadd.s32 $0x50D200, s6  }
0x5: {  	s4 =	sadd.s32 $0x517000, s6;
	s16 =	sand.u32 $0x1, s3;
	s5 =	sadd.s32 $0x517800, s6  }
0x6: {  	s3 =	stileid.u32;
	s10 =	sadd.s32 $0x518000, s6;
	_ =	strace $0x8000004A  }
0x7: {  	s7 =	ssub.s32 $0x2, s16;
	s9 =	sshll.u32 s3, $0x1;
	s11 =	smul.u32 $0x280, s3  }
0x8: {  	s31 =	smul.u32 $0x2800, s16;
	s8 =	sshrl.u32 s7, $0x1;
	s30 =	sor.u32 s16, s9  }
0x9: {  	s16 =	smul.u32 $0x2710, s16;
	s12 =	ssub.s32 s7, s8;
	s17 =	sor.u32 $0x10, s11  }
0xa: {  	s18 =	sor.u32 $0x20, s11;
	s19 =	sor.u32 $0x30, s11;
	s20 =	sor.u32 $0x40, s11  }
0xb: {  	s21 =	sor.u32 $0x50, s11;
	s22 =	sadd.s32 $0x80, s11;
	s23 =	sadd.s32 $0x100, s11  }
0xc: {  	s15 =	sadd.s32 $0x180, s11;
	s14 =	sadd.s32 $0x200, s11;
	s9 =	sadd.s32 s11, s31  }
0xd: {  	v39 =	vlaneseq.u32;
	s24 =	smul.u32 $0x2710, s30;
	s25 =	sadd.s32 s31, s22;
	s26 =	sshll.u32 s9, $0x4  }
0xe: {  	s29 =	sadd.s32 s31, s23;
	v0 =	vor.u32 s17, v39;
	s17 =	sadd.s32 $0x90, s11;
	v2 =	vor.u32 s19, v39;
	s19 =	sadd.s32 $0xC0, s11  }
0xf: {  	v3 =	vor.u32 s20, v39;
	s20 =	sadd.s32 $0xE0, s11;
	v4 =	vor.u32 s21, v39;
	v7 =	vor.u32 s22, v39;
	s22 =	sadd.s32 $0x140, s11;
	s21 =	sadd.s32 $0x1A0, s11  }
0x10: {  	v1 =	vor.u32 s18, v39;
	v15 =	vor.u32 s23, v39;
	s23 =	sadd.s32 $0x1B0, s11;
	s18 =	sadd.s32 $0x210, s11;
	s12 =	smax.u32 s12, $0x1  }
0x11: {  	s28 =	sshll.u32 s25, $0x4;
	s6 =	sadd.s32 s10, s26;
	s9 =	sshll.u32 s29, $0x4  }
0x12: {  	s25 =	sadd.s32 s31, s15;
	s26 =	sadd.s32 s31, s14;
	s24 =	sshrl.u32 s24, $0x3  }
0x13: {  	s29 =	sadd.s32 $0xB0, s11;
	v8 =	vor.u32 s17, v39;
	s17 =	sadd.s32 $0x130, s11;
	v11 =	vor.u32 s19, v39;
	s19 =	sadd.s32 $0x170, s11  }
0x14: {  	v23 =	vor.u32 s15, v39;
	v32 =	vor.u32 s14, v39;
	v19 =	vor.u32 s22, v39;
	s22 =	sadd.s32 $0x220, s11;
	s15 =	sadd.s32 $0x230, s11;
	s14 =	simm.s32 $0x80  }
0x15: {  	v13 =	vor.u32 s20, v39;
	v33 =	vor.u32 s18, v39;
	s18 =	simm.s32 $0x4080;
	s20 =	simm.s32 $0x0;
	s7 =	sadd.s32 s10, s28  }
0x16: {  	s8 =	sadd.s32 s10, s9;
	s30 =	sshll.u32 s25, $0x4;
	s31 =	sshll.u32 s26, $0x4  }
0x17: {  	s26 =	sor.u32 $0x60, s11;
	s28 =	sadd.s32 $0xA0, s11;
	s25 =	sadd.s32 $0x110, s11  }
0x18: {  	v10 =	vor.u32 s29, v39;
	s29 =	sadd.s32 $0x190, s11;
	v18 =	vor.u32 s17, v39;
	s17 =	sadd.s32 $0x1D0, s11;
	v22 =	vor.u32 s19, v39;
	s19 =	sadd.s32 $0x240, s11  }
0x19: {  	v30 =	vor.u32 s11, v39;
	v35 =	vor.u32 s15, v39;
	s15 =	simm.s32 $0x1;
	s9 =	sadd.s32 s10, s30;
	s10 =	sadd.s32 s10, s31  }
0x1a: {  	v25 =	vor.u32 s21, v39;
	v26 =	vor.u32 s23, v39;
	s30 =	sor.u32 $0x70, s11;
	s31 =	sadd.s32 $0xD0, s11;
	v5 =	vor.u32 s26, v39;
	s26 =	sadd.s32 $0x120, s11  }
0x1b: {  	v9 =	vor.u32 s28, v39;
	s28 =	sadd.s32 $0x150, s11;
	v16 =	vor.u32 s25, v39;
	s25 =	sadd.s32 $0x1E0, s11;
	v12 =	vor.u32 s31, v39;
	s31 =	sadd.s32 $0x160, s11  }
0x1c: {  	v24 =	vor.u32 s29, v39;
	s29 =	sadd.s32 $0x250, s11;
	v28 =	vor.u32 s17, v39;
	s17 =	simm.s32 $0x8100;
	v21 =	vor.u32 s31, v39;
	s31 =	smul.u32 $0x4E20, s3  }
0x1d: {  	v36 =	vor.u32 s19, v39;
	s19 =	simm.s32 $0x10;
	v6 =	vor.u32 s30, v39;
	s30 =	sadd.s32 $0xF0, s11;
	v17 =	vor.u32 s26, v39;
	s26 =	sadd.s32 $0x1F0, s11  }
0x1e: {  	v34 =	vor.u32 s22, v39;
	v20 =	vor.u32 s28, v39;
	s28 =	sadd.s32 $0x260, s11;
	v14 =	vor.u32 s30, v39;
	s30 =	sadd.s32 $0x1C0, s11;
	s16 =	sadd.s32 s16, s31  }
0x1f: {  	v29 =	vor.u32 s25, v39;
	v37 =	vor.u32 s29, v39;
	v27 =	vor.u32 s30, v39;
	s30 =	sadd.s32 s13, s24;
	s31 =	sadd.s32 $0x270, s11;
	s16 =	sshrl.u32 s16, $0x3  }
0x20: {  	v31 =	vor.u32 s26, v39;
	v38 =	vor.u32 s28, v39;
	s11 =	sadd.s32 $0x4E0, s30;
	v39 =	vor.u32 s31, v39;
	s13 =	sadd.s32 s16, s13;
	s16 =	simm.s32 $0x4100  }
.LBB2_1:
0x21: {  	[tilespmem:s14], [sflag:$0x1] =	stream.linear.gather [hbm4b:s4+s2], $0x4000, $0x38;
	[tilespmem:$0x1C900] =	vst v63  }
0x22: {  	_ =	swait.ge [sflag:s15], $0x4000  }
0x23: {  	[sflag:s15] =	ssyncset.done $0x0  }
0x24: {  	[sflag:s15] =	ssyncadd.s32 $0xFFFFC000  }
0x25: {  	[tilespmem:s16], [sflag:$0x1] =	stream.linear.gather [hbm4b:s5+s2], $0x4000, $0x38;
	[tilespmem:$0x1C900] =	vst v63  }
0x26: {  	_ =	swait.ge [sflag:s15], $0x4000  }
0x27: {  	[sflag:s15] =	ssyncset.done $0x0  }
0x28: {  	[sflag:s15] =	ssyncadd.s32 $0xFFFFC000  }
0x29: {  	[tilespmem:s17], [sflag:$0x1] =	stream.linear.gather [hbm4b:s5+s2], $0x800, $0x38;
	[tilespmem:$0x1C900] =	vst v63  }
0x2a: {  	_ =	swait.ge [sflag:s15], $0x800  }
0x2b: {  	[sflag:s15] =	ssyncset.done $0x0  }
0x2c: {  	[sflag:s15] =	ssyncadd.s32 $0xFFFFF800  }
0x2d: {  	[tilespmem:$0x0] =	vst v30  }
0x2e: {  	[tilespmem:$0x10] =	vst v0  }
0x2f: {  	[tilespmem:$0x20] =	vst v1  }
0x30: {  	[tilespmem:$0x30] =	vst v2  }
0x31: {  	[tilespmem:$0x40] =	vst v3  }
0x32: {  	[tilespmem:$0x50] =	vst v4  }
0x33: {  	[tilespmem:$0x60] =	vst v5  }
0x34: {  	[tilespmem:$0x70] =	vst v6  }
0x35: {  	[spmem:s1] =	stream.indirect.scatter [tilespmem:s14], [sflag:$0x1], $0x80, s2, s14, $0xb8;
	[tilespmem:$0x1C900] =	vst v63  }
0x36: {  	_ =	swait.ge [sflag:s15], $0x4000  }
0x37: {  	[sflag:s15] =	ssyncset.done $0x0  }
0x38: {  	[sflag:s15] =	ssyncadd.s32 $0xFFFFC000  }
0x39: {  	[tilespmem:$0x0] =	vst v7  }
0x3a: {  	[tilespmem:$0x10] =	vst v8  }
0x3b: {  	[tilespmem:$0x20] =	vst v9  }
0x3c: {  	[tilespmem:$0x30] =	vst v10  }
0x3d: {  	[tilespmem:$0x40] =	vst v11  }
0x3e: {  	[tilespmem:$0x50] =	vst v12  }
0x3f: {  	[tilespmem:$0x60] =	vst v13  }
0x40: {  	[tilespmem:$0x70] =	vst v14  }
0x41: {  	[spmem:s1] =	stream.indirect.scatter [tilespmem:s14], [sflag:$0x1], $0x80, s2, s14, $0xb8;
	[tilespmem:$0x1C900] =	vst v63  }
0x42: {  	_ =	swait.ge [sflag:s15], $0x4000  }
0x43: {  	[sflag:s15] =	ssyncset.done $0x0  }
0x44: {  	[sflag:s15] =	ssyncadd.s32 $0xFFFFC000  }
0x45: {  	[tilespmem:$0x0] =	vst v15  }
0x46: {  	[tilespmem:$0x10] =	vst v16  }
0x47: {  	[tilespmem:$0x20] =	vst v17  }
0x48: {  	[tilespmem:$0x30] =	vst v18  }
0x49: {  	[tilespmem:$0x40] =	vst v19  }
0x4a: {  	[tilespmem:$0x50] =	vst v20  }
0x4b: {  	[tilespmem:$0x60] =	vst v21  }
0x4c: {  	[tilespmem:$0x70] =	vst v22  }
0x4d: {  	[spmem:s1] =	stream.indirect.scatter [tilespmem:s14], [sflag:$0x1], $0x80, s2, s14, $0xb8;
	[tilespmem:$0x1C900] =	vst v63  }
0x4e: {  	_ =	swait.ge [sflag:s15], $0x4000  }
0x4f: {  	[sflag:s15] =	ssyncset.done $0x0  }
0x50: {  	[sflag:s15] =	ssyncadd.s32 $0xFFFFC000  }
0x51: {  	[tilespmem:$0x0] =	vst v23  }
0x52: {  	[tilespmem:$0x10] =	vst v24  }
0x53: {  	[tilespmem:$0x20] =	vst v25  }
0x54: {  	[tilespmem:$0x30] =	vst v26  }
0x55: {  	[tilespmem:$0x40] =	vst v27  }
0x56: {  	[tilespmem:$0x50] =	vst v28  }
0x57: {  	[tilespmem:$0x60] =	vst v29  }
0x58: {  	[tilespmem:$0x70] =	vst v31  }
0x59: {  	[spmem:s1] =	stream.indirect.scatter [tilespmem:s14], [sflag:$0x1], $0x80, s2, s14, $0xb8;
	[tilespmem:$0x1C900] =	vst v63  }
0x5a: {  	_ =	swait.ge [sflag:s15], $0x4000  }
0x5b: {  	[sflag:s15] =	ssyncset.done $0x0  }
0x5c: {  	[sflag:s15] =	ssyncadd.s32 $0xFFFFC000  }
0x5d: {  	[tilespmem:$0x0] =	vst v32  }
0x5e: {  	[tilespmem:$0x10] =	vst v33  }
0x5f: {  	[tilespmem:$0x20] =	vst v34  }
0x60: {  	[tilespmem:$0x30] =	vst v35  }
0x61: {  	[tilespmem:$0x40] =	vst v36  }
0x62: {  	[tilespmem:$0x50] =	vst v37  }
0x63: {  	[tilespmem:$0x60] =	vst v38  }
0x64: {  	[tilespmem:$0x70] =	vst v39  }
0x65: {  	[spmem:s1] =	stream.indirect.scatter [tilespmem:s14], [sflag:$0x1], $0x80, s2, s14, $0xb8;
	[tilespmem:$0x1C900] =	vst v63  }
0x66: {  	_ =	swait.ge [sflag:s15], $0x4000  }
0x67: {  	[sflag:s15] =	ssyncset.done $0x0  }
0x68: {  	[sflag:s15] =	ssyncadd.s32 $0xFFFFC000  }
0x69: {  	s21 =	sadd.s32 $0x0, s13;
	[bflag:$0x0] =	sbarrier.arrive $0xFFFF  }
0x6a: {  	[tilespmem:s2], [sflag:$0x1] =	stream.linear.gather [hbm4b:s21+s2], $0x80, $0x38;
	[tilespmem:$0x1C900] =	vst v63  }
0x6b: {  	_ =	swait.ge [sflag:s15], $0x80  }
0x6c: {  	[sflag:s15] =	ssyncset.done $0x0  }
0x6d: {  	[sflag:s15] =	ssyncadd.s32 $0xFFFFFF80  }
0x6e: {  	[spmem:s1] =	stream.indirect.scatter.add.f32 [tilespmem:s16], [sflag:$0x1], $0x80, s2, s14, $0xb8;
	[tilespmem:$0x1C900] =	vst v63  }
0x6f: {  	_ =	swait.ge [sflag:s15], $0x4000  }
0x70: {  	s22 =	simm.s32 $0x20;
	s21 =	simm.s32 $0x10;
	[sflag:s15] =	ssyncset.done $0x0  }
.LBB2_2:
0x71: {  	s23 =	sadd.s32 s21, s13  }
0x72: {  	[sflag:s15] =	ssyncadd.s32 $0xFFFFC000;
	s21 =	smov.u32 s22;
	s24 =	sadd.s32 $0x10, s22  }
0x73: {  	[tilespmem:s2], [sflag:$0x1] =	stream.linear.gather [hbm4b:s23+s2], $0x80, $0x38;
	[tilespmem:$0x1C900] =	vst v63  }
0x74: {  	p0 =	sne.s32 s22, $0x4D0;
	_ =	swait.ge [sflag:s15], $0x80  }
.Ltmp0:
0x75: {  	[sflag:s15] =	ssyncset.done $0x0;
	(pc) =	sbr.rel @p0 .LBB2_2-.Ltmp0, $4  }
0x76: {  	[sflag:s15] =	ssyncadd.s32 $0xFFFFFF80  }
0x77: {  	[spmem:s1] =	stream.indirect.scatter.add.f32 [tilespmem:s16], [sflag:$0x1], $0x80, s2, s14, $0xb8;
	[tilespmem:$0x1C900] =	vst v63  }
0x78: {  	_ =	swait.ge [sflag:s15], $0x4000  }
0x79: {  	s22 =	smov.u32 s24;
	[sflag:s15] =	ssyncset.done $0x0  }
0x7a: {  	s21 =	sadd.s32 s21, s13;
	[sflag:s15] =	ssyncadd.s32 $0xFFFFC000  }
0x7b: {  	[tilespmem:s2], [sflag:$0x1] =	stream.linear.gather [hbm4b:s21+s2], $0x80, $0x38;
	[tilespmem:$0x1C900] =	vst v63  }
0x7c: {  	_ =	swait.ge [sflag:s15], $0x80  }
0x7d: {  	[sflag:s15] =	ssyncset.done $0x0  }
0x7e: {  	[sflag:s15] =	ssyncadd.s32 $0xFFFFFF80  }
0x7f: {  	[spmem:s1] =	stream.indirect.scatter.add.f32 [tilespmem:s16], [sflag:$0x1], $0x80, s2, s14, $0xb8;
	[tilespmem:$0x1C900] =	vst v63  }
0x80: {  	_ =	swait.ge [sflag:s15], $0x4000  }
0x81: {  	[sflag:s15] =	ssyncset.done $0x0  }
0x82: {  	[sflag:s15] =	ssyncadd.s32 $0xFFFFC000  }
0x83: {  	[tilespmem:s18], [sflag:$0x1] =	stream.linear.gather [hbm4b:s11+s2], $0x10, $0x38;
	[tilespmem:$0x1C900] =	vst v63  }
0x84: {  	_ =	swait.ge [sflag:s15], $0x10  }
0x85: {  	[sflag:s15] =	ssyncset.done $0x0  }
0x86: {  	[sflag:s15] =	ssyncadd.s32 $0xFFFFFFF0  }
0x87: {  	[spmem:s1] =	stream.indirect.scatter.add.f32 [tilespmem:s17], [sflag:$0x1], $0x80, s18, s19, $0xb8;
	[tilespmem:$0x1C900] =	vst v63  }
0x88: {  	_ =	swait.ge [sflag:s15], $0x800  }
0x89: {  	[sflag:s15] =	ssyncset.done $0x0  }
0x8a: {  	[sflag:s15] =	ssyncadd.s32 $0xFFFFF800  }
0x8b: {  	[bflag:$0x0] =	sbarrier.arrive $0xFFFF  }
0x8c: {  	[tilespmem:$0x0] =	vst v30  }
0x8d: {  	[tilespmem:$0x10] =	vst v0  }
0x8e: {  	[tilespmem:$0x20] =	vst v1  }
0x8f: {  	[tilespmem:$0x30] =	vst v2  }
0x90: {  	[tilespmem:$0x40] =	vst v3  }
0x91: {  	[tilespmem:$0x50] =	vst v4  }
0x92: {  	[tilespmem:$0x60] =	vst v5  }
0x93: {  	[tilespmem:$0x70] =	vst v6  }
0x94: {  	[tilespmem:s14], [sflag:$0x1] =	stream.indirect.gather [spmem:s1], $0x80, s2, s14, $0xb8;
	[tilespmem:$0x1C900] =	vst v63  }
0x95: {  	_ =	swait.ge [sflag:s15], $0x4000  }
0x96: {  	[sflag:s15] =	ssyncset.done $0x0  }
0x97: {  	[sflag:s15] =	ssyncadd.s32 $0xFFFFC000  }
0x98: {  	[hbm4b:s6+s2] =	stream.linear.scatter [tilespmem:s14], [sflag:$0x1], $0x4000, $0x38;
	[tilespmem:$0x1C900] =	vst v63  }
0x99: {  	_ =	swait.ge [sflag:s15], $0x4000  }
0x9a: {  	[sflag:s15] =	ssyncset.done $0x0  }
0x9b: {  	[sflag:s15] =	ssyncadd.s32 $0xFFFFC000  }
0x9c: {  	[tilespmem:$0x0] =	vst v7  }
0x9d: {  	[tilespmem:$0x10] =	vst v8  }
0x9e: {  	[tilespmem:$0x20] =	vst v9  }
0x9f: {  	[tilespmem:$0x30] =	vst v10  }
0xa0: {  	[tilespmem:$0x40] =	vst v11  }
0xa1: {  	[tilespmem:$0x50] =	vst v12  }
0xa2: {  	[tilespmem:$0x60] =	vst v13  }
0xa3: {  	[tilespmem:$0x70] =	vst v14  }
0xa4: {  	[tilespmem:s14], [sflag:$0x1] =	stream.indirect.gather [spmem:s1], $0x80, s2, s14, $0xb8;
	[tilespmem:$0x1C900] =	vst v63  }
0xa5: {  	_ =	swait.ge [sflag:s15], $0x4000  }
0xa6: {  	[sflag:s15] =	ssyncset.done $0x0  }
0xa7: {  	[sflag:s15] =	ssyncadd.s32 $0xFFFFC000  }
0xa8: {  	[hbm4b:s7+s2] =	stream.linear.scatter [tilespmem:s14], [sflag:$0x1], $0x4000, $0x38;
	[tilespmem:$0x1C900] =	vst v63  }
0xa9: {  	_ =	swait.ge [sflag:s15], $0x4000  }
0xaa: {  	[sflag:s15] =	ssyncset.done $0x0  }
0xab: {  	[sflag:s15] =	ssyncadd.s32 $0xFFFFC000  }
0xac: {  	[tilespmem:$0x0] =	vst v15  }
0xad: {  	[tilespmem:$0x10] =	vst v16  }
0xae: {  	[tilespmem:$0x20] =	vst v17  }
0xaf: {  	[tilespmem:$0x30] =	vst v18  }
0xb0: {  	[tilespmem:$0x40] =	vst v19  }
0xb1: {  	[tilespmem:$0x50] =	vst v20  }
0xb2: {  	[tilespmem:$0x60] =	vst v21  }
0xb3: {  	[tilespmem:$0x70] =	vst v22  }
0xb4: {  	[tilespmem:s14], [sflag:$0x1] =	stream.indirect.gather [spmem:s1], $0x80, s2, s14, $0xb8;
	[tilespmem:$0x1C900] =	vst v63  }
0xb5: {  	_ =	swait.ge [sflag:s15], $0x4000  }
0xb6: {  	[sflag:s15] =	ssyncset.done $0x0  }
0xb7: {  	[sflag:s15] =	ssyncadd.s32 $0xFFFFC000  }
0xb8: {  	[hbm4b:s8+s2] =	stream.linear.scatter [tilespmem:s14], [sflag:$0x1], $0x4000, $0x38;
	[tilespmem:$0x1C900] =	vst v63  }
0xb9: {  	_ =	swait.ge [sflag:s15], $0x4000  }
0xba: {  	[sflag:s15] =	ssyncset.done $0x0  }
0xbb: {  	[sflag:s15] =	ssyncadd.s32 $0xFFFFC000  }
0xbc: {  	[tilespmem:$0x0] =	vst v23  }
0xbd: {  	[tilespmem:$0x10] =	vst v24  }
0xbe: {  	[tilespmem:$0x20] =	vst v25  }
0xbf: {  	[tilespmem:$0x30] =	vst v26  }
0xc0: {  	[tilespmem:$0x40] =	vst v27  }
0xc1: {  	[tilespmem:$0x50] =	vst v28  }
0xc2: {  	[tilespmem:$0x60] =	vst v29  }
0xc3: {  	[tilespmem:$0x70] =	vst v31  }
0xc4: {  	[tilespmem:s14], [sflag:$0x1] =	stream.indirect.gather [spmem:s1], $0x80, s2, s14, $0xb8;
	[tilespmem:$0x1C900] =	vst v63  }
0xc5: {  	_ =	swait.ge [sflag:s15], $0x4000  }
0xc6: {  	[sflag:s15] =	ssyncset.done $0x0  }
0xc7: {  	[sflag:s15] =	ssyncadd.s32 $0xFFFFC000  }
0xc8: {  	[hbm4b:s9+s2] =	stream.linear.scatter [tilespmem:s14], [sflag:$0x1], $0x4000, $0x38;
	[tilespmem:$0x1C900] =	vst v63  }
0xc9: {  	_ =	swait.ge [sflag:s15], $0x4000  }
0xca: {  	[sflag:s15] =	ssyncset.done $0x0  }
0xcb: {  	[sflag:s15] =	ssyncadd.s32 $0xFFFFC000  }
0xcc: {  	[tilespmem:$0x0] =	vst v32  }
0xcd: {  	[tilespmem:$0x10] =	vst v33  }
0xce: {  	[tilespmem:$0x20] =	vst v34  }
0xcf: {  	[tilespmem:$0x30] =	vst v35  }
0xd0: {  	[tilespmem:$0x40] =	vst v36  }
0xd1: {  	[tilespmem:$0x50] =	vst v37  }
0xd2: {  	[tilespmem:$0x60] =	vst v38  }
0xd3: {  	[tilespmem:$0x70] =	vst v39  }
0xd4: {  	[tilespmem:s14], [sflag:$0x1] =	stream.indirect.gather [spmem:s1], $0x80, s2, s14, $0xb8;
	[tilespmem:$0x1C900] =	vst v63  }
0xd5: {  	s20 =	sadd.s32 $0x1, s20;
	_ =	swait.ge [sflag:s15], $0x4000  }
0xd6: {  	p0 =	sne.s32 s20, s12;
	[sflag:s15] =	ssyncset.done $0x0  }
.Ltmp1:
0xd7: {  	[sflag:s15] =	ssyncadd.s32 $0xFFFFC000;
	(pc) =	sbr.rel @p0 .LBB2_1-.Ltmp1, $4  }
0xd8: {  	[hbm4b:s10+s2] =	stream.linear.scatter [tilespmem:s14], [sflag:$0x1], $0x4000, $0x38;
	[tilespmem:$0x1C900] =	vst v63  }
0xd9: {  	_ =	swait.ge [sflag:s15], $0x4000  }
0xda: {  	[sflag:s15] =	ssyncset.done $0x0  }
0xdb: {  	[sflag:s15] =	ssyncadd.s32 $0xFFFFC000  }
0xdc: {  	_ =	sfence.sel $0x180000  }
0xdd: {  	[bflag:$0x0] =	sbarrier.arrive $0xFFFF  }
0xde: {  	p0 =	sne.s32 s3, $0x0;
	_ =	strace $0x9000004A  }
0xdf: {  	s0 =	sadd.s32 @!p0 $0x100000, s0;
	[bflag:$0x2] =	sbarrier.arrive $0xFFFF  }
0xe0: {  	[sflag:s0] =	ssyncadd.tile.s32 @!p0 $0x1;
	_ =	shalt  }
.Lfunc_end2:
_tile_overlayer_lowered:
.L_overlay_start_2:
0xe1: {  	(tag) =	ssettag $0x2  }
0xe2: {  	s0 =	rddreg [dreg:$0x0];
	s2 =	stileid.u32  }
0xe3: {  	s1 =	rddreg [dreg:$0x1];
	p0 =	sne.s32 s2, $0x0  }
0xe4: {  	s3 =	rddreg [dreg:$0x2];
	[bflag:$0x3] =	sbarrier.arrive $0xFFFF;
	s2 =	simm.s32 @!p0 $0x1C01  }
0xe5: {  	[timem:s3], [sflag:s2] =	dma.local @!p0 [hbm:s0], s1  }
0xe6: {  	s0 =	simm.s32 @!p0 $0x1  }
0xe7: {  	_ =	swait.ge @!p0 [sflag:s0], s1  }
0xe8: {  	s1 =	ssub.s32 @!p0 $0x0, s1;
	[sflag:s0] =	ssyncset.done @!p0 $0x0  }
0xe9: {  	[sflag:s0] =	ssyncadd.s32 @!p0 s1  }
0xea: {  	[bflag:$0x3] =	sbarrier.arrive $0xFFFF  }
0xeb: {  	_ =	shalt  }

// kernel: kernel.16.cloned.1.call-start
scs
__scs_entry_jumppad:
0x0: {  	(pc) =	sbr.rel $0x88, $3  }
0x1: {  	(tag) =	ssettag $0x0;
	lr =	simm.s32 $0x1  }
0x2: {  	[smem:$0x3F91] =	sst lr;
	_ =	strace $0xD0000000  }
0x3: {  	_ = 	snop  }
0x4: {  	_ = 	snop  }
0x5: {  	_ = 	snop  }
0x6: {  	_ = 	snop  }
0x7: {  	_ = 	snop  }
__scs_overlays_trampoline_lowered:
0x8: {  	[smem:$0x3FA0] =	sst s0  }
0x9: {  	[smem:$0x3FA1] =	sst s1  }
0xa: {  	[smem:$0x3FA2] =	sst s2  }
0xb: {  	[smem:$0x3FA3] =	sst s3  }
0xc: {  	[smem:$0x3FA4] =	sst s4  }
0xd: {  	[smem:$0x3FA5] =	sst s5  }
0xe: {  	[smem:$0x3FA6] =	sst s6  }
0xf: {  	[smem:$0x3FA7] =	sst s7  }
0x10: {  	[smem:$0x3FA8] =	sst s8  }
0x11: {  	[smem:$0x3FA9] =	sst s9;
	s0 =	simm.s32 @!p0 $0x0  }
0x12: {  	s1 =	sld [smem:$0x3F8F];
	s0 =	simm.s32 @p0 $0x1  }
0x13: {  	[smem:$0x3FAA] =	sst s0;
	s0 =	simm.s32 @!p1 $0x0  }
0x14: {  	s2 =	sld [smem:$0x3F8E];
	s0 =	simm.s32 @p1 $0x1  }
0x15: {  	[smem:$0x3FAB] =	sst s0;
	s0 =	simm.s32 @!p2 $0x0  }
0x16: {  	s3 =	sld [smem:$0x3FDB];
	s0 =	simm.s32 @p2 $0x1  }
0x17: {  	s4 =	simm.s32 $0x1BF5;
	[smem:$0x3FAD] =	sst s0  }
0x18: {  	s0 =	sld [smem:$0x3F90];
	_ =	swait.ge [sflag:s4], $0x0  }
0x19: {  	s7 =	sld [smem:$0x3F91]  }
0x1a: {  	s8 =	sadd.s32 $0xFFFFE003, lr  }
0x1b: {  	s9 =	sadd.s32 $0xFFFFFEF7, lr;
	s5 =	simm.s32 $0xFFFFFFFF;
	p2 =	slt.u32 s8, $0xFFFFF086  }
0x1c: {  	p1 =	slt.u32 s9, $0xF7A;
	s5 =	simm.s32 @!p2 $0x0  }
0x1d: {  	s5 =	simm.s32 @p1 $0x1;
	p0 =	seq.s32 s7, s2  }
0x1e: {  	s7 =	smul.u32 @!p0 $0xF7A, s2;
	p2 =	seq.s32 @!p0 s5, $0x0  }
0x1f: {  	s9 =	smul.u32 $0xF7A, s1;
	s8 =	simm.s32 @!p0 $0x1BF5;
	p2 =	por !p2, p0  }
0x20: {  	[sflag:s8] =	ssyncset.s32 @!p0 $0xFFFFF086;
	s6 =	sadd.s32 @!p0 s3, s7;
	s7 =	simm.s32 @!p0 $0x108  }
0x21: {  	s3 =	sadd.s32 s3, s9;
	s6 =	sadd.s32 @!p0 $0x88, s6;
	s7 =	simm.s32 @p2 $0x1082  }
0x22: {  	[simem:s7], [sflag:s8] =	dma.local @!p0 [hbm:s6], $0xF7A  }
0x23: {  	s9 =	sor.u32 $0xD0000000, s2;
	s6 =	simm.s32 $0x108;
	_ =	swait.ge @!p0 [sflag:s8], $0x0  }
0x24: {  	s3 =	sadd.s32 $0x88, s3;
	s6 =	simm.s32 @!p1 $0x1082;
	[sflag:s4] =	ssyncset.s32 $0xFFFFF086  }
0x25: {  	[simem:s6], [sflag:s4] =	dma.local [hbm:s3], $0xF7A  }
0x26: {  	[smem:$0x3F91] =	sst s1;
	(tag) =	ssettag s2;
	_ =	strace s9  }
0x27: {  	s1 =	sld [smem:$0x3FA1]  }
0x28: {  	s2 =	sld [smem:$0x3FA2]  }
0x29: {  	s4 =	sld [smem:$0x3FA4]  }
0x2a: {  	p0 =	seq.s32 s5, $0x0;
	s5 =	sld [smem:$0x3FA5]  }
0x2b: {  	s6 =	sld [smem:$0x3FA6]  }
0x2c: {  	s7 =	sld [smem:$0x3FA7]  }
0x2d: {  	s3 =	simm.s32 $0x108;
	s8 =	sld [smem:$0x3FA8]  }
0x2e: {  	s3 =	simm.s32 @!p0 $0x1082;
	s9 =	sld [smem:$0x3FA9]  }
0x2f: {  	lr =	sadd.s32 s0, s3;
	s0 =	sld [smem:$0x3FA0]  }
0x30: {  	s3 =	sld [smem:$0x3FA3]  }
0x31: {  	[smem:$0x3FAC] =	sst s10  }
0x32: {  	s10 =	sld [smem:$0x3FAA];
	_ =	sdelay $0x3  }
0x33: {  	p0 =	seq.s32 s10, $0x1;
	s10 =	sld [smem:$0x3FAC];
	_ =	sdelay $0x3  }
0x34: {  	[smem:$0x3FAC] =	sst s10  }
0x35: {  	s10 =	sld [smem:$0x3FAB];
	_ =	sdelay $0x3  }
0x36: {  	p1 =	seq.s32 s10, $0x1;
	s10 =	sld [smem:$0x3FAC];
	_ =	sdelay $0x3  }
0x37: {  	[smem:$0x3FAC] =	sst s10  }
0x38: {  	s10 =	sld [smem:$0x3FAD]  }
0x39: {  	_ = 	snop;
	(pc) =	sbr.ind lr, $3  }
0x3a: {  	_ = 	snop  }
0x3b: {  	_ = 	snop  }
0x3c: {  	p2 =	seq.s32 s10, $0x1;
	s10 =	sld [smem:$0x3FAC]  }
0x3d: {  	_ =	shalt  }
0x3e: {  	_ =	shalt  }
0x3f: {  	_ =	shalt  }
0x40: {  	_ =	shalt  }
0x41: {  	_ =	shalt  }
0x42: {  	_ =	shalt  }
0x43: {  	_ =	shalt  }
0x44: {  	_ =	shalt  }
0x45: {  	_ =	shalt  }
0x46: {  	_ =	shalt  }
0x47: {  	_ =	shalt  }
0x48: {  	_ =	shalt  }
0x49: {  	_ =	shalt  }
0x4a: {  	_ =	shalt  }
0x4b: {  	_ =	shalt  }
0x4c: {  	_ =	shalt  }
0x4d: {  	_ =	shalt  }
0x4e: {  	_ =	shalt  }
0x4f: {  	_ =	shalt  }
0x50: {  	_ =	shalt  }
0x51: {  	_ =	shalt  }
0x52: {  	_ =	shalt  }
0x53: {  	_ =	shalt  }
0x54: {  	_ =	shalt  }
0x55: {  	_ =	shalt  }
0x56: {  	_ =	shalt  }
0x57: {  	_ =	shalt  }
0x58: {  	_ =	shalt  }
0x59: {  	_ =	shalt  }
0x5a: {  	_ =	shalt  }
0x5b: {  	_ =	shalt  }
0x5c: {  	_ =	shalt  }
0x5d: {  	_ =	shalt  }
0x5e: {  	_ =	shalt  }
0x5f: {  	_ =	shalt  }
0x60: {  	_ =	shalt  }
0x61: {  	_ =	shalt  }
0x62: {  	_ =	shalt  }
0x63: {  	_ =	shalt  }
0x64: {  	_ =	shalt  }
0x65: {  	_ =	shalt  }
0x66: {  	_ =	shalt  }
0x67: {  	_ =	shalt  }
0x68: {  	_ =	shalt  }
0x69: {  	_ =	shalt  }
0x6a: {  	_ =	shalt  }
0x6b: {  	_ =	shalt  }
0x6c: {  	_ =	shalt  }
0x6d: {  	_ =	shalt  }
0x6e: {  	_ =	shalt  }
0x6f: {  	_ =	shalt  }
0x70: {  	_ =	shalt  }
0x71: {  	_ =	shalt  }
0x72: {  	_ =	shalt  }
0x73: {  	_ =	shalt  }
0x74: {  	_ =	shalt  }
0x75: {  	_ =	shalt  }
0x76: {  	_ =	shalt  }
0x77: {  	_ =	shalt  }
0x78: {  	_ =	shalt  }
0x79: {  	_ =	shalt  }
0x7a: {  	_ =	shalt  }
0x7b: {  	_ =	shalt  }
0x7c: {  	_ =	shalt  }
0x7d: {  	_ =	shalt  }
0x7e: {  	_ =	shalt  }
0x7f: {  	_ =	shalt  }
0x80: {  	_ =	shalt  }
0x81: {  	_ =	shalt  }
0x82: {  	_ =	shalt  }
0x83: {  	_ =	shalt  }
0x84: {  	_ =	shalt  }
0x85: {  	_ =	shalt  }
0x86: {  	_ =	shalt  }
0x87: {  	_ =	shalt  }
.Lfunc_end0:
.L_simem_size_0:
called_computation.2_lowered:
.L_overlay_start_0:
0x88: {  	s2 =	sld [smem:$0x3FD9]  }
0x89: {  	s3 =	sld [smem:$0x3FFE];
	_ =	sdelay $0x1  }
0x8a: {  	s1 =	srdreg.scid  }
0x8b: {  	s0 =	sand.u32 $0x1, s1  }
0x8c: {  	s16 =	sshll.u32 s0, $0xA;
	s2 =	sadd.s32 s3, s2  }
0x8d: {  	s2 =	sadd.s32 s2, s16  }
0x8e: {  	[smem:$0x3FB8] =	sst s2  }
0x8f: {  	_ = 	snop  }
0x90: {  	(tm) =	ssettm $0x1  }
0x91: {  	s17 =	sld [smem:$0x3FFB];
	_ =	sdelay $0x3  }
0x92: {  	_ =	strace s17  }
0x93: {  	s2 =	sld [smem:$0x3FFC];
	_ =	sdelay $0x3  }
0x94: {  	_ =	strace s2  }
0x95: {  	s2 =	sld [smem:$0x3FFD];
	_ =	sdelay $0x3  }
0x96: {  	_ =	strace s2  }
0x97: {  	_ =	strace $0x8FFFFFFF  }
0x98: {  	s18 =	sld [smem:$0x3FDB];
	_ =	sdelay $0x1  }
0x99: {  	s19 =	simm.s32 $_scs_section_size  }
0x9a: {  	s4 =	simm.s32 $_size__tile_overlayer_lowered;
	s5 =	simm.s32 $_tile_overlayer_lowered  }
0x9b: {  	s22 =	simm.s32 $0x1BFF;
	s21 =	sshll.u32 s5, $0x1;
	s2 =	sadd.s32 s19, s18  }
0x9c: {  	s6 =	simm.s32 $0x0;
	s20 =	sshll.u32 s4, $0x1;
	s4 =	sadd.s32 s21, s2  }
0x9d: {  	[timem:s6], [sflag:s22] =	dma.local [hbm:s4], s20  }
0x9e: {  	_ =	swait.ge [sflag:s22], s20  }
0x9f: {  	s3 =	ssub.s32 $0x0, s20;
	[sflag:s22] =	ssyncset.done $0x0  }
0xa0: {  	[sflag:s22] =	ssyncadd.s32 s3;
	_ =	sdelay $0x1  }
0xa1: {  	s23 =	simm.s32 $0x1B8B  }
0xa2: {  	_ =	swait.ge [sflag:s23], $0x1  }
0xa3: {  	[sflag:s23] =	ssyncset.done $0x0  }
0xa4: {  	s25 =	simm.s32 $0x1B8E;
	s24 =	sld [smem:$0x3FFE];
	[sflag:s23] =	ssyncadd.s32 $0xFFFFFFFF  }
0xa5: {  	s26 =	simm.s32 $execute0_lowered;
	[smem:$0x3FD2] =	sst s25  }
0xa6: {  	s4 =	sshll.u32 s26, $0x1;
	_ =	strace $0x8000004C;
	[dreg:$0x1] =	wrdreg $0xFFFFFFFF  }
0xa7: {  	s28 =	simm.s32 $_size_execute0_lowered;
	s2 =	sadd.s32 s2, s4;
	[dreg:$0x0] =	wrdreg $0x0  }
0xa8: {  	s4 =	sshll.u32 s28, $0x1;
	[dreg:$0x2] =	wrdreg s2  }
0xa9: {  	[dreg:$0x3] =	wrdreg s4  }
0xaa: {  	[dreg:$0x4] =	wrdreg $0xC0  }
0xab: {  	_ =	task [dreg:s6], $0x5FFFF  }
0xac: {  	[dreg:$0x1] =	wrdreg $0xFFFFFFFF  }
0xad: {  	[dreg:$0x0] =	wrdreg $0x60  }
0xae: {  	[dreg:$0x2] =	wrdreg s24  }
0xaf: {  	[dreg:$0x3] =	wrdreg $0x8B000  }
0xb0: {  	[dreg:$0x4] =	wrdreg $0x9  }
0xb1: {  	_ =	task.clear_ibuf [dreg:s6], $0x5FFFF;
	_ =	strace $0x9000004C  }
0xb2: {  	s29 =	simm.s32 $0x9;
	_ =	strace $0x8000004E  }
0xb3: {  	_ =	swait.ge [sflag:s29], $0x1  }
0xb4: {  	[sflag:s29] =	ssyncadd.s32 $0xFFFFFFFF  }
0xb5: {  	_ =	strace $0x9000004E  }
0xb6: {  	_ =	sfence  }
0xb7: {  	s30 =	sld [smem:$0x0];
	_ =	sdelay $0x2  }
0xb8: {  	s31 =	sshll.u32 s1, $0xD;
	s1 =	sshrl.u32 s1, $0x2  }
0xb9: {  	s3 =	sand.u32 $0x4000, s31;
	s1 =	sadd.s32 s1, s30  }
0xba: {  	s0 =	sor.u32 s3, s0;
	s1 =	sshll.u32 s1, $0x11  }
0xbb: {  	s0 =	sor.u32 s1, s0  }
0xbc: {  	s0 =	sadd.s32 $0x8F2B, s0  }
0xbd: {  	[sflag:s0] =	ssyncadd.remote.s32 $0x1  }
0xbe: {  	_ =	sfence.sel $0xFFFF  }
0xbf: {  	[dreg:$0x0] =	wrdreg $0xFFFFFFFF;
	(pc) =	sbr.abs _section_cstart, $3  }
0xc0: {  	[dreg:$0x1] =	wrdreg $0xFFFFFFFF  }
0xc1: {  	_ =	task.clear_ibuf [dreg:s6], $0x2FFFF;
	_ =	strace $0x9FFFFFFF  }
0xc2: {  	(tm) =	ssettm $0x7FFFFFFF  }
0xc3: {  	_ =	shalt  }
tec
execute0_lowered:
.L_overlay_start_1:
0x0: {  	(tag) =	ssettag $0x1  }
0x1: {  	s0 =	rddreg [dreg:$0x0]  }
0x2: {  	s1 =	rddreg [dreg:$0x1];
	s2 =	simm.s32 $0x0;
	s4 =	srdreg.scid  }
0x3: {  	s20 =	stileid.u32;
	[smem:$0x7FF] =	sst s2  }
0x4: {  	s3 =	sadd.s32 $0x3400, s0;
	s5 =	sadd.s32 $0x503400, s0;
	s6 =	sadd.s32 $0x50D200, s0  }
0x5: {  	s9 =	sand.u32 $0x1, s4;
	s18 =	sadd.s32 $0x517000, s0;
	s8 =	smul.u32 $0x280, s20  }
0x6: {  	s10 =	sshll.u32 s20, $0x1;
	s11 =	sadd.s32 $0x2B400, s0;
	s20 =	smul.u32 $0x4E20, s20  }
0x7: {  	_ =	strace $0x8000004D;
	[dreg:$0x3] =	wrdreg s18;
	s12 =	smul.u32 $0x2800, s9  }
0x8: {  	s19 =	ssub.s32 $0x2, s9;
	s13 =	sor.u32 s9, s10;
	s9 =	smul.u32 $0x2710, s9  }
0x9: {  	s7 =	sshrl.u32 s19, $0x1;
	s14 =	sor.u32 $0x10, s8;
	s15 =	sor.u32 $0x20, s8  }
0xa: {  	s16 =	sor.u32 $0x30, s8;
	s17 =	sadd.s32 $0x80, s8;
	s10 =	sadd.s32 $0x100, s8  }
0xb: {  	s22 =	sadd.s32 $0x180, s8;
	s23 =	sadd.s32 $0x200, s8;
	s13 =	smul.u32 $0x2710, s13  }
0xc: {  	s21 =	ssub.s32 s19, s7;
	[dreg:$0xd] =	wrdreg s22;
	s18 =	sadd.s32 s8, s12  }
0xd: {  	v39 =	vlaneseq.u32;
	s19 =	sadd.s32 s12, s17;
	[dreg:$0xc] =	wrdreg s23;
	s26 =	sadd.s32 s12, s10  }
0xe: {  	s0 =	sadd.s32 s12, s22;
	v0 =	vor.u32 s14, v39;
	s14 =	sadd.s32 $0x190, s8;
	[dreg:$0xb] =	wrdreg s21  }
0xf: {  	s12 =	sadd.s32 s12, s23;
	v2 =	vor.u32 s16, v39;
	s16 =	sadd.s32 $0x1D0, s8;
	[dreg:$0x13] =	wrdreg s14  }
0x10: {  	s9 =	sadd.s32 s9, s20;
	v1 =	vor.u32 s15, v39;
	s15 =	sadd.s32 $0x1F0, s8;
	[dreg:$0x16] =	wrdreg s16  }
0x11: {  	s20 =	sor.u32 $0x70, s8;
	s14 =	sadd.s32 $0x1A0, s8;
	[dreg:$0x18] =	wrdreg s15  }
0x12: {  	s22 =	sadd.s32 $0xA0, s8;
	s16 =	sadd.s32 $0x210, s8;
	[dreg:$0x14] =	wrdreg s14  }
0x13: {  	s18 =	sshll.u32 s18, $0x4;
	v6 =	vor.u32 s20, v39;
	s20 =	sadd.s32 $0x250, s8;
	[dreg:$0xf] =	wrdreg s16  }
0x14: {  	s19 =	sshll.u32 s19, $0x4;
	s24 =	sadd.s32 s11, s18;
	[dreg:$0xe] =	wrdreg s20  }
0x15: {  	s12 =	sshll.u32 s12, $0x4;
	s25 =	sadd.s32 s11, s19;
	[dreg:$0x4] =	wrdreg s24  }
0x16: {  	s23 =	sadd.s32 $0xB0, s8;
	s12 =	sadd.s32 s11, s12;
	[dreg:$0x5] =	wrdreg s25  }
0x17: {  	s21 =	sadd.s32 $0x90, s8;
	s14 =	sadd.s32 $0x1B0, s8;
	[dreg:$0x8] =	wrdreg s12  }
0x18: {  	v9 =	vor.u32 s22, v39;
	s22 =	sshrl.u32 s13, $0x3;
	v8 =	vor.u32 s21, v39;
	s21 =	sadd.s32 $0x260, s8;
	[dreg:$0x15] =	wrdreg s14  }
0x19: {  	s28 =	sadd.s32 $0xF0, s8;
	v10 =	vor.u32 s23, v39;
	s23 =	sadd.s32 s5, s22;
	[dreg:$0x12] =	wrdreg s21  }
0x1a: {  	s29 =	sadd.s32 $0x110, s8;
	s30 =	sadd.s32 $0x120, s8;
	[dreg:$0x9] =	wrdreg s23  }
0x1b: {  	s31 =	sadd.s32 $0x130, s8;
	s18 =	sshll.u32 s26, $0x4;
	s21 =	rddreg [dreg:$0xd]  }
0x1c: {  	s19 =	sshll.u32 s0, $0x4;
	s26 =	sadd.s32 $0xE0, s8;
	s23 =	rddreg [dreg:$0x13]  }
0x1d: {  	v16 =	vor.u32 s10, v39;
	s4 =	sadd.s32 s11, s18;
	s7 =	sadd.s32 s11, s19;
	s10 =	rddreg [dreg:$0xf]  }
0x1e: {  	s18 =	sor.u32 $0x50, s8;
	s19 =	sor.u32 $0x60, s8;
	[dreg:$0x6] =	wrdreg s4  }
0x1f: {  	s24 =	sadd.s32 $0xC0, s8;
	s12 =	sadd.s32 $0x170, s8;
	[dreg:$0x7] =	wrdreg s7  }
0x20: {  	s25 =	sadd.s32 $0xD0, s8;
	s14 =	sadd.s32 $0x1E0, s8;
	[dreg:$0x19] =	wrdreg s12  }
0x21: {  	v14 =	vor.u32 s26, v39;
	s26 =	sadd.s32 $0x4E0, s22;
	[dreg:$0x17] =	wrdreg s14;
	v4 =	vor.u32 s18, v39;
	s18 =	sadd.s32 $0x230, s8  }
0x22: {  	v11 =	vor.u32 s24, v39;
	v13 =	vor.u32 s25, v39;
	s24 =	sadd.s32 s6, s22;
	s25 =	sadd.s32 $0x10, s22;
	s22 =	rddreg [dreg:$0xb]  }
0x23: {  	v15 =	vor.u32 s28, v39;
	s28 =	simm.s32 $0x180;
	v5 =	vor.u32 s19, v39;
	s19 =	sadd.s32 $0x240, s8;
	[dreg:$0x10] =	wrdreg s18  }
0x24: {  	v17 =	vor.u32 s29, v39;
	v18 =	vor.u32 s30, v39;
	s29 =	simm.s32 $0x4200;
	s30 =	simm.s32 $0x1;
	[dreg:$0x11] =	wrdreg s19  }
0x25: {  	v19 =	vor.u32 s31, v39;
	s31 =	simm.s32 $0x2;
	s0 =	sadd.s32 $0x150, s8;
	[dreg:$0xa] =	wrdreg s24  }
0x26: {  	s11 =	sor.u32 $0x40, s8;
	v21 =	vor.u32 s0, v39;
	s0 =	simm.s32 $0x8200;
	s20 =	rddreg [dreg:$0x19]  }
0x27: {  	s4 =	sadd.s32 $0x140, s8;
	s7 =	sadd.s32 $0x160, s8;
	s24 =	rddreg [dreg:$0x14]  }
0x28: {  	s15 =	sadd.s32 s5, s25;
	s16 =	sadd.s32 s6, s25;
	s25 =	rddreg [dreg:$0x15]  }
0x29: {  	v7 =	vor.u32 s17, v39;
	s17 =	sadd.s32 s5, s26;
	s18 =	sadd.s32 s6, s26;
	s26 =	rddreg [dreg:$0x16]  }
0x2a: {  	v3 =	vor.u32 s11, v39;
	s11 =	sadd.s32 $0x1C0, s8;
	s14 =	sadd.s32 $0x220, s8;
	v20 =	vor.u32 s4, v39;
	s4 =	rddreg [dreg:$0x17]  }
0x2b: {  	v12 =	vor.u32 s8, v39;
	s8 =	sadd.s32 $0x270, s8;
	s12 =	sadd.s32 $0x180, s9;
	v22 =	vor.u32 s7, v39;
	s7 =	rddreg [dreg:$0x18]  }
0x2c: {  	v24 =	vor.u32 s21, v39;
	v25 =	vor.u32 s23, v39;
	s19 =	smax.u32 s22, $0x1;
	s22 =	sadd.s32 $0x100, s9;
	s9 =	rddreg [dreg:$0xc]  }
0x2d: {  	s23 =	simm.s32 $0x200;
	v33 =	vor.u32 s10, v39;
	s13 =	sshrl.u32 s12, $0x3;
	v28 =	vor.u32 s11, v39;
	v34 =	vor.u32 s14, v39;
	s14 =	rddreg [dreg:$0x12]  }
0x2e: {  	v23 =	vor.u32 s20, v39;
	s20 =	sadd.s32 s13, s6;
	v26 =	vor.u32 s24, v39;
	v27 =	vor.u32 s25, v39;
	s21 =	sadd.s32 s13, s5;
	s11 =	rddreg [dreg:$0x10]  }
0x2f: {  	v29 =	vor.u32 s26, v39;
	v30 =	vor.u32 s4, v39;
	s24 =	simm.s32 $0x3;
	s25 =	simm.s32 $0x80;
	v31 =	vor.u32 s7, v39;
	s12 =	rddreg [dreg:$0x11]  }
0x30: {  	s26 =	simm.s32 $0x100;
	v32 =	vor.u32 s9, v39;
	s4 =	simm.s32 $0x8280;
	s13 =	rddreg [dreg:$0xe];
	v38 =	vor.u32 s14, v39;
	v35 =	vor.u32 s11, v39  }
0x31: {  	s7 =	simm.s32 $0x10;
	s9 =	simm.s32 $0x0;
	v36 =	vor.u32 s12, v39;
	v37 =	vor.u32 s13, v39;
	v39 =	vor.u32 s8, v39;
	s8 =	simm.s32 $0x8300  }
.LBB2_1:
0x32: {  	s10 =	rddreg [dreg:$0x3]  }
0x33: {  	[tilespmem:s23], [sflag:$0x3] =	stream.linear.gather [hbm4b:s10+s2], $0x4000, $0x38;
	[tilespmem:$0x1CB00] =	vst v63  }
0x34: {  	_ =	swait.ge [sflag:s24], $0x4000  }
0x35: {  	[sflag:s24] =	ssyncset.done $0x0  }
0x36: {  	[sflag:s24] =	ssyncadd.s32 $0xFFFFC000  }
0x37: {  	[tilespmem:$0x0] =	vst v12  }
0x38: {  	[tilespmem:$0x10] =	vst v0  }
0x39: {  	[tilespmem:$0x20] =	vst v1  }
0x3a: {  	[tilespmem:$0x30] =	vst v2  }
0x3b: {  	[tilespmem:$0x40] =	vst v3  }
0x3c: {  	[tilespmem:$0x50] =	vst v4  }
0x3d: {  	[tilespmem:$0x60] =	vst v5  }
0x3e: {  	[tilespmem:$0x70] =	vst v6  }
0x3f: {  	[spmem:s1] =	stream.indirect.scatter [tilespmem:s23], [sflag:$0x3], $0x80, s2, s25, $0xb8;
	[tilespmem:$0x1CB00] =	vst v63  }
0x40: {  	_ =	swait.ge [sflag:s24], $0x4000  }
0x41: {  	[sflag:s24] =	ssyncset.done $0x0  }
0x42: {  	[sflag:s24] =	ssyncadd.s32 $0xFFFFC000  }
0x43: {  	[tilespmem:$0x0] =	vst v7  }
0x44: {  	[tilespmem:$0x10] =	vst v8  }
0x45: {  	[tilespmem:$0x20] =	vst v9  }
0x46: {  	[tilespmem:$0x30] =	vst v10  }
0x47: {  	[tilespmem:$0x40] =	vst v11  }
0x48: {  	[tilespmem:$0x50] =	vst v13  }
0x49: {  	[tilespmem:$0x60] =	vst v14  }
0x4a: {  	[tilespmem:$0x70] =	vst v15  }
0x4b: {  	[spmem:s1] =	stream.indirect.scatter [tilespmem:s23], [sflag:$0x3], $0x80, s2, s25, $0xb8;
	[tilespmem:$0x1CB00] =	vst v63  }
0x4c: {  	_ =	swait.ge [sflag:s24], $0x4000  }
0x4d: {  	[sflag:s24] =	ssyncset.done $0x0  }
0x4e: {  	[sflag:s24] =	ssyncadd.s32 $0xFFFFC000  }
0x4f: {  	[tilespmem:$0x0] =	vst v16  }
0x50: {  	[tilespmem:$0x10] =	vst v17  }
0x51: {  	[tilespmem:$0x20] =	vst v18  }
0x52: {  	[tilespmem:$0x30] =	vst v19  }
0x53: {  	[tilespmem:$0x40] =	vst v20  }
0x54: {  	[tilespmem:$0x50] =	vst v21  }
0x55: {  	[tilespmem:$0x60] =	vst v22  }
0x56: {  	[tilespmem:$0x70] =	vst v23  }
0x57: {  	[spmem:s1] =	stream.indirect.scatter [tilespmem:s23], [sflag:$0x3], $0x80, s2, s25, $0xb8;
	[tilespmem:$0x1CB00] =	vst v63  }
0x58: {  	_ =	swait.ge [sflag:s24], $0x4000  }
0x59: {  	[sflag:s24] =	ssyncset.done $0x0  }
0x5a: {  	[sflag:s24] =	ssyncadd.s32 $0xFFFFC000  }
0x5b: {  	[tilespmem:$0x0] =	vst v24  }
0x5c: {  	[tilespmem:$0x10] =	vst v25  }
0x5d: {  	[tilespmem:$0x20] =	vst v26  }
0x5e: {  	[tilespmem:$0x30] =	vst v27  }
0x5f: {  	[tilespmem:$0x40] =	vst v28  }
0x60: {  	[tilespmem:$0x50] =	vst v29  }
0x61: {  	[tilespmem:$0x60] =	vst v30  }
0x62: {  	[tilespmem:$0x70] =	vst v31  }
0x63: {  	[spmem:s1] =	stream.indirect.scatter [tilespmem:s23], [sflag:$0x3], $0x80, s2, s25, $0xb8;
	[tilespmem:$0x1CB00] =	vst v63  }
0x64: {  	_ =	swait.ge [sflag:s24], $0x4000  }
0x65: {  	[sflag:s24] =	ssyncset.done $0x0  }
0x66: {  	[sflag:s24] =	ssyncadd.s32 $0xFFFFC000  }
0x67: {  	[tilespmem:$0x0] =	vst v32  }
0x68: {  	[tilespmem:$0x10] =	vst v33  }
0x69: {  	[tilespmem:$0x20] =	vst v34  }
0x6a: {  	[tilespmem:$0x30] =	vst v35  }
0x6b: {  	[tilespmem:$0x40] =	vst v36  }
0x6c: {  	[tilespmem:$0x50] =	vst v37  }
0x6d: {  	[tilespmem:$0x60] =	vst v38  }
0x6e: {  	[tilespmem:$0x70] =	vst v39  }
0x6f: {  	[spmem:s1] =	stream.indirect.scatter [tilespmem:s23], [sflag:$0x3], $0x80, s2, s25, $0xb8;
	[tilespmem:$0x1CB00] =	vst v63  }
0x70: {  	_ =	swait.ge [sflag:s24], $0x4000  }
0x71: {  	[sflag:s24] =	ssyncset.done $0x0  }
0x72: {  	[sflag:s24] =	ssyncadd.s32 $0xFFFFC000  }
0x73: {  	[bflag:$0x0] =	sbarrier.arrive $0xFFFF  }
0x74: {  	s14 =	rddreg [dreg:$0x9]  }
0x75: {  	[tilespmem:s2], [sflag:$0x3] =	stream.linear.gather [hbm4b:s14+s2], $0x80, $0x38;
	[tilespmem:$0x1CB00] =	vst v63  }
0x76: {  	_ =	swait.ge [sflag:s24], $0x80  }
0x77: {  	[sflag:s24] =	ssyncset.done $0x0  }
0x78: {  	s11 =	rddreg [dreg:$0xa];
	[sflag:s24] =	ssyncadd.s32 $0xFFFFFF80  }
0x79: {  	[tilespmem:s25], [sflag:$0x3] =	stream.linear.gather [hbm4b:s11+s2], $0x80, $0x38;
	[tilespmem:$0x1CB00] =	vst v63  }
0x7a: {  	_ =	swait.ge [sflag:s24], $0x80  }
0x7b: {  	[sflag:s24] =	ssyncset.done $0x0  }
0x7c: {  	[sflag:s24] =	ssyncadd.s32 $0xFFFFFF80  }
0x7d: {  	[tilespmem:s23], [sflag:$0x1] =	stream.indirect.gather [hbm4b:s3+s25], $0x80, s2, s25, $0xb8;
	[tilespmem:$0x1CB00] =	vst v63  }
0x7e: {  	_ = 	snop  }
0x7f: {  	[tilespmem:s26], [sflag:$0x3] =	stream.linear.gather [hbm4b:s15+s2], $0x80, $0x38;
	[tilespmem:$0x1CB00] =	vst v63  }
0x80: {  	_ =	swait.ge [sflag:s24], $0x80  }
0x81: {  	[sflag:s24] =	ssyncset.done $0x0  }
0x82: {  	[sflag:s24] =	ssyncadd.s32 $0xFFFFFF80  }
0x83: {  	[tilespmem:s28], [sflag:$0x3] =	stream.linear.gather [hbm4b:s16+s2], $0x80, $0x38;
	[tilespmem:$0x1CB00] =	vst v63  }
0x84: {  	_ =	swait.ge [sflag:s24], $0x80  }
0x85: {  	[sflag:s24] =	ssyncset.done $0x0  }
0x86: {  	[sflag:s24] =	ssyncadd.s32 $0xFFFFFF80  }
0x87: {  	[tilespmem:s29], [sflag:$0x2] =	stream.indirect.gather [hbm4b:s3+s25], $0x80, s26, s25, $0xb8;
	[tilespmem:$0x1CB00] =	vst v63  }
0x88: {  	_ =	swait.ge [sflag:s30], $0x4000  }
0x89: {  	[sflag:s30] =	ssyncset.done $0x0  }
0x8a: {  	[sflag:s30] =	ssyncadd.s32 $0xFFFFC000  }
0x8b: {  	[spmem:s1] =	stream.indirect.scatter.add.f32 [tilespmem:s23], [sflag:$0x3], $0x80, s25, s25, $0xb8;
	[tilespmem:$0x1CB00] =	vst v63  }
0x8c: {  	_ =	swait.ge [sflag:s24], $0x4000  }
0x8d: {  	s12 =	sshrl.u32 s22, $0x3;
	[sflag:s24] =	ssyncset.done $0x0  }
0x8e: {  	s11 =	sadd.s32 s5, s12;
	[sflag:s24] =	ssyncadd.s32 $0xFFFFC000  }
0x8f: {  	[tilespmem:s2], [sflag:$0x3] =	stream.linear.gather [hbm4b:s11+s2], $0x80, $0x38;
	[tilespmem:$0x1CB00] =	vst v63  }
0x90: {  	_ =	swait.ge [sflag:s24], $0x80  }
0x91: {  	[sflag:s24] =	ssyncset.done $0x0  }
0x92: {  	s10 =	sadd.s32 s6, s12;
	[sflag:s24] =	ssyncadd.s32 $0xFFFFFF80  }
0x93: {  	[tilespmem:s25], [sflag:$0x3] =	stream.linear.gather [hbm4b:s10+s2], $0x80, $0x38;
	[tilespmem:$0x1CB00] =	vst v63  }
0x94: {  	_ =	swait.ge [sflag:s24], $0x80  }
0x95: {  	[sflag:s24] =	ssyncset.done $0x0  }
0x96: {  	[sflag:s24] =	ssyncadd.s32 $0xFFFFFF80  }
0x97: {  	[tilespmem:s23], [sflag:$0x1] =	stream.indirect.gather [hbm4b:s3+s25], $0x80, s2, s25, $0xb8;
	[tilespmem:$0x1CB00] =	vst v63  }
0x98: {  	_ =	swait.ge [sflag:s31], $0x4000  }
0x99: {  	[sflag:s31] =	ssyncset.done $0x0  }
0x9a: {  	[sflag:s31] =	ssyncadd.s32 $0xFFFFC000  }
0x9b: {  	[spmem:s1] =	stream.indirect.scatter.add.f32 [tilespmem:s29], [sflag:$0x3], $0x80, s28, s25, $0xb8;
	[tilespmem:$0x1CB00] =	vst v63  }
0x9c: {  	_ =	swait.ge [sflag:s24], $0x4000  }
0x9d: {  	[sflag:s24] =	ssyncset.done $0x0  }
0x9e: {  	s13 =	sadd.s32 $0x0, s21;
	[sflag:s24] =	ssyncadd.s32 $0xFFFFC000  }
0x9f: {  	[tilespmem:s26], [sflag:$0x3] =	stream.linear.gather [hbm4b:s13+s2], $0x80, $0x38;
	[tilespmem:$0x1CB00] =	vst v63  }
0xa0: {  	_ =	swait.ge [sflag:s24], $0x80  }
0xa1: {  	[sflag:s24] =	ssyncset.done $0x0  }
0xa2: {  	s14 =	sadd.s32 $0x0, s20;
	[sflag:s24] =	ssyncadd.s32 $0xFFFFFF80  }
0xa3: {  	[tilespmem:s28], [sflag:$0x3] =	stream.linear.gather [hbm4b:s14+s2], $0x80, $0x38;
	[tilespmem:$0x1CB00] =	vst v63  }
0xa4: {  	_ =	swait.ge [sflag:s24], $0x80  }
0xa5: {  	[sflag:s24] =	ssyncset.done $0x0  }
0xa6: {  	s11 =	sadd.s32 $0x100, s22;
	s10 =	simm.s32 $0x20;
	[sflag:s24] =	ssyncadd.s32 $0xFFFFFF80  }
.LBB2_2:
0xa7: {  	[tilespmem:s29], [sflag:$0x2] =	stream.indirect.gather [hbm4b:s3+s25], $0x80, s26, s25, $0xb8;
	[tilespmem:$0x1CB00] =	vst v63  }
0xa8: {  	s12 =	smov.u32 s10  }
0xa9: {  	p0 =	sne.s32 s10, $0x4A0;
	s10 =	sadd.s32 $0x20, s10;
	_ =	swait.ge [sflag:s30], $0x4000  }
0xaa: {  	[sflag:s30] =	ssyncset.done $0x0  }
0xab: {  	[sflag:s30] =	ssyncadd.s32 $0xFFFFC000  }
0xac: {  	[spmem:s1] =	stream.indirect.scatter.add.f32 [tilespmem:s23], [sflag:$0x3], $0x80, s25, s25, $0xb8;
	[tilespmem:$0x1CB00] =	vst v63  }
0xad: {  	_ =	swait.ge [sflag:s24], $0x4000  }
0xae: {  	s13 =	sshrl.u32 s11, $0x3;
	[sflag:s24] =	ssyncset.done $0x0  }
0xaf: {  	s14 =	sadd.s32 s5, s13;
	[sflag:s24] =	ssyncadd.s32 $0xFFFFC000  }
0xb0: {  	[tilespmem:s2], [sflag:$0x3] =	stream.linear.gather [hbm4b:s14+s2], $0x80, $0x38;
	[tilespmem:$0x1CB00] =	vst v63  }
0xb1: {  	_ =	swait.ge [sflag:s24], $0x80  }
0xb2: {  	[sflag:s24] =	ssyncset.done $0x0  }
0xb3: {  	s13 =	sadd.s32 s6, s13;
	[sflag:s24] =	ssyncadd.s32 $0xFFFFFF80  }
0xb4: {  	[tilespmem:s25], [sflag:$0x3] =	stream.linear.gather [hbm4b:s13+s2], $0x80, $0x38;
	[tilespmem:$0x1CB00] =	vst v63  }
0xb5: {  	_ =	swait.ge [sflag:s24], $0x80  }
0xb6: {  	[sflag:s24] =	ssyncset.done $0x0  }
0xb7: {  	[sflag:s24] =	ssyncadd.s32 $0xFFFFFF80  }
0xb8: {  	[tilespmem:s23], [sflag:$0x1] =	stream.indirect.gather [hbm4b:s3+s25], $0x80, s2, s25, $0xb8;
	[tilespmem:$0x1CB00] =	vst v63  }
0xb9: {  	_ =	swait.ge [sflag:s31], $0x4000  }
0xba: {  	[sflag:s31] =	ssyncset.done $0x0  }
0xbb: {  	[sflag:s31] =	ssyncadd.s32 $0xFFFFC000  }
0xbc: {  	[spmem:s1] =	stream.indirect.scatter.add.f32 [tilespmem:s29], [sflag:$0x3], $0x80, s28, s25, $0xb8;
	[tilespmem:$0x1CB00] =	vst v63  }
0xbd: {  	_ =	swait.ge [sflag:s24], $0x4000  }
0xbe: {  	[sflag:s24] =	ssyncset.done $0x0  }
0xbf: {  	s13 =	sadd.s32 s12, s21;
	[sflag:s24] =	ssyncadd.s32 $0xFFFFC000  }
0xc0: {  	[tilespmem:s26], [sflag:$0x3] =	stream.linear.gather [hbm4b:s13+s2], $0x80, $0x38;
	[tilespmem:$0x1CB00] =	vst v63  }
0xc1: {  	_ =	swait.ge [sflag:s24], $0x80  }
0xc2: {  	[sflag:s24] =	ssyncset.done $0x0  }
.Ltmp0:
0xc3: {  	s12 =	sadd.s32 s12, s20;
	[sflag:s24] =	ssyncadd.s32 $0xFFFFFF80;
	(pc) =	sbr.rel @p0 .LBB2_2-.Ltmp0, $4  }
0xc4: {  	[tilespmem:s28], [sflag:$0x3] =	stream.linear.gather [hbm4b:s12+s2], $0x80, $0x38;
	[tilespmem:$0x1CB00] =	vst v63  }
0xc5: {  	_ =	swait.ge [sflag:s24], $0x80  }
0xc6: {  	[sflag:s24] =	ssyncset.done $0x0  }
0xc7: {  	s11 =	sadd.s32 $0x100, s11;
	[sflag:s24] =	ssyncadd.s32 $0xFFFFFF80  }
0xc8: {  	[tilespmem:s29], [sflag:$0x2] =	stream.indirect.gather [hbm4b:s3+s25], $0x80, s26, s25, $0xb8;
	[tilespmem:$0x1CB00] =	vst v63  }
0xc9: {  	_ =	swait.ge [sflag:s30], $0x4000  }
0xca: {  	[sflag:s30] =	ssyncset.done $0x0  }
0xcb: {  	[sflag:s30] =	ssyncadd.s32 $0xFFFFC000  }
0xcc: {  	[spmem:s1] =	stream.indirect.scatter.add.f32 [tilespmem:s23], [sflag:$0x3], $0x80, s25, s25, $0xb8;
	[tilespmem:$0x1CB00] =	vst v63  }
0xcd: {  	_ =	swait.ge [sflag:s24], $0x4000  }
0xce: {  	[sflag:s24] =	ssyncset.done $0x0  }
0xcf: {  	[sflag:s24] =	ssyncadd.s32 $0xFFFFC000  }
0xd0: {  	_ =	swait.ge [sflag:s31], $0x4000  }
0xd1: {  	[sflag:s31] =	ssyncset.done $0x0  }
0xd2: {  	[sflag:s31] =	ssyncadd.s32 $0xFFFFC000  }
0xd3: {  	[spmem:s1] =	stream.indirect.scatter.add.f32 [tilespmem:s29], [sflag:$0x3], $0x80, s28, s25, $0xb8;
	[tilespmem:$0x1CB00] =	vst v63  }
0xd4: {  	_ =	swait.ge [sflag:s24], $0x4000  }
0xd5: {  	[sflag:s24] =	ssyncset.done $0x0  }
0xd6: {  	[sflag:s24] =	ssyncadd.s32 $0xFFFFC000  }
0xd7: {  	[tilespmem:s0], [sflag:$0x3] =	stream.linear.gather [hbm4b:s17+s2], $0x10, $0x38;
	[tilespmem:$0x1CB00] =	vst v63  }
0xd8: {  	_ =	swait.ge [sflag:s24], $0x10  }
0xd9: {  	[sflag:s24] =	ssyncset.done $0x0  }
0xda: {  	[sflag:s24] =	ssyncadd.s32 $0xFFFFFFF0  }
0xdb: {  	[tilespmem:s4], [sflag:$0x3] =	stream.linear.gather [hbm4b:s18+s2], $0x10, $0x38;
	[tilespmem:$0x1CB00] =	vst v63  }
0xdc: {  	_ =	swait.ge [sflag:s24], $0x10  }
0xdd: {  	[sflag:s24] =	ssyncset.done $0x0  }
0xde: {  	[sflag:s24] =	ssyncadd.s32 $0xFFFFFFF0  }
0xdf: {  	[tilespmem:s8], [sflag:$0x3] =	stream.indirect.gather [hbm4b:s3+s7], $0x80, s0, s7, $0xb8;
	[tilespmem:$0x1CB00] =	vst v63  }
0xe0: {  	_ =	swait.ge [sflag:s24], $0x800  }
0xe1: {  	[sflag:s24] =	ssyncset.done $0x0  }
0xe2: {  	[sflag:s24] =	ssyncadd.s32 $0xFFFFF800  }
0xe3: {  	[spmem:s1] =	stream.indirect.scatter.add.f32 [tilespmem:s8], [sflag:$0x3], $0x80, s4, s7, $0xb8;
	[tilespmem:$0x1CB00] =	vst v63  }
0xe4: {  	_ =	swait.ge [sflag:s24], $0x800  }
0xe5: {  	[sflag:s24] =	ssyncset.done $0x0  }
0xe6: {  	[sflag:s24] =	ssyncadd.s32 $0xFFFFF800  }
0xe7: {  	[bflag:$0x0] =	sbarrier.arrive $0xFFFF  }
0xe8: {  	[tilespmem:$0x0] =	vst v12  }
0xe9: {  	[tilespmem:$0x10] =	vst v0  }
0xea: {  	[tilespmem:$0x20] =	vst v1  }
0xeb: {  	[tilespmem:$0x30] =	vst v2  }
0xec: {  	[tilespmem:$0x40] =	vst v3  }
0xed: {  	[tilespmem:$0x50] =	vst v4  }
0xee: {  	[tilespmem:$0x60] =	vst v5  }
0xef: {  	[tilespmem:$0x70] =	vst v6  }
0xf0: {  	[tilespmem:s23], [sflag:$0x3] =	stream.indirect.gather [spmem:s1], $0x80, s2, s25, $0xb8;
	[tilespmem:$0x1CB00] =	vst v63  }
0xf1: {  	_ =	swait.ge [sflag:s24], $0x4000  }
0xf2: {  	[sflag:s24] =	ssyncset.done $0x0  }
0xf3: {  	s10 =	rddreg [dreg:$0x4];
	[sflag:s24] =	ssyncadd.s32 $0xFFFFC000  }
0xf4: {  	[hbm4b:s10+s2] =	stream.linear.scatter [tilespmem:s23], [sflag:$0x3], $0x4000, $0x38;
	[tilespmem:$0x1CB00] =	vst v63  }
0xf5: {  	_ =	swait.ge [sflag:s24], $0x4000  }
0xf6: {  	[sflag:s24] =	ssyncset.done $0x0  }
0xf7: {  	[sflag:s24] =	ssyncadd.s32 $0xFFFFC000  }
0xf8: {  	[tilespmem:$0x0] =	vst v7  }
0xf9: {  	[tilespmem:$0x10] =	vst v8  }
0xfa: {  	[tilespmem:$0x20] =	vst v9  }
0xfb: {  	[tilespmem:$0x30] =	vst v10  }
0xfc: {  	[tilespmem:$0x40] =	vst v11  }
0xfd: {  	[tilespmem:$0x50] =	vst v13  }
0xfe: {  	[tilespmem:$0x60] =	vst v14  }
0xff: {  	[tilespmem:$0x70] =	vst v15  }
0x100: {  	[tilespmem:s23], [sflag:$0x3] =	stream.indirect.gather [spmem:s1], $0x80, s2, s25, $0xb8;
	[tilespmem:$0x1CB00] =	vst v63  }
0x101: {  	_ =	swait.ge [sflag:s24], $0x4000  }
0x102: {  	[sflag:s24] =	ssyncset.done $0x0  }
0x103: {  	s11 =	rddreg [dreg:$0x5];
	[sflag:s24] =	ssyncadd.s32 $0xFFFFC000  }
0x104: {  	[hbm4b:s11+s2] =	stream.linear.scatter [tilespmem:s23], [sflag:$0x3], $0x4000, $0x38;
	[tilespmem:$0x1CB00] =	vst v63  }
0x105: {  	_ =	swait.ge [sflag:s24], $0x4000  }
0x106: {  	[sflag:s24] =	ssyncset.done $0x0  }
0x107: {  	[sflag:s24] =	ssyncadd.s32 $0xFFFFC000  }
0x108: {  	[tilespmem:$0x0] =	vst v16  }
0x109: {  	[tilespmem:$0x10] =	vst v17  }
0x10a: {  	[tilespmem:$0x20] =	vst v18  }
0x10b: {  	[tilespmem:$0x30] =	vst v19  }
0x10c: {  	[tilespmem:$0x40] =	vst v20  }
0x10d: {  	[tilespmem:$0x50] =	vst v21  }
0x10e: {  	[tilespmem:$0x60] =	vst v22  }
0x10f: {  	[tilespmem:$0x70] =	vst v23  }
0x110: {  	[tilespmem:s23], [sflag:$0x3] =	stream.indirect.gather [spmem:s1], $0x80, s2, s25, $0xb8;
	[tilespmem:$0x1CB00] =	vst v63  }
0x111: {  	_ =	swait.ge [sflag:s24], $0x4000  }
0x112: {  	[sflag:s24] =	ssyncset.done $0x0  }
0x113: {  	s12 =	rddreg [dreg:$0x6];
	[sflag:s24] =	ssyncadd.s32 $0xFFFFC000  }
0x114: {  	[hbm4b:s12+s2] =	stream.linear.scatter [tilespmem:s23], [sflag:$0x3], $0x4000, $0x38;
	[tilespmem:$0x1CB00] =	vst v63  }
0x115: {  	_ =	swait.ge [sflag:s24], $0x4000  }
0x116: {  	[sflag:s24] =	ssyncset.done $0x0  }
0x117: {  	[sflag:s24] =	ssyncadd.s32 $0xFFFFC000  }
0x118: {  	[tilespmem:$0x0] =	vst v24  }
0x119: {  	[tilespmem:$0x10] =	vst v25  }
0x11a: {  	[tilespmem:$0x20] =	vst v26  }
0x11b: {  	[tilespmem:$0x30] =	vst v27  }
0x11c: {  	[tilespmem:$0x40] =	vst v28  }
0x11d: {  	[tilespmem:$0x50] =	vst v29  }
0x11e: {  	[tilespmem:$0x60] =	vst v30  }
0x11f: {  	[tilespmem:$0x70] =	vst v31  }
0x120: {  	[tilespmem:s23], [sflag:$0x3] =	stream.indirect.gather [spmem:s1], $0x80, s2, s25, $0xb8;
	[tilespmem:$0x1CB00] =	vst v63  }
0x121: {  	_ =	swait.ge [sflag:s24], $0x4000  }
0x122: {  	[sflag:s24] =	ssyncset.done $0x0  }
0x123: {  	s13 =	rddreg [dreg:$0x7];
	[sflag:s24] =	ssyncadd.s32 $0xFFFFC000  }
0x124: {  	[hbm4b:s13+s2] =	stream.linear.scatter [tilespmem:s23], [sflag:$0x3], $0x4000, $0x38;
	[tilespmem:$0x1CB00] =	vst v63  }
0x125: {  	_ =	swait.ge [sflag:s24], $0x4000  }
0x126: {  	[sflag:s24] =	ssyncset.done $0x0  }
0x127: {  	[sflag:s24] =	ssyncadd.s32 $0xFFFFC000  }
0x128: {  	[tilespmem:$0x0] =	vst v32  }
0x129: {  	[tilespmem:$0x10] =	vst v33  }
0x12a: {  	[tilespmem:$0x20] =	vst v34  }
0x12b: {  	[tilespmem:$0x30] =	vst v35  }
0x12c: {  	[tilespmem:$0x40] =	vst v36  }
0x12d: {  	[tilespmem:$0x50] =	vst v37  }
0x12e: {  	[tilespmem:$0x60] =	vst v38  }
0x12f: {  	[tilespmem:$0x70] =	vst v39  }
0x130: {  	[tilespmem:s23], [sflag:$0x3] =	stream.indirect.gather [spmem:s1], $0x80, s2, s25, $0xb8;
	[tilespmem:$0x1CB00] =	vst v63  }
0x131: {  	s9 =	sadd.s32 $0x1, s9;
	_ =	swait.ge [sflag:s24], $0x4000  }
0x132: {  	p0 =	sne.s32 s9, s19;
	[sflag:s24] =	ssyncset.done $0x0  }
.Ltmp1:
0x133: {  	s14 =	rddreg [dreg:$0x8];
	[sflag:s24] =	ssyncadd.s32 $0xFFFFC000;
	(pc) =	sbr.rel @p0 .LBB2_1-.Ltmp1, $4  }
0x134: {  	[hbm4b:s14+s2] =	stream.linear.scatter [tilespmem:s23], [sflag:$0x3], $0x4000, $0x38;
	[tilespmem:$0x1CB00] =	vst v63  }
0x135: {  	_ =	swait.ge [sflag:s24], $0x4000  }
0x136: {  	[sflag:s24] =	ssyncset.done $0x0  }
0x137: {  	[sflag:s24] =	ssyncadd.s32 $0xFFFFC000  }
0x138: {  	_ =	sfence.sel $0x180000  }
0x139: {  	[bflag:$0x0] =	sbarrier.arrive $0xFFFF  }
0x13a: {  	_ =	strace $0x9000004D  }
0x13b: {  	s0 =	stileid.u32;
	[bflag:$0x2] =	sbarrier.arrive $0xFFFF  }
0x13c: {  	p0 =	sne.s32 s0, $0x0;
	s0 =	rddreg [dreg:$0x2]  }
0x13d: {  	s0 =	sadd.s32 @!p0 $0x100000, s0  }
0x13e: {  	[sflag:s0] =	ssyncadd.tile.s32 @!p0 $0x1;
	_ =	shalt  }
.Lfunc_end2:
_tile_overlayer_lowered:
.L_overlay_start_2:
0x13f: {  	(tag) =	ssettag $0x2  }
0x140: {  	s0 =	rddreg [dreg:$0x0];
	s2 =	stileid.u32  }
0x141: {  	s1 =	rddreg [dreg:$0x1];
	p0 =	sne.s32 s2, $0x0  }
0x142: {  	s3 =	rddreg [dreg:$0x2];
	[bflag:$0x3] =	sbarrier.arrive $0xFFFF;
	s2 =	simm.s32 @!p0 $0x1C03  }
0x143: {  	[timem:s3], [sflag:s2] =	dma.local @!p0 [hbm:s0], s1  }
0x144: {  	s0 =	simm.s32 @!p0 $0x3  }
0x145: {  	_ =	swait.ge @!p0 [sflag:s0], s1  }
0x146: {  	s1 =	ssub.s32 @!p0 $0x0, s1;
	[sflag:s0] =	ssyncset.done @!p0 $0x0  }
0x147: {  	[sflag:s0] =	ssyncadd.s32 @!p0 s1  }
0x148: {  	[bflag:$0x3] =	sbarrier.arrive $0xFFFF  }
0x149: {  	_ =	shalt  }

// kernel: kernel.19.cloned.1.call-start
scs
__scs_entry_jumppad:
0x0: {  	(pc) =	sbr.rel $0x88, $3  }
0x1: {  	(tag) =	ssettag $0x0;
	lr =	simm.s32 $0x1  }
0x2: {  	[smem:$0x3F91] =	sst lr;
	_ =	strace $0xD0000000  }
0x3: {  	_ = 	snop  }
0x4: {  	_ = 	snop  }
0x5: {  	_ = 	snop  }
0x6: {  	_ = 	snop  }
0x7: {  	_ = 	snop  }
__scs_overlays_trampoline_lowered:
0x8: {  	[smem:$0x3FA0] =	sst s0  }
0x9: {  	[smem:$0x3FA1] =	sst s1  }
0xa: {  	[smem:$0x3FA2] =	sst s2  }
0xb: {  	[smem:$0x3FA3] =	sst s3  }
0xc: {  	[smem:$0x3FA4] =	sst s4  }
0xd: {  	[smem:$0x3FA5] =	sst s5  }
0xe: {  	[smem:$0x3FA6] =	sst s6  }
0xf: {  	[smem:$0x3FA7] =	sst s7  }
0x10: {  	[smem:$0x3FA8] =	sst s8  }
0x11: {  	[smem:$0x3FA9] =	sst s9;
	s0 =	simm.s32 @!p0 $0x0  }
0x12: {  	s1 =	sld [smem:$0x3F8F];
	s0 =	simm.s32 @p0 $0x1  }
0x13: {  	[smem:$0x3FAA] =	sst s0;
	s0 =	simm.s32 @!p1 $0x0  }
0x14: {  	s2 =	sld [smem:$0x3F8E];
	s0 =	simm.s32 @p1 $0x1  }
0x15: {  	[smem:$0x3FAB] =	sst s0;
	s0 =	simm.s32 @!p2 $0x0  }
0x16: {  	s3 =	sld [smem:$0x3FDB];
	s0 =	simm.s32 @p2 $0x1  }
0x17: {  	s4 =	simm.s32 $0x1BF5;
	[smem:$0x3FAD] =	sst s0  }
0x18: {  	s0 =	sld [smem:$0x3F90];
	_ =	swait.ge [sflag:s4], $0x0  }
0x19: {  	s7 =	sld [smem:$0x3F91]  }
0x1a: {  	s8 =	sadd.s32 $0xFFFFE003, lr  }
0x1b: {  	s9 =	sadd.s32 $0xFFFFFEF7, lr;
	s5 =	simm.s32 $0xFFFFFFFF;
	p2 =	slt.u32 s8, $0xFFFFF086  }
0x1c: {  	p1 =	slt.u32 s9, $0xF7A;
	s5 =	simm.s32 @!p2 $0x0  }
0x1d: {  	s5 =	simm.s32 @p1 $0x1;
	p0 =	seq.s32 s7, s2  }
0x1e: {  	s7 =	smul.u32 @!p0 $0xF7A, s2;
	p2 =	seq.s32 @!p0 s5, $0x0  }
0x1f: {  	s9 =	smul.u32 $0xF7A, s1;
	s8 =	simm.s32 @!p0 $0x1BF5;
	p2 =	por !p2, p0  }
0x20: {  	[sflag:s8] =	ssyncset.s32 @!p0 $0xFFFFF086;
	s6 =	sadd.s32 @!p0 s3, s7;
	s7 =	simm.s32 @!p0 $0x108  }
0x21: {  	s3 =	sadd.s32 s3, s9;
	s6 =	sadd.s32 @!p0 $0x88, s6;
	s7 =	simm.s32 @p2 $0x1082  }
0x22: {  	[simem:s7], [sflag:s8] =	dma.local @!p0 [hbm:s6], $0xF7A  }
0x23: {  	s9 =	sor.u32 $0xD0000000, s2;
	s6 =	simm.s32 $0x108;
	_ =	swait.ge @!p0 [sflag:s8], $0x0  }
0x24: {  	s3 =	sadd.s32 $0x88, s3;
	s6 =	simm.s32 @!p1 $0x1082;
	[sflag:s4] =	ssyncset.s32 $0xFFFFF086  }
0x25: {  	[simem:s6], [sflag:s4] =	dma.local [hbm:s3], $0xF7A  }
0x26: {  	[smem:$0x3F91] =	sst s1;
	(tag) =	ssettag s2;
	_ =	strace s9  }
0x27: {  	s1 =	sld [smem:$0x3FA1]  }
0x28: {  	s2 =	sld [smem:$0x3FA2]  }
0x29: {  	s4 =	sld [smem:$0x3FA4]  }
0x2a: {  	p0 =	seq.s32 s5, $0x0;
	s5 =	sld [smem:$0x3FA5]  }
0x2b: {  	s6 =	sld [smem:$0x3FA6]  }
0x2c: {  	s7 =	sld [smem:$0x3FA7]  }
0x2d: {  	s3 =	simm.s32 $0x108;
	s8 =	sld [smem:$0x3FA8]  }
0x2e: {  	s3 =	simm.s32 @!p0 $0x1082;
	s9 =	sld [smem:$0x3FA9]  }
0x2f: {  	lr =	sadd.s32 s0, s3;
	s0 =	sld [smem:$0x3FA0]  }
0x30: {  	s3 =	sld [smem:$0x3FA3]  }
0x31: {  	[smem:$0x3FAC] =	sst s10  }
0x32: {  	s10 =	sld [smem:$0x3FAA];
	_ =	sdelay $0x3  }
0x33: {  	p0 =	seq.s32 s10, $0x1;
	s10 =	sld [smem:$0x3FAC];
	_ =	sdelay $0x3  }
0x34: {  	[smem:$0x3FAC] =	sst s10  }
0x35: {  	s10 =	sld [smem:$0x3FAB];
	_ =	sdelay $0x3  }
0x36: {  	p1 =	seq.s32 s10, $0x1;
	s10 =	sld [smem:$0x3FAC];
	_ =	sdelay $0x3  }
0x37: {  	[smem:$0x3FAC] =	sst s10  }
0x38: {  	s10 =	sld [smem:$0x3FAD]  }
0x39: {  	_ = 	snop;
	(pc) =	sbr.ind lr, $3  }
0x3a: {  	_ = 	snop  }
0x3b: {  	_ = 	snop  }
0x3c: {  	p2 =	seq.s32 s10, $0x1;
	s10 =	sld [smem:$0x3FAC]  }
0x3d: {  	_ =	shalt  }
0x3e: {  	_ =	shalt  }
0x3f: {  	_ =	shalt  }
0x40: {  	_ =	shalt  }
0x41: {  	_ =	shalt  }
0x42: {  	_ =	shalt  }
0x43: {  	_ =	shalt  }
0x44: {  	_ =	shalt  }
0x45: {  	_ =	shalt  }
0x46: {  	_ =	shalt  }
0x47: {  	_ =	shalt  }
0x48: {  	_ =	shalt  }
0x49: {  	_ =	shalt  }
0x4a: {  	_ =	shalt  }
0x4b: {  	_ =	shalt  }
0x4c: {  	_ =	shalt  }
0x4d: {  	_ =	shalt  }
0x4e: {  	_ =	shalt  }
0x4f: {  	_ =	shalt  }
0x50: {  	_ =	shalt  }
0x51: {  	_ =	shalt  }
0x52: {  	_ =	shalt  }
0x53: {  	_ =	shalt  }
0x54: {  	_ =	shalt  }
0x55: {  	_ =	shalt  }
0x56: {  	_ =	shalt  }
0x57: {  	_ =	shalt  }
0x58: {  	_ =	shalt  }
0x59: {  	_ =	shalt  }
0x5a: {  	_ =	shalt  }
0x5b: {  	_ =	shalt  }
0x5c: {  	_ =	shalt  }
0x5d: {  	_ =	shalt  }
0x5e: {  	_ =	shalt  }
0x5f: {  	_ =	shalt  }
0x60: {  	_ =	shalt  }
0x61: {  	_ =	shalt  }
0x62: {  	_ =	shalt  }
0x63: {  	_ =	shalt  }
0x64: {  	_ =	shalt  }
0x65: {  	_ =	shalt  }
0x66: {  	_ =	shalt  }
0x67: {  	_ =	shalt  }
0x68: {  	_ =	shalt  }
0x69: {  	_ =	shalt  }
0x6a: {  	_ =	shalt  }
0x6b: {  	_ =	shalt  }
0x6c: {  	_ =	shalt  }
0x6d: {  	_ =	shalt  }
0x6e: {  	_ =	shalt  }
0x6f: {  	_ =	shalt  }
0x70: {  	_ =	shalt  }
0x71: {  	_ =	shalt  }
0x72: {  	_ =	shalt  }
0x73: {  	_ =	shalt  }
0x74: {  	_ =	shalt  }
0x75: {  	_ =	shalt  }
0x76: {  	_ =	shalt  }
0x77: {  	_ =	shalt  }
0x78: {  	_ =	shalt  }
0x79: {  	_ =	shalt  }
0x7a: {  	_ =	shalt  }
0x7b: {  	_ =	shalt  }
0x7c: {  	_ =	shalt  }
0x7d: {  	_ =	shalt  }
0x7e: {  	_ =	shalt  }
0x7f: {  	_ =	shalt  }
0x80: {  	_ =	shalt  }
0x81: {  	_ =	shalt  }
0x82: {  	_ =	shalt  }
0x83: {  	_ =	shalt  }
0x84: {  	_ =	shalt  }
0x85: {  	_ =	shalt  }
0x86: {  	_ =	shalt  }
0x87: {  	_ =	shalt  }
.Lfunc_end0:
.L_simem_size_0:
called_computation.3_lowered:
.L_overlay_start_0:
0x88: {  	s2 =	sld [smem:$0x3FD9]  }
0x89: {  	s3 =	sld [smem:$0x3FFE];
	_ =	sdelay $0x1  }
0x8a: {  	s1 =	srdreg.scid  }
0x8b: {  	s0 =	sand.u32 $0x1, s1  }
0x8c: {  	s16 =	sshll.u32 s0, $0xA;
	s2 =	sadd.s32 s3, s2  }
0x8d: {  	s2 =	sadd.s32 s2, s16  }
0x8e: {  	[smem:$0x3FB8] =	sst s2  }
0x8f: {  	_ = 	snop  }
0x90: {  	(tm) =	ssettm $0x1  }
0x91: {  	s17 =	sld [smem:$0x3FFB];
	_ =	sdelay $0x3  }
0x92: {  	_ =	strace s17  }
0x93: {  	s2 =	sld [smem:$0x3FFC];
	_ =	sdelay $0x3  }
0x94: {  	_ =	strace s2  }
0x95: {  	s2 =	sld [smem:$0x3FFD];
	_ =	sdelay $0x3  }
0x96: {  	_ =	strace s2  }
0x97: {  	_ =	strace $0x8FFFFFFF  }
0x98: {  	s18 =	sld [smem:$0x3FDB];
	_ =	sdelay $0x1  }
0x99: {  	s19 =	simm.s32 $_scs_section_size  }
0x9a: {  	s4 =	simm.s32 $_size__tile_overlayer_lowered;
	s5 =	simm.s32 $_tile_overlayer_lowered  }
0x9b: {  	s22 =	simm.s32 $0x1BFF;
	s21 =	sshll.u32 s5, $0x1;
	s2 =	sadd.s32 s19, s18  }
0x9c: {  	s6 =	simm.s32 $0x0;
	s20 =	sshll.u32 s4, $0x1;
	s4 =	sadd.s32 s21, s2  }
0x9d: {  	[timem:s6], [sflag:s22] =	dma.local [hbm:s4], s20  }
0x9e: {  	_ =	swait.ge [sflag:s22], s20  }
0x9f: {  	s3 =	ssub.s32 $0x0, s20;
	[sflag:s22] =	ssyncset.done $0x0  }
0xa0: {  	[sflag:s22] =	ssyncadd.s32 s3;
	_ =	sdelay $0x1  }
0xa1: {  	s23 =	simm.s32 $0x1B8B  }
0xa2: {  	_ =	swait.ge [sflag:s23], $0x1  }
0xa3: {  	[sflag:s23] =	ssyncset.done $0x0  }
0xa4: {  	s25 =	simm.s32 $0x1B8E;
	s24 =	sld [smem:$0x3FFE];
	[sflag:s23] =	ssyncadd.s32 $0xFFFFFFFF  }
0xa5: {  	s26 =	simm.s32 $execute0_lowered;
	[smem:$0x3FD2] =	sst s25  }
0xa6: {  	s4 =	sshll.u32 s26, $0x1;
	_ =	strace $0x8000004F;
	[dreg:$0x1] =	wrdreg $0xFFFFFFFF  }
0xa7: {  	s28 =	simm.s32 $_size_execute0_lowered;
	s2 =	sadd.s32 s2, s4;
	[dreg:$0x0] =	wrdreg $0x0  }
0xa8: {  	s4 =	sshll.u32 s28, $0x1;
	[dreg:$0x2] =	wrdreg s2  }
0xa9: {  	[dreg:$0x3] =	wrdreg s4  }
0xaa: {  	[dreg:$0x4] =	wrdreg $0xC0  }
0xab: {  	_ =	task [dreg:s6], $0x5FFFF  }
0xac: {  	[dreg:$0x1] =	wrdreg $0xFFFFFFFF  }
0xad: {  	[dreg:$0x0] =	wrdreg $0x60  }
0xae: {  	[dreg:$0x2] =	wrdreg s24  }
0xaf: {  	[dreg:$0x3] =	wrdreg $0x8B000  }
0xb0: {  	[dreg:$0x4] =	wrdreg $0x9  }
0xb1: {  	_ =	task.clear_ibuf [dreg:s6], $0x5FFFF;
	_ =	strace $0x9000004F  }
0xb2: {  	s29 =	simm.s32 $0x9;
	_ =	strace $0x80000051  }
0xb3: {  	_ =	swait.ge [sflag:s29], $0x1  }
0xb4: {  	[sflag:s29] =	ssyncadd.s32 $0xFFFFFFFF  }
0xb5: {  	_ =	strace $0x90000051  }
0xb6: {  	_ =	sfence  }
0xb7: {  	s30 =	sld [smem:$0x0];
	_ =	sdelay $0x2  }
0xb8: {  	s31 =	sshll.u32 s1, $0xD;
	s1 =	sshrl.u32 s1, $0x2  }
0xb9: {  	s3 =	sand.u32 $0x4000, s31;
	s1 =	sadd.s32 s1, s30  }
0xba: {  	s0 =	sor.u32 s3, s0;
	s1 =	sshll.u32 s1, $0x11  }
0xbb: {  	s0 =	sor.u32 s1, s0  }
0xbc: {  	s0 =	sadd.s32 $0x8F2B, s0  }
0xbd: {  	[sflag:s0] =	ssyncadd.remote.s32 $0x1  }
0xbe: {  	_ =	sfence.sel $0xFFFF  }
0xbf: {  	[dreg:$0x0] =	wrdreg $0xFFFFFFFF;
	(pc) =	sbr.abs _section_cstart, $3  }
0xc0: {  	[dreg:$0x1] =	wrdreg $0xFFFFFFFF  }
0xc1: {  	_ =	task.clear_ibuf [dreg:s6], $0x2FFFF;
	_ =	strace $0x9FFFFFFF  }
0xc2: {  	(tm) =	ssettm $0x7FFFFFFF  }
0xc3: {  	_ =	shalt  }
tec
execute0_lowered:
.L_overlay_start_1:
0x0: {  	(tag) =	ssettag $0x1  }
0x1: {  	s0 =	rddreg [dreg:$0x0]  }
0x2: {  	s1 =	rddreg [dreg:$0x1];
	s2 =	simm.s32 $0x0;
	s4 =	srdreg.scid  }
0x3: {  	s20 =	stileid.u32;
	[smem:$0x7FF] =	sst s2  }
0x4: {  	s3 =	sadd.s32 $0x3400, s0;
	s5 =	sadd.s32 $0x503400, s0;
	s6 =	sadd.s32 $0x50D200, s0  }
0x5: {  	s9 =	sand.u32 $0x1, s4;
	s18 =	sadd.s32 $0x517000, s0;
	s8 =	smul.u32 $0x280, s20  }
0x6: {  	s10 =	sshll.u32 s20, $0x1;
	s11 =	sadd.s32 $0x2B400, s0;
	s20 =	smul.u32 $0x4E20, s20  }
0x7: {  	_ =	strace $0x80000050;
	[dreg:$0x3] =	wrdreg s18;
	s12 =	smul.u32 $0x2800, s9  }
0x8: {  	s19 =	ssub.s32 $0x2, s9;
	s13 =	sor.u32 s9, s10;
	s9 =	smul.u32 $0x2710, s9  }
0x9: {  	s7 =	sshrl.u32 s19, $0x1;
	s14 =	sor.u32 $0x10, s8;
	s15 =	sor.u32 $0x20, s8  }
0xa: {  	s16 =	sor.u32 $0x30, s8;
	s17 =	sadd.s32 $0x80, s8;
	s10 =	sadd.s32 $0x100, s8  }
0xb: {  	s22 =	sadd.s32 $0x180, s8;
	s23 =	sadd.s32 $0x200, s8;
	s13 =	smul.u32 $0x2710, s13  }
0xc: {  	s21 =	ssub.s32 s19, s7;
	[dreg:$0xd] =	wrdreg s22;
	s18 =	sadd.s32 s8, s12  }
0xd: {  	v39 =	vlaneseq.u32;
	s19 =	sadd.s32 s12, s17;
	[dreg:$0xc] =	wrdreg s23;
	s26 =	sadd.s32 s12, s10  }
0xe: {  	s0 =	sadd.s32 s12, s22;
	v0 =	vor.u32 s14, v39;
	s14 =	sadd.s32 $0x190, s8;
	[dreg:$0xb] =	wrdreg s21  }
0xf: {  	s12 =	sadd.s32 s12, s23;
	v2 =	vor.u32 s16, v39;
	s16 =	sadd.s32 $0x1D0, s8;
	[dreg:$0x13] =	wrdreg s14  }
0x10: {  	s9 =	sadd.s32 s9, s20;
	v1 =	vor.u32 s15, v39;
	s15 =	sadd.s32 $0x1F0, s8;
	[dreg:$0x16] =	wrdreg s16  }
0x11: {  	s20 =	sor.u32 $0x70, s8;
	s14 =	sadd.s32 $0x1A0, s8;
	[dreg:$0x18] =	wrdreg s15  }
0x12: {  	s22 =	sadd.s32 $0xA0, s8;
	s16 =	sadd.s32 $0x210, s8;
	[dreg:$0x14] =	wrdreg s14  }
0x13: {  	s18 =	sshll.u32 s18, $0x4;
	v6 =	vor.u32 s20, v39;
	s20 =	sadd.s32 $0x250, s8;
	[dreg:$0xf] =	wrdreg s16  }
0x14: {  	s19 =	sshll.u32 s19, $0x4;
	s24 =	sadd.s32 s11, s18;
	[dreg:$0xe] =	wrdreg s20  }
0x15: {  	s12 =	sshll.u32 s12, $0x4;
	s25 =	sadd.s32 s11, s19;
	[dreg:$0x4] =	wrdreg s24  }
0x16: {  	s23 =	sadd.s32 $0xB0, s8;
	s12 =	sadd.s32 s11, s12;
	[dreg:$0x5] =	wrdreg s25  }
0x17: {  	s21 =	sadd.s32 $0x90, s8;
	s14 =	sadd.s32 $0x1B0, s8;
	[dreg:$0x8] =	wrdreg s12  }
0x18: {  	v9 =	vor.u32 s22, v39;
	s22 =	sshrl.u32 s13, $0x3;
	v8 =	vor.u32 s21, v39;
	s21 =	sadd.s32 $0x260, s8;
	[dreg:$0x15] =	wrdreg s14  }
0x19: {  	s28 =	sadd.s32 $0xF0, s8;
	v10 =	vor.u32 s23, v39;
	s23 =	sadd.s32 s5, s22;
	[dreg:$0x12] =	wrdreg s21  }
0x1a: {  	s29 =	sadd.s32 $0x110, s8;
	s30 =	sadd.s32 $0x120, s8;
	[dreg:$0x9] =	wrdreg s23  }
0x1b: {  	s31 =	sadd.s32 $0x130, s8;
	s18 =	sshll.u32 s26, $0x4;
	s21 =	rddreg [dreg:$0xd]  }
0x1c: {  	s19 =	sshll.u32 s0, $0x4;
	s26 =	sadd.s32 $0xE0, s8;
	s23 =	rddreg [dreg:$0x13]  }
0x1d: {  	v16 =	vor.u32 s10, v39;
	s4 =	sadd.s32 s11, s18;
	s7 =	sadd.s32 s11, s19;
	s10 =	rddreg [dreg:$0xf]  }
0x1e: {  	s18 =	sor.u32 $0x50, s8;
	s19 =	sor.u32 $0x60, s8;
	[dreg:$0x6] =	wrdreg s4  }
0x1f: {  	s24 =	sadd.s32 $0xC0, s8;
	s12 =	sadd.s32 $0x170, s8;
	[dreg:$0x7] =	wrdreg s7  }
0x20: {  	s25 =	sadd.s32 $0xD0, s8;
	s14 =	sadd.s32 $0x1E0, s8;
	[dreg:$0x19] =	wrdreg s12  }
0x21: {  	v14 =	vor.u32 s26, v39;
	s26 =	sadd.s32 $0x4E0, s22;
	[dreg:$0x17] =	wrdreg s14;
	v4 =	vor.u32 s18, v39;
	s18 =	sadd.s32 $0x230, s8  }
0x22: {  	v11 =	vor.u32 s24, v39;
	v13 =	vor.u32 s25, v39;
	s24 =	sadd.s32 s6, s22;
	s25 =	sadd.s32 $0x10, s22;
	s22 =	rddreg [dreg:$0xb]  }
0x23: {  	v15 =	vor.u32 s28, v39;
	s28 =	simm.s32 $0x180;
	v5 =	vor.u32 s19, v39;
	s19 =	sadd.s32 $0x240, s8;
	[dreg:$0x10] =	wrdreg s18  }
0x24: {  	v17 =	vor.u32 s29, v39;
	v18 =	vor.u32 s30, v39;
	s29 =	simm.s32 $0x4200;
	s30 =	simm.s32 $0x1;
	[dreg:$0x11] =	wrdreg s19  }
0x25: {  	v19 =	vor.u32 s31, v39;
	s31 =	simm.s32 $0x2;
	s0 =	sadd.s32 $0x150, s8;
	[dreg:$0xa] =	wrdreg s24  }
0x26: {  	s11 =	sor.u32 $0x40, s8;
	v21 =	vor.u32 s0, v39;
	s0 =	simm.s32 $0x8200;
	s20 =	rddreg [dreg:$0x19]  }
0x27: {  	s4 =	sadd.s32 $0x140, s8;
	s7 =	sadd.s32 $0x160, s8;
	s24 =	rddreg [dreg:$0x14]  }
0x28: {  	s15 =	sadd.s32 s5, s25;
	s16 =	sadd.s32 s6, s25;
	s25 =	rddreg [dreg:$0x15]  }
0x29: {  	v7 =	vor.u32 s17, v39;
	s17 =	sadd.s32 s5, s26;
	s18 =	sadd.s32 s6, s26;
	s26 =	rddreg [dreg:$0x16]  }
0x2a: {  	v3 =	vor.u32 s11, v39;
	s11 =	sadd.s32 $0x1C0, s8;
	s14 =	sadd.s32 $0x220, s8;
	v20 =	vor.u32 s4, v39;
	s4 =	rddreg [dreg:$0x17]  }
0x2b: {  	v12 =	vor.u32 s8, v39;
	s8 =	sadd.s32 $0x270, s8;
	s12 =	sadd.s32 $0x180, s9;
	v22 =	vor.u32 s7, v39;
	s7 =	rddreg [dreg:$0x18]  }
0x2c: {  	v24 =	vor.u32 s21, v39;
	v25 =	vor.u32 s23, v39;
	s19 =	smax.u32 s22, $0x1;
	s22 =	sadd.s32 $0x100, s9;
	s9 =	rddreg [dreg:$0xc]  }
0x2d: {  	s23 =	simm.s32 $0x200;
	v33 =	vor.u32 s10, v39;
	s13 =	sshrl.u32 s12, $0x3;
	v28 =	vor.u32 s11, v39;
	v34 =	vor.u32 s14, v39;
	s14 =	rddreg [dreg:$0x12]  }
0x2e: {  	v23 =	vor.u32 s20, v39;
	s20 =	sadd.s32 s13, s6;
	v26 =	vor.u32 s24, v39;
	v27 =	vor.u32 s25, v39;
	s21 =	sadd.s32 s13, s5;
	s11 =	rddreg [dreg:$0x10]  }
0x2f: {  	v29 =	vor.u32 s26, v39;
	v30 =	vor.u32 s4, v39;
	s24 =	simm.s32 $0x3;
	s25 =	simm.s32 $0x80;
	v31 =	vor.u32 s7, v39;
	s12 =	rddreg [dreg:$0x11]  }
0x30: {  	s26 =	simm.s32 $0x100;
	v32 =	vor.u32 s9, v39;
	s4 =	simm.s32 $0x8280;
	s13 =	rddreg [dreg:$0xe];
	v38 =	vor.u32 s14, v39;
	v35 =	vor.u32 s11, v39  }
0x31: {  	s7 =	simm.s32 $0x10;
	s9 =	simm.s32 $0x0;
	v36 =	vor.u32 s12, v39;
	v37 =	vor.u32 s13, v39;
	v39 =	vor.u32 s8, v39;
	s8 =	simm.s32 $0x8300  }
.LBB2_1:
0x32: {  	s10 =	rddreg [dreg:$0x3]  }
0x33: {  	[tilespmem:s23], [sflag:$0x3] =	stream.linear.gather [hbm4b:s10+s2], $0x4000, $0x38;
	[tilespmem:$0x1CB00] =	vst v63  }
0x34: {  	_ =	swait.ge [sflag:s24], $0x4000  }
0x35: {  	[sflag:s24] =	ssyncset.done $0x0  }
0x36: {  	[sflag:s24] =	ssyncadd.s32 $0xFFFFC000  }
0x37: {  	[tilespmem:$0x0] =	vst v12  }
0x38: {  	[tilespmem:$0x10] =	vst v0  }
0x39: {  	[tilespmem:$0x20] =	vst v1  }
0x3a: {  	[tilespmem:$0x30] =	vst v2  }
0x3b: {  	[tilespmem:$0x40] =	vst v3  }
0x3c: {  	[tilespmem:$0x50] =	vst v4  }
0x3d: {  	[tilespmem:$0x60] =	vst v5  }
0x3e: {  	[tilespmem:$0x70] =	vst v6  }
0x3f: {  	[spmem:s1] =	stream.indirect.scatter [tilespmem:s23], [sflag:$0x3], $0x80, s2, s25, $0xb8;
	[tilespmem:$0x1CB00] =	vst v63  }
0x40: {  	_ =	swait.ge [sflag:s24], $0x4000  }
0x41: {  	[sflag:s24] =	ssyncset.done $0x0  }
0x42: {  	[sflag:s24] =	ssyncadd.s32 $0xFFFFC000  }
0x43: {  	[tilespmem:$0x0] =	vst v7  }
0x44: {  	[tilespmem:$0x10] =	vst v8  }
0x45: {  	[tilespmem:$0x20] =	vst v9  }
0x46: {  	[tilespmem:$0x30] =	vst v10  }
0x47: {  	[tilespmem:$0x40] =	vst v11  }
0x48: {  	[tilespmem:$0x50] =	vst v13  }
0x49: {  	[tilespmem:$0x60] =	vst v14  }
0x4a: {  	[tilespmem:$0x70] =	vst v15  }
0x4b: {  	[spmem:s1] =	stream.indirect.scatter [tilespmem:s23], [sflag:$0x3], $0x80, s2, s25, $0xb8;
	[tilespmem:$0x1CB00] =	vst v63  }
0x4c: {  	_ =	swait.ge [sflag:s24], $0x4000  }
0x4d: {  	[sflag:s24] =	ssyncset.done $0x0  }
0x4e: {  	[sflag:s24] =	ssyncadd.s32 $0xFFFFC000  }
0x4f: {  	[tilespmem:$0x0] =	vst v16  }
0x50: {  	[tilespmem:$0x10] =	vst v17  }
0x51: {  	[tilespmem:$0x20] =	vst v18  }
0x52: {  	[tilespmem:$0x30] =	vst v19  }
0x53: {  	[tilespmem:$0x40] =	vst v20  }
0x54: {  	[tilespmem:$0x50] =	vst v21  }
0x55: {  	[tilespmem:$0x60] =	vst v22  }
0x56: {  	[tilespmem:$0x70] =	vst v23  }
0x57: {  	[spmem:s1] =	stream.indirect.scatter [tilespmem:s23], [sflag:$0x3], $0x80, s2, s25, $0xb8;
	[tilespmem:$0x1CB00] =	vst v63  }
0x58: {  	_ =	swait.ge [sflag:s24], $0x4000  }
0x59: {  	[sflag:s24] =	ssyncset.done $0x0  }
0x5a: {  	[sflag:s24] =	ssyncadd.s32 $0xFFFFC000  }
0x5b: {  	[tilespmem:$0x0] =	vst v24  }
0x5c: {  	[tilespmem:$0x10] =	vst v25  }
0x5d: {  	[tilespmem:$0x20] =	vst v26  }
0x5e: {  	[tilespmem:$0x30] =	vst v27  }
0x5f: {  	[tilespmem:$0x40] =	vst v28  }
0x60: {  	[tilespmem:$0x50] =	vst v29  }
0x61: {  	[tilespmem:$0x60] =	vst v30  }
0x62: {  	[tilespmem:$0x70] =	vst v31  }
0x63: {  	[spmem:s1] =	stream.indirect.scatter [tilespmem:s23], [sflag:$0x3], $0x80, s2, s25, $0xb8;
	[tilespmem:$0x1CB00] =	vst v63  }
0x64: {  	_ =	swait.ge [sflag:s24], $0x4000  }
0x65: {  	[sflag:s24] =	ssyncset.done $0x0  }
0x66: {  	[sflag:s24] =	ssyncadd.s32 $0xFFFFC000  }
0x67: {  	[tilespmem:$0x0] =	vst v32  }
0x68: {  	[tilespmem:$0x10] =	vst v33  }
0x69: {  	[tilespmem:$0x20] =	vst v34  }
0x6a: {  	[tilespmem:$0x30] =	vst v35  }
0x6b: {  	[tilespmem:$0x40] =	vst v36  }
0x6c: {  	[tilespmem:$0x50] =	vst v37  }
0x6d: {  	[tilespmem:$0x60] =	vst v38  }
0x6e: {  	[tilespmem:$0x70] =	vst v39  }
0x6f: {  	[spmem:s1] =	stream.indirect.scatter [tilespmem:s23], [sflag:$0x3], $0x80, s2, s25, $0xb8;
	[tilespmem:$0x1CB00] =	vst v63  }
0x70: {  	_ =	swait.ge [sflag:s24], $0x4000  }
0x71: {  	[sflag:s24] =	ssyncset.done $0x0  }
0x72: {  	[sflag:s24] =	ssyncadd.s32 $0xFFFFC000  }
0x73: {  	[bflag:$0x0] =	sbarrier.arrive $0xFFFF  }
0x74: {  	s14 =	rddreg [dreg:$0x9]  }
0x75: {  	[tilespmem:s2], [sflag:$0x3] =	stream.linear.gather [hbm4b:s14+s2], $0x80, $0x38;
	[tilespmem:$0x1CB00] =	vst v63  }
0x76: {  	_ =	swait.ge [sflag:s24], $0x80  }
0x77: {  	[sflag:s24] =	ssyncset.done $0x0  }
0x78: {  	s11 =	rddreg [dreg:$0xa];
	[sflag:s24] =	ssyncadd.s32 $0xFFFFFF80  }
0x79: {  	[tilespmem:s25], [sflag:$0x3] =	stream.linear.gather [hbm4b:s11+s2], $0x80, $0x38;
	[tilespmem:$0x1CB00] =	vst v63  }
0x7a: {  	_ =	swait.ge [sflag:s24], $0x80  }
0x7b: {  	[sflag:s24] =	ssyncset.done $0x0  }
0x7c: {  	[sflag:s24] =	ssyncadd.s32 $0xFFFFFF80  }
0x7d: {  	[tilespmem:s23], [sflag:$0x1] =	stream.indirect.gather [hbm4b:s3+s25], $0x80, s2, s25, $0xb8;
	[tilespmem:$0x1CB00] =	vst v63  }
0x7e: {  	_ = 	snop  }
0x7f: {  	[tilespmem:s26], [sflag:$0x3] =	stream.linear.gather [hbm4b:s15+s2], $0x80, $0x38;
	[tilespmem:$0x1CB00] =	vst v63  }
0x80: {  	_ =	swait.ge [sflag:s24], $0x80  }
0x81: {  	[sflag:s24] =	ssyncset.done $0x0  }
0x82: {  	[sflag:s24] =	ssyncadd.s32 $0xFFFFFF80  }
0x83: {  	[tilespmem:s28], [sflag:$0x3] =	stream.linear.gather [hbm4b:s16+s2], $0x80, $0x38;
	[tilespmem:$0x1CB00] =	vst v63  }
0x84: {  	_ =	swait.ge [sflag:s24], $0x80  }
0x85: {  	[sflag:s24] =	ssyncset.done $0x0  }
0x86: {  	[sflag:s24] =	ssyncadd.s32 $0xFFFFFF80  }
0x87: {  	[tilespmem:s29], [sflag:$0x2] =	stream.indirect.gather [hbm4b:s3+s25], $0x80, s26, s25, $0xb8;
	[tilespmem:$0x1CB00] =	vst v63  }
0x88: {  	_ =	swait.ge [sflag:s30], $0x4000  }
0x89: {  	[sflag:s30] =	ssyncset.done $0x0  }
0x8a: {  	[sflag:s30] =	ssyncadd.s32 $0xFFFFC000  }
0x8b: {  	[spmem:s1] =	stream.indirect.scatter.add.f32 [tilespmem:s23], [sflag:$0x3], $0x80, s25, s25, $0xb8;
	[tilespmem:$0x1CB00] =	vst v63  }
0x8c: {  	_ =	swait.ge [sflag:s24], $0x4000  }
0x8d: {  	s12 =	sshrl.u32 s22, $0x3;
	[sflag:s24] =	ssyncset.done $0x0  }
0x8e: {  	s11 =	sadd.s32 s5, s12;
	[sflag:s24] =	ssyncadd.s32 $0xFFFFC000  }
0x8f: {  	[tilespmem:s2], [sflag:$0x3] =	stream.linear.gather [hbm4b:s11+s2], $0x80, $0x38;
	[tilespmem:$0x1CB00] =	vst v63  }
0x90: {  	_ =	swait.ge [sflag:s24], $0x80  }
0x91: {  	[sflag:s24] =	ssyncset.done $0x0  }
0x92: {  	s10 =	sadd.s32 s6, s12;
	[sflag:s24] =	ssyncadd.s32 $0xFFFFFF80  }
0x93: {  	[tilespmem:s25], [sflag:$0x3] =	stream.linear.gather [hbm4b:s10+s2], $0x80, $0x38;
	[tilespmem:$0x1CB00] =	vst v63  }
0x94: {  	_ =	swait.ge [sflag:s24], $0x80  }
0x95: {  	[sflag:s24] =	ssyncset.done $0x0  }
0x96: {  	[sflag:s24] =	ssyncadd.s32 $0xFFFFFF80  }
0x97: {  	[tilespmem:s23], [sflag:$0x1] =	stream.indirect.gather [hbm4b:s3+s25], $0x80, s2, s25, $0xb8;
	[tilespmem:$0x1CB00] =	vst v63  }
0x98: {  	_ =	swait.ge [sflag:s31], $0x4000  }
0x99: {  	[sflag:s31] =	ssyncset.done $0x0  }
0x9a: {  	[sflag:s31] =	ssyncadd.s32 $0xFFFFC000  }
0x9b: {  	[spmem:s1] =	stream.indirect.scatter.add.f32 [tilespmem:s29], [sflag:$0x3], $0x80, s28, s25, $0xb8;
	[tilespmem:$0x1CB00] =	vst v63  }
0x9c: {  	_ =	swait.ge [sflag:s24], $0x4000  }
0x9d: {  	[sflag:s24] =	ssyncset.done $0x0  }
0x9e: {  	s13 =	sadd.s32 $0x0, s21;
	[sflag:s24] =	ssyncadd.s32 $0xFFFFC000  }
0x9f: {  	[tilespmem:s26], [sflag:$0x3] =	stream.linear.gather [hbm4b:s13+s2], $0x80, $0x38;
	[tilespmem:$0x1CB00] =	vst v63  }
0xa0: {  	_ =	swait.ge [sflag:s24], $0x80  }
0xa1: {  	[sflag:s24] =	ssyncset.done $0x0  }
0xa2: {  	s14 =	sadd.s32 $0x0, s20;
	[sflag:s24] =	ssyncadd.s32 $0xFFFFFF80  }
0xa3: {  	[tilespmem:s28], [sflag:$0x3] =	stream.linear.gather [hbm4b:s14+s2], $0x80, $0x38;
	[tilespmem:$0x1CB00] =	vst v63  }
0xa4: {  	_ =	swait.ge [sflag:s24], $0x80  }
0xa5: {  	[sflag:s24] =	ssyncset.done $0x0  }
0xa6: {  	s11 =	sadd.s32 $0x100, s22;
	s10 =	simm.s32 $0x20;
	[sflag:s24] =	ssyncadd.s32 $0xFFFFFF80  }
.LBB2_2:
0xa7: {  	[tilespmem:s29], [sflag:$0x2] =	stream.indirect.gather [hbm4b:s3+s25], $0x80, s26, s25, $0xb8;
	[tilespmem:$0x1CB00] =	vst v63  }
0xa8: {  	s12 =	smov.u32 s10  }
0xa9: {  	p0 =	sne.s32 s10, $0x4A0;
	s10 =	sadd.s32 $0x20, s10;
	_ =	swait.ge [sflag:s30], $0x4000  }
0xaa: {  	[sflag:s30] =	ssyncset.done $0x0  }
0xab: {  	[sflag:s30] =	ssyncadd.s32 $0xFFFFC000  }
0xac: {  	[spmem:s1] =	stream.indirect.scatter.add.f32 [tilespmem:s23], [sflag:$0x3], $0x80, s25, s25, $0xb8;
	[tilespmem:$0x1CB00] =	vst v63  }
0xad: {  	_ =	swait.ge [sflag:s24], $0x4000  }
0xae: {  	s13 =	sshrl.u32 s11, $0x3;
	[sflag:s24] =	ssyncset.done $0x0  }
0xaf: {  	s14 =	sadd.s32 s5, s13;
	[sflag:s24] =	ssyncadd.s32 $0xFFFFC000  }
0xb0: {  	[tilespmem:s2], [sflag:$0x3] =	stream.linear.gather [hbm4b:s14+s2], $0x80, $0x38;
	[tilespmem:$0x1CB00] =	vst v63  }
0xb1: {  	_ =	swait.ge [sflag:s24], $0x80  }
0xb2: {  	[sflag:s24] =	ssyncset.done $0x0  }
0xb3: {  	s13 =	sadd.s32 s6, s13;
	[sflag:s24] =	ssyncadd.s32 $0xFFFFFF80  }
0xb4: {  	[tilespmem:s25], [sflag:$0x3] =	stream.linear.gather [hbm4b:s13+s2], $0x80, $0x38;
	[tilespmem:$0x1CB00] =	vst v63  }
0xb5: {  	_ =	swait.ge [sflag:s24], $0x80  }
0xb6: {  	[sflag:s24] =	ssyncset.done $0x0  }
0xb7: {  	[sflag:s24] =	ssyncadd.s32 $0xFFFFFF80  }
0xb8: {  	[tilespmem:s23], [sflag:$0x1] =	stream.indirect.gather [hbm4b:s3+s25], $0x80, s2, s25, $0xb8;
	[tilespmem:$0x1CB00] =	vst v63  }
0xb9: {  	_ =	swait.ge [sflag:s31], $0x4000  }
0xba: {  	[sflag:s31] =	ssyncset.done $0x0  }
0xbb: {  	[sflag:s31] =	ssyncadd.s32 $0xFFFFC000  }
0xbc: {  	[spmem:s1] =	stream.indirect.scatter.add.f32 [tilespmem:s29], [sflag:$0x3], $0x80, s28, s25, $0xb8;
	[tilespmem:$0x1CB00] =	vst v63  }
0xbd: {  	_ =	swait.ge [sflag:s24], $0x4000  }
0xbe: {  	[sflag:s24] =	ssyncset.done $0x0  }
0xbf: {  	s13 =	sadd.s32 s12, s21;
	[sflag:s24] =	ssyncadd.s32 $0xFFFFC000  }
0xc0: {  	[tilespmem:s26], [sflag:$0x3] =	stream.linear.gather [hbm4b:s13+s2], $0x80, $0x38;
	[tilespmem:$0x1CB00] =	vst v63  }
0xc1: {  	_ =	swait.ge [sflag:s24], $0x80  }
0xc2: {  	[sflag:s24] =	ssyncset.done $0x0  }
.Ltmp0:
0xc3: {  	s12 =	sadd.s32 s12, s20;
	[sflag:s24] =	ssyncadd.s32 $0xFFFFFF80;
	(pc) =	sbr.rel @p0 .LBB2_2-.Ltmp0, $4  }
0xc4: {  	[tilespmem:s28], [sflag:$0x3] =	stream.linear.gather [hbm4b:s12+s2], $0x80, $0x38;
	[tilespmem:$0x1CB00] =	vst v63  }
0xc5: {  	_ =	swait.ge [sflag:s24], $0x80  }
0xc6: {  	[sflag:s24] =	ssyncset.done $0x0  }
0xc7: {  	s11 =	sadd.s32 $0x100, s11;
	[sflag:s24] =	ssyncadd.s32 $0xFFFFFF80  }
0xc8: {  	[tilespmem:s29], [sflag:$0x2] =	stream.indirect.gather [hbm4b:s3+s25], $0x80, s26, s25, $0xb8;
	[tilespmem:$0x1CB00] =	vst v63  }
0xc9: {  	_ =	swait.ge [sflag:s30], $0x4000  }
0xca: {  	[sflag:s30] =	ssyncset.done $0x0  }
0xcb: {  	[sflag:s30] =	ssyncadd.s32 $0xFFFFC000  }
0xcc: {  	[spmem:s1] =	stream.indirect.scatter.add.f32 [tilespmem:s23], [sflag:$0x3], $0x80, s25, s25, $0xb8;
	[tilespmem:$0x1CB00] =	vst v63  }
0xcd: {  	_ =	swait.ge [sflag:s24], $0x4000  }
0xce: {  	[sflag:s24] =	ssyncset.done $0x0  }
0xcf: {  	[sflag:s24] =	ssyncadd.s32 $0xFFFFC000  }
0xd0: {  	_ =	swait.ge [sflag:s31], $0x4000  }
0xd1: {  	[sflag:s31] =	ssyncset.done $0x0  }
0xd2: {  	[sflag:s31] =	ssyncadd.s32 $0xFFFFC000  }
0xd3: {  	[spmem:s1] =	stream.indirect.scatter.add.f32 [tilespmem:s29], [sflag:$0x3], $0x80, s28, s25, $0xb8;
	[tilespmem:$0x1CB00] =	vst v63  }
0xd4: {  	_ =	swait.ge [sflag:s24], $0x4000  }
0xd5: {  	[sflag:s24] =	ssyncset.done $0x0  }
0xd6: {  	[sflag:s24] =	ssyncadd.s32 $0xFFFFC000  }
0xd7: {  	[tilespmem:s0], [sflag:$0x3] =	stream.linear.gather [hbm4b:s17+s2], $0x10, $0x38;
	[tilespmem:$0x1CB00] =	vst v63  }
0xd8: {  	_ =	swait.ge [sflag:s24], $0x10  }
0xd9: {  	[sflag:s24] =	ssyncset.done $0x0  }
0xda: {  	[sflag:s24] =	ssyncadd.s32 $0xFFFFFFF0  }
0xdb: {  	[tilespmem:s4], [sflag:$0x3] =	stream.linear.gather [hbm4b:s18+s2], $0x10, $0x38;
	[tilespmem:$0x1CB00] =	vst v63  }
0xdc: {  	_ =	swait.ge [sflag:s24], $0x10  }
0xdd: {  	[sflag:s24] =	ssyncset.done $0x0  }
0xde: {  	[sflag:s24] =	ssyncadd.s32 $0xFFFFFFF0  }
0xdf: {  	[tilespmem:s8], [sflag:$0x3] =	stream.indirect.gather [hbm4b:s3+s7], $0x80, s0, s7, $0xb8;
	[tilespmem:$0x1CB00] =	vst v63  }
0xe0: {  	_ =	swait.ge [sflag:s24], $0x800  }
0xe1: {  	[sflag:s24] =	ssyncset.done $0x0  }
0xe2: {  	[sflag:s24] =	ssyncadd.s32 $0xFFFFF800  }
0xe3: {  	[spmem:s1] =	stream.indirect.scatter.add.f32 [tilespmem:s8], [sflag:$0x3], $0x80, s4, s7, $0xb8;
	[tilespmem:$0x1CB00] =	vst v63  }
0xe4: {  	_ =	swait.ge [sflag:s24], $0x800  }
0xe5: {  	[sflag:s24] =	ssyncset.done $0x0  }
0xe6: {  	[sflag:s24] =	ssyncadd.s32 $0xFFFFF800  }
0xe7: {  	[bflag:$0x0] =	sbarrier.arrive $0xFFFF  }
0xe8: {  	[tilespmem:$0x0] =	vst v12  }
0xe9: {  	[tilespmem:$0x10] =	vst v0  }
0xea: {  	[tilespmem:$0x20] =	vst v1  }
0xeb: {  	[tilespmem:$0x30] =	vst v2  }
0xec: {  	[tilespmem:$0x40] =	vst v3  }
0xed: {  	[tilespmem:$0x50] =	vst v4  }
0xee: {  	[tilespmem:$0x60] =	vst v5  }
0xef: {  	[tilespmem:$0x70] =	vst v6  }
0xf0: {  	[tilespmem:s23], [sflag:$0x3] =	stream.indirect.gather [spmem:s1], $0x80, s2, s25, $0xb8;
	[tilespmem:$0x1CB00] =	vst v63  }
0xf1: {  	_ =	swait.ge [sflag:s24], $0x4000  }
0xf2: {  	[sflag:s24] =	ssyncset.done $0x0  }
0xf3: {  	s10 =	rddreg [dreg:$0x4];
	[sflag:s24] =	ssyncadd.s32 $0xFFFFC000  }
0xf4: {  	[hbm4b:s10+s2] =	stream.linear.scatter [tilespmem:s23], [sflag:$0x3], $0x4000, $0x38;
	[tilespmem:$0x1CB00] =	vst v63  }
0xf5: {  	_ =	swait.ge [sflag:s24], $0x4000  }
0xf6: {  	[sflag:s24] =	ssyncset.done $0x0  }
0xf7: {  	[sflag:s24] =	ssyncadd.s32 $0xFFFFC000  }
0xf8: {  	[tilespmem:$0x0] =	vst v7  }
0xf9: {  	[tilespmem:$0x10] =	vst v8  }
0xfa: {  	[tilespmem:$0x20] =	vst v9  }
0xfb: {  	[tilespmem:$0x30] =	vst v10  }
0xfc: {  	[tilespmem:$0x40] =	vst v11  }
0xfd: {  	[tilespmem:$0x50] =	vst v13  }
0xfe: {  	[tilespmem:$0x60] =	vst v14  }
0xff: {  	[tilespmem:$0x70] =	vst v15  }
0x100: {  	[tilespmem:s23], [sflag:$0x3] =	stream.indirect.gather [spmem:s1], $0x80, s2, s25, $0xb8;
	[tilespmem:$0x1CB00] =	vst v63  }
0x101: {  	_ =	swait.ge [sflag:s24], $0x4000  }
0x102: {  	[sflag:s24] =	ssyncset.done $0x0  }
0x103: {  	s11 =	rddreg [dreg:$0x5];
	[sflag:s24] =	ssyncadd.s32 $0xFFFFC000  }
0x104: {  	[hbm4b:s11+s2] =	stream.linear.scatter [tilespmem:s23], [sflag:$0x3], $0x4000, $0x38;
	[tilespmem:$0x1CB00] =	vst v63  }
0x105: {  	_ =	swait.ge [sflag:s24], $0x4000  }
0x106: {  	[sflag:s24] =	ssyncset.done $0x0  }
0x107: {  	[sflag:s24] =	ssyncadd.s32 $0xFFFFC000  }
0x108: {  	[tilespmem:$0x0] =	vst v16  }
0x109: {  	[tilespmem:$0x10] =	vst v17  }
0x10a: {  	[tilespmem:$0x20] =	vst v18  }
0x10b: {  	[tilespmem:$0x30] =	vst v19  }
0x10c: {  	[tilespmem:$0x40] =	vst v20  }
0x10d: {  	[tilespmem:$0x50] =	vst v21  }
0x10e: {  	[tilespmem:$0x60] =	vst v22  }
0x10f: {  	[tilespmem:$0x70] =	vst v23  }
0x110: {  	[tilespmem:s23], [sflag:$0x3] =	stream.indirect.gather [spmem:s1], $0x80, s2, s25, $0xb8;
	[tilespmem:$0x1CB00] =	vst v63  }
0x111: {  	_ =	swait.ge [sflag:s24], $0x4000  }
0x112: {  	[sflag:s24] =	ssyncset.done $0x0  }
0x113: {  	s12 =	rddreg [dreg:$0x6];
	[sflag:s24] =	ssyncadd.s32 $0xFFFFC000  }
0x114: {  	[hbm4b:s12+s2] =	stream.linear.scatter [tilespmem:s23], [sflag:$0x3], $0x4000, $0x38;
	[tilespmem:$0x1CB00] =	vst v63  }
0x115: {  	_ =	swait.ge [sflag:s24], $0x4000  }
0x116: {  	[sflag:s24] =	ssyncset.done $0x0  }
0x117: {  	[sflag:s24] =	ssyncadd.s32 $0xFFFFC000  }
0x118: {  	[tilespmem:$0x0] =	vst v24  }
0x119: {  	[tilespmem:$0x10] =	vst v25  }
0x11a: {  	[tilespmem:$0x20] =	vst v26  }
0x11b: {  	[tilespmem:$0x30] =	vst v27  }
0x11c: {  	[tilespmem:$0x40] =	vst v28  }
0x11d: {  	[tilespmem:$0x50] =	vst v29  }
0x11e: {  	[tilespmem:$0x60] =	vst v30  }
0x11f: {  	[tilespmem:$0x70] =	vst v31  }
0x120: {  	[tilespmem:s23], [sflag:$0x3] =	stream.indirect.gather [spmem:s1], $0x80, s2, s25, $0xb8;
	[tilespmem:$0x1CB00] =	vst v63  }
0x121: {  	_ =	swait.ge [sflag:s24], $0x4000  }
0x122: {  	[sflag:s24] =	ssyncset.done $0x0  }
0x123: {  	s13 =	rddreg [dreg:$0x7];
	[sflag:s24] =	ssyncadd.s32 $0xFFFFC000  }
0x124: {  	[hbm4b:s13+s2] =	stream.linear.scatter [tilespmem:s23], [sflag:$0x3], $0x4000, $0x38;
	[tilespmem:$0x1CB00] =	vst v63  }
0x125: {  	_ =	swait.ge [sflag:s24], $0x4000  }
0x126: {  	[sflag:s24] =	ssyncset.done $0x0  }
0x127: {  	[sflag:s24] =	ssyncadd.s32 $0xFFFFC000  }
0x128: {  	[tilespmem:$0x0] =	vst v32  }
0x129: {  	[tilespmem:$0x10] =	vst v33  }
0x12a: {  	[tilespmem:$0x20] =	vst v34  }
0x12b: {  	[tilespmem:$0x30] =	vst v35  }
0x12c: {  	[tilespmem:$0x40] =	vst v36  }
0x12d: {  	[tilespmem:$0x50] =	vst v37  }
0x12e: {  	[tilespmem:$0x60] =	vst v38  }
0x12f: {  	[tilespmem:$0x70] =	vst v39  }
0x130: {  	[tilespmem:s23], [sflag:$0x3] =	stream.indirect.gather [spmem:s1], $0x80, s2, s25, $0xb8;
	[tilespmem:$0x1CB00] =	vst v63  }
0x131: {  	s9 =	sadd.s32 $0x1, s9;
	_ =	swait.ge [sflag:s24], $0x4000  }
0x132: {  	p0 =	sne.s32 s9, s19;
	[sflag:s24] =	ssyncset.done $0x0  }
.Ltmp1:
0x133: {  	s14 =	rddreg [dreg:$0x8];
	[sflag:s24] =	ssyncadd.s32 $0xFFFFC000;
	(pc) =	sbr.rel @p0 .LBB2_1-.Ltmp1, $4  }
0x134: {  	[hbm4b:s14+s2] =	stream.linear.scatter [tilespmem:s23], [sflag:$0x3], $0x4000, $0x38;
	[tilespmem:$0x1CB00] =	vst v63  }
0x135: {  	_ =	swait.ge [sflag:s24], $0x4000  }
0x136: {  	[sflag:s24] =	ssyncset.done $0x0  }
0x137: {  	[sflag:s24] =	ssyncadd.s32 $0xFFFFC000  }
0x138: {  	_ =	sfence.sel $0x180000  }
0x139: {  	[bflag:$0x0] =	sbarrier.arrive $0xFFFF  }
0x13a: {  	_ =	strace $0x90000050  }
0x13b: {  	s0 =	stileid.u32;
	[bflag:$0x2] =	sbarrier.arrive $0xFFFF  }
0x13c: {  	p0 =	sne.s32 s0, $0x0;
	s0 =	rddreg [dreg:$0x2]  }
0x13d: {  	s0 =	sadd.s32 @!p0 $0x100000, s0  }
0x13e: {  	[sflag:s0] =	ssyncadd.tile.s32 @!p0 $0x1;
	_ =	shalt  }
.Lfunc_end2:
_tile_overlayer_lowered:
.L_overlay_start_2:
0x13f: {  	(tag) =	ssettag $0x2  }
0x140: {  	s0 =	rddreg [dreg:$0x0];
	s2 =	stileid.u32  }
0x141: {  	s1 =	rddreg [dreg:$0x1];
	p0 =	sne.s32 s2, $0x0  }
0x142: {  	s3 =	rddreg [dreg:$0x2];
	[bflag:$0x3] =	sbarrier.arrive $0xFFFF;
	s2 =	simm.s32 @!p0 $0x1C03  }
0x143: {  	[timem:s3], [sflag:s2] =	dma.local @!p0 [hbm:s0], s1  }
0x144: {  	s0 =	simm.s32 @!p0 $0x3  }
0x145: {  	_ =	swait.ge @!p0 [sflag:s0], s1  }
0x146: {  	s1 =	ssub.s32 @!p0 $0x0, s1;
	[sflag:s0] =	ssyncset.done @!p0 $0x0  }
0x147: {  	[sflag:s0] =	ssyncadd.s32 @!p0 s1  }
0x148: {  	[bflag:$0x3] =	sbarrier.arrive $0xFFFF  }
0x149: {  	_ =	shalt  }

</sc_bundles>
